<compile_context>
chip_gen: v7x
topology: tpu7x:2x2x1
jax: 0.10.2.dev20260603
libtpu: 0.0.44.dev20260713+nightly
codegen_flags: <defaults>
</compile_context>

<pallas_src>
import functools

import jax
import jax.numpy as jnp
from jax import lax
from jax.experimental import pallas as pl
from jax.experimental.pallas import tpu as pltpu
from jax.experimental.pallas import tpu_sc as plsc

F = 128
NC, NS = 2, 16
NW = NC * NS
C = 80
RPT = 632
NPAD = NS * RPT
BLK = 1000
EPS = 1e-5


def _sc_mesh():
    return plsc.VectorSubcoreMesh(core_axis_name="c", subcore_axis_name="s")



def _zero_slice(zb_v, acc, base, zr):
    nfull, rem = divmod(RPT, zr)
    for k in range(nfull):
        pltpu.sync_copy(zb_v, acc.at[pl.ds(base + k * zr, zr)])
    if rem:
        pltpu.sync_copy(zb_v.at[pl.ds(0, rem)],
                        acc.at[pl.ds(base + nfull * zr, rem)])


@functools.cache
def _deg_fn(N, E):
    chunks = E // NW // C
    ngrp = chunks // IGRP

    @functools.partial(
        pl.kernel,
        out_type=jax.ShapeDtypeStruct((NC, NPAD, F), jnp.float32),
        mesh=_sc_mesh(),
        scratch_types=[
            pltpu.VMEM((IGRP, C), jnp.int32),
            pltpu.VMEM((C, F), jnp.float32),
            pltpu.VMEM((80, F), jnp.float32),
            pltpu.VMEM_SHARED((NPAD, F), jnp.float32),
            pltpu.SemaphoreType.DMA,
        ],
    )
    def deg(dst_hbm, out_hbm, dst_v, ones_v, zb_v, acc, sem):
        cid = lax.axis_index("c")
        sid = lax.axis_index("s")
        wid = sid * NC + cid

        def fill_ones(r, carry):
            for q in range(F // 16):
                ones_v[r, pl.ds(q * 16, 16)] = jnp.ones((16,), jnp.float32)
            return carry

        lax.fori_loop(0, C, fill_ones, 0)

        def fill_zero(r, carry):
            for q in range(F // 16):
                zb_v[r, pl.ds(q * 16, 16)] = jnp.zeros((16,), jnp.float32)
            return carry

        lax.fori_loop(0, 80, fill_zero, 0)

        base = sid * RPT
        _zero_slice(zb_v, acc, base, 80)
        plsc.subcore_barrier()

        def grp(g, carry):
            pltpu.sync_copy(dst_hbm.at[wid, g], dst_v)

            def fire(j, carry2):
                pltpu.async_copy(ones_v, acc.at[dst_v.at[j]], sem, add=True)
                return carry2

            lax.fori_loop(0, IGRP, fire, 0)

            def drain(j, carry2):
                pltpu.make_async_copy(ones_v, acc.at[dst_v.at[j]], sem).wait()
                return carry2

            lax.fori_loop(0, IGRP, drain, 0)
            return carry

        lax.fori_loop(0, ngrp, grp, 0)
        plsc.subcore_barrier()
        pltpu.sync_copy(acc.at[pl.ds(base, RPT)],
                        out_hbm.at[cid, pl.ds(base, RPT)])

    return deg


IGRP = 25
GC = 80
GIG = 25


@functools.cache
def _gather_scatter_fn(N, E_pad):
    chunks = E_pad // NW // GC
    ngrp = chunks // GIG

    @functools.partial(
        pl.kernel,
        out_type=jax.ShapeDtypeStruct((NC, NPAD, F), jnp.float32),
        mesh=_sc_mesh(),
        scratch_types=[
            pltpu.VMEM((GIG, GC), jnp.int32),
            pltpu.VMEM((GIG, GC), jnp.int32),
            pltpu.VMEM((GC, F), jnp.float32),
            pltpu.VMEM((GC, F), jnp.float32),
            pltpu.VMEM((GC, F), jnp.float32),
            pltpu.VMEM((40, F), jnp.float32),
            pltpu.VMEM_SHARED((NPAD, F), jnp.float32),
            pltpu.SemaphoreType.DMA,
            pltpu.SemaphoreType.DMA,
            pltpu.SemaphoreType.DMA,
            pltpu.SemaphoreType.DMA,
            pltpu.SemaphoreType.DMA,
            pltpu.SemaphoreType.DMA,
        ],
    )
    def gs(t_hbm, src_hbm, dst_hbm, out_hbm, src_v, dst_v, rows0, rows1,
           rows2, zb_v, acc, gsem0, gsem1, gsem2, ssem0, ssem1, ssem2):
        cid = lax.axis_index("c")
        sid = lax.axis_index("s")
        wid = sid * NC + cid
        rows = (rows0, rows1, rows2)
        gsem = (gsem0, gsem1, gsem2)
        ssem = (ssem0, ssem1, ssem2)

        def fill_zero(r, carry):
            for q in range(F // 16):
                zb_v[r, pl.ds(q * 16, 16)] = jnp.zeros((16,), jnp.float32)
            return carry

        lax.fori_loop(0, 40, fill_zero, 0)

        base = sid * RPT
        _zero_slice(zb_v, acc, base, 40)
        plsc.subcore_barrier()

        def grp(g, carry):
            pltpu.sync_copy(src_hbm.at[wid, g], src_v)
            pltpu.sync_copy(dst_hbm.at[wid, g], dst_v)
            pltpu.async_copy(t_hbm.at[src_v.at[0]], rows0, gsem0)
            pltpu.async_copy(t_hbm.at[src_v.at[1]], rows1, gsem1)

            def body(j, carry2):
                for b in range(3):
                    @pl.when(j % 3 == b)
                    def _(b=b):
                        pltpu.make_async_copy(t_hbm.at[src_v.at[j]], rows[b],
                                              gsem[b]).wait()
                        pltpu.async_copy(rows[b], acc.at[dst_v.at[j]],
                                         ssem[b], add=True)
                        b2 = (b + 2) % 3

                        @pl.when(j + 2 < GIG)
                        def _():
                            @pl.when(j >= 1)
                            def _():
                                pltpu.make_async_copy(
                                    rows[b2], acc.at[dst_v.at[j - 1]],
                                    ssem[b2]).wait()

                            pltpu.async_copy(t_hbm.at[src_v.at[j + 2]],
                                             rows[b2], gsem[b2])

                return carry2

            lax.fori_loop(0, GIG, body, 0)
            for k in range(GIG - 3, GIG):
                pltpu.make_async_copy(rows[k % 3], acc.at[dst_v.at[k]],
                                      ssem[k % 3]).wait()
            return carry

        lax.fori_loop(0, ngrp, grp, 0)
        plsc.subcore_barrier()
        pltpu.sync_copy(acc.at[pl.ds(base, RPT)],
                        out_hbm.at[cid, pl.ds(base, RPT)])

    return gs



def _prep_call(x, W1, deg_parts):
    N = x.shape[0]
    nb = N // BLK

    def body(xref, wref, dref, tref, dvref):
        d = dref[...]
        degv = d[0, :, 0:1] + d[1, :, 0:1] + 1.0
        dinv = 1.0 / jnp.sqrt(jnp.maximum(degv, 1.0))
        h = jax.lax.dot_general(xref[...], wref[...], (((1,), (0,)), ((), ())),
                                preferred_element_type=jnp.float32)
        tref[...] = dinv * h
        dvref[...] = jnp.broadcast_to(dinv, (BLK, 8))

    return pl.pallas_call(
        body,
        grid=(nb,),
        in_specs=[
            pl.BlockSpec((BLK, F), lambda i: (i, 0)),
            pl.BlockSpec((F, F), lambda i: (0, 0)),
            pl.BlockSpec((NC, BLK, F), lambda i: (0, i, 0)),
        ],
        out_specs=[
            pl.BlockSpec((BLK, F), lambda i: (i, 0)),
            pl.BlockSpec((BLK, 8), lambda i: (i, 0)),
        ],
        out_shape=[
            jax.ShapeDtypeStruct((N, F), jnp.float32),
            jax.ShapeDtypeStruct((N, 8), jnp.float32),
        ],
    )(x, W1, deg_parts)


def _bn_layer_call(s_parts, t_prev, dinv8, b, g, be, Wn, batch_r=None, G=64):
    N = t_prev.shape[0]
    nb = N // BLK
    last = Wn is None
    ninv = 1.0 / N

    def body(sref, tref, dvref, bref, gref, beref, *rest):
        if last:
            (batchref, oref, stats, sums, cnts) = rest
        else:
            (wref, tref_o, stats) = rest
        p = pl.program_id(0)
        i = pl.program_id(1)
        s = sref[...]
        dinv = dvref[...][:, 0:1]
        a = dinv * (s[0] + s[1] + tref[...]) + bref[...]

        @pl.when(p == 0)
        def _():
            @pl.when(i == 0)
            def _():
                stats[...] = jnp.zeros((2, F), jnp.float32)

            stats[0:1, :] = stats[0:1, :] + jnp.sum(a, 0, keepdims=True)
            stats[1:2, :] = stats[1:2, :] + jnp.sum(a * a, 0, keepdims=True)

        @pl.when(p == 1)
        def _():
            mu = stats[0:1, :] * ninv
            var = stats[1:2, :] * ninv - mu * mu
            u = gref[...] * (a - mu) / jnp.sqrt(var + EPS) + beref[...]
            u = jnp.maximum(u, 0.0)
            if last:
                @pl.when(i == 0)
                def _():
                    sums[...] = jnp.zeros((G, F), jnp.float32)
                    cnts[...] = jnp.zeros((G, F), jnp.float32)

                seg = jnp.broadcast_to(batchref[...][0], (G, BLK))
                ids = lax.broadcasted_iota(jnp.int32, (G, BLK), 0)
                oh = (ids == seg).astype(jnp.float32)
                sums[...] = sums[...] + jax.lax.dot_general(
                    oh, u, (((1,), (0,)), ((), ())),
                    preferred_element_type=jnp.float32)
                cnts[...] = cnts[...] + jnp.broadcast_to(
                    jnp.sum(oh, 1, keepdims=True), (G, F))

                @pl.when(i == nb - 1)
                def _():
                    oref[...] = sums[...] / jnp.maximum(cnts[...], 1.0)
            else:
                h = jax.lax.dot_general(u, wref[...], (((1,), (0,)), ((), ())),
                                        preferred_element_type=jnp.float32)
                tref_o[...] = dinv * h

    in_specs = [
        pl.BlockSpec((NC, BLK, F), lambda p, i: (0, i, 0)),
        pl.BlockSpec((BLK, F), lambda p, i: (i, 0)),
        pl.BlockSpec((BLK, 8), lambda p, i: (i, 0)),
        pl.BlockSpec((1, F), lambda p, i: (0, 0)),
        pl.BlockSpec((1, F), lambda p, i: (0, 0)),
        pl.BlockSpec((1, F), lambda p, i: (0, 0)),
    ]
    args = [s_parts, t_prev, dinv8, b.reshape(1, F), g.reshape(1, F),
            be.reshape(1, F)]
    if last:
        in_specs.append(pl.BlockSpec((1, 1, BLK), lambda p, i: (i, 0, 0)))
        args.append(batch_r)
        out_specs = [pl.BlockSpec((G, F), lambda p, i: (0, 0))]
        out_shape = [jax.ShapeDtypeStruct((G, F), jnp.float32)]
        scratch = [pltpu.VMEM((2, F), jnp.float32),
                   pltpu.VMEM((G, F), jnp.float32),
                   pltpu.VMEM((G, F), jnp.float32)]
    else:
        in_specs.append(pl.BlockSpec((F, F), lambda p, i: (0, 0)))
        args.append(Wn)
        out_specs = [pl.BlockSpec((BLK, F), lambda p, i: (i, 0))]
        out_shape = [jax.ShapeDtypeStruct((N, F), jnp.float32)]
        scratch = [pltpu.VMEM((2, F), jnp.float32)]

    out = pl.pallas_call(
        body,
        grid=(2, nb),
        in_specs=in_specs,
        out_specs=out_specs,
        out_shape=out_shape,
        scratch_shapes=scratch,
    )(*args)
    return out[0]



def kernel(x, edge_index, batch, W1, b1, g1, be1, W2, b2, g2, be2,
           W3, b3, g3, be3):
    N = x.shape[0]
    E = edge_index.shape[1]
    G = 64
    dst_d = edge_index[1].reshape(NW, -1, IGRP, C)
    batch_r = batch.reshape(N // BLK, 1, BLK)

    epw = -(-E // (NW * GC * GIG)) * GC * GIG
    npad_e = NW * epw - E
    src_p = jnp.concatenate(
        [edge_index[0], jnp.zeros((npad_e,), edge_index.dtype)])
    dst_p = jnp.concatenate(
        [edge_index[1], jnp.full((npad_e,), N, edge_index.dtype)])
    src_g = src_p.reshape(NW, -1, GIG, GC)
    dst_g = dst_p.reshape(NW, -1, GIG, GC)

    deg_parts = _deg_fn(N, E)(dst_d)
    t, dinv8 = _prep_call(x, W1, deg_parts)

    gs = _gather_scatter_fn(N, NW * epw)
    s = gs(t, src_g, dst_g)
    t = _bn_layer_call(s, t, dinv8, b1, g1, be1, W2)
    s = gs(t, src_g, dst_g)
    t = _bn_layer_call(s, t, dinv8, b2, g2, be2, W3)
    s = gs(t, src_g, dst_g)
    return _bn_layer_call(s, t, dinv8, b3, g3, be3, None, batch_r, G)

# --- scband reference (transcript-rebuilt; emitter-appended) ---
"""Pipeline reference for scband-spatial-temporal-gnn-12111807775254 (READ-ONLY COPY).

The authoritative reference and input builder live on the scoring server;
editing this copy changes nothing except your own understanding.
"""

import jax, jax.numpy as jnp
import numpy as np

N = 10000
E = 320000
F_IN = 128
F_HID = 128
F_OUT = 128
G = 64


def setup_inputs(seed: int = 0) -> dict:
    key = jax.random.key(seed)
    ks = jax.random.split(key, 16)
    x = jax.random.normal(ks[0], (N, F_IN), dtype=jnp.float32)
    edge_index = jax.random.randint(ks[1], (2, E), 0, N, dtype=jnp.int32)
    batch = jnp.sort(jax.random.randint(ks[2], (N,), 0, G, dtype=jnp.int32))
    W1 = jax.random.normal(ks[3], (F_IN, F_HID), dtype=jnp.float32) * 0.05
    b1 = jnp.zeros((F_HID,), jnp.float32)
    g1 = jnp.ones((F_HID,), jnp.float32)
    be1 = jnp.zeros((F_HID,), jnp.float32)
    W2 = jax.random.normal(ks[4], (F_HID, F_HID), dtype=jnp.float32) * 0.05
    b2 = jnp.zeros((F_HID,), jnp.float32)
    g2 = jnp.ones((F_HID,), jnp.float32)
    be2 = jnp.zeros((F_HID,), jnp.float32)
    W3 = jax.random.normal(ks[5], (F_HID, F_OUT), dtype=jnp.float32) * 0.05
    b3 = jnp.zeros((F_OUT,), jnp.float32)
    g3 = jnp.ones((F_OUT,), jnp.float32)
    be3 = jnp.zeros((F_OUT,), jnp.float32)
    return {"x": x, "edge_index": edge_index, "batch": batch,
            "W1": W1, "b1": b1, "g1": g1, "be1": be1,
            "W2": W2, "b2": b2, "g2": g2, "be2": be2,
            "W3": W3, "b3": b3, "g3": g3, "be3": be3}


def _bn(h, gamma, beta, eps=1e-5):
    mu = jnp.mean(h, axis=0)
    var = jnp.var(h, axis=0)
    return gamma * (h - mu) / jnp.sqrt(var + eps) + beta


def reference(x, edge_index, batch, W1, b1, g1, be1, W2, b2, g2, be2, W3, b3, g3, be3):
    loops = jnp.arange(N, dtype=edge_index.dtype)
    src = jnp.concatenate([edge_index[0], loops])
    dst = jnp.concatenate([edge_index[1], loops])
    deg = jnp.zeros((N,), x.dtype).at[dst].add(1.0)
    dinv = 1.0 / jnp.sqrt(jnp.maximum(deg, 1.0))
    norm = dinv[src] * dinv[dst]

    def conv(h, W, b):
        h = h @ W
        msg = h[src] * norm[:, None]
        agg = jnp.zeros_like(h).at[dst].add(msg)
        return agg + b

    h = jax.nn.relu(_bn(conv(x, W1, b1), g1, be1))
    h = jax.nn.relu(_bn(conv(h, W2, b2), g2, be2))
    h = jax.nn.relu(_bn(conv(h, W3, b3), g3, be3))
    sums = jax.ops.segment_sum(h, batch, num_segments=G)
    cnt = jax.ops.segment_sum(jnp.ones((N,), h.dtype), batch, num_segments=G)
    return sums / jnp.maximum(cnt, 1.0)[:, None]

if __name__ == "__main__":
    import jax
    _d = setup_inputs()
    print(jax.jit(kernel)(*tuple(_d.values())))

</pallas_src>

<mosaic_0001>
#map = affine_map<(d0, d1) -> (0, 0)>
#map1 = affine_map<(d0, d1) -> (0, 0, 0, 0)>
#map2 = affine_map<(d0, d1) -> (0, 0, 0)>
module attributes {stable_mosaic.version = 14 : i64} {
  func.func @gs(%arg0: i32, %arg1: i32, %arg2: memref<10000x128xf32, #tpu.memory_space<hbm>>, %arg3: memref<32x5x25x80xi32, #tpu.memory_space<hbm>>, %arg4: memref<32x5x25x80xi32, #tpu.memory_space<hbm>>, %arg5: memref<2x10112x128xf32, #tpu.memory_space<hbm>>, %arg6: memref<25x80xi32, #tpu.memory_space<vmem>>, %arg7: memref<25x80xi32, #tpu.memory_space<vmem>>, %arg8: memref<80x128xf32, #tpu.memory_space<vmem>>, %arg9: memref<80x128xf32, #tpu.memory_space<vmem>>, %arg10: memref<80x128xf32, #tpu.memory_space<vmem>>, %arg11: memref<40x128xf32, #tpu.memory_space<vmem>>, %arg12: memref<10112x128xf32, #tpu.memory_space<vmem_shared>>, %arg13: memref<!tpu.dma_semaphore, #tpu.memory_space<semaphore_mem>>, %arg14: memref<!tpu.dma_semaphore, #tpu.memory_space<semaphore_mem>>, %arg15: memref<!tpu.dma_semaphore, #tpu.memory_space<semaphore_mem>>, %arg16: memref<!tpu.dma_semaphore, #tpu.memory_space<semaphore_mem>>, %arg17: memref<!tpu.dma_semaphore, #tpu.memory_space<semaphore_mem>>, %arg18: memref<!tpu.dma_semaphore, #tpu.memory_space<semaphore_mem>>) attributes {dimension_semantics = [#tpu.dimension_semantics<core_parallel>, #tpu.dimension_semantics<subcore_parallel>], iteration_bounds = array<i64: 2, 16>, scalar_prefetch = 0 : i64, scratch_operands = 13 : i64, tpu.core_type = #tpu.core_type<sc_vector_subcore>, window_params = [{transform_indices = #map}, {transform_indices = #map1}, {transform_indices = #map1}, {transform_indices = #map2}]} {
    %mul3A = arith.constant 2 : i32
    %mul3A_0 = arith.muli %arg1, %mul3A : i32
    %add3A = arith.addi %mul3A_0, %arg0 : i32
    %scan3A = arith.constant 0 : i32
    %scan3A_1 = arith.constant 0 : i32
    %scan3A_2 = arith.constant 40 : i32
    %scan3A_3 = arith.addi %scan3A_1, %scan3A_2 : i32
    %scan3A_4 = arith.constant 1 : i32
    scf.for %scan3A_47 = %scan3A_1 to %scan3A_3 step %scan3A_4  : i32 {
      %broadcast_in_dim3A = arith.constant 0.000000e+00 : f32
      %broadcast_in_dim3A_48 = vector.broadcast %broadcast_in_dim3A : f32 to vector<16xf32>
      %swap3A = arith.index_cast %scan3A_47 : i32 to index
      %swap3A_49 = arith.constant 0 : index
      %swap3A_50 = tpu.vector_load %arg11[%swap3A, %swap3A_49] {strides = array<i32>} : memref<40x128xf32, #tpu.memory_space<vmem>>, vector<1x16xf32>,
      %swap3A_51 = vector.shape_cast %swap3A_50 : vector<1x16xf32> to vector<16xf32>
      %swap3A_52 = vector.shape_cast %broadcast_in_dim3A_48 : vector<16xf32> to vector<1x16xf32>
      tpu.vector_store %arg11[%swap3A, %swap3A_49], %swap3A_52 {strides = array<i32>} : memref<40x128xf32, #tpu.memory_space<vmem>>, vector<1x16xf32>,
      %broadcast_in_dim3A_53 = arith.constant 0.000000e+00 : f32
      %broadcast_in_dim3A_54 = vector.broadcast %broadcast_in_dim3A_53 : f32 to vector<16xf32>
      %swap3A_55 = arith.index_cast %scan3A_47 : i32 to index
      %swap3A_56 = arith.constant 16 : index
      %swap3A_57 = tpu.vector_load %arg11[%swap3A_55, %swap3A_56] {strides = array<i32>} : memref<40x128xf32, #tpu.memory_space<vmem>>, vector<1x16xf32>,
      %swap3A_58 = vector.shape_cast %swap3A_57 : vector<1x16xf32> to vector<16xf32>
      %swap3A_59 = vector.shape_cast %broadcast_in_dim3A_54 : vector<16xf32> to vector<1x16xf32>
      tpu.vector_store %arg11[%swap3A_55, %swap3A_56], %swap3A_59 {strides = array<i32>} : memref<40x128xf32, #tpu.memory_space<vmem>>, vector<1x16xf32>,
      %broadcast_in_dim3A_60 = arith.constant 0.000000e+00 : f32
      %broadcast_in_dim3A_61 = vector.broadcast %broadcast_in_dim3A_60 : f32 to vector<16xf32>
      %swap3A_62 = arith.index_cast %scan3A_47 : i32 to index
      %swap3A_63 = arith.constant 32 : index
      %swap3A_64 = tpu.vector_load %arg11[%swap3A_62, %swap3A_63] {strides = array<i32>} : memref<40x128xf32, #tpu.memory_space<vmem>>, vector<1x16xf32>,
      %swap3A_65 = vector.shape_cast %swap3A_64 : vector<1x16xf32> to vector<16xf32>
      %swap3A_66 = vector.shape_cast %broadcast_in_dim3A_61 : vector<16xf32> to vector<1x16xf32>
      tpu.vector_store %arg11[%swap3A_62, %swap3A_63], %swap3A_66 {strides = array<i32>} : memref<40x128xf32, #tpu.memory_space<vmem>>, vector<1x16xf32>,
      %broadcast_in_dim3A_67 = arith.constant 0.000000e+00 : f32
      %broadcast_in_dim3A_68 = vector.broadcast %broadcast_in_dim3A_67 : f32 to vector<16xf32>
      %swap3A_69 = arith.index_cast %scan3A_47 : i32 to index
      %swap3A_70 = arith.constant 48 : index
      %swap3A_71 = tpu.vector_load %arg11[%swap3A_69, %swap3A_70] {strides = array<i32>} : memref<40x128xf32, #tpu.memory_space<vmem>>, vector<1x16xf32>,
      %swap3A_72 = vector.shape_cast %swap3A_71 : vector<1x16xf32> to vector<16xf32>
      %swap3A_73 = vector.shape_cast %broadcast_in_dim3A_68 : vector<16xf32> to vector<1x16xf32>
      tpu.vector_store %arg11[%swap3A_69, %swap3A_70], %swap3A_73 {strides = array<i32>} : memref<40x128xf32, #tpu.memory_space<vmem>>, vector<1x16xf32>,
      %broadcast_in_dim3A_74 = arith.constant 0.000000e+00 : f32
      %broadcast_in_dim3A_75 = vector.broadcast %broadcast_in_dim3A_74 : f32 to vector<16xf32>
      %swap3A_76 = arith.index_cast %scan3A_47 : i32 to index
      %swap3A_77 = arith.constant 64 : index
      %swap3A_78 = tpu.vector_load %arg11[%swap3A_76, %swap3A_77] {strides = array<i32>} : memref<40x128xf32, #tpu.memory_space<vmem>>, vector<1x16xf32>,
      %swap3A_79 = vector.shape_cast %swap3A_78 : vector<1x16xf32> to vector<16xf32>
      %swap3A_80 = vector.shape_cast %broadcast_in_dim3A_75 : vector<16xf32> to vector<1x16xf32>
      tpu.vector_store %arg11[%swap3A_76, %swap3A_77], %swap3A_80 {strides = array<i32>} : memref<40x128xf32, #tpu.memory_space<vmem>>, vector<1x16xf32>,
      %broadcast_in_dim3A_81 = arith.constant 0.000000e+00 : f32
      %broadcast_in_dim3A_82 = vector.broadcast %broadcast_in_dim3A_81 : f32 to vector<16xf32>
      %swap3A_83 = arith.index_cast %scan3A_47 : i32 to index
      %swap3A_84 = arith.constant 80 : index
      %swap3A_85 = tpu.vector_load %arg11[%swap3A_83, %swap3A_84] {strides = array<i32>} : memref<40x128xf32, #tpu.memory_space<vmem>>, vector<1x16xf32>,
      %swap3A_86 = vector.shape_cast %swap3A_85 : vector<1x16xf32> to vector<16xf32>
      %swap3A_87 = vector.shape_cast %broadcast_in_dim3A_82 : vector<16xf32> to vector<1x16xf32>
      tpu.vector_store %arg11[%swap3A_83, %swap3A_84], %swap3A_87 {strides = array<i32>} : memref<40x128xf32, #tpu.memory_space<vmem>>, vector<1x16xf32>,
      %broadcast_in_dim3A_88 = arith.constant 0.000000e+00 : f32
      %broadcast_in_dim3A_89 = vector.broadcast %broadcast_in_dim3A_88 : f32 to vector<16xf32>
      %swap3A_90 = arith.index_cast %scan3A_47 : i32 to index
      %swap3A_91 = arith.constant 96 : index
      %swap3A_92 = tpu.vector_load %arg11[%swap3A_90, %swap3A_91] {strides = array<i32>} : memref<40x128xf32, #tpu.memory_space<vmem>>, vector<1x16xf32>,
      %swap3A_93 = vector.shape_cast %swap3A_92 : vector<1x16xf32> to vector<16xf32>
      %swap3A_94 = vector.shape_cast %broadcast_in_dim3A_89 : vector<16xf32> to vector<1x16xf32>
      tpu.vector_store %arg11[%swap3A_90, %swap3A_91], %swap3A_94 {strides = array<i32>} : memref<40x128xf32, #tpu.memory_space<vmem>>, vector<1x16xf32>,
      %broadcast_in_dim3A_95 = arith.constant 0.000000e+00 : f32
      %broadcast_in_dim3A_96 = vector.broadcast %broadcast_in_dim3A_95 : f32 to vector<16xf32>
      %swap3A_97 = arith.index_cast %scan3A_47 : i32 to index
      %swap3A_98 = arith.constant 112 : index
      %swap3A_99 = tpu.vector_load %arg11[%swap3A_97, %swap3A_98] {strides = array<i32>} : memref<40x128xf32, #tpu.memory_space<vmem>>, vector<1x16xf32>,
      %swap3A_100 = vector.shape_cast %swap3A_99 : vector<1x16xf32> to vector<16xf32>
      %swap3A_101 = vector.shape_cast %broadcast_in_dim3A_96 : vector<16xf32> to vector<1x16xf32>
      tpu.vector_store %arg11[%swap3A_97, %swap3A_98], %swap3A_101 {strides = array<i32>} : memref<40x128xf32, #tpu.memory_space<vmem>>, vector<1x16xf32>,
    }
    %scan3A_5 = arith.constant 40 : i32
    %mul3A_6 = arith.constant 632 : i32
    %mul3A_7 = arith.muli %arg1, %mul3A_6 : i32
    %add3A_8 = arith.constant 0 : i32
    %add3A_9 = arith.addi %mul3A_7, %add3A_8 : i32
    "tpu.region"() ({
      %run_scoped3A = tpu.sem_alloc : memref<!tpu.dma_semaphore, #tpu.memory_space<semaphore_mem>>
      %dma_start3A = arith.constant 0 : i32
      %dma_start3A_47 = tpu.memref_slice %arg12[%add3A_9, %dma_start3A] : memref<10112x128xf32, #tpu.memory_space<vmem_shared>> -> memref<40x128xf32, #tpu.memory_space<vmem_shared>>
      %dma_start3A_48 = arith.constant 0 : i32
      %dma_start3A_49 = tpu.memref_slice %arg12[%add3A_9, %dma_start3A_48] : memref<10112x128xf32, #tpu.memory_space<vmem_shared>> -> memref<40x128xf32, #tpu.memory_space<vmem_shared>>
      tpu.enqueue_dma source(%arg11 : memref<40x128xf32, #tpu.memory_space<vmem>>) target(%dma_start3A_49 : memref<40x128xf32, #tpu.memory_space<vmem_shared>>) target_semaphore(%run_scoped3A : memref<!tpu.dma_semaphore, #tpu.memory_space<semaphore_mem>>)
      %dma_wait3A = arith.constant 0 : i32
      %dma_wait3A_50 = tpu.memref_slice %arg12[%add3A_9, %dma_wait3A] : memref<10112x128xf32, #tpu.memory_space<vmem_shared>> -> memref<40x128xf32, #tpu.memory_space<vmem_shared>>
      %dma_wait3A_51 = arith.constant 0 : i32
      %dma_wait3A_52 = tpu.memref_slice %arg12[%add3A_9, %dma_wait3A_51] : memref<10112x128xf32, #tpu.memory_space<vmem_shared>> -> memref<40x128xf32, #tpu.memory_space<vmem_shared>>
      tpu.wait_dma2 semaphore(%run_scoped3A : memref<!tpu.dma_semaphore, #tpu.memory_space<semaphore_mem>>) src(%arg11 : memref<40x128xf32, #tpu.memory_space<vmem>>) dst(%dma_wait3A_52 : memref<40x128xf32, #tpu.memory_space<vmem_shared>>)
      tpu.yield
    }) : () -> ()
    %add3A_10 = arith.constant 40 : i32
    %add3A_11 = arith.addi %mul3A_7, %add3A_10 : i32
    "tpu.region"() ({
      %run_scoped3A = tpu.sem_alloc : memref<!tpu.dma_semaphore, #tpu.memory_space<semaphore_mem>>
      %dma_start3A = arith.constant 0 : i32
      %dma_start3A_47 = tpu.memref_slice %arg12[%add3A_11, %dma_start3A] : memref<10112x128xf32, #tpu.memory_space<vmem_shared>> -> memref<40x128xf32, #tpu.memory_space<vmem_shared>>
      %dma_start3A_48 = arith.constant 0 : i32
      %dma_start3A_49 = tpu.memref_slice %arg12[%add3A_11, %dma_start3A_48] : memref<10112x128xf32, #tpu.memory_space<vmem_shared>> -> memref<40x128xf32, #tpu.memory_space<vmem_shared>>
      tpu.enqueue_dma source(%arg11 : memref<40x128xf32, #tpu.memory_space<vmem>>) target(%dma_start3A_49 : memref<40x128xf32, #tpu.memory_space<vmem_shared>>) target_semaphore(%run_scoped3A : memref<!tpu.dma_semaphore, #tpu.memory_space<semaphore_mem>>)
      %dma_wait3A = arith.constant 0 : i32
      %dma_wait3A_50 = tpu.memref_slice %arg12[%add3A_11, %dma_wait3A] : memref<10112x128xf32, #tpu.memory_space<vmem_shared>> -> memref<40x128xf32, #tpu.memory_space<vmem_shared>>
      %dma_wait3A_51 = arith.constant 0 : i32
      %dma_wait3A_52 = tpu.memref_slice %arg12[%add3A_11, %dma_wait3A_51] : memref<10112x128xf32, #tpu.memory_space<vmem_shared>> -> memref<40x128xf32, #tpu.memory_space<vmem_shared>>
      tpu.wait_dma2 semaphore(%run_scoped3A : memref<!tpu.dma_semaphore, #tpu.memory_space<semaphore_mem>>) src(%arg11 : memref<40x128xf32, #tpu.memory_space<vmem>>) dst(%dma_wait3A_52 : memref<40x128xf32, #tpu.memory_space<vmem_shared>>)
      tpu.yield
    }) : () -> ()
    %add3A_12 = arith.constant 80 : i32
    %add3A_13 = arith.addi %mul3A_7, %add3A_12 : i32
    "tpu.region"() ({
      %run_scoped3A = tpu.sem_alloc : memref<!tpu.dma_semaphore, #tpu.memory_space<semaphore_mem>>
      %dma_start3A = arith.constant 0 : i32
      %dma_start3A_47 = tpu.memref_slice %arg12[%add3A_13, %dma_start3A] : memref<10112x128xf32, #tpu.memory_space<vmem_shared>> -> memref<40x128xf32, #tpu.memory_space<vmem_shared>>
      %dma_start3A_48 = arith.constant 0 : i32
      %dma_start3A_49 = tpu.memref_slice %arg12[%add3A_13, %dma_start3A_48] : memref<10112x128xf32, #tpu.memory_space<vmem_shared>> -> memref<40x128xf32, #tpu.memory_space<vmem_shared>>
      tpu.enqueue_dma source(%arg11 : memref<40x128xf32, #tpu.memory_space<vmem>>) target(%dma_start3A_49 : memref<40x128xf32, #tpu.memory_space<vmem_shared>>) target_semaphore(%run_scoped3A : memref<!tpu.dma_semaphore, #tpu.memory_space<semaphore_mem>>)
      %dma_wait3A = arith.constant 0 : i32
      %dma_wait3A_50 = tpu.memref_slice %arg12[%add3A_13, %dma_wait3A] : memref<10112x128xf32, #tpu.memory_space<vmem_shared>> -> memref<40x128xf32, #tpu.memory_space<vmem_shared>>
      %dma_wait3A_51 = arith.constant 0 : i32
      %dma_wait3A_52 = tpu.memref_slice %arg12[%add3A_13, %dma_wait3A_51] : memref<10112x128xf32, #tpu.memory_space<vmem_shared>> -> memref<40x128xf32, #tpu.memory_space<vmem_shared>>
      tpu.wait_dma2 semaphore(%run_scoped3A : memref<!tpu.dma_semaphore, #tpu.memory_space<semaphore_mem>>) src(%arg11 : memref<40x128xf32, #tpu.memory_space<vmem>>) dst(%dma_wait3A_52 : memref<40x128xf32, #tpu.memory_space<vmem_shared>>)
      tpu.yield
    }) : () -> ()
    %add3A_14 = arith.constant 120 : i32
    %add3A_15 = arith.addi %mul3A_7, %add3A_14 : i32
    "tpu.region"() ({
      %run_scoped3A = tpu.sem_alloc : memref<!tpu.dma_semaphore, #tpu.memory_space<semaphore_mem>>
      %dma_start3A = arith.constant 0 : i32
      %dma_start3A_47 = tpu.memref_slice %arg12[%add3A_15, %dma_start3A] : memref<10112x128xf32, #tpu.memory_space<vmem_shared>> -> memref<40x128xf32, #tpu.memory_space<vmem_shared>>
      %dma_start3A_48 = arith.constant 0 : i32
      %dma_start3A_49 = tpu.memref_slice %arg12[%add3A_15, %dma_start3A_48] : memref<10112x128xf32, #tpu.memory_space<vmem_shared>> -> memref<40x128xf32, #tpu.memory_space<vmem_shared>>
      tpu.enqueue_dma source(%arg11 : memref<40x128xf32, #tpu.memory_space<vmem>>) target(%dma_start3A_49 : memref<40x128xf32, #tpu.memory_space<vmem_shared>>) target_semaphore(%run_scoped3A : memref<!tpu.dma_semaphore, #tpu.memory_space<semaphore_mem>>)
      %dma_wait3A = arith.constant 0 : i32
      %dma_wait3A_50 = tpu.memref_slice %arg12[%add3A_15, %dma_wait3A] : memref<10112x128xf32, #tpu.memory_space<vmem_shared>> -> memref<40x128xf32, #tpu.memory_space<vmem_shared>>
      %dma_wait3A_51 = arith.constant 0 : i32
      %dma_wait3A_52 = tpu.memref_slice %arg12[%add3A_15, %dma_wait3A_51] : memref<10112x128xf32, #tpu.memory_space<vmem_shared>> -> memref<40x128xf32, #tpu.memory_space<vmem_shared>>
      tpu.wait_dma2 semaphore(%run_scoped3A : memref<!tpu.dma_semaphore, #tpu.memory_space<semaphore_mem>>) src(%arg11 : memref<40x128xf32, #tpu.memory_space<vmem>>) dst(%dma_wait3A_52 : memref<40x128xf32, #tpu.memory_space<vmem_shared>>)
      tpu.yield
    }) : () -> ()
    %add3A_16 = arith.constant 160 : i32
    %add3A_17 = arith.addi %mul3A_7, %add3A_16 : i32
    "tpu.region"() ({
      %run_scoped3A = tpu.sem_alloc : memref<!tpu.dma_semaphore, #tpu.memory_space<semaphore_mem>>
      %dma_start3A = arith.constant 0 : i32
      %dma_start3A_47 = tpu.memref_slice %arg12[%add3A_17, %dma_start3A] : memref<10112x128xf32, #tpu.memory_space<vmem_shared>> -> memref<40x128xf32, #tpu.memory_space<vmem_shared>>
      %dma_start3A_48 = arith.constant 0 : i32
      %dma_start3A_49 = tpu.memref_slice %arg12[%add3A_17, %dma_start3A_48] : memref<10112x128xf32, #tpu.memory_space<vmem_shared>> -> memref<40x128xf32, #tpu.memory_space<vmem_shared>>
      tpu.enqueue_dma source(%arg11 : memref<40x128xf32, #tpu.memory_space<vmem>>) target(%dma_start3A_49 : memref<40x128xf32, #tpu.memory_space<vmem_shared>>) target_semaphore(%run_scoped3A : memref<!tpu.dma_semaphore, #tpu.memory_space<semaphore_mem>>)
      %dma_wait3A = arith.constant 0 : i32
      %dma_wait3A_50 = tpu.memref_slice %arg12[%add3A_17, %dma_wait3A] : memref<10112x128xf32, #tpu.memory_space<vmem_shared>> -> memref<40x128xf32, #tpu.memory_space<vmem_shared>>
      %dma_wait3A_51 = arith.constant 0 : i32
      %dma_wait3A_52 = tpu.memref_slice %arg12[%add3A_17, %dma_wait3A_51] : memref<10112x128xf32, #tpu.memory_space<vmem_shared>> -> memref<40x128xf32, #tpu.memory_space<vmem_shared>>
      tpu.wait_dma2 semaphore(%run_scoped3A : memref<!tpu.dma_semaphore, #tpu.memory_space<semaphore_mem>>) src(%arg11 : memref<40x128xf32, #tpu.memory_space<vmem>>) dst(%dma_wait3A_52 : memref<40x128xf32, #tpu.memory_space<vmem_shared>>)
      tpu.yield
    }) : () -> ()
    %add3A_18 = arith.constant 200 : i32
    %add3A_19 = arith.addi %mul3A_7, %add3A_18 : i32
    "tpu.region"() ({
      %run_scoped3A = tpu.sem_alloc : memref<!tpu.dma_semaphore, #tpu.memory_space<semaphore_mem>>
      %dma_start3A = arith.constant 0 : i32
      %dma_start3A_47 = tpu.memref_slice %arg12[%add3A_19, %dma_start3A] : memref<10112x128xf32, #tpu.memory_space<vmem_shared>> -> memref<40x128xf32, #tpu.memory_space<vmem_shared>>
      %dma_start3A_48 = arith.constant 0 : i32
      %dma_start3A_49 = tpu.memref_slice %arg12[%add3A_19, %dma_start3A_48] : memref<10112x128xf32, #tpu.memory_space<vmem_shared>> -> memref<40x128xf32, #tpu.memory_space<vmem_shared>>
      tpu.enqueue_dma source(%arg11 : memref<40x128xf32, #tpu.memory_space<vmem>>) target(%dma_start3A_49 : memref<40x128xf32, #tpu.memory_space<vmem_shared>>) target_semaphore(%run_scoped3A : memref<!tpu.dma_semaphore, #tpu.memory_space<semaphore_mem>>)
      %dma_wait3A = arith.constant 0 : i32
      %dma_wait3A_50 = tpu.memref_slice %arg12[%add3A_19, %dma_wait3A] : memref<10112x128xf32, #tpu.memory_space<vmem_shared>> -> memref<40x128xf32, #tpu.memory_space<vmem_shared>>
      %dma_wait3A_51 = arith.constant 0 : i32
      %dma_wait3A_52 = tpu.memref_slice %arg12[%add3A_19, %dma_wait3A_51] : memref<10112x128xf32, #tpu.memory_space<vmem_shared>> -> memref<40x128xf32, #tpu.memory_space<vmem_shared>>
      tpu.wait_dma2 semaphore(%run_scoped3A : memref<!tpu.dma_semaphore, #tpu.memory_space<semaphore_mem>>) src(%arg11 : memref<40x128xf32, #tpu.memory_space<vmem>>) dst(%dma_wait3A_52 : memref<40x128xf32, #tpu.memory_space<vmem_shared>>)
      tpu.yield
    }) : () -> ()
    %add3A_20 = arith.constant 240 : i32
    %add3A_21 = arith.addi %mul3A_7, %add3A_20 : i32
    "tpu.region"() ({
      %run_scoped3A = tpu.sem_alloc : memref<!tpu.dma_semaphore, #tpu.memory_space<semaphore_mem>>
      %dma_start3A = arith.constant 0 : i32
      %dma_start3A_47 = tpu.memref_slice %arg12[%add3A_21, %dma_start3A] : memref<10112x128xf32, #tpu.memory_space<vmem_shared>> -> memref<40x128xf32, #tpu.memory_space<vmem_shared>>
      %dma_start3A_48 = arith.constant 0 : i32
      %dma_start3A_49 = tpu.memref_slice %arg12[%add3A_21, %dma_start3A_48] : memref<10112x128xf32, #tpu.memory_space<vmem_shared>> -> memref<40x128xf32, #tpu.memory_space<vmem_shared>>
      tpu.enqueue_dma source(%arg11 : memref<40x128xf32, #tpu.memory_space<vmem>>) target(%dma_start3A_49 : memref<40x128xf32, #tpu.memory_space<vmem_shared>>) target_semaphore(%run_scoped3A : memref<!tpu.dma_semaphore, #tpu.memory_space<semaphore_mem>>)
      %dma_wait3A = arith.constant 0 : i32
      %dma_wait3A_50 = tpu.memref_slice %arg12[%add3A_21, %dma_wait3A] : memref<10112x128xf32, #tpu.memory_space<vmem_shared>> -> memref<40x128xf32, #tpu.memory_space<vmem_shared>>
      %dma_wait3A_51 = arith.constant 0 : i32
      %dma_wait3A_52 = tpu.memref_slice %arg12[%add3A_21, %dma_wait3A_51] : memref<10112x128xf32, #tpu.memory_space<vmem_shared>> -> memref<40x128xf32, #tpu.memory_space<vmem_shared>>
      tpu.wait_dma2 semaphore(%run_scoped3A : memref<!tpu.dma_semaphore, #tpu.memory_space<semaphore_mem>>) src(%arg11 : memref<40x128xf32, #tpu.memory_space<vmem>>) dst(%dma_wait3A_52 : memref<40x128xf32, #tpu.memory_space<vmem_shared>>)
      tpu.yield
    }) : () -> ()
    %add3A_22 = arith.constant 280 : i32
    %add3A_23 = arith.addi %mul3A_7, %add3A_22 : i32
    "tpu.region"() ({
      %run_scoped3A = tpu.sem_alloc : memref<!tpu.dma_semaphore, #tpu.memory_space<semaphore_mem>>
      %dma_start3A = arith.constant 0 : i32
      %dma_start3A_47 = tpu.memref_slice %arg12[%add3A_23, %dma_start3A] : memref<10112x128xf32, #tpu.memory_space<vmem_shared>> -> memref<40x128xf32, #tpu.memory_space<vmem_shared>>
      %dma_start3A_48 = arith.constant 0 : i32
      %dma_start3A_49 = tpu.memref_slice %arg12[%add3A_23, %dma_start3A_48] : memref<10112x128xf32, #tpu.memory_space<vmem_shared>> -> memref<40x128xf32, #tpu.memory_space<vmem_shared>>
      tpu.enqueue_dma source(%arg11 : memref<40x128xf32, #tpu.memory_space<vmem>>) target(%dma_start3A_49 : memref<40x128xf32, #tpu.memory_space<vmem_shared>>) target_semaphore(%run_scoped3A : memref<!tpu.dma_semaphore, #tpu.memory_space<semaphore_mem>>)
      %dma_wait3A = arith.constant 0 : i32
      %dma_wait3A_50 = tpu.memref_slice %arg12[%add3A_23, %dma_wait3A] : memref<10112x128xf32, #tpu.memory_space<vmem_shared>> -> memref<40x128xf32, #tpu.memory_space<vmem_shared>>
      %dma_wait3A_51 = arith.constant 0 : i32
      %dma_wait3A_52 = tpu.memref_slice %arg12[%add3A_23, %dma_wait3A_51] : memref<10112x128xf32, #tpu.memory_space<vmem_shared>> -> memref<40x128xf32, #tpu.memory_space<vmem_shared>>
      tpu.wait_dma2 semaphore(%run_scoped3A : memref<!tpu.dma_semaphore, #tpu.memory_space<semaphore_mem>>) src(%arg11 : memref<40x128xf32, #tpu.memory_space<vmem>>) dst(%dma_wait3A_52 : memref<40x128xf32, #tpu.memory_space<vmem_shared>>)
      tpu.yield
    }) : () -> ()
    %add3A_24 = arith.constant 320 : i32
    %add3A_25 = arith.addi %mul3A_7, %add3A_24 : i32
    "tpu.region"() ({
      %run_scoped3A = tpu.sem_alloc : memref<!tpu.dma_semaphore, #tpu.memory_space<semaphore_mem>>
      %dma_start3A = arith.constant 0 : i32
      %dma_start3A_47 = tpu.memref_slice %arg12[%add3A_25, %dma_start3A] : memref<10112x128xf32, #tpu.memory_space<vmem_shared>> -> memref<40x128xf32, #tpu.memory_space<vmem_shared>>
      %dma_start3A_48 = arith.constant 0 : i32
      %dma_start3A_49 = tpu.memref_slice %arg12[%add3A_25, %dma_start3A_48] : memref<10112x128xf32, #tpu.memory_space<vmem_shared>> -> memref<40x128xf32, #tpu.memory_space<vmem_shared>>
      tpu.enqueue_dma source(%arg11 : memref<40x128xf32, #tpu.memory_space<vmem>>) target(%dma_start3A_49 : memref<40x128xf32, #tpu.memory_space<vmem_shared>>) target_semaphore(%run_scoped3A : memref<!tpu.dma_semaphore, #tpu.memory_space<semaphore_mem>>)
      %dma_wait3A = arith.constant 0 : i32
      %dma_wait3A_50 = tpu.memref_slice %arg12[%add3A_25, %dma_wait3A] : memref<10112x128xf32, #tpu.memory_space<vmem_shared>> -> memref<40x128xf32, #tpu.memory_space<vmem_shared>>
      %dma_wait3A_51 = arith.constant 0 : i32
      %dma_wait3A_52 = tpu.memref_slice %arg12[%add3A_25, %dma_wait3A_51] : memref<10112x128xf32, #tpu.memory_space<vmem_shared>> -> memref<40x128xf32, #tpu.memory_space<vmem_shared>>
      tpu.wait_dma2 semaphore(%run_scoped3A : memref<!tpu.dma_semaphore, #tpu.memory_space<semaphore_mem>>) src(%arg11 : memref<40x128xf32, #tpu.memory_space<vmem>>) dst(%dma_wait3A_52 : memref<40x128xf32, #tpu.memory_space<vmem_shared>>)
      tpu.yield
    }) : () -> ()
    %add3A_26 = arith.constant 360 : i32
    %add3A_27 = arith.addi %mul3A_7, %add3A_26 : i32
    "tpu.region"() ({
      %run_scoped3A = tpu.sem_alloc : memref<!tpu.dma_semaphore, #tpu.memory_space<semaphore_mem>>
      %dma_start3A = arith.constant 0 : i32
      %dma_start3A_47 = tpu.memref_slice %arg12[%add3A_27, %dma_start3A] : memref<10112x128xf32, #tpu.memory_space<vmem_shared>> -> memref<40x128xf32, #tpu.memory_space<vmem_shared>>
      %dma_start3A_48 = arith.constant 0 : i32
      %dma_start3A_49 = tpu.memref_slice %arg12[%add3A_27, %dma_start3A_48] : memref<10112x128xf32, #tpu.memory_space<vmem_shared>> -> memref<40x128xf32, #tpu.memory_space<vmem_shared>>
      tpu.enqueue_dma source(%arg11 : memref<40x128xf32, #tpu.memory_space<vmem>>) target(%dma_start3A_49 : memref<40x128xf32, #tpu.memory_space<vmem_shared>>) target_semaphore(%run_scoped3A : memref<!tpu.dma_semaphore, #tpu.memory_space<semaphore_mem>>)
      %dma_wait3A = arith.constant 0 : i32
      %dma_wait3A_50 = tpu.memref_slice %arg12[%add3A_27, %dma_wait3A] : memref<10112x128xf32, #tpu.memory_space<vmem_shared>> -> memref<40x128xf32, #tpu.memory_space<vmem_shared>>
      %dma_wait3A_51 = arith.constant 0 : i32
      %dma_wait3A_52 = tpu.memref_slice %arg12[%add3A_27, %dma_wait3A_51] : memref<10112x128xf32, #tpu.memory_space<vmem_shared>> -> memref<40x128xf32, #tpu.memory_space<vmem_shared>>
      tpu.wait_dma2 semaphore(%run_scoped3A : memref<!tpu.dma_semaphore, #tpu.memory_space<semaphore_mem>>) src(%arg11 : memref<40x128xf32, #tpu.memory_space<vmem>>) dst(%dma_wait3A_52 : memref<40x128xf32, #tpu.memory_space<vmem_shared>>)
      tpu.yield
    }) : () -> ()
    %add3A_28 = arith.constant 400 : i32
    %add3A_29 = arith.addi %mul3A_7, %add3A_28 : i32
    "tpu.region"() ({
      %run_scoped3A = tpu.sem_alloc : memref<!tpu.dma_semaphore, #tpu.memory_space<semaphore_mem>>
      %dma_start3A = arith.constant 0 : i32
      %dma_start3A_47 = tpu.memref_slice %arg12[%add3A_29, %dma_start3A] : memref<10112x128xf32, #tpu.memory_space<vmem_shared>> -> memref<40x128xf32, #tpu.memory_space<vmem_shared>>
      %dma_start3A_48 = arith.constant 0 : i32
      %dma_start3A_49 = tpu.memref_slice %arg12[%add3A_29, %dma_start3A_48] : memref<10112x128xf32, #tpu.memory_space<vmem_shared>> -> memref<40x128xf32, #tpu.memory_space<vmem_shared>>
      tpu.enqueue_dma source(%arg11 : memref<40x128xf32, #tpu.memory_space<vmem>>) target(%dma_start3A_49 : memref<40x128xf32, #tpu.memory_space<vmem_shared>>) target_semaphore(%run_scoped3A : memref<!tpu.dma_semaphore, #tpu.memory_space<semaphore_mem>>)
      %dma_wait3A = arith.constant 0 : i32
      %dma_wait3A_50 = tpu.memref_slice %arg12[%add3A_29, %dma_wait3A] : memref<10112x128xf32, #tpu.memory_space<vmem_shared>> -> memref<40x128xf32, #tpu.memory_space<vmem_shared>>
      %dma_wait3A_51 = arith.constant 0 : i32
      %dma_wait3A_52 = tpu.memref_slice %arg12[%add3A_29, %dma_wait3A_51] : memref<10112x128xf32, #tpu.memory_space<vmem_shared>> -> memref<40x128xf32, #tpu.memory_space<vmem_shared>>
      tpu.wait_dma2 semaphore(%run_scoped3A : memref<!tpu.dma_semaphore, #tpu.memory_space<semaphore_mem>>) src(%arg11 : memref<40x128xf32, #tpu.memory_space<vmem>>) dst(%dma_wait3A_52 : memref<40x128xf32, #tpu.memory_space<vmem_shared>>)
      tpu.yield
    }) : () -> ()
    %add3A_30 = arith.constant 440 : i32
    %add3A_31 = arith.addi %mul3A_7, %add3A_30 : i32
    "tpu.region"() ({
      %run_scoped3A = tpu.sem_alloc : memref<!tpu.dma_semaphore, #tpu.memory_space<semaphore_mem>>
      %dma_start3A = arith.constant 0 : i32
      %dma_start3A_47 = tpu.memref_slice %arg12[%add3A_31, %dma_start3A] : memref<10112x128xf32, #tpu.memory_space<vmem_shared>> -> memref<40x128xf32, #tpu.memory_space<vmem_shared>>
      %dma_start3A_48 = arith.constant 0 : i32
      %dma_start3A_49 = tpu.memref_slice %arg12[%add3A_31, %dma_start3A_48] : memref<10112x128xf32, #tpu.memory_space<vmem_shared>> -> memref<40x128xf32, #tpu.memory_space<vmem_shared>>
      tpu.enqueue_dma source(%arg11 : memref<40x128xf32, #tpu.memory_space<vmem>>) target(%dma_start3A_49 : memref<40x128xf32, #tpu.memory_space<vmem_shared>>) target_semaphore(%run_scoped3A : memref<!tpu.dma_semaphore, #tpu.memory_space<semaphore_mem>>)
      %dma_wait3A = arith.constant 0 : i32
      %dma_wait3A_50 = tpu.memref_slice %arg12[%add3A_31, %dma_wait3A] : memref<10112x128xf32, #tpu.memory_space<vmem_shared>> -> memref<40x128xf32, #tpu.memory_space<vmem_shared>>
      %dma_wait3A_51 = arith.constant 0 : i32
      %dma_wait3A_52 = tpu.memref_slice %arg12[%add3A_31, %dma_wait3A_51] : memref<10112x128xf32, #tpu.memory_space<vmem_shared>> -> memref<40x128xf32, #tpu.memory_space<vmem_shared>>
      tpu.wait_dma2 semaphore(%run_scoped3A : memref<!tpu.dma_semaphore, #tpu.memory_space<semaphore_mem>>) src(%arg11 : memref<40x128xf32, #tpu.memory_space<vmem>>) dst(%dma_wait3A_52 : memref<40x128xf32, #tpu.memory_space<vmem_shared>>)
      tpu.yield
    }) : () -> ()
    %add3A_32 = arith.constant 480 : i32
    %add3A_33 = arith.addi %mul3A_7, %add3A_32 : i32
    "tpu.region"() ({
      %run_scoped3A = tpu.sem_alloc : memref<!tpu.dma_semaphore, #tpu.memory_space<semaphore_mem>>
      %dma_start3A = arith.constant 0 : i32
      %dma_start3A_47 = tpu.memref_slice %arg12[%add3A_33, %dma_start3A] : memref<10112x128xf32, #tpu.memory_space<vmem_shared>> -> memref<40x128xf32, #tpu.memory_space<vmem_shared>>
      %dma_start3A_48 = arith.constant 0 : i32
      %dma_start3A_49 = tpu.memref_slice %arg12[%add3A_33, %dma_start3A_48] : memref<10112x128xf32, #tpu.memory_space<vmem_shared>> -> memref<40x128xf32, #tpu.memory_space<vmem_shared>>
      tpu.enqueue_dma source(%arg11 : memref<40x128xf32, #tpu.memory_space<vmem>>) target(%dma_start3A_49 : memref<40x128xf32, #tpu.memory_space<vmem_shared>>) target_semaphore(%run_scoped3A : memref<!tpu.dma_semaphore, #tpu.memory_space<semaphore_mem>>)
      %dma_wait3A = arith.constant 0 : i32
      %dma_wait3A_50 = tpu.memref_slice %arg12[%add3A_33, %dma_wait3A] : memref<10112x128xf32, #tpu.memory_space<vmem_shared>> -> memref<40x128xf32, #tpu.memory_space<vmem_shared>>
      %dma_wait3A_51 = arith.constant 0 : i32
      %dma_wait3A_52 = tpu.memref_slice %arg12[%add3A_33, %dma_wait3A_51] : memref<10112x128xf32, #tpu.memory_space<vmem_shared>> -> memref<40x128xf32, #tpu.memory_space<vmem_shared>>
      tpu.wait_dma2 semaphore(%run_scoped3A : memref<!tpu.dma_semaphore, #tpu.memory_space<semaphore_mem>>) src(%arg11 : memref<40x128xf32, #tpu.memory_space<vmem>>) dst(%dma_wait3A_52 : memref<40x128xf32, #tpu.memory_space<vmem_shared>>)
      tpu.yield
    }) : () -> ()
    %add3A_34 = arith.constant 520 : i32
    %add3A_35 = arith.addi %mul3A_7, %add3A_34 : i32
    "tpu.region"() ({
      %run_scoped3A = tpu.sem_alloc : memref<!tpu.dma_semaphore, #tpu.memory_space<semaphore_mem>>
      %dma_start3A = arith.constant 0 : i32
      %dma_start3A_47 = tpu.memref_slice %arg12[%add3A_35, %dma_start3A] : memref<10112x128xf32, #tpu.memory_space<vmem_shared>> -> memref<40x128xf32, #tpu.memory_space<vmem_shared>>
      %dma_start3A_48 = arith.constant 0 : i32
      %dma_start3A_49 = tpu.memref_slice %arg12[%add3A_35, %dma_start3A_48] : memref<10112x128xf32, #tpu.memory_space<vmem_shared>> -> memref<40x128xf32, #tpu.memory_space<vmem_shared>>
      tpu.enqueue_dma source(%arg11 : memref<40x128xf32, #tpu.memory_space<vmem>>) target(%dma_start3A_49 : memref<40x128xf32, #tpu.memory_space<vmem_shared>>) target_semaphore(%run_scoped3A : memref<!tpu.dma_semaphore, #tpu.memory_space<semaphore_mem>>)
      %dma_wait3A = arith.constant 0 : i32
      %dma_wait3A_50 = tpu.memref_slice %arg12[%add3A_35, %dma_wait3A] : memref<10112x128xf32, #tpu.memory_space<vmem_shared>> -> memref<40x128xf32, #tpu.memory_space<vmem_shared>>
      %dma_wait3A_51 = arith.constant 0 : i32
      %dma_wait3A_52 = tpu.memref_slice %arg12[%add3A_35, %dma_wait3A_51] : memref<10112x128xf32, #tpu.memory_space<vmem_shared>> -> memref<40x128xf32, #tpu.memory_space<vmem_shared>>
      tpu.wait_dma2 semaphore(%run_scoped3A : memref<!tpu.dma_semaphore, #tpu.memory_space<semaphore_mem>>) src(%arg11 : memref<40x128xf32, #tpu.memory_space<vmem>>) dst(%dma_wait3A_52 : memref<40x128xf32, #tpu.memory_space<vmem_shared>>)
      tpu.yield
    }) : () -> ()
    %add3A_36 = arith.constant 560 : i32
    %add3A_37 = arith.addi %mul3A_7, %add3A_36 : i32
    "tpu.region"() ({
      %run_scoped3A = tpu.sem_alloc : memref<!tpu.dma_semaphore, #tpu.memory_space<semaphore_mem>>
      %dma_start3A = arith.constant 0 : i32
      %dma_start3A_47 = tpu.memref_slice %arg12[%add3A_37, %dma_start3A] : memref<10112x128xf32, #tpu.memory_space<vmem_shared>> -> memref<40x128xf32, #tpu.memory_space<vmem_shared>>
      %dma_start3A_48 = arith.constant 0 : i32
      %dma_start3A_49 = tpu.memref_slice %arg12[%add3A_37, %dma_start3A_48] : memref<10112x128xf32, #tpu.memory_space<vmem_shared>> -> memref<40x128xf32, #tpu.memory_space<vmem_shared>>
      tpu.enqueue_dma source(%arg11 : memref<40x128xf32, #tpu.memory_space<vmem>>) target(%dma_start3A_49 : memref<40x128xf32, #tpu.memory_space<vmem_shared>>) target_semaphore(%run_scoped3A : memref<!tpu.dma_semaphore, #tpu.memory_space<semaphore_mem>>)
      %dma_wait3A = arith.constant 0 : i32
      %dma_wait3A_50 = tpu.memref_slice %arg12[%add3A_37, %dma_wait3A] : memref<10112x128xf32, #tpu.memory_space<vmem_shared>> -> memref<40x128xf32, #tpu.memory_space<vmem_shared>>
      %dma_wait3A_51 = arith.constant 0 : i32
      %dma_wait3A_52 = tpu.memref_slice %arg12[%add3A_37, %dma_wait3A_51] : memref<10112x128xf32, #tpu.memory_space<vmem_shared>> -> memref<40x128xf32, #tpu.memory_space<vmem_shared>>
      tpu.wait_dma2 semaphore(%run_scoped3A : memref<!tpu.dma_semaphore, #tpu.memory_space<semaphore_mem>>) src(%arg11 : memref<40x128xf32, #tpu.memory_space<vmem>>) dst(%dma_wait3A_52 : memref<40x128xf32, #tpu.memory_space<vmem_shared>>)
      tpu.yield
    }) : () -> ()
    %add3A_38 = arith.constant 600 : i32
    %add3A_39 = arith.addi %mul3A_7, %add3A_38 : i32
    "tpu.region"() ({
      %run_scoped3A = tpu.sem_alloc : memref<!tpu.dma_semaphore, #tpu.memory_space<semaphore_mem>>
      %dma_start3A = arith.constant 0 : i32
      %dma_start3A_47 = arith.constant 0 : i32
      %dma_start3A_48 = tpu.memref_slice %arg11[%dma_start3A, %dma_start3A_47] : memref<40x128xf32, #tpu.memory_space<vmem>> -> memref<32x128xf32, #tpu.memory_space<vmem>>
      %dma_start3A_49 = arith.constant 0 : i32
      %dma_start3A_50 = tpu.memref_slice %arg12[%add3A_39, %dma_start3A_49] : memref<10112x128xf32, #tpu.memory_space<vmem_shared>> -> memref<32x128xf32, #tpu.memory_space<vmem_shared>>
      %dma_start3A_51 = arith.constant 0 : i32
      %dma_start3A_52 = tpu.memref_slice %arg12[%add3A_39, %dma_start3A_51] : memref<10112x128xf32, #tpu.memory_space<vmem_shared>> -> memref<32x128xf32, #tpu.memory_space<vmem_shared>>
      %dma_start3A_53 = arith.constant 0 : i32
      %dma_start3A_54 = arith.constant 0 : i32
      %dma_start3A_55 = tpu.memref_slice %arg11[%dma_start3A_53, %dma_start3A_54] : memref<40x128xf32, #tpu.memory_space<vmem>> -> memref<32x128xf32, #tpu.memory_space<vmem>>
      tpu.enqueue_dma source(%dma_start3A_55 : memref<32x128xf32, #tpu.memory_space<vmem>>) target(%dma_start3A_52 : memref<32x128xf32, #tpu.memory_space<vmem_shared>>) target_semaphore(%run_scoped3A : memref<!tpu.dma_semaphore, #tpu.memory_space<semaphore_mem>>)
      %dma_wait3A = arith.constant 0 : i32
      %dma_wait3A_56 = arith.constant 0 : i32
      %dma_wait3A_57 = tpu.memref_slice %arg11[%dma_wait3A, %dma_wait3A_56] : memref<40x128xf32, #tpu.memory_space<vmem>> -> memref<32x128xf32, #tpu.memory_space<vmem>>
      %dma_wait3A_58 = arith.constant 0 : i32
      %dma_wait3A_59 = tpu.memref_slice %arg12[%add3A_39, %dma_wait3A_58] : memref<10112x128xf32, #tpu.memory_space<vmem_shared>> -> memref<32x128xf32, #tpu.memory_space<vmem_shared>>
      %dma_wait3A_60 = arith.constant 0 : i32
      %dma_wait3A_61 = tpu.memref_slice %arg12[%add3A_39, %dma_wait3A_60] : memref<10112x128xf32, #tpu.memory_space<vmem_shared>> -> memref<32x128xf32, #tpu.memory_space<vmem_shared>>
      %dma_wait3A_62 = arith.constant 0 : i32
      %dma_wait3A_63 = arith.constant 0 : i32
      %dma_wait3A_64 = tpu.memref_slice %arg11[%dma_wait3A_62, %dma_wait3A_63] : memref<40x128xf32, #tpu.memory_space<vmem>> -> memref<32x128xf32, #tpu.memory_space<vmem>>
      tpu.wait_dma2 semaphore(%run_scoped3A : memref<!tpu.dma_semaphore, #tpu.memory_space<semaphore_mem>>) src(%dma_wait3A_64 : memref<32x128xf32, #tpu.memory_space<vmem>>) dst(%dma_wait3A_61 : memref<32x128xf32, #tpu.memory_space<vmem_shared>>)
      tpu.yield
    }) : () -> ()
    %barrier3A = arith.constant 0 : index
    tpu.barrier barrier_id(%barrier3A)
    %scan3A_40 = arith.constant 0 : i32
    %scan3A_41 = arith.constant 0 : i32
    %scan3A_42 = arith.constant 5 : i32
    %scan3A_43 = arith.addi %scan3A_41, %scan3A_42 : i32
    %scan3A_44 = arith.constant 1 : i32
    scf.for %scan3A_47 = %scan3A_41 to %scan3A_43 step %scan3A_44  : i32 {
      "tpu.region"() ({
        %run_scoped3A = tpu.sem_alloc : memref<!tpu.dma_semaphore, #tpu.memory_space<semaphore_mem>>
        %dma_start3A_87 = arith.constant 0 : i32
        %dma_start3A_88 = arith.constant 0 : i32
        %dma_start3A_89 = tpu.memref_slice %arg3[%add3A, %scan3A_47, %dma_start3A_87, %dma_start3A_88] : memref<32x5x25x80xi32, #tpu.memory_space<hbm>> -> memref<1x1x25x80xi32, #tpu.memory_space<hbm>>
        %dma_start3A_90 = tpu.memref_squeeze %dma_start3A_89 : memref<1x1x25x80xi32, #tpu.memory_space<hbm>> -> memref<25x80xi32, #tpu.memory_space<hbm>>
        %dma_start3A_91 = arith.constant 0 : i32
        %dma_start3A_92 = arith.constant 0 : i32
        %dma_start3A_93 = tpu.memref_slice %arg3[%add3A, %scan3A_47, %dma_start3A_91, %dma_start3A_92] : memref<32x5x25x80xi32, #tpu.memory_space<hbm>> -> memref<1x1x25x80xi32, #tpu.memory_space<hbm>>
        %dma_start3A_94 = tpu.memref_squeeze %dma_start3A_93 : memref<1x1x25x80xi32, #tpu.memory_space<hbm>> -> memref<25x80xi32, #tpu.memory_space<hbm>>
        tpu.enqueue_dma source(%dma_start3A_94 : memref<25x80xi32, #tpu.memory_space<hbm>>) target(%arg6 : memref<25x80xi32, #tpu.memory_space<vmem>>) target_semaphore(%run_scoped3A : memref<!tpu.dma_semaphore, #tpu.memory_space<semaphore_mem>>)
        %dma_wait3A_95 = arith.constant 0 : i32
        %dma_wait3A_96 = arith.constant 0 : i32
        %dma_wait3A_97 = tpu.memref_slice %arg3[%add3A, %scan3A_47, %dma_wait3A_95, %dma_wait3A_96] : memref<32x5x25x80xi32, #tpu.memory_space<hbm>> -> memref<1x1x25x80xi32, #tpu.memory_space<hbm>>
        %dma_wait3A_98 = tpu.memref_squeeze %dma_wait3A_97 : memref<1x1x25x80xi32, #tpu.memory_space<hbm>> -> memref<25x80xi32, #tpu.memory_space<hbm>>
        %dma_wait3A_99 = arith.constant 0 : i32
        %dma_wait3A_100 = arith.constant 0 : i32
        %dma_wait3A_101 = tpu.memref_slice %arg3[%add3A, %scan3A_47, %dma_wait3A_99, %dma_wait3A_100] : memref<32x5x25x80xi32, #tpu.memory_space<hbm>> -> memref<1x1x25x80xi32, #tpu.memory_space<hbm>>
        %dma_wait3A_102 = tpu.memref_squeeze %dma_wait3A_101 : memref<1x1x25x80xi32, #tpu.memory_space<hbm>> -> memref<25x80xi32, #tpu.memory_space<hbm>>
        tpu.wait_dma2 semaphore(%run_scoped3A : memref<!tpu.dma_semaphore, #tpu.memory_space<semaphore_mem>>) src(%dma_wait3A_102 : memref<25x80xi32, #tpu.memory_space<hbm>>) dst(%arg6 : memref<25x80xi32, #tpu.memory_space<vmem>>)
        tpu.yield
      }) : () -> ()
      "tpu.region"() ({
        %run_scoped3A = tpu.sem_alloc : memref<!tpu.dma_semaphore, #tpu.memory_space<semaphore_mem>>
        %dma_start3A_87 = arith.constant 0 : i32
        %dma_start3A_88 = arith.constant 0 : i32
        %dma_start3A_89 = tpu.memref_slice %arg4[%add3A, %scan3A_47, %dma_start3A_87, %dma_start3A_88] : memref<32x5x25x80xi32, #tpu.memory_space<hbm>> -> memref<1x1x25x80xi32, #tpu.memory_space<hbm>>
        %dma_start3A_90 = tpu.memref_squeeze %dma_start3A_89 : memref<1x1x25x80xi32, #tpu.memory_space<hbm>> -> memref<25x80xi32, #tpu.memory_space<hbm>>
        %dma_start3A_91 = arith.constant 0 : i32
        %dma_start3A_92 = arith.constant 0 : i32
        %dma_start3A_93 = tpu.memref_slice %arg4[%add3A, %scan3A_47, %dma_start3A_91, %dma_start3A_92] : memref<32x5x25x80xi32, #tpu.memory_space<hbm>> -> memref<1x1x25x80xi32, #tpu.memory_space<hbm>>
        %dma_start3A_94 = tpu.memref_squeeze %dma_start3A_93 : memref<1x1x25x80xi32, #tpu.memory_space<hbm>> -> memref<25x80xi32, #tpu.memory_space<hbm>>
        tpu.enqueue_dma source(%dma_start3A_94 : memref<25x80xi32, #tpu.memory_space<hbm>>) target(%arg7 : memref<25x80xi32, #tpu.memory_space<vmem>>) target_semaphore(%run_scoped3A : memref<!tpu.dma_semaphore, #tpu.memory_space<semaphore_mem>>)
        %dma_wait3A_95 = arith.constant 0 : i32
        %dma_wait3A_96 = arith.constant 0 : i32
        %dma_wait3A_97 = tpu.memref_slice %arg4[%add3A, %scan3A_47, %dma_wait3A_95, %dma_wait3A_96] : memref<32x5x25x80xi32, #tpu.memory_space<hbm>> -> memref<1x1x25x80xi32, #tpu.memory_space<hbm>>
        %dma_wait3A_98 = tpu.memref_squeeze %dma_wait3A_97 : memref<1x1x25x80xi32, #tpu.memory_space<hbm>> -> memref<25x80xi32, #tpu.memory_space<hbm>>
        %dma_wait3A_99 = arith.constant 0 : i32
        %dma_wait3A_100 = arith.constant 0 : i32
        %dma_wait3A_101 = tpu.memref_slice %arg4[%add3A, %scan3A_47, %dma_wait3A_99, %dma_wait3A_100] : memref<32x5x25x80xi32, #tpu.memory_space<hbm>> -> memref<1x1x25x80xi32, #tpu.memory_space<hbm>>
        %dma_wait3A_102 = tpu.memref_squeeze %dma_wait3A_101 : memref<1x1x25x80xi32, #tpu.memory_space<hbm>> -> memref<25x80xi32, #tpu.memory_space<hbm>>
        tpu.wait_dma2 semaphore(%run_scoped3A : memref<!tpu.dma_semaphore, #tpu.memory_space<semaphore_mem>>) src(%dma_wait3A_102 : memref<25x80xi32, #tpu.memory_space<hbm>>) dst(%arg7 : memref<25x80xi32, #tpu.memory_space<vmem>>)
        tpu.yield
      }) : () -> ()
      %dma_start3A = arith.constant 0 : i32
      %dma_start3A_48 = arith.constant 0 : i32
      %dma_start3A_49 = tpu.memref_slice %arg6[%dma_start3A, %dma_start3A_48] : memref<25x80xi32, #tpu.memory_space<vmem>> -> memref<1x80xi32, #tpu.memory_space<vmem>>
      %dma_start3A_50 = tpu.memref_squeeze %dma_start3A_49 : memref<1x80xi32, #tpu.memory_space<vmem>> -> memref<80xi32, #tpu.memory_space<vmem>>
      %dma_start3A_51 = arith.constant 0 : i32
      %dma_start3A_52 = arith.constant 0 : i32
      %dma_start3A_53 = tpu.memref_slice %arg2[%dma_start3A_51, %dma_start3A_52] : memref<10000x128xf32, #tpu.memory_space<hbm>> -> memref<10000x128xf32, #tpu.memory_space<hbm>>
      tpu.enqueue_indirect_dma source(%dma_start3A_53 : memref<10000x128xf32, #tpu.memory_space<hbm>>) target(%arg8 : memref<80x128xf32, #tpu.memory_space<vmem>>) offsets(%dma_start3A_50 : memref<80xi32, #tpu.memory_space<vmem>>) semaphore(%arg13 : memref<!tpu.dma_semaphore, #tpu.memory_space<semaphore_mem>>)
      %dma_start3A_54 = arith.constant 1 : i32
      %dma_start3A_55 = arith.constant 0 : i32
      %dma_start3A_56 = tpu.memref_slice %arg6[%dma_start3A_54, %dma_start3A_55] : memref<25x80xi32, #tpu.memory_space<vmem>> -> memref<1x80xi32, #tpu.memory_space<vmem>>
      %dma_start3A_57 = tpu.memref_squeeze %dma_start3A_56 : memref<1x80xi32, #tpu.memory_space<vmem>> -> memref<80xi32, #tpu.memory_space<vmem>>
      %dma_start3A_58 = arith.constant 0 : i32
      %dma_start3A_59 = arith.constant 0 : i32
      %dma_start3A_60 = tpu.memref_slice %arg2[%dma_start3A_58, %dma_start3A_59] : memref<10000x128xf32, #tpu.memory_space<hbm>> -> memref<10000x128xf32, #tpu.memory_space<hbm>>
      tpu.enqueue_indirect_dma source(%dma_start3A_60 : memref<10000x128xf32, #tpu.memory_space<hbm>>) target(%arg9 : memref<80x128xf32, #tpu.memory_space<vmem>>) offsets(%dma_start3A_57 : memref<80xi32, #tpu.memory_space<vmem>>) semaphore(%arg14 : memref<!tpu.dma_semaphore, #tpu.memory_space<semaphore_mem>>)
      %scan3A_61 = arith.constant 0 : i32
      %scan3A_62 = arith.constant 0 : i32
      %scan3A_63 = arith.constant 25 : i32
      %scan3A_64 = arith.addi %scan3A_62, %scan3A_63 : i32
      %scan3A_65 = arith.constant 1 : i32
      scf.for %scan3A_87 = %scan3A_62 to %scan3A_64 step %scan3A_65  : i32 {
        %jit3A = arith.constant 3 : i32
        %eq3A = arith.constant 0 : i32
        %eq3A_88 = arith.cmpi eq, %jit3A, %eq3A : i32
        %jit3A_89 = arith.constant 1 : i32
        %select_n3A = arith.select %eq3A_88, %jit3A_89, %jit3A : i32
        %rem3A = arith.remsi %scan3A_87, %select_n3A : i32
        %ne3A = arith.constant 0 : i32
        %ne3A_90 = arith.cmpi ne, %rem3A, %ne3A : i32
        %lt3A = arith.constant 0 : i32
        %lt3A_91 = arith.cmpi slt, %rem3A, %lt3A : i32
        %lt3A_92 = arith.constant 0 : i32
        %lt3A_93 = arith.cmpi slt, %select_n3A, %lt3A_92 : i32
        %ne3A_94 = arith.xori %lt3A_91, %lt3A_93 : i1
        %and3A = arith.andi %ne3A_94, %ne3A_90 : i1
        %add3A_95 = arith.addi %rem3A, %select_n3A : i32
        %select_n3A_96 = arith.select %and3A, %add3A_95, %rem3A : i32
        %eq3A_97 = arith.constant 0 : i32
        %eq3A_98 = arith.cmpi eq, %select_n3A_96, %eq3A_97 : i32
        %convert_element_type3A = arith.extui %eq3A_98 : i1 to i32
        %cond3A = arith.constant 0 : i32
        %cond3A_99 = arith.cmpi ne, %convert_element_type3A, %cond3A : i32
        scf.if %cond3A_99 {
          %dma_wait3A_142 = arith.constant 0 : i32
          %dma_wait3A_143 = tpu.memref_slice %arg6[%scan3A_87, %dma_wait3A_142] : memref<25x80xi32, #tpu.memory_space<vmem>> -> memref<1x80xi32, #tpu.memory_space<vmem>>
          %dma_wait3A_144 = tpu.memref_squeeze %dma_wait3A_143 : memref<1x80xi32, #tpu.memory_space<vmem>> -> memref<80xi32, #tpu.memory_space<vmem>>
          %dma_wait3A_145 = arith.constant 0 : i32
          %dma_wait3A_146 = arith.constant 0 : i32
          %dma_wait3A_147 = tpu.memref_slice %arg2[%dma_wait3A_145, %dma_wait3A_146] : memref<10000x128xf32, #tpu.memory_space<hbm>> -> memref<10000x128xf32, #tpu.memory_space<hbm>>
          tpu.wait_indirect_dma semaphore(%arg13 : memref<!tpu.dma_semaphore, #tpu.memory_space<semaphore_mem>>) src(%dma_wait3A_147 : memref<10000x128xf32, #tpu.memory_space<hbm>>) dst(%arg8 : memref<80x128xf32, #tpu.memory_space<vmem>>)
          %dma_start3A_148 = arith.constant 0 : i32
          %dma_start3A_149 = tpu.memref_slice %arg7[%scan3A_87, %dma_start3A_148] : memref<25x80xi32, #tpu.memory_space<vmem>> -> memref<1x80xi32, #tpu.memory_space<vmem>>
          %dma_start3A_150 = tpu.memref_squeeze %dma_start3A_149 : memref<1x80xi32, #tpu.memory_space<vmem>> -> memref<80xi32, #tpu.memory_space<vmem>>
          %dma_start3A_151 = arith.constant 0 : i32
          %dma_start3A_152 = arith.constant 0 : i32
          %dma_start3A_153 = tpu.memref_slice %arg12[%dma_start3A_151, %dma_start3A_152] : memref<10112x128xf32, #tpu.memory_space<vmem_shared>> -> memref<10112x128xf32, #tpu.memory_space<vmem_shared>>
          tpu.enqueue_indirect_dma source(%arg8 : memref<80x128xf32, #tpu.memory_space<vmem>>) target(%dma_start3A_153 : memref<10112x128xf32, #tpu.memory_space<vmem_shared>>) offsets(%dma_start3A_150 : memref<80xi32, #tpu.memory_space<vmem>>) semaphore(%arg16 : memref<!tpu.dma_semaphore, #tpu.memory_space<semaphore_mem>>) {add = true}
          %add3A_154 = arith.constant 2 : i32
          %add3A_155 = arith.addi %scan3A_87, %add3A_154 : i32
          %lt3A_156 = arith.constant 25 : i32
          %lt3A_157 = arith.cmpi slt, %add3A_155, %lt3A_156 : i32
          %convert_element_type3A_158 = arith.extui %lt3A_157 : i1 to i32
          %cond3A_159 = arith.constant 0 : i32
          %cond3A_160 = arith.cmpi ne, %convert_element_type3A_158, %cond3A_159 : i32
          scf.if %cond3A_160 {
            %ge3A = arith.constant 1 : i32
            %ge3A_161 = arith.cmpi sge, %scan3A_87, %ge3A : i32
            %convert_element_type3A_162 = arith.extui %ge3A_161 : i1 to i32
            %cond3A_163 = arith.constant 0 : i32
            %cond3A_164 = arith.cmpi ne, %convert_element_type3A_162, %cond3A_163 : i32
            scf.if %cond3A_164 {
              %sub3A = arith.constant 1 : i32
              %sub3A_173 = arith.subi %scan3A_87, %sub3A : i32
              %dma_wait3A_174 = arith.constant 0 : i32
              %dma_wait3A_175 = tpu.memref_slice %arg7[%sub3A_173, %dma_wait3A_174] : memref<25x80xi32, #tpu.memory_space<vmem>> -> memref<1x80xi32, #tpu.memory_space<vmem>>
              %dma_wait3A_176 = tpu.memref_squeeze %dma_wait3A_175 : memref<1x80xi32, #tpu.memory_space<vmem>> -> memref<80xi32, #tpu.memory_space<vmem>>
              %dma_wait3A_177 = arith.constant 0 : i32
              %dma_wait3A_178 = arith.constant 0 : i32
              %dma_wait3A_179 = tpu.memref_slice %arg12[%dma_wait3A_177, %dma_wait3A_178] : memref<10112x128xf32, #tpu.memory_space<vmem_shared>> -> memref<10112x128xf32, #tpu.memory_space<vmem_shared>>
              tpu.wait_indirect_dma semaphore(%arg18 : memref<!tpu.dma_semaphore, #tpu.memory_space<semaphore_mem>>) src(%arg10 : memref<80x128xf32, #tpu.memory_space<vmem>>) dst(%dma_wait3A_179 : memref<10112x128xf32, #tpu.memory_space<vmem_shared>>)
            } else {
            }
            %add3A_165 = arith.constant 2 : i32
            %add3A_166 = arith.addi %scan3A_87, %add3A_165 : i32
            %dma_start3A_167 = arith.constant 0 : i32
            %dma_start3A_168 = tpu.memref_slice %arg6[%add3A_166, %dma_start3A_167] : memref<25x80xi32, #tpu.memory_space<vmem>> -> memref<1x80xi32, #tpu.memory_space<vmem>>
            %dma_start3A_169 = tpu.memref_squeeze %dma_start3A_168 : memref<1x80xi32, #tpu.memory_space<vmem>> -> memref<80xi32, #tpu.memory_space<vmem>>
            %dma_start3A_170 = arith.constant 0 : i32
            %dma_start3A_171 = arith.constant 0 : i32
            %dma_start3A_172 = tpu.memref_slice %arg2[%dma_start3A_170, %dma_start3A_171] : memref<10000x128xf32, #tpu.memory_space<hbm>> -> memref<10000x128xf32, #tpu.memory_space<hbm>>
            tpu.enqueue_indirect_dma source(%dma_start3A_172 : memref<10000x128xf32, #tpu.memory_space<hbm>>) target(%arg10 : memref<80x128xf32, #tpu.memory_space<vmem>>) offsets(%dma_start3A_169 : memref<80xi32, #tpu.memory_space<vmem>>) semaphore(%arg15 : memref<!tpu.dma_semaphore, #tpu.memory_space<semaphore_mem>>)
          } else {
          }
        } else {
        }
        %jit3A_100 = arith.constant 3 : i32
        %eq3A_101 = arith.constant 0 : i32
        %eq3A_102 = arith.cmpi eq, %jit3A_100, %eq3A_101 : i32
        %jit3A_103 = arith.constant 1 : i32
        %select_n3A_104 = arith.select %eq3A_102, %jit3A_103, %jit3A_100 : i32
        %rem3A_105 = arith.remsi %scan3A_87, %select_n3A_104 : i32
        %ne3A_106 = arith.constant 0 : i32
        %ne3A_107 = arith.cmpi ne, %rem3A_105, %ne3A_106 : i32
        %lt3A_108 = arith.constant 0 : i32
        %lt3A_109 = arith.cmpi slt, %rem3A_105, %lt3A_108 : i32
        %lt3A_110 = arith.constant 0 : i32
        %lt3A_111 = arith.cmpi slt, %select_n3A_104, %lt3A_110 : i32
        %ne3A_112 = arith.xori %lt3A_109, %lt3A_111 : i1
        %and3A_113 = arith.andi %ne3A_112, %ne3A_107 : i1
        %add3A_114 = arith.addi %rem3A_105, %select_n3A_104 : i32
        %select_n3A_115 = arith.select %and3A_113, %add3A_114, %rem3A_105 : i32
        %eq3A_116 = arith.constant 1 : i32
        %eq3A_117 = arith.cmpi eq, %select_n3A_115, %eq3A_116 : i32
        %convert_element_type3A_118 = arith.extui %eq3A_117 : i1 to i32
        %cond3A_119 = arith.constant 0 : i32
        %cond3A_120 = arith.cmpi ne, %convert_element_type3A_118, %cond3A_119 : i32
        scf.if %cond3A_120 {
          %dma_wait3A_142 = arith.constant 0 : i32
          %dma_wait3A_143 = tpu.memref_slice %arg6[%scan3A_87, %dma_wait3A_142] : memref<25x80xi32, #tpu.memory_space<vmem>> -> memref<1x80xi32, #tpu.memory_space<vmem>>
          %dma_wait3A_144 = tpu.memref_squeeze %dma_wait3A_143 : memref<1x80xi32, #tpu.memory_space<vmem>> -> memref<80xi32, #tpu.memory_space<vmem>>
          %dma_wait3A_145 = arith.constant 0 : i32
          %dma_wait3A_146 = arith.constant 0 : i32
          %dma_wait3A_147 = tpu.memref_slice %arg2[%dma_wait3A_145, %dma_wait3A_146] : memref<10000x128xf32, #tpu.memory_space<hbm>> -> memref<10000x128xf32, #tpu.memory_space<hbm>>
          tpu.wait_indirect_dma semaphore(%arg14 : memref<!tpu.dma_semaphore, #tpu.memory_space<semaphore_mem>>) src(%dma_wait3A_147 : memref<10000x128xf32, #tpu.memory_space<hbm>>) dst(%arg9 : memref<80x128xf32, #tpu.memory_space<vmem>>)
          %dma_start3A_148 = arith.constant 0 : i32
          %dma_start3A_149 = tpu.memref_slice %arg7[%scan3A_87, %dma_start3A_148] : memref<25x80xi32, #tpu.memory_space<vmem>> -> memref<1x80xi32, #tpu.memory_space<vmem>>
          %dma_start3A_150 = tpu.memref_squeeze %dma_start3A_149 : memref<1x80xi32, #tpu.memory_space<vmem>> -> memref<80xi32, #tpu.memory_space<vmem>>
          %dma_start3A_151 = arith.constant 0 : i32
          %dma_start3A_152 = arith.constant 0 : i32
          %dma_start3A_153 = tpu.memref_slice %arg12[%dma_start3A_151, %dma_start3A_152] : memref<10112x128xf32, #tpu.memory_space<vmem_shared>> -> memref<10112x128xf32, #tpu.memory_space<vmem_shared>>
          tpu.enqueue_indirect_dma source(%arg9 : memref<80x128xf32, #tpu.memory_space<vmem>>) target(%dma_start3A_153 : memref<10112x128xf32, #tpu.memory_space<vmem_shared>>) offsets(%dma_start3A_150 : memref<80xi32, #tpu.memory_space<vmem>>) semaphore(%arg17 : memref<!tpu.dma_semaphore, #tpu.memory_space<semaphore_mem>>) {add = true}
          %add3A_154 = arith.constant 2 : i32
          %add3A_155 = arith.addi %scan3A_87, %add3A_154 : i32
          %lt3A_156 = arith.constant 25 : i32
          %lt3A_157 = arith.cmpi slt, %add3A_155, %lt3A_156 : i32
          %convert_element_type3A_158 = arith.extui %lt3A_157 : i1 to i32
          %cond3A_159 = arith.constant 0 : i32
          %cond3A_160 = arith.cmpi ne, %convert_element_type3A_158, %cond3A_159 : i32
          scf.if %cond3A_160 {
            %ge3A = arith.constant 1 : i32
            %ge3A_161 = arith.cmpi sge, %scan3A_87, %ge3A : i32
            %convert_element_type3A_162 = arith.extui %ge3A_161 : i1 to i32
            %cond3A_163 = arith.constant 0 : i32
            %cond3A_164 = arith.cmpi ne, %convert_element_type3A_162, %cond3A_163 : i32
            scf.if %cond3A_164 {
              %sub3A = arith.constant 1 : i32
              %sub3A_173 = arith.subi %scan3A_87, %sub3A : i32
              %dma_wait3A_174 = arith.constant 0 : i32
              %dma_wait3A_175 = tpu.memref_slice %arg7[%sub3A_173, %dma_wait3A_174] : memref<25x80xi32, #tpu.memory_space<vmem>> -> memref<1x80xi32, #tpu.memory_space<vmem>>
              %dma_wait3A_176 = tpu.memref_squeeze %dma_wait3A_175 : memref<1x80xi32, #tpu.memory_space<vmem>> -> memref<80xi32, #tpu.memory_space<vmem>>
              %dma_wait3A_177 = arith.constant 0 : i32
              %dma_wait3A_178 = arith.constant 0 : i32
              %dma_wait3A_179 = tpu.memref_slice %arg12[%dma_wait3A_177, %dma_wait3A_178] : memref<10112x128xf32, #tpu.memory_space<vmem_shared>> -> memref<10112x128xf32, #tpu.memory_space<vmem_shared>>
              tpu.wait_indirect_dma semaphore(%arg16 : memref<!tpu.dma_semaphore, #tpu.memory_space<semaphore_mem>>) src(%arg8 : memref<80x128xf32, #tpu.memory_space<vmem>>) dst(%dma_wait3A_179 : memref<10112x128xf32, #tpu.memory_space<vmem_shared>>)
            } else {
            }
            %add3A_165 = arith.constant 2 : i32
            %add3A_166 = arith.addi %scan3A_87, %add3A_165 : i32
            %dma_start3A_167 = arith.constant 0 : i32
            %dma_start3A_168 = tpu.memref_slice %arg6[%add3A_166, %dma_start3A_167] : memref<25x80xi32, #tpu.memory_space<vmem>> -> memref<1x80xi32, #tpu.memory_space<vmem>>
            %dma_start3A_169 = tpu.memref_squeeze %dma_start3A_168 : memref<1x80xi32, #tpu.memory_space<vmem>> -> memref<80xi32, #tpu.memory_space<vmem>>
            %dma_start3A_170 = arith.constant 0 : i32
            %dma_start3A_171 = arith.constant 0 : i32
            %dma_start3A_172 = tpu.memref_slice %arg2[%dma_start3A_170, %dma_start3A_171] : memref<10000x128xf32, #tpu.memory_space<hbm>> -> memref<10000x128xf32, #tpu.memory_space<hbm>>
            tpu.enqueue_indirect_dma source(%dma_start3A_172 : memref<10000x128xf32, #tpu.memory_space<hbm>>) target(%arg8 : memref<80x128xf32, #tpu.memory_space<vmem>>) offsets(%dma_start3A_169 : memref<80xi32, #tpu.memory_space<vmem>>) semaphore(%arg13 : memref<!tpu.dma_semaphore, #tpu.memory_space<semaphore_mem>>)
          } else {
          }
        } else {
        }
        %jit3A_121 = arith.constant 3 : i32
        %eq3A_122 = arith.constant 0 : i32
        %eq3A_123 = arith.cmpi eq, %jit3A_121, %eq3A_122 : i32
        %jit3A_124 = arith.constant 1 : i32
        %select_n3A_125 = arith.select %eq3A_123, %jit3A_124, %jit3A_121 : i32
        %rem3A_126 = arith.remsi %scan3A_87, %select_n3A_125 : i32
        %ne3A_127 = arith.constant 0 : i32
        %ne3A_128 = arith.cmpi ne, %rem3A_126, %ne3A_127 : i32
        %lt3A_129 = arith.constant 0 : i32
        %lt3A_130 = arith.cmpi slt, %rem3A_126, %lt3A_129 : i32
        %lt3A_131 = arith.constant 0 : i32
        %lt3A_132 = arith.cmpi slt, %select_n3A_125, %lt3A_131 : i32
        %ne3A_133 = arith.xori %lt3A_130, %lt3A_132 : i1
        %and3A_134 = arith.andi %ne3A_133, %ne3A_128 : i1
        %add3A_135 = arith.addi %rem3A_126, %select_n3A_125 : i32
        %select_n3A_136 = arith.select %and3A_134, %add3A_135, %rem3A_126 : i32
        %eq3A_137 = arith.constant 2 : i32
        %eq3A_138 = arith.cmpi eq, %select_n3A_136, %eq3A_137 : i32
        %convert_element_type3A_139 = arith.extui %eq3A_138 : i1 to i32
        %cond3A_140 = arith.constant 0 : i32
        %cond3A_141 = arith.cmpi ne, %convert_element_type3A_139, %cond3A_140 : i32
        scf.if %cond3A_141 {
          %dma_wait3A_142 = arith.constant 0 : i32
          %dma_wait3A_143 = tpu.memref_slice %arg6[%scan3A_87, %dma_wait3A_142] : memref<25x80xi32, #tpu.memory_space<vmem>> -> memref<1x80xi32, #tpu.memory_space<vmem>>
          %dma_wait3A_144 = tpu.memref_squeeze %dma_wait3A_143 : memref<1x80xi32, #tpu.memory_space<vmem>> -> memref<80xi32, #tpu.memory_space<vmem>>
          %dma_wait3A_145 = arith.constant 0 : i32
          %dma_wait3A_146 = arith.constant 0 : i32
          %dma_wait3A_147 = tpu.memref_slice %arg2[%dma_wait3A_145, %dma_wait3A_146] : memref<10000x128xf32, #tpu.memory_space<hbm>> -> memref<10000x128xf32, #tpu.memory_space<hbm>>
          tpu.wait_indirect_dma semaphore(%arg15 : memref<!tpu.dma_semaphore, #tpu.memory_space<semaphore_mem>>) src(%dma_wait3A_147 : memref<10000x128xf32, #tpu.memory_space<hbm>>) dst(%arg10 : memref<80x128xf32, #tpu.memory_space<vmem>>)
          %dma_start3A_148 = arith.constant 0 : i32
          %dma_start3A_149 = tpu.memref_slice %arg7[%scan3A_87, %dma_start3A_148] : memref<25x80xi32, #tpu.memory_space<vmem>> -> memref<1x80xi32, #tpu.memory_space<vmem>>
          %dma_start3A_150 = tpu.memref_squeeze %dma_start3A_149 : memref<1x80xi32, #tpu.memory_space<vmem>> -> memref<80xi32, #tpu.memory_space<vmem>>
          %dma_start3A_151 = arith.constant 0 : i32
          %dma_start3A_152 = arith.constant 0 : i32
          %dma_start3A_153 = tpu.memref_slice %arg12[%dma_start3A_151, %dma_start3A_152] : memref<10112x128xf32, #tpu.memory_space<vmem_shared>> -> memref<10112x128xf32, #tpu.memory_space<vmem_shared>>
          tpu.enqueue_indirect_dma source(%arg10 : memref<80x128xf32, #tpu.memory_space<vmem>>) target(%dma_start3A_153 : memref<10112x128xf32, #tpu.memory_space<vmem_shared>>) offsets(%dma_start3A_150 : memref<80xi32, #tpu.memory_space<vmem>>) semaphore(%arg18 : memref<!tpu.dma_semaphore, #tpu.memory_space<semaphore_mem>>) {add = true}
          %add3A_154 = arith.constant 2 : i32
          %add3A_155 = arith.addi %scan3A_87, %add3A_154 : i32
          %lt3A_156 = arith.constant 25 : i32
          %lt3A_157 = arith.cmpi slt, %add3A_155, %lt3A_156 : i32
          %convert_element_type3A_158 = arith.extui %lt3A_157 : i1 to i32
          %cond3A_159 = arith.constant 0 : i32
          %cond3A_160 = arith.cmpi ne, %convert_element_type3A_158, %cond3A_159 : i32
          scf.if %cond3A_160 {
            %ge3A = arith.constant 1 : i32
            %ge3A_161 = arith.cmpi sge, %scan3A_87, %ge3A : i32
            %convert_element_type3A_162 = arith.extui %ge3A_161 : i1 to i32
            %cond3A_163 = arith.constant 0 : i32
            %cond3A_164 = arith.cmpi ne, %convert_element_type3A_162, %cond3A_163 : i32
            scf.if %cond3A_164 {
              %sub3A = arith.constant 1 : i32
              %sub3A_173 = arith.subi %scan3A_87, %sub3A : i32
              %dma_wait3A_174 = arith.constant 0 : i32
              %dma_wait3A_175 = tpu.memref_slice %arg7[%sub3A_173, %dma_wait3A_174] : memref<25x80xi32, #tpu.memory_space<vmem>> -> memref<1x80xi32, #tpu.memory_space<vmem>>
              %dma_wait3A_176 = tpu.memref_squeeze %dma_wait3A_175 : memref<1x80xi32, #tpu.memory_space<vmem>> -> memref<80xi32, #tpu.memory_space<vmem>>
              %dma_wait3A_177 = arith.constant 0 : i32
              %dma_wait3A_178 = arith.constant 0 : i32
              %dma_wait3A_179 = tpu.memref_slice %arg12[%dma_wait3A_177, %dma_wait3A_178] : memref<10112x128xf32, #tpu.memory_space<vmem_shared>> -> memref<10112x128xf32, #tpu.memory_space<vmem_shared>>
              tpu.wait_indirect_dma semaphore(%arg17 : memref<!tpu.dma_semaphore, #tpu.memory_space<semaphore_mem>>) src(%arg9 : memref<80x128xf32, #tpu.memory_space<vmem>>) dst(%dma_wait3A_179 : memref<10112x128xf32, #tpu.memory_space<vmem_shared>>)
            } else {
            }
            %add3A_165 = arith.constant 2 : i32
            %add3A_166 = arith.addi %scan3A_87, %add3A_165 : i32
            %dma_start3A_167 = arith.constant 0 : i32
            %dma_start3A_168 = tpu.memref_slice %arg6[%add3A_166, %dma_start3A_167] : memref<25x80xi32, #tpu.memory_space<vmem>> -> memref<1x80xi32, #tpu.memory_space<vmem>>
            %dma_start3A_169 = tpu.memref_squeeze %dma_start3A_168 : memref<1x80xi32, #tpu.memory_space<vmem>> -> memref<80xi32, #tpu.memory_space<vmem>>
            %dma_start3A_170 = arith.constant 0 : i32
            %dma_start3A_171 = arith.constant 0 : i32
            %dma_start3A_172 = tpu.memref_slice %arg2[%dma_start3A_170, %dma_start3A_171] : memref<10000x128xf32, #tpu.memory_space<hbm>> -> memref<10000x128xf32, #tpu.memory_space<hbm>>
            tpu.enqueue_indirect_dma source(%dma_start3A_172 : memref<10000x128xf32, #tpu.memory_space<hbm>>) target(%arg9 : memref<80x128xf32, #tpu.memory_space<vmem>>) offsets(%dma_start3A_169 : memref<80xi32, #tpu.memory_space<vmem>>) semaphore(%arg14 : memref<!tpu.dma_semaphore, #tpu.memory_space<semaphore_mem>>)
          } else {
          }
        } else {
        }
      }
      %scan3A_66 = arith.constant 25 : i32
      %dma_wait3A = arith.constant 22 : i32
      %dma_wait3A_67 = arith.constant 0 : i32
      %dma_wait3A_68 = tpu.memref_slice %arg7[%dma_wait3A, %dma_wait3A_67] : memref<25x80xi32, #tpu.memory_space<vmem>> -> memref<1x80xi32, #tpu.memory_space<vmem>>
      %dma_wait3A_69 = tpu.memref_squeeze %dma_wait3A_68 : memref<1x80xi32, #tpu.memory_space<vmem>> -> memref<80xi32, #tpu.memory_space<vmem>>
      %dma_wait3A_70 = arith.constant 0 : i32
      %dma_wait3A_71 = arith.constant 0 : i32
      %dma_wait3A_72 = tpu.memref_slice %arg12[%dma_wait3A_70, %dma_wait3A_71] : memref<10112x128xf32, #tpu.memory_space<vmem_shared>> -> memref<10112x128xf32, #tpu.memory_space<vmem_shared>>
      tpu.wait_indirect_dma semaphore(%arg17 : memref<!tpu.dma_semaphore, #tpu.memory_space<semaphore_mem>>) src(%arg9 : memref<80x128xf32, #tpu.memory_space<vmem>>) dst(%dma_wait3A_72 : memref<10112x128xf32, #tpu.memory_space<vmem_shared>>)
      %dma_wait3A_73 = arith.constant 23 : i32
      %dma_wait3A_74 = arith.constant 0 : i32
      %dma_wait3A_75 = tpu.memref_slice %arg7[%dma_wait3A_73, %dma_wait3A_74] : memref<25x80xi32, #tpu.memory_space<vmem>> -> memref<1x80xi32, #tpu.memory_space<vmem>>
      %dma_wait3A_76 = tpu.memref_squeeze %dma_wait3A_75 : memref<1x80xi32, #tpu.memory_space<vmem>> -> memref<80xi32, #tpu.memory_space<vmem>>
      %dma_wait3A_77 = arith.constant 0 : i32
      %dma_wait3A_78 = arith.constant 0 : i32
      %dma_wait3A_79 = tpu.memref_slice %arg12[%dma_wait3A_77, %dma_wait3A_78] : memref<10112x128xf32, #tpu.memory_space<vmem_shared>> -> memref<10112x128xf32, #tpu.memory_space<vmem_shared>>
      tpu.wait_indirect_dma semaphore(%arg18 : memref<!tpu.dma_semaphore, #tpu.memory_space<semaphore_mem>>) src(%arg10 : memref<80x128xf32, #tpu.memory_space<vmem>>) dst(%dma_wait3A_79 : memref<10112x128xf32, #tpu.memory_space<vmem_shared>>)
      %dma_wait3A_80 = arith.constant 24 : i32
      %dma_wait3A_81 = arith.constant 0 : i32
      %dma_wait3A_82 = tpu.memref_slice %arg7[%dma_wait3A_80, %dma_wait3A_81] : memref<25x80xi32, #tpu.memory_space<vmem>> -> memref<1x80xi32, #tpu.memory_space<vmem>>
      %dma_wait3A_83 = tpu.memref_squeeze %dma_wait3A_82 : memref<1x80xi32, #tpu.memory_space<vmem>> -> memref<80xi32, #tpu.memory_space<vmem>>
      %dma_wait3A_84 = arith.constant 0 : i32
      %dma_wait3A_85 = arith.constant 0 : i32
      %dma_wait3A_86 = tpu.memref_slice %arg12[%dma_wait3A_84, %dma_wait3A_85] : memref<10112x128xf32, #tpu.memory_space<vmem_shared>> -> memref<10112x128xf32, #tpu.memory_space<vmem_shared>>
      tpu.wait_indirect_dma semaphore(%arg16 : memref<!tpu.dma_semaphore, #tpu.memory_space<semaphore_mem>>) src(%arg8 : memref<80x128xf32, #tpu.memory_space<vmem>>) dst(%dma_wait3A_86 : memref<10112x128xf32, #tpu.memory_space<vmem_shared>>)
    }
    %scan3A_45 = arith.constant 5 : i32
    %barrier3A_46 = arith.constant 0 : index
    tpu.barrier barrier_id(%barrier3A_46)
    "tpu.region"() ({
      %run_scoped3A = tpu.sem_alloc : memref<!tpu.dma_semaphore, #tpu.memory_space<semaphore_mem>>
      %dma_start3A = arith.constant 0 : i32
      %dma_start3A_47 = tpu.memref_slice %arg5[%arg0, %mul3A_7, %dma_start3A] : memref<2x10112x128xf32, #tpu.memory_space<hbm>> -> memref<1x632x128xf32, #tpu.memory_space<hbm>>
      %dma_start3A_48 = tpu.memref_squeeze %dma_start3A_47 : memref<1x632x128xf32, #tpu.memory_space<hbm>> -> memref<632x128xf32, #tpu.memory_space<hbm>>
      %dma_start3A_49 = arith.constant 0 : i32
      %dma_start3A_50 = tpu.memref_slice %arg12[%mul3A_7, %dma_start3A_49] : memref<10112x128xf32, #tpu.memory_space<vmem_shared>> -> memref<632x128xf32, #tpu.memory_space<vmem_shared>>
      tpu.enqueue_dma source(%dma_start3A_50 : memref<632x128xf32, #tpu.memory_space<vmem_shared>>) target(%dma_start3A_48 : memref<632x128xf32, #tpu.memory_space<hbm>>) target_semaphore(%run_scoped3A : memref<!tpu.dma_semaphore, #tpu.memory_space<semaphore_mem>>)
      %dma_wait3A = arith.constant 0 : i32
      %dma_wait3A_51 = tpu.memref_slice %arg5[%arg0, %mul3A_7, %dma_wait3A] : memref<2x10112x128xf32, #tpu.memory_space<hbm>> -> memref<1x632x128xf32, #tpu.memory_space<hbm>>
      %dma_wait3A_52 = tpu.memref_squeeze %dma_wait3A_51 : memref<1x632x128xf32, #tpu.memory_space<hbm>> -> memref<632x128xf32, #tpu.memory_space<hbm>>
      %dma_wait3A_53 = arith.constant 0 : i32
      %dma_wait3A_54 = tpu.memref_slice %arg12[%mul3A_7, %dma_wait3A_53] : memref<10112x128xf32, #tpu.memory_space<vmem_shared>> -> memref<632x128xf32, #tpu.memory_space<vmem_shared>>
      tpu.wait_dma2 semaphore(%run_scoped3A : memref<!tpu.dma_semaphore, #tpu.memory_space<semaphore_mem>>) src(%dma_wait3A_54 : memref<632x128xf32, #tpu.memory_space<vmem_shared>>) dst(%dma_wait3A_52 : memref<632x128xf32, #tpu.memory_space<hbm>>)
      tpu.yield
    }) : () -> ()
    return
  }
}

#map = affine_map<(d0, d1) -> (0, 0, 0, 0)>
#map1 = affine_map<(d0, d1) -> (0, 0, 0)>
module attributes {stable_mosaic.version = 14 : i64} {
  func.func @deg(%arg0: i32, %arg1: i32, %arg2: memref<32x5x25x80xi32, #tpu.memory_space<hbm>>, %arg3: memref<2x10112x128xf32, #tpu.memory_space<hbm>>, %arg4: memref<25x80xi32, #tpu.memory_space<vmem>>, %arg5: memref<80x128xf32, #tpu.memory_space<vmem>>, %arg6: memref<80x128xf32, #tpu.memory_space<vmem>>, %arg7: memref<10112x128xf32, #tpu.memory_space<vmem_shared>>, %arg8: memref<!tpu.dma_semaphore, #tpu.memory_space<semaphore_mem>>) attributes {dimension_semantics = [#tpu.dimension_semantics<core_parallel>, #tpu.dimension_semantics<subcore_parallel>], iteration_bounds = array<i64: 2, 16>, scalar_prefetch = 0 : i64, scratch_operands = 5 : i64, tpu.core_type = #tpu.core_type<sc_vector_subcore>, window_params = [{transform_indices = #map}, {transform_indices = #map1}]} {
    %mul3A = arith.constant 2 : i32
    %mul3A_0 = arith.muli %arg1, %mul3A : i32
    %add3A = arith.addi %mul3A_0, %arg0 : i32
    %scan3A = arith.constant 0 : i32
    %scan3A_1 = arith.constant 0 : i32
    %scan3A_2 = arith.constant 80 : i32
    %scan3A_3 = arith.addi %scan3A_1, %scan3A_2 : i32
    %scan3A_4 = arith.constant 1 : i32
    scf.for %scan3A_37 = %scan3A_1 to %scan3A_3 step %scan3A_4  : i32 {
      %broadcast_in_dim3A = arith.constant 1.000000e+00 : f32
      %broadcast_in_dim3A_38 = vector.broadcast %broadcast_in_dim3A : f32 to vector<16xf32>
      %swap3A = arith.index_cast %scan3A_37 : i32 to index
      %swap3A_39 = arith.constant 0 : index
      %swap3A_40 = tpu.vector_load %arg5[%swap3A, %swap3A_39] {strides = array<i32>} : memref<80x128xf32, #tpu.memory_space<vmem>>, vector<1x16xf32>,
      %swap3A_41 = vector.shape_cast %swap3A_40 : vector<1x16xf32> to vector<16xf32>
      %swap3A_42 = vector.shape_cast %broadcast_in_dim3A_38 : vector<16xf32> to vector<1x16xf32>
      tpu.vector_store %arg5[%swap3A, %swap3A_39], %swap3A_42 {strides = array<i32>} : memref<80x128xf32, #tpu.memory_space<vmem>>, vector<1x16xf32>,
      %broadcast_in_dim3A_43 = arith.constant 1.000000e+00 : f32
      %broadcast_in_dim3A_44 = vector.broadcast %broadcast_in_dim3A_43 : f32 to vector<16xf32>
      %swap3A_45 = arith.index_cast %scan3A_37 : i32 to index
      %swap3A_46 = arith.constant 16 : index
      %swap3A_47 = tpu.vector_load %arg5[%swap3A_45, %swap3A_46] {strides = array<i32>} : memref<80x128xf32, #tpu.memory_space<vmem>>, vector<1x16xf32>,
      %swap3A_48 = vector.shape_cast %swap3A_47 : vector<1x16xf32> to vector<16xf32>
      %swap3A_49 = vector.shape_cast %broadcast_in_dim3A_44 : vector<16xf32> to vector<1x16xf32>
      tpu.vector_store %arg5[%swap3A_45, %swap3A_46], %swap3A_49 {strides = array<i32>} : memref<80x128xf32, #tpu.memory_space<vmem>>, vector<1x16xf32>,
      %broadcast_in_dim3A_50 = arith.constant 1.000000e+00 : f32
      %broadcast_in_dim3A_51 = vector.broadcast %broadcast_in_dim3A_50 : f32 to vector<16xf32>
      %swap3A_52 = arith.index_cast %scan3A_37 : i32 to index
      %swap3A_53 = arith.constant 32 : index
      %swap3A_54 = tpu.vector_load %arg5[%swap3A_52, %swap3A_53] {strides = array<i32>} : memref<80x128xf32, #tpu.memory_space<vmem>>, vector<1x16xf32>,
      %swap3A_55 = vector.shape_cast %swap3A_54 : vector<1x16xf32> to vector<16xf32>
      %swap3A_56 = vector.shape_cast %broadcast_in_dim3A_51 : vector<16xf32> to vector<1x16xf32>
      tpu.vector_store %arg5[%swap3A_52, %swap3A_53], %swap3A_56 {strides = array<i32>} : memref<80x128xf32, #tpu.memory_space<vmem>>, vector<1x16xf32>,
      %broadcast_in_dim3A_57 = arith.constant 1.000000e+00 : f32
      %broadcast_in_dim3A_58 = vector.broadcast %broadcast_in_dim3A_57 : f32 to vector<16xf32>
      %swap3A_59 = arith.index_cast %scan3A_37 : i32 to index
      %swap3A_60 = arith.constant 48 : index
      %swap3A_61 = tpu.vector_load %arg5[%swap3A_59, %swap3A_60] {strides = array<i32>} : memref<80x128xf32, #tpu.memory_space<vmem>>, vector<1x16xf32>,
      %swap3A_62 = vector.shape_cast %swap3A_61 : vector<1x16xf32> to vector<16xf32>
      %swap3A_63 = vector.shape_cast %broadcast_in_dim3A_58 : vector<16xf32> to vector<1x16xf32>
      tpu.vector_store %arg5[%swap3A_59, %swap3A_60], %swap3A_63 {strides = array<i32>} : memref<80x128xf32, #tpu.memory_space<vmem>>, vector<1x16xf32>,
      %broadcast_in_dim3A_64 = arith.constant 1.000000e+00 : f32
      %broadcast_in_dim3A_65 = vector.broadcast %broadcast_in_dim3A_64 : f32 to vector<16xf32>
      %swap3A_66 = arith.index_cast %scan3A_37 : i32 to index
      %swap3A_67 = arith.constant 64 : index
      %swap3A_68 = tpu.vector_load %arg5[%swap3A_66, %swap3A_67] {strides = array<i32>} : memref<80x128xf32, #tpu.memory_space<vmem>>, vector<1x16xf32>,
      %swap3A_69 = vector.shape_cast %swap3A_68 : vector<1x16xf32> to vector<16xf32>
      %swap3A_70 = vector.shape_cast %broadcast_in_dim3A_65 : vector<16xf32> to vector<1x16xf32>
      tpu.vector_store %arg5[%swap3A_66, %swap3A_67], %swap3A_70 {strides = array<i32>} : memref<80x128xf32, #tpu.memory_space<vmem>>, vector<1x16xf32>,
      %broadcast_in_dim3A_71 = arith.constant 1.000000e+00 : f32
      %broadcast_in_dim3A_72 = vector.broadcast %broadcast_in_dim3A_71 : f32 to vector<16xf32>
      %swap3A_73 = arith.index_cast %scan3A_37 : i32 to index
      %swap3A_74 = arith.constant 80 : index
      %swap3A_75 = tpu.vector_load %arg5[%swap3A_73, %swap3A_74] {strides = array<i32>} : memref<80x128xf32, #tpu.memory_space<vmem>>, vector<1x16xf32>,
      %swap3A_76 = vector.shape_cast %swap3A_75 : vector<1x16xf32> to vector<16xf32>
      %swap3A_77 = vector.shape_cast %broadcast_in_dim3A_72 : vector<16xf32> to vector<1x16xf32>
      tpu.vector_store %arg5[%swap3A_73, %swap3A_74], %swap3A_77 {strides = array<i32>} : memref<80x128xf32, #tpu.memory_space<vmem>>, vector<1x16xf32>,
      %broadcast_in_dim3A_78 = arith.constant 1.000000e+00 : f32
      %broadcast_in_dim3A_79 = vector.broadcast %broadcast_in_dim3A_78 : f32 to vector<16xf32>
      %swap3A_80 = arith.index_cast %scan3A_37 : i32 to index
      %swap3A_81 = arith.constant 96 : index
      %swap3A_82 = tpu.vector_load %arg5[%swap3A_80, %swap3A_81] {strides = array<i32>} : memref<80x128xf32, #tpu.memory_space<vmem>>, vector<1x16xf32>,
      %swap3A_83 = vector.shape_cast %swap3A_82 : vector<1x16xf32> to vector<16xf32>
      %swap3A_84 = vector.shape_cast %broadcast_in_dim3A_79 : vector<16xf32> to vector<1x16xf32>
      tpu.vector_store %arg5[%swap3A_80, %swap3A_81], %swap3A_84 {strides = array<i32>} : memref<80x128xf32, #tpu.memory_space<vmem>>, vector<1x16xf32>,
      %broadcast_in_dim3A_85 = arith.constant 1.000000e+00 : f32
      %broadcast_in_dim3A_86 = vector.broadcast %broadcast_in_dim3A_85 : f32 to vector<16xf32>
      %swap3A_87 = arith.index_cast %scan3A_37 : i32 to index
      %swap3A_88 = arith.constant 112 : index
      %swap3A_89 = tpu.vector_load %arg5[%swap3A_87, %swap3A_88] {strides = array<i32>} : memref<80x128xf32, #tpu.memory_space<vmem>>, vector<1x16xf32>,
      %swap3A_90 = vector.shape_cast %swap3A_89 : vector<1x16xf32> to vector<16xf32>
      %swap3A_91 = vector.shape_cast %broadcast_in_dim3A_86 : vector<16xf32> to vector<1x16xf32>
      tpu.vector_store %arg5[%swap3A_87, %swap3A_88], %swap3A_91 {strides = array<i32>} : memref<80x128xf32, #tpu.memory_space<vmem>>, vector<1x16xf32>,
    }
    %scan3A_5 = arith.constant 80 : i32
    %scan3A_6 = arith.constant 0 : i32
    %scan3A_7 = arith.constant 0 : i32
    %scan3A_8 = arith.constant 80 : i32
    %scan3A_9 = arith.addi %scan3A_7, %scan3A_8 : i32
    %scan3A_10 = arith.constant 1 : i32
    scf.for %scan3A_37 = %scan3A_7 to %scan3A_9 step %scan3A_10  : i32 {
      %broadcast_in_dim3A = arith.constant 0.000000e+00 : f32
      %broadcast_in_dim3A_38 = vector.broadcast %broadcast_in_dim3A : f32 to vector<16xf32>
      %swap3A = arith.index_cast %scan3A_37 : i32 to index
      %swap3A_39 = arith.constant 0 : index
      %swap3A_40 = tpu.vector_load %arg6[%swap3A, %swap3A_39] {strides = array<i32>} : memref<80x128xf32, #tpu.memory_space<vmem>>, vector<1x16xf32>,
      %swap3A_41 = vector.shape_cast %swap3A_40 : vector<1x16xf32> to vector<16xf32>
      %swap3A_42 = vector.shape_cast %broadcast_in_dim3A_38 : vector<16xf32> to vector<1x16xf32>
      tpu.vector_store %arg6[%swap3A, %swap3A_39], %swap3A_42 {strides = array<i32>} : memref<80x128xf32, #tpu.memory_space<vmem>>, vector<1x16xf32>,
      %broadcast_in_dim3A_43 = arith.constant 0.000000e+00 : f32
      %broadcast_in_dim3A_44 = vector.broadcast %broadcast_in_dim3A_43 : f32 to vector<16xf32>
      %swap3A_45 = arith.index_cast %scan3A_37 : i32 to index
      %swap3A_46 = arith.constant 16 : index
      %swap3A_47 = tpu.vector_load %arg6[%swap3A_45, %swap3A_46] {strides = array<i32>} : memref<80x128xf32, #tpu.memory_space<vmem>>, vector<1x16xf32>,
      %swap3A_48 = vector.shape_cast %swap3A_47 : vector<1x16xf32> to vector<16xf32>
      %swap3A_49 = vector.shape_cast %broadcast_in_dim3A_44 : vector<16xf32> to vector<1x16xf32>
      tpu.vector_store %arg6[%swap3A_45, %swap3A_46], %swap3A_49 {strides = array<i32>} : memref<80x128xf32, #tpu.memory_space<vmem>>, vector<1x16xf32>,
      %broadcast_in_dim3A_50 = arith.constant 0.000000e+00 : f32
      %broadcast_in_dim3A_51 = vector.broadcast %broadcast_in_dim3A_50 : f32 to vector<16xf32>
      %swap3A_52 = arith.index_cast %scan3A_37 : i32 to index
      %swap3A_53 = arith.constant 32 : index
      %swap3A_54 = tpu.vector_load %arg6[%swap3A_52, %swap3A_53] {strides = array<i32>} : memref<80x128xf32, #tpu.memory_space<vmem>>, vector<1x16xf32>,
      %swap3A_55 = vector.shape_cast %swap3A_54 : vector<1x16xf32> to vector<16xf32>
      %swap3A_56 = vector.shape_cast %broadcast_in_dim3A_51 : vector<16xf32> to vector<1x16xf32>
      tpu.vector_store %arg6[%swap3A_52, %swap3A_53], %swap3A_56 {strides = array<i32>} : memref<80x128xf32, #tpu.memory_space<vmem>>, vector<1x16xf32>,
      %broadcast_in_dim3A_57 = arith.constant 0.000000e+00 : f32
      %broadcast_in_dim3A_58 = vector.broadcast %broadcast_in_dim3A_57 : f32 to vector<16xf32>
      %swap3A_59 = arith.index_cast %scan3A_37 : i32 to index
      %swap3A_60 = arith.constant 48 : index
      %swap3A_61 = tpu.vector_load %arg6[%swap3A_59, %swap3A_60] {strides = array<i32>} : memref<80x128xf32, #tpu.memory_space<vmem>>, vector<1x16xf32>,
      %swap3A_62 = vector.shape_cast %swap3A_61 : vector<1x16xf32> to vector<16xf32>
      %swap3A_63 = vector.shape_cast %broadcast_in_dim3A_58 : vector<16xf32> to vector<1x16xf32>
      tpu.vector_store %arg6[%swap3A_59, %swap3A_60], %swap3A_63 {strides = array<i32>} : memref<80x128xf32, #tpu.memory_space<vmem>>, vector<1x16xf32>,
      %broadcast_in_dim3A_64 = arith.constant 0.000000e+00 : f32
      %broadcast_in_dim3A_65 = vector.broadcast %broadcast_in_dim3A_64 : f32 to vector<16xf32>
      %swap3A_66 = arith.index_cast %scan3A_37 : i32 to index
      %swap3A_67 = arith.constant 64 : index
      %swap3A_68 = tpu.vector_load %arg6[%swap3A_66, %swap3A_67] {strides = array<i32>} : memref<80x128xf32, #tpu.memory_space<vmem>>, vector<1x16xf32>,
      %swap3A_69 = vector.shape_cast %swap3A_68 : vector<1x16xf32> to vector<16xf32>
      %swap3A_70 = vector.shape_cast %broadcast_in_dim3A_65 : vector<16xf32> to vector<1x16xf32>
      tpu.vector_store %arg6[%swap3A_66, %swap3A_67], %swap3A_70 {strides = array<i32>} : memref<80x128xf32, #tpu.memory_space<vmem>>, vector<1x16xf32>,
      %broadcast_in_dim3A_71 = arith.constant 0.000000e+00 : f32
      %broadcast_in_dim3A_72 = vector.broadcast %broadcast_in_dim3A_71 : f32 to vector<16xf32>
      %swap3A_73 = arith.index_cast %scan3A_37 : i32 to index
      %swap3A_74 = arith.constant 80 : index
      %swap3A_75 = tpu.vector_load %arg6[%swap3A_73, %swap3A_74] {strides = array<i32>} : memref<80x128xf32, #tpu.memory_space<vmem>>, vector<1x16xf32>,
      %swap3A_76 = vector.shape_cast %swap3A_75 : vector<1x16xf32> to vector<16xf32>
      %swap3A_77 = vector.shape_cast %broadcast_in_dim3A_72 : vector<16xf32> to vector<1x16xf32>
      tpu.vector_store %arg6[%swap3A_73, %swap3A_74], %swap3A_77 {strides = array<i32>} : memref<80x128xf32, #tpu.memory_space<vmem>>, vector<1x16xf32>,
      %broadcast_in_dim3A_78 = arith.constant 0.000000e+00 : f32
      %broadcast_in_dim3A_79 = vector.broadcast %broadcast_in_dim3A_78 : f32 to vector<16xf32>
      %swap3A_80 = arith.index_cast %scan3A_37 : i32 to index
      %swap3A_81 = arith.constant 96 : index
      %swap3A_82 = tpu.vector_load %arg6[%swap3A_80, %swap3A_81] {strides = array<i32>} : memref<80x128xf32, #tpu.memory_space<vmem>>, vector<1x16xf32>,
      %swap3A_83 = vector.shape_cast %swap3A_82 : vector<1x16xf32> to vector<16xf32>
      %swap3A_84 = vector.shape_cast %broadcast_in_dim3A_79 : vector<16xf32> to vector<1x16xf32>
      tpu.vector_store %arg6[%swap3A_80, %swap3A_81], %swap3A_84 {strides = array<i32>} : memref<80x128xf32, #tpu.memory_space<vmem>>, vector<1x16xf32>,
      %broadcast_in_dim3A_85 = arith.constant 0.000000e+00 : f32
      %broadcast_in_dim3A_86 = vector.broadcast %broadcast_in_dim3A_85 : f32 to vector<16xf32>
      %swap3A_87 = arith.index_cast %scan3A_37 : i32 to index
      %swap3A_88 = arith.constant 112 : index
      %swap3A_89 = tpu.vector_load %arg6[%swap3A_87, %swap3A_88] {strides = array<i32>} : memref<80x128xf32, #tpu.memory_space<vmem>>, vector<1x16xf32>,
      %swap3A_90 = vector.shape_cast %swap3A_89 : vector<1x16xf32> to vector<16xf32>
      %swap3A_91 = vector.shape_cast %broadcast_in_dim3A_86 : vector<16xf32> to vector<1x16xf32>
      tpu.vector_store %arg6[%swap3A_87, %swap3A_88], %swap3A_91 {strides = array<i32>} : memref<80x128xf32, #tpu.memory_space<vmem>>, vector<1x16xf32>,
    }
    %scan3A_11 = arith.constant 80 : i32
    %mul3A_12 = arith.constant 632 : i32
    %mul3A_13 = arith.muli %arg1, %mul3A_12 : i32
    %add3A_14 = arith.constant 0 : i32
    %add3A_15 = arith.addi %mul3A_13, %add3A_14 : i32
    "tpu.region"() ({
      %run_scoped3A = tpu.sem_alloc : memref<!tpu.dma_semaphore, #tpu.memory_space<semaphore_mem>>
      %dma_start3A = arith.constant 0 : i32
      %dma_start3A_37 = tpu.memref_slice %arg7[%add3A_15, %dma_start3A] : memref<10112x128xf32, #tpu.memory_space<vmem_shared>> -> memref<80x128xf32, #tpu.memory_space<vmem_shared>>
      %dma_start3A_38 = arith.constant 0 : i32
      %dma_start3A_39 = tpu.memref_slice %arg7[%add3A_15, %dma_start3A_38] : memref<10112x128xf32, #tpu.memory_space<vmem_shared>> -> memref<80x128xf32, #tpu.memory_space<vmem_shared>>
      tpu.enqueue_dma source(%arg6 : memref<80x128xf32, #tpu.memory_space<vmem>>) target(%dma_start3A_39 : memref<80x128xf32, #tpu.memory_space<vmem_shared>>) target_semaphore(%run_scoped3A : memref<!tpu.dma_semaphore, #tpu.memory_space<semaphore_mem>>)
      %dma_wait3A = arith.constant 0 : i32
      %dma_wait3A_40 = tpu.memref_slice %arg7[%add3A_15, %dma_wait3A] : memref<10112x128xf32, #tpu.memory_space<vmem_shared>> -> memref<80x128xf32, #tpu.memory_space<vmem_shared>>
      %dma_wait3A_41 = arith.constant 0 : i32
      %dma_wait3A_42 = tpu.memref_slice %arg7[%add3A_15, %dma_wait3A_41] : memref<10112x128xf32, #tpu.memory_space<vmem_shared>> -> memref<80x128xf32, #tpu.memory_space<vmem_shared>>
      tpu.wait_dma2 semaphore(%run_scoped3A : memref<!tpu.dma_semaphore, #tpu.memory_space<semaphore_mem>>) src(%arg6 : memref<80x128xf32, #tpu.memory_space<vmem>>) dst(%dma_wait3A_42 : memref<80x128xf32, #tpu.memory_space<vmem_shared>>)
      tpu.yield
    }) : () -> ()
    %add3A_16 = arith.constant 80 : i32
    %add3A_17 = arith.addi %mul3A_13, %add3A_16 : i32
    "tpu.region"() ({
      %run_scoped3A = tpu.sem_alloc : memref<!tpu.dma_semaphore, #tpu.memory_space<semaphore_mem>>
      %dma_start3A = arith.constant 0 : i32
      %dma_start3A_37 = tpu.memref_slice %arg7[%add3A_17, %dma_start3A] : memref<10112x128xf32, #tpu.memory_space<vmem_shared>> -> memref<80x128xf32, #tpu.memory_space<vmem_shared>>
      %dma_start3A_38 = arith.constant 0 : i32
      %dma_start3A_39 = tpu.memref_slice %arg7[%add3A_17, %dma_start3A_38] : memref<10112x128xf32, #tpu.memory_space<vmem_shared>> -> memref<80x128xf32, #tpu.memory_space<vmem_shared>>
      tpu.enqueue_dma source(%arg6 : memref<80x128xf32, #tpu.memory_space<vmem>>) target(%dma_start3A_39 : memref<80x128xf32, #tpu.memory_space<vmem_shared>>) target_semaphore(%run_scoped3A : memref<!tpu.dma_semaphore, #tpu.memory_space<semaphore_mem>>)
      %dma_wait3A = arith.constant 0 : i32
      %dma_wait3A_40 = tpu.memref_slice %arg7[%add3A_17, %dma_wait3A] : memref<10112x128xf32, #tpu.memory_space<vmem_shared>> -> memref<80x128xf32, #tpu.memory_space<vmem_shared>>
      %dma_wait3A_41 = arith.constant 0 : i32
      %dma_wait3A_42 = tpu.memref_slice %arg7[%add3A_17, %dma_wait3A_41] : memref<10112x128xf32, #tpu.memory_space<vmem_shared>> -> memref<80x128xf32, #tpu.memory_space<vmem_shared>>
      tpu.wait_dma2 semaphore(%run_scoped3A : memref<!tpu.dma_semaphore, #tpu.memory_space<semaphore_mem>>) src(%arg6 : memref<80x128xf32, #tpu.memory_space<vmem>>) dst(%dma_wait3A_42 : memref<80x128xf32, #tpu.memory_space<vmem_shared>>)
      tpu.yield
    }) : () -> ()
    %add3A_18 = arith.constant 160 : i32
    %add3A_19 = arith.addi %mul3A_13, %add3A_18 : i32
    "tpu.region"() ({
      %run_scoped3A = tpu.sem_alloc : memref<!tpu.dma_semaphore, #tpu.memory_space<semaphore_mem>>
      %dma_start3A = arith.constant 0 : i32
      %dma_start3A_37 = tpu.memref_slice %arg7[%add3A_19, %dma_start3A] : memref<10112x128xf32, #tpu.memory_space<vmem_shared>> -> memref<80x128xf32, #tpu.memory_space<vmem_shared>>
      %dma_start3A_38 = arith.constant 0 : i32
      %dma_start3A_39 = tpu.memref_slice %arg7[%add3A_19, %dma_start3A_38] : memref<10112x128xf32, #tpu.memory_space<vmem_shared>> -> memref<80x128xf32, #tpu.memory_space<vmem_shared>>
      tpu.enqueue_dma source(%arg6 : memref<80x128xf32, #tpu.memory_space<vmem>>) target(%dma_start3A_39 : memref<80x128xf32, #tpu.memory_space<vmem_shared>>) target_semaphore(%run_scoped3A : memref<!tpu.dma_semaphore, #tpu.memory_space<semaphore_mem>>)
      %dma_wait3A = arith.constant 0 : i32
      %dma_wait3A_40 = tpu.memref_slice %arg7[%add3A_19, %dma_wait3A] : memref<10112x128xf32, #tpu.memory_space<vmem_shared>> -> memref<80x128xf32, #tpu.memory_space<vmem_shared>>
      %dma_wait3A_41 = arith.constant 0 : i32
      %dma_wait3A_42 = tpu.memref_slice %arg7[%add3A_19, %dma_wait3A_41] : memref<10112x128xf32, #tpu.memory_space<vmem_shared>> -> memref<80x128xf32, #tpu.memory_space<vmem_shared>>
      tpu.wait_dma2 semaphore(%run_scoped3A : memref<!tpu.dma_semaphore, #tpu.memory_space<semaphore_mem>>) src(%arg6 : memref<80x128xf32, #tpu.memory_space<vmem>>) dst(%dma_wait3A_42 : memref<80x128xf32, #tpu.memory_space<vmem_shared>>)
      tpu.yield
    }) : () -> ()
    %add3A_20 = arith.constant 240 : i32
    %add3A_21 = arith.addi %mul3A_13, %add3A_20 : i32
    "tpu.region"() ({
      %run_scoped3A = tpu.sem_alloc : memref<!tpu.dma_semaphore, #tpu.memory_space<semaphore_mem>>
      %dma_start3A = arith.constant 0 : i32
      %dma_start3A_37 = tpu.memref_slice %arg7[%add3A_21, %dma_start3A] : memref<10112x128xf32, #tpu.memory_space<vmem_shared>> -> memref<80x128xf32, #tpu.memory_space<vmem_shared>>
      %dma_start3A_38 = arith.constant 0 : i32
      %dma_start3A_39 = tpu.memref_slice %arg7[%add3A_21, %dma_start3A_38] : memref<10112x128xf32, #tpu.memory_space<vmem_shared>> -> memref<80x128xf32, #tpu.memory_space<vmem_shared>>
      tpu.enqueue_dma source(%arg6 : memref<80x128xf32, #tpu.memory_space<vmem>>) target(%dma_start3A_39 : memref<80x128xf32, #tpu.memory_space<vmem_shared>>) target_semaphore(%run_scoped3A : memref<!tpu.dma_semaphore, #tpu.memory_space<semaphore_mem>>)
      %dma_wait3A = arith.constant 0 : i32
      %dma_wait3A_40 = tpu.memref_slice %arg7[%add3A_21, %dma_wait3A] : memref<10112x128xf32, #tpu.memory_space<vmem_shared>> -> memref<80x128xf32, #tpu.memory_space<vmem_shared>>
      %dma_wait3A_41 = arith.constant 0 : i32
      %dma_wait3A_42 = tpu.memref_slice %arg7[%add3A_21, %dma_wait3A_41] : memref<10112x128xf32, #tpu.memory_space<vmem_shared>> -> memref<80x128xf32, #tpu.memory_space<vmem_shared>>
      tpu.wait_dma2 semaphore(%run_scoped3A : memref<!tpu.dma_semaphore, #tpu.memory_space<semaphore_mem>>) src(%arg6 : memref<80x128xf32, #tpu.memory_space<vmem>>) dst(%dma_wait3A_42 : memref<80x128xf32, #tpu.memory_space<vmem_shared>>)
      tpu.yield
    }) : () -> ()
    %add3A_22 = arith.constant 320 : i32
    %add3A_23 = arith.addi %mul3A_13, %add3A_22 : i32
    "tpu.region"() ({
      %run_scoped3A = tpu.sem_alloc : memref<!tpu.dma_semaphore, #tpu.memory_space<semaphore_mem>>
      %dma_start3A = arith.constant 0 : i32
      %dma_start3A_37 = tpu.memref_slice %arg7[%add3A_23, %dma_start3A] : memref<10112x128xf32, #tpu.memory_space<vmem_shared>> -> memref<80x128xf32, #tpu.memory_space<vmem_shared>>
      %dma_start3A_38 = arith.constant 0 : i32
      %dma_start3A_39 = tpu.memref_slice %arg7[%add3A_23, %dma_start3A_38] : memref<10112x128xf32, #tpu.memory_space<vmem_shared>> -> memref<80x128xf32, #tpu.memory_space<vmem_shared>>
      tpu.enqueue_dma source(%arg6 : memref<80x128xf32, #tpu.memory_space<vmem>>) target(%dma_start3A_39 : memref<80x128xf32, #tpu.memory_space<vmem_shared>>) target_semaphore(%run_scoped3A : memref<!tpu.dma_semaphore, #tpu.memory_space<semaphore_mem>>)
      %dma_wait3A = arith.constant 0 : i32
      %dma_wait3A_40 = tpu.memref_slice %arg7[%add3A_23, %dma_wait3A] : memref<10112x128xf32, #tpu.memory_space<vmem_shared>> -> memref<80x128xf32, #tpu.memory_space<vmem_shared>>
      %dma_wait3A_41 = arith.constant 0 : i32
      %dma_wait3A_42 = tpu.memref_slice %arg7[%add3A_23, %dma_wait3A_41] : memref<10112x128xf32, #tpu.memory_space<vmem_shared>> -> memref<80x128xf32, #tpu.memory_space<vmem_shared>>
      tpu.wait_dma2 semaphore(%run_scoped3A : memref<!tpu.dma_semaphore, #tpu.memory_space<semaphore_mem>>) src(%arg6 : memref<80x128xf32, #tpu.memory_space<vmem>>) dst(%dma_wait3A_42 : memref<80x128xf32, #tpu.memory_space<vmem_shared>>)
      tpu.yield
    }) : () -> ()
    %add3A_24 = arith.constant 400 : i32
    %add3A_25 = arith.addi %mul3A_13, %add3A_24 : i32
    "tpu.region"() ({
      %run_scoped3A = tpu.sem_alloc : memref<!tpu.dma_semaphore, #tpu.memory_space<semaphore_mem>>
      %dma_start3A = arith.constant 0 : i32
      %dma_start3A_37 = tpu.memref_slice %arg7[%add3A_25, %dma_start3A] : memref<10112x128xf32, #tpu.memory_space<vmem_shared>> -> memref<80x128xf32, #tpu.memory_space<vmem_shared>>
      %dma_start3A_38 = arith.constant 0 : i32
      %dma_start3A_39 = tpu.memref_slice %arg7[%add3A_25, %dma_start3A_38] : memref<10112x128xf32, #tpu.memory_space<vmem_shared>> -> memref<80x128xf32, #tpu.memory_space<vmem_shared>>
      tpu.enqueue_dma source(%arg6 : memref<80x128xf32, #tpu.memory_space<vmem>>) target(%dma_start3A_39 : memref<80x128xf32, #tpu.memory_space<vmem_shared>>) target_semaphore(%run_scoped3A : memref<!tpu.dma_semaphore, #tpu.memory_space<semaphore_mem>>)
      %dma_wait3A = arith.constant 0 : i32
      %dma_wait3A_40 = tpu.memref_slice %arg7[%add3A_25, %dma_wait3A] : memref<10112x128xf32, #tpu.memory_space<vmem_shared>> -> memref<80x128xf32, #tpu.memory_space<vmem_shared>>
      %dma_wait3A_41 = arith.constant 0 : i32
      %dma_wait3A_42 = tpu.memref_slice %arg7[%add3A_25, %dma_wait3A_41] : memref<10112x128xf32, #tpu.memory_space<vmem_shared>> -> memref<80x128xf32, #tpu.memory_space<vmem_shared>>
      tpu.wait_dma2 semaphore(%run_scoped3A : memref<!tpu.dma_semaphore, #tpu.memory_space<semaphore_mem>>) src(%arg6 : memref<80x128xf32, #tpu.memory_space<vmem>>) dst(%dma_wait3A_42 : memref<80x128xf32, #tpu.memory_space<vmem_shared>>)
      tpu.yield
    }) : () -> ()
    %add3A_26 = arith.constant 480 : i32
    %add3A_27 = arith.addi %mul3A_13, %add3A_26 : i32
    "tpu.region"() ({
      %run_scoped3A = tpu.sem_alloc : memref<!tpu.dma_semaphore, #tpu.memory_space<semaphore_mem>>
      %dma_start3A = arith.constant 0 : i32
      %dma_start3A_37 = tpu.memref_slice %arg7[%add3A_27, %dma_start3A] : memref<10112x128xf32, #tpu.memory_space<vmem_shared>> -> memref<80x128xf32, #tpu.memory_space<vmem_shared>>
      %dma_start3A_38 = arith.constant 0 : i32
      %dma_start3A_39 = tpu.memref_slice %arg7[%add3A_27, %dma_start3A_38] : memref<10112x128xf32, #tpu.memory_space<vmem_shared>> -> memref<80x128xf32, #tpu.memory_space<vmem_shared>>
      tpu.enqueue_dma source(%arg6 : memref<80x128xf32, #tpu.memory_space<vmem>>) target(%dma_start3A_39 : memref<80x128xf32, #tpu.memory_space<vmem_shared>>) target_semaphore(%run_scoped3A : memref<!tpu.dma_semaphore, #tpu.memory_space<semaphore_mem>>)
      %dma_wait3A = arith.constant 0 : i32
      %dma_wait3A_40 = tpu.memref_slice %arg7[%add3A_27, %dma_wait3A] : memref<10112x128xf32, #tpu.memory_space<vmem_shared>> -> memref<80x128xf32, #tpu.memory_space<vmem_shared>>
      %dma_wait3A_41 = arith.constant 0 : i32
      %dma_wait3A_42 = tpu.memref_slice %arg7[%add3A_27, %dma_wait3A_41] : memref<10112x128xf32, #tpu.memory_space<vmem_shared>> -> memref<80x128xf32, #tpu.memory_space<vmem_shared>>
      tpu.wait_dma2 semaphore(%run_scoped3A : memref<!tpu.dma_semaphore, #tpu.memory_space<semaphore_mem>>) src(%arg6 : memref<80x128xf32, #tpu.memory_space<vmem>>) dst(%dma_wait3A_42 : memref<80x128xf32, #tpu.memory_space<vmem_shared>>)
      tpu.yield
    }) : () -> ()
    %add3A_28 = arith.constant 560 : i32
    %add3A_29 = arith.addi %mul3A_13, %add3A_28 : i32
    "tpu.region"() ({
      %run_scoped3A = tpu.sem_alloc : memref<!tpu.dma_semaphore, #tpu.memory_space<semaphore_mem>>
      %dma_start3A = arith.constant 0 : i32
      %dma_start3A_37 = arith.constant 0 : i32
      %dma_start3A_38 = tpu.memref_slice %arg6[%dma_start3A, %dma_start3A_37] : memref<80x128xf32, #tpu.memory_space<vmem>> -> memref<72x128xf32, #tpu.memory_space<vmem>>
      %dma_start3A_39 = arith.constant 0 : i32
      %dma_start3A_40 = tpu.memref_slice %arg7[%add3A_29, %dma_start3A_39] : memref<10112x128xf32, #tpu.memory_space<vmem_shared>> -> memref<72x128xf32, #tpu.memory_space<vmem_shared>>
      %dma_start3A_41 = arith.constant 0 : i32
      %dma_start3A_42 = tpu.memref_slice %arg7[%add3A_29, %dma_start3A_41] : memref<10112x128xf32, #tpu.memory_space<vmem_shared>> -> memref<72x128xf32, #tpu.memory_space<vmem_shared>>
      %dma_start3A_43 = arith.constant 0 : i32
      %dma_start3A_44 = arith.constant 0 : i32
      %dma_start3A_45 = tpu.memref_slice %arg6[%dma_start3A_43, %dma_start3A_44] : memref<80x128xf32, #tpu.memory_space<vmem>> -> memref<72x128xf32, #tpu.memory_space<vmem>>
      tpu.enqueue_dma source(%dma_start3A_45 : memref<72x128xf32, #tpu.memory_space<vmem>>) target(%dma_start3A_42 : memref<72x128xf32, #tpu.memory_space<vmem_shared>>) target_semaphore(%run_scoped3A : memref<!tpu.dma_semaphore, #tpu.memory_space<semaphore_mem>>)
      %dma_wait3A = arith.constant 0 : i32
      %dma_wait3A_46 = arith.constant 0 : i32
      %dma_wait3A_47 = tpu.memref_slice %arg6[%dma_wait3A, %dma_wait3A_46] : memref<80x128xf32, #tpu.memory_space<vmem>> -> memref<72x128xf32, #tpu.memory_space<vmem>>
      %dma_wait3A_48 = arith.constant 0 : i32
      %dma_wait3A_49 = tpu.memref_slice %arg7[%add3A_29, %dma_wait3A_48] : memref<10112x128xf32, #tpu.memory_space<vmem_shared>> -> memref<72x128xf32, #tpu.memory_space<vmem_shared>>
      %dma_wait3A_50 = arith.constant 0 : i32
      %dma_wait3A_51 = tpu.memref_slice %arg7[%add3A_29, %dma_wait3A_50] : memref<10112x128xf32, #tpu.memory_space<vmem_shared>> -> memref<72x128xf32, #tpu.memory_space<vmem_shared>>
      %dma_wait3A_52 = arith.constant 0 : i32
      %dma_wait3A_53 = arith.constant 0 : i32
      %dma_wait3A_54 = tpu.memref_slice %arg6[%dma_wait3A_52, %dma_wait3A_53] : memref<80x128xf32, #tpu.memory_space<vmem>> -> memref<72x128xf32, #tpu.memory_space<vmem>>
      tpu.wait_dma2 semaphore(%run_scoped3A : memref<!tpu.dma_semaphore, #tpu.memory_space<semaphore_mem>>) src(%dma_wait3A_54 : memref<72x128xf32, #tpu.memory_space<vmem>>) dst(%dma_wait3A_51 : memref<72x128xf32, #tpu.memory_space<vmem_shared>>)
      tpu.yield
    }) : () -> ()
    %barrier3A = arith.constant 0 : index
    tpu.barrier barrier_id(%barrier3A)
    %scan3A_30 = arith.constant 0 : i32
    %scan3A_31 = arith.constant 0 : i32
    %scan3A_32 = arith.constant 5 : i32
    %scan3A_33 = arith.addi %scan3A_31, %scan3A_32 : i32
    %scan3A_34 = arith.constant 1 : i32
    scf.for %scan3A_37 = %scan3A_31 to %scan3A_33 step %scan3A_34  : i32 {
      "tpu.region"() ({
        %run_scoped3A = tpu.sem_alloc : memref<!tpu.dma_semaphore, #tpu.memory_space<semaphore_mem>>
        %dma_start3A = arith.constant 0 : i32
        %dma_start3A_50 = arith.constant 0 : i32
        %dma_start3A_51 = tpu.memref_slice %arg2[%add3A, %scan3A_37, %dma_start3A, %dma_start3A_50] : memref<32x5x25x80xi32, #tpu.memory_space<hbm>> -> memref<1x1x25x80xi32, #tpu.memory_space<hbm>>
        %dma_start3A_52 = tpu.memref_squeeze %dma_start3A_51 : memref<1x1x25x80xi32, #tpu.memory_space<hbm>> -> memref<25x80xi32, #tpu.memory_space<hbm>>
        %dma_start3A_53 = arith.constant 0 : i32
        %dma_start3A_54 = arith.constant 0 : i32
        %dma_start3A_55 = tpu.memref_slice %arg2[%add3A, %scan3A_37, %dma_start3A_53, %dma_start3A_54] : memref<32x5x25x80xi32, #tpu.memory_space<hbm>> -> memref<1x1x25x80xi32, #tpu.memory_space<hbm>>
        %dma_start3A_56 = tpu.memref_squeeze %dma_start3A_55 : memref<1x1x25x80xi32, #tpu.memory_space<hbm>> -> memref<25x80xi32, #tpu.memory_space<hbm>>
        tpu.enqueue_dma source(%dma_start3A_56 : memref<25x80xi32, #tpu.memory_space<hbm>>) target(%arg4 : memref<25x80xi32, #tpu.memory_space<vmem>>) target_semaphore(%run_scoped3A : memref<!tpu.dma_semaphore, #tpu.memory_space<semaphore_mem>>)
        %dma_wait3A = arith.constant 0 : i32
        %dma_wait3A_57 = arith.constant 0 : i32
        %dma_wait3A_58 = tpu.memref_slice %arg2[%add3A, %scan3A_37, %dma_wait3A, %dma_wait3A_57] : memref<32x5x25x80xi32, #tpu.memory_space<hbm>> -> memref<1x1x25x80xi32, #tpu.memory_space<hbm>>
        %dma_wait3A_59 = tpu.memref_squeeze %dma_wait3A_58 : memref<1x1x25x80xi32, #tpu.memory_space<hbm>> -> memref<25x80xi32, #tpu.memory_space<hbm>>
        %dma_wait3A_60 = arith.constant 0 : i32
        %dma_wait3A_61 = arith.constant 0 : i32
        %dma_wait3A_62 = tpu.memref_slice %arg2[%add3A, %scan3A_37, %dma_wait3A_60, %dma_wait3A_61] : memref<32x5x25x80xi32, #tpu.memory_space<hbm>> -> memref<1x1x25x80xi32, #tpu.memory_space<hbm>>
        %dma_wait3A_63 = tpu.memref_squeeze %dma_wait3A_62 : memref<1x1x25x80xi32, #tpu.memory_space<hbm>> -> memref<25x80xi32, #tpu.memory_space<hbm>>
        tpu.wait_dma2 semaphore(%run_scoped3A : memref<!tpu.dma_semaphore, #tpu.memory_space<semaphore_mem>>) src(%dma_wait3A_63 : memref<25x80xi32, #tpu.memory_space<hbm>>) dst(%arg4 : memref<25x80xi32, #tpu.memory_space<vmem>>)
        tpu.yield
      }) : () -> ()
      %scan3A_38 = arith.constant 0 : i32
      %scan3A_39 = arith.constant 0 : i32
      %scan3A_40 = arith.constant 25 : i32
      %scan3A_41 = arith.addi %scan3A_39, %scan3A_40 : i32
      %scan3A_42 = arith.constant 1 : i32
      scf.for %scan3A_50 = %scan3A_39 to %scan3A_41 step %scan3A_42  : i32 {
        %dma_start3A = arith.constant 0 : i32
        %dma_start3A_51 = tpu.memref_slice %arg4[%scan3A_50, %dma_start3A] : memref<25x80xi32, #tpu.memory_space<vmem>> -> memref<1x80xi32, #tpu.memory_space<vmem>>
        %dma_start3A_52 = tpu.memref_squeeze %dma_start3A_51 : memref<1x80xi32, #tpu.memory_space<vmem>> -> memref<80xi32, #tpu.memory_space<vmem>>
        %dma_start3A_53 = arith.constant 0 : i32
        %dma_start3A_54 = arith.constant 0 : i32
        %dma_start3A_55 = tpu.memref_slice %arg7[%dma_start3A_53, %dma_start3A_54] : memref<10112x128xf32, #tpu.memory_space<vmem_shared>> -> memref<10112x128xf32, #tpu.memory_space<vmem_shared>>
        tpu.enqueue_indirect_dma source(%arg5 : memref<80x128xf32, #tpu.memory_space<vmem>>) target(%dma_start3A_55 : memref<10112x128xf32, #tpu.memory_space<vmem_shared>>) offsets(%dma_start3A_52 : memref<80xi32, #tpu.memory_space<vmem>>) semaphore(%arg8 : memref<!tpu.dma_semaphore, #tpu.memory_space<semaphore_mem>>) {add = true}
      }
      %scan3A_43 = arith.constant 25 : i32
      %scan3A_44 = arith.constant 0 : i32
      %scan3A_45 = arith.constant 0 : i32
      %scan3A_46 = arith.constant 25 : i32
      %scan3A_47 = arith.addi %scan3A_45, %scan3A_46 : i32
      %scan3A_48 = arith.constant 1 : i32
      scf.for %scan3A_50 = %scan3A_45 to %scan3A_47 step %scan3A_48  : i32 {
        %dma_wait3A = arith.constant 0 : i32
        %dma_wait3A_51 = tpu.memref_slice %arg4[%scan3A_50, %dma_wait3A] : memref<25x80xi32, #tpu.memory_space<vmem>> -> memref<1x80xi32, #tpu.memory_space<vmem>>
        %dma_wait3A_52 = tpu.memref_squeeze %dma_wait3A_51 : memref<1x80xi32, #tpu.memory_space<vmem>> -> memref<80xi32, #tpu.memory_space<vmem>>
        %dma_wait3A_53 = arith.constant 0 : i32
        %dma_wait3A_54 = arith.constant 0 : i32
        %dma_wait3A_55 = tpu.memref_slice %arg7[%dma_wait3A_53, %dma_wait3A_54] : memref<10112x128xf32, #tpu.memory_space<vmem_shared>> -> memref<10112x128xf32, #tpu.memory_space<vmem_shared>>
        tpu.wait_indirect_dma semaphore(%arg8 : memref<!tpu.dma_semaphore, #tpu.memory_space<semaphore_mem>>) src(%arg5 : memref<80x128xf32, #tpu.memory_space<vmem>>) dst(%dma_wait3A_55 : memref<10112x128xf32, #tpu.memory_space<vmem_shared>>)
      }
      %scan3A_49 = arith.constant 25 : i32
    }
    %scan3A_35 = arith.constant 5 : i32
    %barrier3A_36 = arith.constant 0 : index
    tpu.barrier barrier_id(%barrier3A_36)
    "tpu.region"() ({
      %run_scoped3A = tpu.sem_alloc : memref<!tpu.dma_semaphore, #tpu.memory_space<semaphore_mem>>
      %dma_start3A = arith.constant 0 : i32
      %dma_start3A_37 = tpu.memref_slice %arg3[%arg0, %mul3A_13, %dma_start3A] : memref<2x10112x128xf32, #tpu.memory_space<hbm>> -> memref<1x632x128xf32, #tpu.memory_space<hbm>>
      %dma_start3A_38 = tpu.memref_squeeze %dma_start3A_37 : memref<1x632x128xf32, #tpu.memory_space<hbm>> -> memref<632x128xf32, #tpu.memory_space<hbm>>
      %dma_start3A_39 = arith.constant 0 : i32
      %dma_start3A_40 = tpu.memref_slice %arg7[%mul3A_13, %dma_start3A_39] : memref<10112x128xf32, #tpu.memory_space<vmem_shared>> -> memref<632x128xf32, #tpu.memory_space<vmem_shared>>
      tpu.enqueue_dma source(%dma_start3A_40 : memref<632x128xf32, #tpu.memory_space<vmem_shared>>) target(%dma_start3A_38 : memref<632x128xf32, #tpu.memory_space<hbm>>) target_semaphore(%run_scoped3A : memref<!tpu.dma_semaphore, #tpu.memory_space<semaphore_mem>>)
      %dma_wait3A = arith.constant 0 : i32
      %dma_wait3A_41 = tpu.memref_slice %arg3[%arg0, %mul3A_13, %dma_wait3A] : memref<2x10112x128xf32, #tpu.memory_space<hbm>> -> memref<1x632x128xf32, #tpu.memory_space<hbm>>
      %dma_wait3A_42 = tpu.memref_squeeze %dma_wait3A_41 : memref<1x632x128xf32, #tpu.memory_space<hbm>> -> memref<632x128xf32, #tpu.memory_space<hbm>>
      %dma_wait3A_43 = arith.constant 0 : i32
      %dma_wait3A_44 = tpu.memref_slice %arg7[%mul3A_13, %dma_wait3A_43] : memref<10112x128xf32, #tpu.memory_space<vmem_shared>> -> memref<632x128xf32, #tpu.memory_space<vmem_shared>>
      tpu.wait_dma2 semaphore(%run_scoped3A : memref<!tpu.dma_semaphore, #tpu.memory_space<semaphore_mem>>) src(%dma_wait3A_44 : memref<632x128xf32, #tpu.memory_space<vmem_shared>>) dst(%dma_wait3A_42 : memref<632x128xf32, #tpu.memory_space<hbm>>)
      tpu.yield
    }) : () -> ()
    return
  }
}

#map = affine_map<(d0, d1) -> (0, 0)>
#map1 = affine_map<(d0, d1) -> (0, 0, 0, 0)>
#map2 = affine_map<(d0, d1) -> (0, 0, 0)>
module attributes {stable_mosaic.version = 14 : i64} {
  func.func @gs(%arg0: i32, %arg1: i32, %arg2: memref<10000x128xf32, #tpu.memory_space<hbm>>, %arg3: memref<32x5x25x80xi32, #tpu.memory_space<hbm>>, %arg4: memref<32x5x25x80xi32, #tpu.memory_space<hbm>>, %arg5: memref<2x10112x128xf32, #tpu.memory_space<hbm>>, %arg6: memref<25x80xi32, #tpu.memory_space<vmem>>, %arg7: memref<25x80xi32, #tpu.memory_space<vmem>>, %arg8: memref<80x128xf32, #tpu.memory_space<vmem>>, %arg9: memref<80x128xf32, #tpu.memory_space<vmem>>, %arg10: memref<80x128xf32, #tpu.memory_space<vmem>>, %arg11: memref<40x128xf32, #tpu.memory_space<vmem>>, %arg12: memref<10112x128xf32, #tpu.memory_space<vmem_shared>>, %arg13: memref<!tpu.dma_semaphore, #tpu.memory_space<semaphore_mem>>, %arg14: memref<!tpu.dma_semaphore, #tpu.memory_space<semaphore_mem>>, %arg15: memref<!tpu.dma_semaphore, #tpu.memory_space<semaphore_mem>>, %arg16: memref<!tpu.dma_semaphore, #tpu.memory_space<semaphore_mem>>, %arg17: memref<!tpu.dma_semaphore, #tpu.memory_space<semaphore_mem>>, %arg18: memref<!tpu.dma_semaphore, #tpu.memory_space<semaphore_mem>>) attributes {dimension_semantics = [#tpu.dimension_semantics<core_parallel>, #tpu.dimension_semantics<subcore_parallel>], iteration_bounds = array<i64: 2, 16>, scalar_prefetch = 0 : i64, scratch_operands = 13 : i64, tpu.core_type = #tpu.core_type<sc_vector_subcore>, window_params = [{transform_indices = #map}, {transform_indices = #map1}, {transform_indices = #map1}, {transform_indices = #map2}]} {
    %mul3A = arith.constant 2 : i32
    %mul3A_0 = arith.muli %arg1, %mul3A : i32
    %add3A = arith.addi %mul3A_0, %arg0 : i32
    %scan3A = arith.constant 0 : i32
    %scan3A_1 = arith.constant 0 : i32
    %scan3A_2 = arith.constant 40 : i32
    %scan3A_3 = arith.addi %scan3A_1, %scan3A_2 : i32
    %scan3A_4 = arith.constant 1 : i32
    scf.for %scan3A_47 = %scan3A_1 to %scan3A_3 step %scan3A_4  : i32 {
      %broadcast_in_dim3A = arith.constant 0.000000e+00 : f32
      %broadcast_in_dim3A_48 = vector.broadcast %broadcast_in_dim3A : f32 to vector<16xf32>
      %swap3A = arith.index_cast %scan3A_47 : i32 to index
      %swap3A_49 = arith.constant 0 : index
      %swap3A_50 = tpu.vector_load %arg11[%swap3A, %swap3A_49] {strides = array<i32>} : memref<40x128xf32, #tpu.memory_space<vmem>>, vector<1x16xf32>,
      %swap3A_51 = vector.shape_cast %swap3A_50 : vector<1x16xf32> to vector<16xf32>
      %swap3A_52 = vector.shape_cast %broadcast_in_dim3A_48 : vector<16xf32> to vector<1x16xf32>
      tpu.vector_store %arg11[%swap3A, %swap3A_49], %swap3A_52 {strides = array<i32>} : memref<40x128xf32, #tpu.memory_space<vmem>>, vector<1x16xf32>,
      %broadcast_in_dim3A_53 = arith.constant 0.000000e+00 : f32
      %broadcast_in_dim3A_54 = vector.broadcast %broadcast_in_dim3A_53 : f32 to vector<16xf32>
      %swap3A_55 = arith.index_cast %scan3A_47 : i32 to index
      %swap3A_56 = arith.constant 16 : index
      %swap3A_57 = tpu.vector_load %arg11[%swap3A_55, %swap3A_56] {strides = array<i32>} : memref<40x128xf32, #tpu.memory_space<vmem>>, vector<1x16xf32>,
      %swap3A_58 = vector.shape_cast %swap3A_57 : vector<1x16xf32> to vector<16xf32>
      %swap3A_59 = vector.shape_cast %broadcast_in_dim3A_54 : vector<16xf32> to vector<1x16xf32>
      tpu.vector_store %arg11[%swap3A_55, %swap3A_56], %swap3A_59 {strides = array<i32>} : memref<40x128xf32, #tpu.memory_space<vmem>>, vector<1x16xf32>,
      %broadcast_in_dim3A_60 = arith.constant 0.000000e+00 : f32
      %broadcast_in_dim3A_61 = vector.broadcast %broadcast_in_dim3A_60 : f32 to vector<16xf32>
      %swap3A_62 = arith.index_cast %scan3A_47 : i32 to index
      %swap3A_63 = arith.constant 32 : index
      %swap3A_64 = tpu.vector_load %arg11[%swap3A_62, %swap3A_63] {strides = array<i32>} : memref<40x128xf32, #tpu.memory_space<vmem>>, vector<1x16xf32>,
      %swap3A_65 = vector.shape_cast %swap3A_64 : vector<1x16xf32> to vector<16xf32>
      %swap3A_66 = vector.shape_cast %broadcast_in_dim3A_61 : vector<16xf32> to vector<1x16xf32>
      tpu.vector_store %arg11[%swap3A_62, %swap3A_63], %swap3A_66 {strides = array<i32>} : memref<40x128xf32, #tpu.memory_space<vmem>>, vector<1x16xf32>,
      %broadcast_in_dim3A_67 = arith.constant 0.000000e+00 : f32
      %broadcast_in_dim3A_68 = vector.broadcast %broadcast_in_dim3A_67 : f32 to vector<16xf32>
      %swap3A_69 = arith.index_cast %scan3A_47 : i32 to index
      %swap3A_70 = arith.constant 48 : index
      %swap3A_71 = tpu.vector_load %arg11[%swap3A_69, %swap3A_70] {strides = array<i32>} : memref<40x128xf32, #tpu.memory_space<vmem>>, vector<1x16xf32>,
      %swap3A_72 = vector.shape_cast %swap3A_71 : vector<1x16xf32> to vector<16xf32>
      %swap3A_73 = vector.shape_cast %broadcast_in_dim3A_68 : vector<16xf32> to vector<1x16xf32>
      tpu.vector_store %arg11[%swap3A_69, %swap3A_70], %swap3A_73 {strides = array<i32>} : memref<40x128xf32, #tpu.memory_space<vmem>>, vector<1x16xf32>,
      %broadcast_in_dim3A_74 = arith.constant 0.000000e+00 : f32
      %broadcast_in_dim3A_75 = vector.broadcast %broadcast_in_dim3A_74 : f32 to vector<16xf32>
      %swap3A_76 = arith.index_cast %scan3A_47 : i32 to index
      %swap3A_77 = arith.constant 64 : index
      %swap3A_78 = tpu.vector_load %arg11[%swap3A_76, %swap3A_77] {strides = array<i32>} : memref<40x128xf32, #tpu.memory_space<vmem>>, vector<1x16xf32>,
      %swap3A_79 = vector.shape_cast %swap3A_78 : vector<1x16xf32> to vector<16xf32>
      %swap3A_80 = vector.shape_cast %broadcast_in_dim3A_75 : vector<16xf32> to vector<1x16xf32>
      tpu.vector_store %arg11[%swap3A_76, %swap3A_77], %swap3A_80 {strides = array<i32>} : memref<40x128xf32, #tpu.memory_space<vmem>>, vector<1x16xf32>,
      %broadcast_in_dim3A_81 = arith.constant 0.000000e+00 : f32
      %broadcast_in_dim3A_82 = vector.broadcast %broadcast_in_dim3A_81 : f32 to vector<16xf32>
      %swap3A_83 = arith.index_cast %scan3A_47 : i32 to index
      %swap3A_84 = arith.constant 80 : index
      %swap3A_85 = tpu.vector_load %arg11[%swap3A_83, %swap3A_84] {strides = array<i32>} : memref<40x128xf32, #tpu.memory_space<vmem>>, vector<1x16xf32>,
      %swap3A_86 = vector.shape_cast %swap3A_85 : vector<1x16xf32> to vector<16xf32>
      %swap3A_87 = vector.shape_cast %broadcast_in_dim3A_82 : vector<16xf32> to vector<1x16xf32>
      tpu.vector_store %arg11[%swap3A_83, %swap3A_84], %swap3A_87 {strides = array<i32>} : memref<40x128xf32, #tpu.memory_space<vmem>>, vector<1x16xf32>,
      %broadcast_in_dim3A_88 = arith.constant 0.000000e+00 : f32
      %broadcast_in_dim3A_89 = vector.broadcast %broadcast_in_dim3A_88 : f32 to vector<16xf32>
      %swap3A_90 = arith.index_cast %scan3A_47 : i32 to index
      %swap3A_91 = arith.constant 96 : index
      %swap3A_92 = tpu.vector_load %arg11[%swap3A_90, %swap3A_91] {strides = array<i32>} : memref<40x128xf32, #tpu.memory_space<vmem>>, vector<1x16xf32>,
      %swap3A_93 = vector.shape_cast %swap3A_92 : vector<1x16xf32> to vector<16xf32>
      %swap3A_94 = vector.shape_cast %broadcast_in_dim3A_89 : vector<16xf32> to vector<1x16xf32>
      tpu.vector_store %arg11[%swap3A_90, %swap3A_91], %swap3A_94 {strides = array<i32>} : memref<40x128xf32, #tpu.memory_space<vmem>>, vector<1x16xf32>,
      %broadcast_in_dim3A_95 = arith.constant 0.000000e+00 : f32
      %broadcast_in_dim3A_96 = vector.broadcast %broadcast_in_dim3A_95 : f32 to vector<16xf32>
      %swap3A_97 = arith.index_cast %scan3A_47 : i32 to index
      %swap3A_98 = arith.constant 112 : index
      %swap3A_99 = tpu.vector_load %arg11[%swap3A_97, %swap3A_98] {strides = array<i32>} : memref<40x128xf32, #tpu.memory_space<vmem>>, vector<1x16xf32>,
      %swap3A_100 = vector.shape_cast %swap3A_99 : vector<1x16xf32> to vector<16xf32>
      %swap3A_101 = vector.shape_cast %broadcast_in_dim3A_96 : vector<16xf32> to vector<1x16xf32>
      tpu.vector_store %arg11[%swap3A_97, %swap3A_98], %swap3A_101 {strides = array<i32>} : memref<40x128xf32, #tpu.memory_space<vmem>>, vector<1x16xf32>,
    }
    %scan3A_5 = arith.constant 40 : i32
    %mul3A_6 = arith.constant 632 : i32
    %mul3A_7 = arith.muli %arg1, %mul3A_6 : i32
    %add3A_8 = arith.constant 0 : i32
    %add3A_9 = arith.addi %mul3A_7, %add3A_8 : i32
    "tpu.region"() ({
      %run_scoped3A = tpu.sem_alloc : memref<!tpu.dma_semaphore, #tpu.memory_space<semaphore_mem>>
      %dma_start3A = arith.constant 0 : i32
      %dma_start3A_47 = tpu.memref_slice %arg12[%add3A_9, %dma_start3A] : memref<10112x128xf32, #tpu.memory_space<vmem_shared>> -> memref<40x128xf32, #tpu.memory_space<vmem_shared>>
      %dma_start3A_48 = arith.constant 0 : i32
      %dma_start3A_49 = tpu.memref_slice %arg12[%add3A_9, %dma_start3A_48] : memref<10112x128xf32, #tpu.memory_space<vmem_shared>> -> memref<40x128xf32, #tpu.memory_space<vmem_shared>>
      tpu.enqueue_dma source(%arg11 : memref<40x128xf32, #tpu.memory_space<vmem>>) target(%dma_start3A_49 : memref<40x128xf32, #tpu.memory_space<vmem_shared>>) target_semaphore(%run_scoped3A : memref<!tpu.dma_semaphore, #tpu.memory_space<semaphore_mem>>)
      %dma_wait3A = arith.constant 0 : i32
      %dma_wait3A_50 = tpu.memref_slice %arg12[%add3A_9, %dma_wait3A] : memref<10112x128xf32, #tpu.memory_space<vmem_shared>> -> memref<40x128xf32, #tpu.memory_space<vmem_shared>>
      %dma_wait3A_51 = arith.constant 0 : i32
      %dma_wait3A_52 = tpu.memref_slice %arg12[%add3A_9, %dma_wait3A_51] : memref<10112x128xf32, #tpu.memory_space<vmem_shared>> -> memref<40x128xf32, #tpu.memory_space<vmem_shared>>
      tpu.wait_dma2 semaphore(%run_scoped3A : memref<!tpu.dma_semaphore, #tpu.memory_space<semaphore_mem>>) src(%arg11 : memref<40x128xf32, #tpu.memory_space<vmem>>) dst(%dma_wait3A_52 : memref<40x128xf32, #tpu.memory_space<vmem_shared>>)
      tpu.yield
    }) : () -> ()
    %add3A_10 = arith.constant 40 : i32
    %add3A_11 = arith.addi %mul3A_7, %add3A_10 : i32
    "tpu.region"() ({
      %run_scoped3A = tpu.sem_alloc : memref<!tpu.dma_semaphore, #tpu.memory_space<semaphore_mem>>
      %dma_start3A = arith.constant 0 : i32
      %dma_start3A_47 = tpu.memref_slice %arg12[%add3A_11, %dma_start3A] : memref<10112x128xf32, #tpu.memory_space<vmem_shared>> -> memref<40x128xf32, #tpu.memory_space<vmem_shared>>
      %dma_start3A_48 = arith.constant 0 : i32
      %dma_start3A_49 = tpu.memref_slice %arg12[%add3A_11, %dma_start3A_48] : memref<10112x128xf32, #tpu.memory_space<vmem_shared>> -> memref<40x128xf32, #tpu.memory_space<vmem_shared>>
      tpu.enqueue_dma source(%arg11 : memref<40x128xf32, #tpu.memory_space<vmem>>) target(%dma_start3A_49 : memref<40x128xf32, #tpu.memory_space<vmem_shared>>) target_semaphore(%run_scoped3A : memref<!tpu.dma_semaphore, #tpu.memory_space<semaphore_mem>>)
      %dma_wait3A = arith.constant 0 : i32
      %dma_wait3A_50 = tpu.memref_slice %arg12[%add3A_11, %dma_wait3A] : memref<10112x128xf32, #tpu.memory_space<vmem_shared>> -> memref<40x128xf32, #tpu.memory_space<vmem_shared>>
      %dma_wait3A_51 = arith.constant 0 : i32
      %dma_wait3A_52 = tpu.memref_slice %arg12[%add3A_11, %dma_wait3A_51] : memref<10112x128xf32, #tpu.memory_space<vmem_shared>> -> memref<40x128xf32, #tpu.memory_space<vmem_shared>>
      tpu.wait_dma2 semaphore(%run_scoped3A : memref<!tpu.dma_semaphore, #tpu.memory_space<semaphore_mem>>) src(%arg11 : memref<40x128xf32, #tpu.memory_space<vmem>>) dst(%dma_wait3A_52 : memref<40x128xf32, #tpu.memory_space<vmem_shared>>)
      tpu.yield
    }) : () -> ()
    %add3A_12 = arith.constant 80 : i32
    %add3A_13 = arith.addi %mul3A_7, %add3A_12 : i32
    "tpu.region"() ({
      %run_scoped3A = tpu.sem_alloc : memref<!tpu.dma_semaphore, #tpu.memory_space<semaphore_mem>>
      %dma_start3A = arith.constant 0 : i32
      %dma_start3A_47 = tpu.memref_slice %arg12[%add3A_13, %dma_start3A] : memref<10112x128xf32, #tpu.memory_space<vmem_shared>> -> memref<40x128xf32, #tpu.memory_space<vmem_shared>>
      %dma_start3A_48 = arith.constant 0 : i32
      %dma_start3A_49 = tpu.memref_slice %arg12[%add3A_13, %dma_start3A_48] : memref<10112x128xf32, #tpu.memory_space<vmem_shared>> -> memref<40x128xf32, #tpu.memory_space<vmem_shared>>
      tpu.enqueue_dma source(%arg11 : memref<40x128xf32, #tpu.memory_space<vmem>>) target(%dma_start3A_49 : memref<40x128xf32, #tpu.memory_space<vmem_shared>>) target_semaphore(%run_scoped3A : memref<!tpu.dma_semaphore, #tpu.memory_space<semaphore_mem>>)
      %dma_wait3A = arith.constant 0 : i32
      %dma_wait3A_50 = tpu.memref_slice %arg12[%add3A_13, %dma_wait3A] : memref<10112x128xf32, #tpu.memory_space<vmem_shared>> -> memref<40x128xf32, #tpu.memory_space<vmem_shared>>
      %dma_wait3A_51 = arith.constant 0 : i32
      %dma_wait3A_52 = tpu.memref_slice %arg12[%add3A_13, %dma_wait3A_51] : memref<10112x128xf32, #tpu.memory_space<vmem_shared>> -> memref<40x128xf32, #tpu.memory_space<vmem_shared>>
      tpu.wait_dma2 semaphore(%run_scoped3A : memref<!tpu.dma_semaphore, #tpu.memory_space<semaphore_mem>>) src(%arg11 : memref<40x128xf32, #tpu.memory_space<vmem>>) dst(%dma_wait3A_52 : memref<40x128xf32, #tpu.memory_space<vmem_shared>>)
      tpu.yield
    }) : () -> ()
    %add3A_14 = arith.constant 120 : i32
    %add3A_15 = arith.addi %mul3A_7, %add3A_14 : i32
    "tpu.region"() ({
      %run_scoped3A = tpu.sem_alloc : memref<!tpu.dma_semaphore, #tpu.memory_space<semaphore_mem>>
      %dma_start3A = arith.constant 0 : i32
      %dma_start3A_47 = tpu.memref_slice %arg12[%add3A_15, %dma_start3A] : memref<10112x128xf32, #tpu.memory_space<vmem_shared>> -> memref<40x128xf32, #tpu.memory_space<vmem_shared>>
      %dma_start3A_48 = arith.constant 0 : i32
      %dma_start3A_49 = tpu.memref_slice %arg12[%add3A_15, %dma_start3A_48] : memref<10112x128xf32, #tpu.memory_space<vmem_shared>> -> memref<40x128xf32, #tpu.memory_space<vmem_shared>>
      tpu.enqueue_dma source(%arg11 : memref<40x128xf32, #tpu.memory_space<vmem>>) target(%dma_start3A_49 : memref<40x128xf32, #tpu.memory_space<vmem_shared>>) target_semaphore(%run_scoped3A : memref<!tpu.dma_semaphore, #tpu.memory_space<semaphore_mem>>)
      %dma_wait3A = arith.constant 0 : i32
      %dma_wait3A_50 = tpu.memref_slice %arg12[%add3A_15, %dma_wait3A] : memref<10112x128xf32, #tpu.memory_space<vmem_shared>> -> memref<40x128xf32, #tpu.memory_space<vmem_shared>>
      %dma_wait3A_51 = arith.constant 0 : i32
      %dma_wait3A_52 = tpu.memref_slice %arg12[%add3A_15, %dma_wait3A_51] : memref<10112x128xf32, #tpu.memory_space<vmem_shared>> -> memref<40x128xf32, #tpu.memory_space<vmem_shared>>
      tpu.wait_dma2 semaphore(%run_scoped3A : memref<!tpu.dma_semaphore, #tpu.memory_space<semaphore_mem>>) src(%arg11 : memref<40x128xf32, #tpu.memory_space<vmem>>) dst(%dma_wait3A_52 : memref<40x128xf32, #tpu.memory_space<vmem_shared>>)
      tpu.yield
    }) : () -> ()
    %add3A_16 = arith.constant 160 : i32
    %add3A_17 = arith.addi %mul3A_7, %add3A_16 : i32
    "tpu.region"() ({
      %run_scoped3A = tpu.sem_alloc : memref<!tpu.dma_semaphore, #tpu.memory_space<semaphore_mem>>
      %dma_start3A = arith.constant 0 : i32
      %dma_start3A_47 = tpu.memref_slice %arg12[%add3A_17, %dma_start3A] : memref<10112x128xf32, #tpu.memory_space<vmem_shared>> -> memref<40x128xf32, #tpu.memory_space<vmem_shared>>
      %dma_start3A_48 = arith.constant 0 : i32
      %dma_start3A_49 = tpu.memref_slice %arg12[%add3A_17, %dma_start3A_48] : memref<10112x128xf32, #tpu.memory_space<vmem_shared>> -> memref<40x128xf32, #tpu.memory_space<vmem_shared>>
      tpu.enqueue_dma source(%arg11 : memref<40x128xf32, #tpu.memory_space<vmem>>) target(%dma_start3A_49 : memref<40x128xf32, #tpu.memory_space<vmem_shared>>) target_semaphore(%run_scoped3A : memref<!tpu.dma_semaphore, #tpu.memory_space<semaphore_mem>>)
      %dma_wait3A = arith.constant 0 : i32
      %dma_wait3A_50 = tpu.memref_slice %arg12[%add3A_17, %dma_wait3A] : memref<10112x128xf32, #tpu.memory_space<vmem_shared>> -> memref<40x128xf32, #tpu.memory_space<vmem_shared>>
      %dma_wait3A_51 = arith.constant 0 : i32
      %dma_wait3A_52 = tpu.memref_slice %arg12[%add3A_17, %dma_wait3A_51] : memref<10112x128xf32, #tpu.memory_space<vmem_shared>> -> memref<40x128xf32, #tpu.memory_space<vmem_shared>>
      tpu.wait_dma2 semaphore(%run_scoped3A : memref<!tpu.dma_semaphore, #tpu.memory_space<semaphore_mem>>) src(%arg11 : memref<40x128xf32, #tpu.memory_space<vmem>>) dst(%dma_wait3A_52 : memref<40x128xf32, #tpu.memory_space<vmem_shared>>)
      tpu.yield
    }) : () -> ()
    %add3A_18 = arith.constant 200 : i32
    %add3A_19 = arith.addi %mul3A_7, %add3A_18 : i32
    "tpu.region"() ({
      %run_scoped3A = tpu.sem_alloc : memref<!tpu.dma_semaphore, #tpu.memory_space<semaphore_mem>>
      %dma_start3A = arith.constant 0 : i32
      %dma_start3A_47 = tpu.memref_slice %arg12[%add3A_19, %dma_start3A] : memref<10112x128xf32, #tpu.memory_space<vmem_shared>> -> memref<40x128xf32, #tpu.memory_space<vmem_shared>>
      %dma_start3A_48 = arith.constant 0 : i32
      %dma_start3A_49 = tpu.memref_slice %arg12[%add3A_19, %dma_start3A_48] : memref<10112x128xf32, #tpu.memory_space<vmem_shared>> -> memref<40x128xf32, #tpu.memory_space<vmem_shared>>
      tpu.enqueue_dma source(%arg11 : memref<40x128xf32, #tpu.memory_space<vmem>>) target(%dma_start3A_49 : memref<40x128xf32, #tpu.memory_space<vmem_shared>>) target_semaphore(%run_scoped3A : memref<!tpu.dma_semaphore, #tpu.memory_space<semaphore_mem>>)
      %dma_wait3A = arith.constant 0 : i32
      %dma_wait3A_50 = tpu.memref_slice %arg12[%add3A_19, %dma_wait3A] : memref<10112x128xf32, #tpu.memory_space<vmem_shared>> -> memref<40x128xf32, #tpu.memory_space<vmem_shared>>
      %dma_wait3A_51 = arith.constant 0 : i32
      %dma_wait3A_52 = tpu.memref_slice %arg12[%add3A_19, %dma_wait3A_51] : memref<10112x128xf32, #tpu.memory_space<vmem_shared>> -> memref<40x128xf32, #tpu.memory_space<vmem_shared>>
      tpu.wait_dma2 semaphore(%run_scoped3A : memref<!tpu.dma_semaphore, #tpu.memory_space<semaphore_mem>>) src(%arg11 : memref<40x128xf32, #tpu.memory_space<vmem>>) dst(%dma_wait3A_52 : memref<40x128xf32, #tpu.memory_space<vmem_shared>>)
      tpu.yield
    }) : () -> ()
    %add3A_20 = arith.constant 240 : i32
    %add3A_21 = arith.addi %mul3A_7, %add3A_20 : i32
    "tpu.region"() ({
      %run_scoped3A = tpu.sem_alloc : memref<!tpu.dma_semaphore, #tpu.memory_space<semaphore_mem>>
      %dma_start3A = arith.constant 0 : i32
      %dma_start3A_47 = tpu.memref_slice %arg12[%add3A_21, %dma_start3A] : memref<10112x128xf32, #tpu.memory_space<vmem_shared>> -> memref<40x128xf32, #tpu.memory_space<vmem_shared>>
      %dma_start3A_48 = arith.constant 0 : i32
      %dma_start3A_49 = tpu.memref_slice %arg12[%add3A_21, %dma_start3A_48] : memref<10112x128xf32, #tpu.memory_space<vmem_shared>> -> memref<40x128xf32, #tpu.memory_space<vmem_shared>>
      tpu.enqueue_dma source(%arg11 : memref<40x128xf32, #tpu.memory_space<vmem>>) target(%dma_start3A_49 : memref<40x128xf32, #tpu.memory_space<vmem_shared>>) target_semaphore(%run_scoped3A : memref<!tpu.dma_semaphore, #tpu.memory_space<semaphore_mem>>)
      %dma_wait3A = arith.constant 0 : i32
      %dma_wait3A_50 = tpu.memref_slice %arg12[%add3A_21, %dma_wait3A] : memref<10112x128xf32, #tpu.memory_space<vmem_shared>> -> memref<40x128xf32, #tpu.memory_space<vmem_shared>>
      %dma_wait3A_51 = arith.constant 0 : i32
      %dma_wait3A_52 = tpu.memref_slice %arg12[%add3A_21, %dma_wait3A_51] : memref<10112x128xf32, #tpu.memory_space<vmem_shared>> -> memref<40x128xf32, #tpu.memory_space<vmem_shared>>
      tpu.wait_dma2 semaphore(%run_scoped3A : memref<!tpu.dma_semaphore, #tpu.memory_space<semaphore_mem>>) src(%arg11 : memref<40x128xf32, #tpu.memory_space<vmem>>) dst(%dma_wait3A_52 : memref<40x128xf32, #tpu.memory_space<vmem_shared>>)
      tpu.yield
    }) : () -> ()
    %add3A_22 = arith.constant 280 : i32
    %add3A_23 = arith.addi %mul3A_7, %add3A_22 : i32
    "tpu.region"() ({
      %run_scoped3A = tpu.sem_alloc : memref<!tpu.dma_semaphore, #tpu.memory_space<semaphore_mem>>
      %dma_start3A = arith.constant 0 : i32
      %dma_start3A_47 = tpu.memref_slice %arg12[%add3A_23, %dma_start3A] : memref<10112x128xf32, #tpu.memory_space<vmem_shared>> -> memref<40x128xf32, #tpu.memory_space<vmem_shared>>
      %dma_start3A_48 = arith.constant 0 : i32
      %dma_start3A_49 = tpu.memref_slice %arg12[%add3A_23, %dma_start3A_48] : memref<10112x128xf32, #tpu.memory_space<vmem_shared>> -> memref<40x128xf32, #tpu.memory_space<vmem_shared>>
      tpu.enqueue_dma source(%arg11 : memref<40x128xf32, #tpu.memory_space<vmem>>) target(%dma_start3A_49 : memref<40x128xf32, #tpu.memory_space<vmem_shared>>) target_semaphore(%run_scoped3A : memref<!tpu.dma_semaphore, #tpu.memory_space<semaphore_mem>>)
      %dma_wait3A = arith.constant 0 : i32
      %dma_wait3A_50 = tpu.memref_slice %arg12[%add3A_23, %dma_wait3A] : memref<10112x128xf32, #tpu.memory_space<vmem_shared>> -> memref<40x128xf32, #tpu.memory_space<vmem_shared>>
      %dma_wait3A_51 = arith.constant 0 : i32
      %dma_wait3A_52 = tpu.memref_slice %arg12[%add3A_23, %dma_wait3A_51] : memref<10112x128xf32, #tpu.memory_space<vmem_shared>> -> memref<40x128xf32, #tpu.memory_space<vmem_shared>>
      tpu.wait_dma2 semaphore(%run_scoped3A : memref<!tpu.dma_semaphore, #tpu.memory_space<semaphore_mem>>) src(%arg11 : memref<40x128xf32, #tpu.memory_space<vmem>>) dst(%dma_wait3A_52 : memref<40x128xf32, #tpu.memory_space<vmem_shared>>)
      tpu.yield
    }) : () -> ()
    %add3A_24 = arith.constant 320 : i32
    %add3A_25 = arith.addi %mul3A_7, %add3A_24 : i32
    "tpu.region"() ({
      %run_scoped3A = tpu.sem_alloc : memref<!tpu.dma_semaphore, #tpu.memory_space<semaphore_mem>>
      %dma_start3A = arith.constant 0 : i32
      %dma_start3A_47 = tpu.memref_slice %arg12[%add3A_25, %dma_start3A] : memref<10112x128xf32, #tpu.memory_space<vmem_shared>> -> memref<40x128xf32, #tpu.memory_space<vmem_shared>>
      %dma_start3A_48 = arith.constant 0 : i32
      %dma_start3A_49 = tpu.memref_slice %arg12[%add3A_25, %dma_start3A_48] : memref<10112x128xf32, #tpu.memory_space<vmem_shared>> -> memref<40x128xf32, #tpu.memory_space<vmem_shared>>
      tpu.enqueue_dma source(%arg11 : memref<40x128xf32, #tpu.memory_space<vmem>>) target(%dma_start3A_49 : memref<40x128xf32, #tpu.memory_space<vmem_shared>>) target_semaphore(%run_scoped3A : memref<!tpu.dma_semaphore, #tpu.memory_space<semaphore_mem>>)
      %dma_wait3A = arith.constant 0 : i32
      %dma_wait3A_50 = tpu.memref_slice %arg12[%add3A_25, %dma_wait3A] : memref<10112x128xf32, #tpu.memory_space<vmem_shared>> -> memref<40x128xf32, #tpu.memory_space<vmem_shared>>
      %dma_wait3A_51 = arith.constant 0 : i32
      %dma_wait3A_52 = tpu.memref_slice %arg12[%add3A_25, %dma_wait3A_51] : memref<10112x128xf32, #tpu.memory_space<vmem_shared>> -> memref<40x128xf32, #tpu.memory_space<vmem_shared>>
      tpu.wait_dma2 semaphore(%run_scoped3A : memref<!tpu.dma_semaphore, #tpu.memory_space<semaphore_mem>>) src(%arg11 : memref<40x128xf32, #tpu.memory_space<vmem>>) dst(%dma_wait3A_52 : memref<40x128xf32, #tpu.memory_space<vmem_shared>>)
      tpu.yield
    }) : () -> ()
    %add3A_26 = arith.constant 360 : i32
    %add3A_27 = arith.addi %mul3A_7, %add3A_26 : i32
    "tpu.region"() ({
      %run_scoped3A = tpu.sem_alloc : memref<!tpu.dma_semaphore, #tpu.memory_space<semaphore_mem>>
      %dma_start3A = arith.constant 0 : i32
      %dma_start3A_47 = tpu.memref_slice %arg12[%add3A_27, %dma_start3A] : memref<10112x128xf32, #tpu.memory_space<vmem_shared>> -> memref<40x128xf32, #tpu.memory_space<vmem_shared>>
      %dma_start3A_48 = arith.constant 0 : i32
      %dma_start3A_49 = tpu.memref_slice %arg12[%add3A_27, %dma_start3A_48] : memref<10112x128xf32, #tpu.memory_space<vmem_shared>> -> memref<40x128xf32, #tpu.memory_space<vmem_shared>>
      tpu.enqueue_dma source(%arg11 : memref<40x128xf32, #tpu.memory_space<vmem>>) target(%dma_start3A_49 : memref<40x128xf32, #tpu.memory_space<vmem_shared>>) target_semaphore(%run_scoped3A : memref<!tpu.dma_semaphore, #tpu.memory_space<semaphore_mem>>)
      %dma_wait3A = arith.constant 0 : i32
      %dma_wait3A_50 = tpu.memref_slice %arg12[%add3A_27, %dma_wait3A] : memref<10112x128xf32, #tpu.memory_space<vmem_shared>> -> memref<40x128xf32, #tpu.memory_space<vmem_shared>>
      %dma_wait3A_51 = arith.constant 0 : i32
      %dma_wait3A_52 = tpu.memref_slice %arg12[%add3A_27, %dma_wait3A_51] : memref<10112x128xf32, #tpu.memory_space<vmem_shared>> -> memref<40x128xf32, #tpu.memory_space<vmem_shared>>
      tpu.wait_dma2 semaphore(%run_scoped3A : memref<!tpu.dma_semaphore, #tpu.memory_space<semaphore_mem>>) src(%arg11 : memref<40x128xf32, #tpu.memory_space<vmem>>) dst(%dma_wait3A_52 : memref<40x128xf32, #tpu.memory_space<vmem_shared>>)
      tpu.yield
    }) : () -> ()
    %add3A_28 = arith.constant 400 : i32
    %add3A_29 = arith.addi %mul3A_7, %add3A_28 : i32
    "tpu.region"() ({
      %run_scoped3A = tpu.sem_alloc : memref<!tpu.dma_semaphore, #tpu.memory_space<semaphore_mem>>
      %dma_start3A = arith.constant 0 : i32
      %dma_start3A_47 = tpu.memref_slice %arg12[%add3A_29, %dma_start3A] : memref<10112x128xf32, #tpu.memory_space<vmem_shared>> -> memref<40x128xf32, #tpu.memory_space<vmem_shared>>
      %dma_start3A_48 = arith.constant 0 : i32
      %dma_start3A_49 = tpu.memref_slice %arg12[%add3A_29, %dma_start3A_48] : memref<10112x128xf32, #tpu.memory_space<vmem_shared>> -> memref<40x128xf32, #tpu.memory_space<vmem_shared>>
      tpu.enqueue_dma source(%arg11 : memref<40x128xf32, #tpu.memory_space<vmem>>) target(%dma_start3A_49 : memref<40x128xf32, #tpu.memory_space<vmem_shared>>) target_semaphore(%run_scoped3A : memref<!tpu.dma_semaphore, #tpu.memory_space<semaphore_mem>>)
      %dma_wait3A = arith.constant 0 : i32
      %dma_wait3A_50 = tpu.memref_slice %arg12[%add3A_29, %dma_wait3A] : memref<10112x128xf32, #tpu.memory_space<vmem_shared>> -> memref<40x128xf32, #tpu.memory_space<vmem_shared>>
      %dma_wait3A_51 = arith.constant 0 : i32
      %dma_wait3A_52 = tpu.memref_slice %arg12[%add3A_29, %dma_wait3A_51] : memref<10112x128xf32, #tpu.memory_space<vmem_shared>> -> memref<40x128xf32, #tpu.memory_space<vmem_shared>>
      tpu.wait_dma2 semaphore(%run_scoped3A : memref<!tpu.dma_semaphore, #tpu.memory_space<semaphore_mem>>) src(%arg11 : memref<40x128xf32, #tpu.memory_space<vmem>>) dst(%dma_wait3A_52 : memref<40x128xf32, #tpu.memory_space<vmem_shared>>)
      tpu.yield
    }) : () -> ()
    %add3A_30 = arith.constant 440 : i32
    %add3A_31 = arith.addi %mul3A_7, %add3A_30 : i32
    "tpu.region"() ({
      %run_scoped3A = tpu.sem_alloc : memref<!tpu.dma_semaphore, #tpu.memory_space<semaphore_mem>>
      %dma_start3A = arith.constant 0 : i32
      %dma_start3A_47 = tpu.memref_slice %arg12[%add3A_31, %dma_start3A] : memref<10112x128xf32, #tpu.memory_space<vmem_shared>> -> memref<40x128xf32, #tpu.memory_space<vmem_shared>>
      %dma_start3A_48 = arith.constant 0 : i32
      %dma_start3A_49 = tpu.memref_slice %arg12[%add3A_31, %dma_start3A_48] : memref<10112x128xf32, #tpu.memory_space<vmem_shared>> -> memref<40x128xf32, #tpu.memory_space<vmem_shared>>
      tpu.enqueue_dma source(%arg11 : memref<40x128xf32, #tpu.memory_space<vmem>>) target(%dma_start3A_49 : memref<40x128xf32, #tpu.memory_space<vmem_shared>>) target_semaphore(%run_scoped3A : memref<!tpu.dma_semaphore, #tpu.memory_space<semaphore_mem>>)
      %dma_wait3A = arith.constant 0 : i32
      %dma_wait3A_50 = tpu.memref_slice %arg12[%add3A_31, %dma_wait3A] : memref<10112x128xf32, #tpu.memory_space<vmem_shared>> -> memref<40x128xf32, #tpu.memory_space<vmem_shared>>
      %dma_wait3A_51 = arith.constant 0 : i32
      %dma_wait3A_52 = tpu.memref_slice %arg12[%add3A_31, %dma_wait3A_51] : memref<10112x128xf32, #tpu.memory_space<vmem_shared>> -> memref<40x128xf32, #tpu.memory_space<vmem_shared>>
      tpu.wait_dma2 semaphore(%run_scoped3A : memref<!tpu.dma_semaphore, #tpu.memory_space<semaphore_mem>>) src(%arg11 : memref<40x128xf32, #tpu.memory_space<vmem>>) dst(%dma_wait3A_52 : memref<40x128xf32, #tpu.memory_space<vmem_shared>>)
      tpu.yield
    }) : () -> ()
    %add3A_32 = arith.constant 480 : i32
    %add3A_33 = arith.addi %mul3A_7, %add3A_32 : i32
    "tpu.region"() ({
      %run_scoped3A = tpu.sem_alloc : memref<!tpu.dma_semaphore, #tpu.memory_space<semaphore_mem>>
      %dma_start3A = arith.constant 0 : i32
      %dma_start3A_47 = tpu.memref_slice %arg12[%add3A_33, %dma_start3A] : memref<10112x128xf32, #tpu.memory_space<vmem_shared>> -> memref<40x128xf32, #tpu.memory_space<vmem_shared>>
      %dma_start3A_48 = arith.constant 0 : i32
      %dma_start3A_49 = tpu.memref_slice %arg12[%add3A_33, %dma_start3A_48] : memref<10112x128xf32, #tpu.memory_space<vmem_shared>> -> memref<40x128xf32, #tpu.memory_space<vmem_shared>>
      tpu.enqueue_dma source(%arg11 : memref<40x128xf32, #tpu.memory_space<vmem>>) target(%dma_start3A_49 : memref<40x128xf32, #tpu.memory_space<vmem_shared>>) target_semaphore(%run_scoped3A : memref<!tpu.dma_semaphore, #tpu.memory_space<semaphore_mem>>)
      %dma_wait3A = arith.constant 0 : i32
      %dma_wait3A_50 = tpu.memref_slice %arg12[%add3A_33, %dma_wait3A] : memref<10112x128xf32, #tpu.memory_space<vmem_shared>> -> memref<40x128xf32, #tpu.memory_space<vmem_shared>>
      %dma_wait3A_51 = arith.constant 0 : i32
      %dma_wait3A_52 = tpu.memref_slice %arg12[%add3A_33, %dma_wait3A_51] : memref<10112x128xf32, #tpu.memory_space<vmem_shared>> -> memref<40x128xf32, #tpu.memory_space<vmem_shared>>
      tpu.wait_dma2 semaphore(%run_scoped3A : memref<!tpu.dma_semaphore, #tpu.memory_space<semaphore_mem>>) src(%arg11 : memref<40x128xf32, #tpu.memory_space<vmem>>) dst(%dma_wait3A_52 : memref<40x128xf32, #tpu.memory_space<vmem_shared>>)
      tpu.yield
    }) : () -> ()
    %add3A_34 = arith.constant 520 : i32
    %add3A_35 = arith.addi %mul3A_7, %add3A_34 : i32
    "tpu.region"() ({
      %run_scoped3A = tpu.sem_alloc : memref<!tpu.dma_semaphore, #tpu.memory_space<semaphore_mem>>
      %dma_start3A = arith.constant 0 : i32
      %dma_start3A_47 = tpu.memref_slice %arg12[%add3A_35, %dma_start3A] : memref<10112x128xf32, #tpu.memory_space<vmem_shared>> -> memref<40x128xf32, #tpu.memory_space<vmem_shared>>
      %dma_start3A_48 = arith.constant 0 : i32
      %dma_start3A_49 = tpu.memref_slice %arg12[%add3A_35, %dma_start3A_48] : memref<10112x128xf32, #tpu.memory_space<vmem_shared>> -> memref<40x128xf32, #tpu.memory_space<vmem_shared>>
      tpu.enqueue_dma source(%arg11 : memref<40x128xf32, #tpu.memory_space<vmem>>) target(%dma_start3A_49 : memref<40x128xf32, #tpu.memory_space<vmem_shared>>) target_semaphore(%run_scoped3A : memref<!tpu.dma_semaphore, #tpu.memory_space<semaphore_mem>>)
      %dma_wait3A = arith.constant 0 : i32
      %dma_wait3A_50 = tpu.memref_slice %arg12[%add3A_35, %dma_wait3A] : memref<10112x128xf32, #tpu.memory_space<vmem_shared>> -> memref<40x128xf32, #tpu.memory_space<vmem_shared>>
      %dma_wait3A_51 = arith.constant 0 : i32
      %dma_wait3A_52 = tpu.memref_slice %arg12[%add3A_35, %dma_wait3A_51] : memref<10112x128xf32, #tpu.memory_space<vmem_shared>> -> memref<40x128xf32, #tpu.memory_space<vmem_shared>>
      tpu.wait_dma2 semaphore(%run_scoped3A : memref<!tpu.dma_semaphore, #tpu.memory_space<semaphore_mem>>) src(%arg11 : memref<40x128xf32, #tpu.memory_space<vmem>>) dst(%dma_wait3A_52 : memref<40x128xf32, #tpu.memory_space<vmem_shared>>)
      tpu.yield
    }) : () -> ()
    %add3A_36 = arith.constant 560 : i32
    %add3A_37 = arith.addi %mul3A_7, %add3A_36 : i32
    "tpu.region"() ({
      %run_scoped3A = tpu.sem_alloc : memref<!tpu.dma_semaphore, #tpu.memory_space<semaphore_mem>>
      %dma_start3A = arith.constant 0 : i32
      %dma_start3A_47 = tpu.memref_slice %arg12[%add3A_37, %dma_start3A] : memref<10112x128xf32, #tpu.memory_space<vmem_shared>> -> memref<40x128xf32, #tpu.memory_space<vmem_shared>>
      %dma_start3A_48 = arith.constant 0 : i32
      %dma_start3A_49 = tpu.memref_slice %arg12[%add3A_37, %dma_start3A_48] : memref<10112x128xf32, #tpu.memory_space<vmem_shared>> -> memref<40x128xf32, #tpu.memory_space<vmem_shared>>
      tpu.enqueue_dma source(%arg11 : memref<40x128xf32, #tpu.memory_space<vmem>>) target(%dma_start3A_49 : memref<40x128xf32, #tpu.memory_space<vmem_shared>>) target_semaphore(%run_scoped3A : memref<!tpu.dma_semaphore, #tpu.memory_space<semaphore_mem>>)
      %dma_wait3A = arith.constant 0 : i32
      %dma_wait3A_50 = tpu.memref_slice %arg12[%add3A_37, %dma_wait3A] : memref<10112x128xf32, #tpu.memory_space<vmem_shared>> -> memref<40x128xf32, #tpu.memory_space<vmem_shared>>
      %dma_wait3A_51 = arith.constant 0 : i32
      %dma_wait3A_52 = tpu.memref_slice %arg12[%add3A_37, %dma_wait3A_51] : memref<10112x128xf32, #tpu.memory_space<vmem_shared>> -> memref<40x128xf32, #tpu.memory_space<vmem_shared>>
      tpu.wait_dma2 semaphore(%run_scoped3A : memref<!tpu.dma_semaphore, #tpu.memory_space<semaphore_mem>>) src(%arg11 : memref<40x128xf32, #tpu.memory_space<vmem>>) dst(%dma_wait3A_52 : memref<40x128xf32, #tpu.memory_space<vmem_shared>>)
      tpu.yield
    }) : () -> ()
    %add3A_38 = arith.constant 600 : i32
    %add3A_39 = arith.addi %mul3A_7, %add3A_38 : i32
    "tpu.region"() ({
      %run_scoped3A = tpu.sem_alloc : memref<!tpu.dma_semaphore, #tpu.memory_space<semaphore_mem>>
      %dma_start3A = arith.constant 0 : i32
      %dma_start3A_47 = arith.constant 0 : i32
      %dma_start3A_48 = tpu.memref_slice %arg11[%dma_start3A, %dma_start3A_47] : memref<40x128xf32, #tpu.memory_space<vmem>> -> memref<32x128xf32, #tpu.memory_space<vmem>>
      %dma_start3A_49 = arith.constant 0 : i32
      %dma_start3A_50 = tpu.memref_slice %arg12[%add3A_39, %dma_start3A_49] : memref<10112x128xf32, #tpu.memory_space<vmem_shared>> -> memref<32x128xf32, #tpu.memory_space<vmem_shared>>
      %dma_start3A_51 = arith.constant 0 : i32
      %dma_start3A_52 = tpu.memref_slice %arg12[%add3A_39, %dma_start3A_51] : memref<10112x128xf32, #tpu.memory_space<vmem_shared>> -> memref<32x128xf32, #tpu.memory_space<vmem_shared>>
      %dma_start3A_53 = arith.constant 0 : i32
      %dma_start3A_54 = arith.constant 0 : i32
      %dma_start3A_55 = tpu.memref_slice %arg11[%dma_start3A_53, %dma_start3A_54] : memref<40x128xf32, #tpu.memory_space<vmem>> -> memref<32x128xf32, #tpu.memory_space<vmem>>
      tpu.enqueue_dma source(%dma_start3A_55 : memref<32x128xf32, #tpu.memory_space<vmem>>) target(%dma_start3A_52 : memref<32x128xf32, #tpu.memory_space<vmem_shared>>) target_semaphore(%run_scoped3A : memref<!tpu.dma_semaphore, #tpu.memory_space<semaphore_mem>>)
      %dma_wait3A = arith.constant 0 : i32
      %dma_wait3A_56 = arith.constant 0 : i32
      %dma_wait3A_57 = tpu.memref_slice %arg11[%dma_wait3A, %dma_wait3A_56] : memref<40x128xf32, #tpu.memory_space<vmem>> -> memref<32x128xf32, #tpu.memory_space<vmem>>
      %dma_wait3A_58 = arith.constant 0 : i32
      %dma_wait3A_59 = tpu.memref_slice %arg12[%add3A_39, %dma_wait3A_58] : memref<10112x128xf32, #tpu.memory_space<vmem_shared>> -> memref<32x128xf32, #tpu.memory_space<vmem_shared>>
      %dma_wait3A_60 = arith.constant 0 : i32
      %dma_wait3A_61 = tpu.memref_slice %arg12[%add3A_39, %dma_wait3A_60] : memref<10112x128xf32, #tpu.memory_space<vmem_shared>> -> memref<32x128xf32, #tpu.memory_space<vmem_shared>>
      %dma_wait3A_62 = arith.constant 0 : i32
      %dma_wait3A_63 = arith.constant 0 : i32
      %dma_wait3A_64 = tpu.memref_slice %arg11[%dma_wait3A_62, %dma_wait3A_63] : memref<40x128xf32, #tpu.memory_space<vmem>> -> memref<32x128xf32, #tpu.memory_space<vmem>>
      tpu.wait_dma2 semaphore(%run_scoped3A : memref<!tpu.dma_semaphore, #tpu.memory_space<semaphore_mem>>) src(%dma_wait3A_64 : memref<32x128xf32, #tpu.memory_space<vmem>>) dst(%dma_wait3A_61 : memref<32x128xf32, #tpu.memory_space<vmem_shared>>)
      tpu.yield
    }) : () -> ()
    %barrier3A = arith.constant 0 : index
    tpu.barrier barrier_id(%barrier3A)
    %scan3A_40 = arith.constant 0 : i32
    %scan3A_41 = arith.constant 0 : i32
    %scan3A_42 = arith.constant 5 : i32
    %scan3A_43 = arith.addi %scan3A_41, %scan3A_42 : i32
    %scan3A_44 = arith.constant 1 : i32
    scf.for %scan3A_47 = %scan3A_41 to %scan3A_43 step %scan3A_44  : i32 {
      "tpu.region"() ({
        %run_scoped3A = tpu.sem_alloc : memref<!tpu.dma_semaphore, #tpu.memory_space<semaphore_mem>>
        %dma_start3A_87 = arith.constant 0 : i32
        %dma_start3A_88 = arith.constant 0 : i32
        %dma_start3A_89 = tpu.memref_slice %arg3[%add3A, %scan3A_47, %dma_start3A_87, %dma_start3A_88] : memref<32x5x25x80xi32, #tpu.memory_space<hbm>> -> memref<1x1x25x80xi32, #tpu.memory_space<hbm>>
        %dma_start3A_90 = tpu.memref_squeeze %dma_start3A_89 : memref<1x1x25x80xi32, #tpu.memory_space<hbm>> -> memref<25x80xi32, #tpu.memory_space<hbm>>
        %dma_start3A_91 = arith.constant 0 : i32
        %dma_start3A_92 = arith.constant 0 : i32
        %dma_start3A_93 = tpu.memref_slice %arg3[%add3A, %scan3A_47, %dma_start3A_91, %dma_start3A_92] : memref<32x5x25x80xi32, #tpu.memory_space<hbm>> -> memref<1x1x25x80xi32, #tpu.memory_space<hbm>>
        %dma_start3A_94 = tpu.memref_squeeze %dma_start3A_93 : memref<1x1x25x80xi32, #tpu.memory_space<hbm>> -> memref<25x80xi32, #tpu.memory_space<hbm>>
        tpu.enqueue_dma source(%dma_start3A_94 : memref<25x80xi32, #tpu.memory_space<hbm>>) target(%arg6 : memref<25x80xi32, #tpu.memory_space<vmem>>) target_semaphore(%run_scoped3A : memref<!tpu.dma_semaphore, #tpu.memory_space<semaphore_mem>>)
        %dma_wait3A_95 = arith.constant 0 : i32
        %dma_wait3A_96 = arith.constant 0 : i32
        %dma_wait3A_97 = tpu.memref_slice %arg3[%add3A, %scan3A_47, %dma_wait3A_95, %dma_wait3A_96] : memref<32x5x25x80xi32, #tpu.memory_space<hbm>> -> memref<1x1x25x80xi32, #tpu.memory_space<hbm>>
        %dma_wait3A_98 = tpu.memref_squeeze %dma_wait3A_97 : memref<1x1x25x80xi32, #tpu.memory_space<hbm>> -> memref<25x80xi32, #tpu.memory_space<hbm>>
        %dma_wait3A_99 = arith.constant 0 : i32
        %dma_wait3A_100 = arith.constant 0 : i32
        %dma_wait3A_101 = tpu.memref_slice %arg3[%add3A, %scan3A_47, %dma_wait3A_99, %dma_wait3A_100] : memref<32x5x25x80xi32, #tpu.memory_space<hbm>> -> memref<1x1x25x80xi32, #tpu.memory_space<hbm>>
        %dma_wait3A_102 = tpu.memref_squeeze %dma_wait3A_101 : memref<1x1x25x80xi32, #tpu.memory_space<hbm>> -> memref<25x80xi32, #tpu.memory_space<hbm>>
        tpu.wait_dma2 semaphore(%run_scoped3A : memref<!tpu.dma_semaphore, #tpu.memory_space<semaphore_mem>>) src(%dma_wait3A_102 : memref<25x80xi32, #tpu.memory_space<hbm>>) dst(%arg6 : memref<25x80xi32, #tpu.memory_space<vmem>>)
        tpu.yield
      }) : () -> ()
      "tpu.region"() ({
        %run_scoped3A = tpu.sem_alloc : memref<!tpu.dma_semaphore, #tpu.memory_space<semaphore_mem>>
        %dma_start3A_87 = arith.constant 0 : i32
        %dma_start3A_88 = arith.constant 0 : i32
        %dma_start3A_89 = tpu.memref_slice %arg4[%add3A, %scan3A_47, %dma_start3A_87, %dma_start3A_88] : memref<32x5x25x80xi32, #tpu.memory_space<hbm>> -> memref<1x1x25x80xi32, #tpu.memory_space<hbm>>
        %dma_start3A_90 = tpu.memref_squeeze %dma_start3A_89 : memref<1x1x25x80xi32, #tpu.memory_space<hbm>> -> memref<25x80xi32, #tpu.memory_space<hbm>>
        %dma_start3A_91 = arith.constant 0 : i32
        %dma_start3A_92 = arith.constant 0 : i32
        %dma_start3A_93 = tpu.memref_slice %arg4[%add3A, %scan3A_47, %dma_start3A_91, %dma_start3A_92] : memref<32x5x25x80xi32, #tpu.memory_space<hbm>> -> memref<1x1x25x80xi32, #tpu.memory_space<hbm>>
        %dma_start3A_94 = tpu.memref_squeeze %dma_start3A_93 : memref<1x1x25x80xi32, #tpu.memory_space<hbm>> -> memref<25x80xi32, #tpu.memory_space<hbm>>
        tpu.enqueue_dma source(%dma_start3A_94 : memref<25x80xi32, #tpu.memory_space<hbm>>) target(%arg7 : memref<25x80xi32, #tpu.memory_space<vmem>>) target_semaphore(%run_scoped3A : memref<!tpu.dma_semaphore, #tpu.memory_space<semaphore_mem>>)
        %dma_wait3A_95 = arith.constant 0 : i32
        %dma_wait3A_96 = arith.constant 0 : i32
        %dma_wait3A_97 = tpu.memref_slice %arg4[%add3A, %scan3A_47, %dma_wait3A_95, %dma_wait3A_96] : memref<32x5x25x80xi32, #tpu.memory_space<hbm>> -> memref<1x1x25x80xi32, #tpu.memory_space<hbm>>
        %dma_wait3A_98 = tpu.memref_squeeze %dma_wait3A_97 : memref<1x1x25x80xi32, #tpu.memory_space<hbm>> -> memref<25x80xi32, #tpu.memory_space<hbm>>
        %dma_wait3A_99 = arith.constant 0 : i32
        %dma_wait3A_100 = arith.constant 0 : i32
        %dma_wait3A_101 = tpu.memref_slice %arg4[%add3A, %scan3A_47, %dma_wait3A_99, %dma_wait3A_100] : memref<32x5x25x80xi32, #tpu.memory_space<hbm>> -> memref<1x1x25x80xi32, #tpu.memory_space<hbm>>
        %dma_wait3A_102 = tpu.memref_squeeze %dma_wait3A_101 : memref<1x1x25x80xi32, #tpu.memory_space<hbm>> -> memref<25x80xi32, #tpu.memory_space<hbm>>
        tpu.wait_dma2 semaphore(%run_scoped3A : memref<!tpu.dma_semaphore, #tpu.memory_space<semaphore_mem>>) src(%dma_wait3A_102 : memref<25x80xi32, #tpu.memory_space<hbm>>) dst(%arg7 : memref<25x80xi32, #tpu.memory_space<vmem>>)
        tpu.yield
      }) : () -> ()
      %dma_start3A = arith.constant 0 : i32
      %dma_start3A_48 = arith.constant 0 : i32
      %dma_start3A_49 = tpu.memref_slice %arg6[%dma_start3A, %dma_start3A_48] : memref<25x80xi32, #tpu.memory_space<vmem>> -> memref<1x80xi32, #tpu.memory_space<vmem>>
      %dma_start3A_50 = tpu.memref_squeeze %dma_start3A_49 : memref<1x80xi32, #tpu.memory_space<vmem>> -> memref<80xi32, #tpu.memory_space<vmem>>
      %dma_start3A_51 = arith.constant 0 : i32
      %dma_start3A_52 = arith.constant 0 : i32
      %dma_start3A_53 = tpu.memref_slice %arg2[%dma_start3A_51, %dma_start3A_52] : memref<10000x128xf32, #tpu.memory_space<hbm>> -> memref<10000x128xf32, #tpu.memory_space<hbm>>
      tpu.enqueue_indirect_dma source(%dma_start3A_53 : memref<10000x128xf32, #tpu.memory_space<hbm>>) target(%arg8 : memref<80x128xf32, #tpu.memory_space<vmem>>) offsets(%dma_start3A_50 : memref<80xi32, #tpu.memory_space<vmem>>) semaphore(%arg13 : memref<!tpu.dma_semaphore, #tpu.memory_space<semaphore_mem>>)
      %dma_start3A_54 = arith.constant 1 : i32
      %dma_start3A_55 = arith.constant 0 : i32
      %dma_start3A_56 = tpu.memref_slice %arg6[%dma_start3A_54, %dma_start3A_55] : memref<25x80xi32, #tpu.memory_space<vmem>> -> memref<1x80xi32, #tpu.memory_space<vmem>>
      %dma_start3A_57 = tpu.memref_squeeze %dma_start3A_56 : memref<1x80xi32, #tpu.memory_space<vmem>> -> memref<80xi32, #tpu.memory_space<vmem>>
      %dma_start3A_58 = arith.constant 0 : i32
      %dma_start3A_59 = arith.constant 0 : i32
      %dma_start3A_60 = tpu.memref_slice %arg2[%dma_start3A_58, %dma_start3A_59] : memref<10000x128xf32, #tpu.memory_space<hbm>> -> memref<10000x128xf32, #tpu.memory_space<hbm>>
      tpu.enqueue_indirect_dma source(%dma_start3A_60 : memref<10000x128xf32, #tpu.memory_space<hbm>>) target(%arg9 : memref<80x128xf32, #tpu.memory_space<vmem>>) offsets(%dma_start3A_57 : memref<80xi32, #tpu.memory_space<vmem>>) semaphore(%arg14 : memref<!tpu.dma_semaphore, #tpu.memory_space<semaphore_mem>>)
      %scan3A_61 = arith.constant 0 : i32
      %scan3A_62 = arith.constant 0 : i32
      %scan3A_63 = arith.constant 25 : i32
      %scan3A_64 = arith.addi %scan3A_62, %scan3A_63 : i32
      %scan3A_65 = arith.constant 1 : i32
      scf.for %scan3A_87 = %scan3A_62 to %scan3A_64 step %scan3A_65  : i32 {
        %jit3A = arith.constant 3 : i32
        %eq3A = arith.constant 0 : i32
        %eq3A_88 = arith.cmpi eq, %jit3A, %eq3A : i32
        %jit3A_89 = arith.constant 1 : i32
        %select_n3A = arith.select %eq3A_88, %jit3A_89, %jit3A : i32
        %rem3A = arith.remsi %scan3A_87, %select_n3A : i32
        %ne3A = arith.constant 0 : i32
        %ne3A_90 = arith.cmpi ne, %rem3A, %ne3A : i32
        %lt3A = arith.constant 0 : i32
        %lt3A_91 = arith.cmpi slt, %rem3A, %lt3A : i32
        %lt3A_92 = arith.constant 0 : i32
        %lt3A_93 = arith.cmpi slt, %select_n3A, %lt3A_92 : i32
        %ne3A_94 = arith.xori %lt3A_91, %lt3A_93 : i1
        %and3A = arith.andi %ne3A_94, %ne3A_90 : i1
        %add3A_95 = arith.addi %rem3A, %select_n3A : i32
        %select_n3A_96 = arith.select %and3A, %add3A_95, %rem3A : i32
        %eq3A_97 = arith.constant 0 : i32
        %eq3A_98 = arith.cmpi eq, %select_n3A_96, %eq3A_97 : i32
        %convert_element_type3A = arith.extui %eq3A_98 : i1 to i32
        %cond3A = arith.constant 0 : i32
        %cond3A_99 = arith.cmpi ne, %convert_element_type3A, %cond3A : i32
        scf.if %cond3A_99 {
          %dma_wait3A_142 = arith.constant 0 : i32
          %dma_wait3A_143 = tpu.memref_slice %arg6[%scan3A_87, %dma_wait3A_142] : memref<25x80xi32, #tpu.memory_space<vmem>> -> memref<1x80xi32, #tpu.memory_space<vmem>>
          %dma_wait3A_144 = tpu.memref_squeeze %dma_wait3A_143 : memref<1x80xi32, #tpu.memory_space<vmem>> -> memref<80xi32, #tpu.memory_space<vmem>>
          %dma_wait3A_145 = arith.constant 0 : i32
          %dma_wait3A_146 = arith.constant 0 : i32
          %dma_wait3A_147 = tpu.memref_slice %arg2[%dma_wait3A_145, %dma_wait3A_146] : memref<10000x128xf32, #tpu.memory_space<hbm>> -> memref<10000x128xf32, #tpu.memory_space<hbm>>
          tpu.wait_indirect_dma semaphore(%arg13 : memref<!tpu.dma_semaphore, #tpu.memory_space<semaphore_mem>>) src(%dma_wait3A_147 : memref<10000x128xf32, #tpu.memory_space<hbm>>) dst(%arg8 : memref<80x128xf32, #tpu.memory_space<vmem>>)
          %dma_start3A_148 = arith.constant 0 : i32
          %dma_start3A_149 = tpu.memref_slice %arg7[%scan3A_87, %dma_start3A_148] : memref<25x80xi32, #tpu.memory_space<vmem>> -> memref<1x80xi32, #tpu.memory_space<vmem>>
          %dma_start3A_150 = tpu.memref_squeeze %dma_start3A_149 : memref<1x80xi32, #tpu.memory_space<vmem>> -> memref<80xi32, #tpu.memory_space<vmem>>
          %dma_start3A_151 = arith.constant 0 : i32
          %dma_start3A_152 = arith.constant 0 : i32
          %dma_start3A_153 = tpu.memref_slice %arg12[%dma_start3A_151, %dma_start3A_152] : memref<10112x128xf32, #tpu.memory_space<vmem_shared>> -> memref<10112x128xf32, #tpu.memory_space<vmem_shared>>
          tpu.enqueue_indirect_dma source(%arg8 : memref<80x128xf32, #tpu.memory_space<vmem>>) target(%dma_start3A_153 : memref<10112x128xf32, #tpu.memory_space<vmem_shared>>) offsets(%dma_start3A_150 : memref<80xi32, #tpu.memory_space<vmem>>) semaphore(%arg16 : memref<!tpu.dma_semaphore, #tpu.memory_space<semaphore_mem>>) {add = true}
          %add3A_154 = arith.constant 2 : i32
          %add3A_155 = arith.addi %scan3A_87, %add3A_154 : i32
          %lt3A_156 = arith.constant 25 : i32
          %lt3A_157 = arith.cmpi slt, %add3A_155, %lt3A_156 : i32
          %convert_element_type3A_158 = arith.extui %lt3A_157 : i1 to i32
          %cond3A_159 = arith.constant 0 : i32
          %cond3A_160 = arith.cmpi ne, %convert_element_type3A_158, %cond3A_159 : i32
          scf.if %cond3A_160 {
            %ge3A = arith.constant 1 : i32
            %ge3A_161 = arith.cmpi sge, %scan3A_87, %ge3A : i32
            %convert_element_type3A_162 = arith.extui %ge3A_161 : i1 to i32
            %cond3A_163 = arith.constant 0 : i32
            %cond3A_164 = arith.cmpi ne, %convert_element_type3A_162, %cond3A_163 : i32
            scf.if %cond3A_164 {
              %sub3A = arith.constant 1 : i32
              %sub3A_173 = arith.subi %scan3A_87, %sub3A : i32
              %dma_wait3A_174 = arith.constant 0 : i32
              %dma_wait3A_175 = tpu.memref_slice %arg7[%sub3A_173, %dma_wait3A_174] : memref<25x80xi32, #tpu.memory_space<vmem>> -> memref<1x80xi32, #tpu.memory_space<vmem>>
              %dma_wait3A_176 = tpu.memref_squeeze %dma_wait3A_175 : memref<1x80xi32, #tpu.memory_space<vmem>> -> memref<80xi32, #tpu.memory_space<vmem>>
              %dma_wait3A_177 = arith.constant 0 : i32
              %dma_wait3A_178 = arith.constant 0 : i32
              %dma_wait3A_179 = tpu.memref_slice %arg12[%dma_wait3A_177, %dma_wait3A_178] : memref<10112x128xf32, #tpu.memory_space<vmem_shared>> -> memref<10112x128xf32, #tpu.memory_space<vmem_shared>>
              tpu.wait_indirect_dma semaphore(%arg18 : memref<!tpu.dma_semaphore, #tpu.memory_space<semaphore_mem>>) src(%arg10 : memref<80x128xf32, #tpu.memory_space<vmem>>) dst(%dma_wait3A_179 : memref<10112x128xf32, #tpu.memory_space<vmem_shared>>)
            } else {
            }
            %add3A_165 = arith.constant 2 : i32
            %add3A_166 = arith.addi %scan3A_87, %add3A_165 : i32
            %dma_start3A_167 = arith.constant 0 : i32
            %dma_start3A_168 = tpu.memref_slice %arg6[%add3A_166, %dma_start3A_167] : memref<25x80xi32, #tpu.memory_space<vmem>> -> memref<1x80xi32, #tpu.memory_space<vmem>>
            %dma_start3A_169 = tpu.memref_squeeze %dma_start3A_168 : memref<1x80xi32, #tpu.memory_space<vmem>> -> memref<80xi32, #tpu.memory_space<vmem>>
            %dma_start3A_170 = arith.constant 0 : i32
            %dma_start3A_171 = arith.constant 0 : i32
            %dma_start3A_172 = tpu.memref_slice %arg2[%dma_start3A_170, %dma_start3A_171] : memref<10000x128xf32, #tpu.memory_space<hbm>> -> memref<10000x128xf32, #tpu.memory_space<hbm>>
            tpu.enqueue_indirect_dma source(%dma_start3A_172 : memref<10000x128xf32, #tpu.memory_space<hbm>>) target(%arg10 : memref<80x128xf32, #tpu.memory_space<vmem>>) offsets(%dma_start3A_169 : memref<80xi32, #tpu.memory_space<vmem>>) semaphore(%arg15 : memref<!tpu.dma_semaphore, #tpu.memory_space<semaphore_mem>>)
          } else {
          }
        } else {
        }
        %jit3A_100 = arith.constant 3 : i32
        %eq3A_101 = arith.constant 0 : i32
        %eq3A_102 = arith.cmpi eq, %jit3A_100, %eq3A_101 : i32
        %jit3A_103 = arith.constant 1 : i32
        %select_n3A_104 = arith.select %eq3A_102, %jit3A_103, %jit3A_100 : i32
        %rem3A_105 = arith.remsi %scan3A_87, %select_n3A_104 : i32
        %ne3A_106 = arith.constant 0 : i32
        %ne3A_107 = arith.cmpi ne, %rem3A_105, %ne3A_106 : i32
        %lt3A_108 = arith.constant 0 : i32
        %lt3A_109 = arith.cmpi slt, %rem3A_105, %lt3A_108 : i32
        %lt3A_110 = arith.constant 0 : i32
        %lt3A_111 = arith.cmpi slt, %select_n3A_104, %lt3A_110 : i32
        %ne3A_112 = arith.xori %lt3A_109, %lt3A_111 : i1
        %and3A_113 = arith.andi %ne3A_112, %ne3A_107 : i1
        %add3A_114 = arith.addi %rem3A_105, %select_n3A_104 : i32
        %select_n3A_115 = arith.select %and3A_113, %add3A_114, %rem3A_105 : i32
        %eq3A_116 = arith.constant 1 : i32
        %eq3A_117 = arith.cmpi eq, %select_n3A_115, %eq3A_116 : i32
        %convert_element_type3A_118 = arith.extui %eq3A_117 : i1 to i32
        %cond3A_119 = arith.constant 0 : i32
        %cond3A_120 = arith.cmpi ne, %convert_element_type3A_118, %cond3A_119 : i32
        scf.if %cond3A_120 {
          %dma_wait3A_142 = arith.constant 0 : i32
          %dma_wait3A_143 = tpu.memref_slice %arg6[%scan3A_87, %dma_wait3A_142] : memref<25x80xi32, #tpu.memory_space<vmem>> -> memref<1x80xi32, #tpu.memory_space<vmem>>
          %dma_wait3A_144 = tpu.memref_squeeze %dma_wait3A_143 : memref<1x80xi32, #tpu.memory_space<vmem>> -> memref<80xi32, #tpu.memory_space<vmem>>
          %dma_wait3A_145 = arith.constant 0 : i32
          %dma_wait3A_146 = arith.constant 0 : i32
          %dma_wait3A_147 = tpu.memref_slice %arg2[%dma_wait3A_145, %dma_wait3A_146] : memref<10000x128xf32, #tpu.memory_space<hbm>> -> memref<10000x128xf32, #tpu.memory_space<hbm>>
          tpu.wait_indirect_dma semaphore(%arg14 : memref<!tpu.dma_semaphore, #tpu.memory_space<semaphore_mem>>) src(%dma_wait3A_147 : memref<10000x128xf32, #tpu.memory_space<hbm>>) dst(%arg9 : memref<80x128xf32, #tpu.memory_space<vmem>>)
          %dma_start3A_148 = arith.constant 0 : i32
          %dma_start3A_149 = tpu.memref_slice %arg7[%scan3A_87, %dma_start3A_148] : memref<25x80xi32, #tpu.memory_space<vmem>> -> memref<1x80xi32, #tpu.memory_space<vmem>>
          %dma_start3A_150 = tpu.memref_squeeze %dma_start3A_149 : memref<1x80xi32, #tpu.memory_space<vmem>> -> memref<80xi32, #tpu.memory_space<vmem>>
          %dma_start3A_151 = arith.constant 0 : i32
          %dma_start3A_152 = arith.constant 0 : i32
          %dma_start3A_153 = tpu.memref_slice %arg12[%dma_start3A_151, %dma_start3A_152] : memref<10112x128xf32, #tpu.memory_space<vmem_shared>> -> memref<10112x128xf32, #tpu.memory_space<vmem_shared>>
          tpu.enqueue_indirect_dma source(%arg9 : memref<80x128xf32, #tpu.memory_space<vmem>>) target(%dma_start3A_153 : memref<10112x128xf32, #tpu.memory_space<vmem_shared>>) offsets(%dma_start3A_150 : memref<80xi32, #tpu.memory_space<vmem>>) semaphore(%arg17 : memref<!tpu.dma_semaphore, #tpu.memory_space<semaphore_mem>>) {add = true}
          %add3A_154 = arith.constant 2 : i32
          %add3A_155 = arith.addi %scan3A_87, %add3A_154 : i32
          %lt3A_156 = arith.constant 25 : i32
          %lt3A_157 = arith.cmpi slt, %add3A_155, %lt3A_156 : i32
          %convert_element_type3A_158 = arith.extui %lt3A_157 : i1 to i32
          %cond3A_159 = arith.constant 0 : i32
          %cond3A_160 = arith.cmpi ne, %convert_element_type3A_158, %cond3A_159 : i32
          scf.if %cond3A_160 {
            %ge3A = arith.constant 1 : i32
            %ge3A_161 = arith.cmpi sge, %scan3A_87, %ge3A : i32
            %convert_element_type3A_162 = arith.extui %ge3A_161 : i1 to i32
            %cond3A_163 = arith.constant 0 : i32
            %cond3A_164 = arith.cmpi ne, %convert_element_type3A_162, %cond3A_163 : i32
            scf.if %cond3A_164 {
              %sub3A = arith.constant 1 : i32
              %sub3A_173 = arith.subi %scan3A_87, %sub3A : i32
              %dma_wait3A_174 = arith.constant 0 : i32
              %dma_wait3A_175 = tpu.memref_slice %arg7[%sub3A_173, %dma_wait3A_174] : memref<25x80xi32, #tpu.memory_space<vmem>> -> memref<1x80xi32, #tpu.memory_space<vmem>>
              %dma_wait3A_176 = tpu.memref_squeeze %dma_wait3A_175 : memref<1x80xi32, #tpu.memory_space<vmem>> -> memref<80xi32, #tpu.memory_space<vmem>>
              %dma_wait3A_177 = arith.constant 0 : i32
              %dma_wait3A_178 = arith.constant 0 : i32
              %dma_wait3A_179 = tpu.memref_slice %arg12[%dma_wait3A_177, %dma_wait3A_178] : memref<10112x128xf32, #tpu.memory_space<vmem_shared>> -> memref<10112x128xf32, #tpu.memory_space<vmem_shared>>
              tpu.wait_indirect_dma semaphore(%arg16 : memref<!tpu.dma_semaphore, #tpu.memory_space<semaphore_mem>>) src(%arg8 : memref<80x128xf32, #tpu.memory_space<vmem>>) dst(%dma_wait3A_179 : memref<10112x128xf32, #tpu.memory_space<vmem_shared>>)
            } else {
            }
            %add3A_165 = arith.constant 2 : i32
            %add3A_166 = arith.addi %scan3A_87, %add3A_165 : i32
            %dma_start3A_167 = arith.constant 0 : i32
            %dma_start3A_168 = tpu.memref_slice %arg6[%add3A_166, %dma_start3A_167] : memref<25x80xi32, #tpu.memory_space<vmem>> -> memref<1x80xi32, #tpu.memory_space<vmem>>
            %dma_start3A_169 = tpu.memref_squeeze %dma_start3A_168 : memref<1x80xi32, #tpu.memory_space<vmem>> -> memref<80xi32, #tpu.memory_space<vmem>>
            %dma_start3A_170 = arith.constant 0 : i32
            %dma_start3A_171 = arith.constant 0 : i32
            %dma_start3A_172 = tpu.memref_slice %arg2[%dma_start3A_170, %dma_start3A_171] : memref<10000x128xf32, #tpu.memory_space<hbm>> -> memref<10000x128xf32, #tpu.memory_space<hbm>>
            tpu.enqueue_indirect_dma source(%dma_start3A_172 : memref<10000x128xf32, #tpu.memory_space<hbm>>) target(%arg8 : memref<80x128xf32, #tpu.memory_space<vmem>>) offsets(%dma_start3A_169 : memref<80xi32, #tpu.memory_space<vmem>>) semaphore(%arg13 : memref<!tpu.dma_semaphore, #tpu.memory_space<semaphore_mem>>)
          } else {
          }
        } else {
        }
        %jit3A_121 = arith.constant 3 : i32
        %eq3A_122 = arith.constant 0 : i32
        %eq3A_123 = arith.cmpi eq, %jit3A_121, %eq3A_122 : i32
        %jit3A_124 = arith.constant 1 : i32
        %select_n3A_125 = arith.select %eq3A_123, %jit3A_124, %jit3A_121 : i32
        %rem3A_126 = arith.remsi %scan3A_87, %select_n3A_125 : i32
        %ne3A_127 = arith.constant 0 : i32
        %ne3A_128 = arith.cmpi ne, %rem3A_126, %ne3A_127 : i32
        %lt3A_129 = arith.constant 0 : i32
        %lt3A_130 = arith.cmpi slt, %rem3A_126, %lt3A_129 : i32
        %lt3A_131 = arith.constant 0 : i32
        %lt3A_132 = arith.cmpi slt, %select_n3A_125, %lt3A_131 : i32
        %ne3A_133 = arith.xori %lt3A_130, %lt3A_132 : i1
        %and3A_134 = arith.andi %ne3A_133, %ne3A_128 : i1
        %add3A_135 = arith.addi %rem3A_126, %select_n3A_125 : i32
        %select_n3A_136 = arith.select %and3A_134, %add3A_135, %rem3A_126 : i32
        %eq3A_137 = arith.constant 2 : i32
        %eq3A_138 = arith.cmpi eq, %select_n3A_136, %eq3A_137 : i32
        %convert_element_type3A_139 = arith.extui %eq3A_138 : i1 to i32
        %cond3A_140 = arith.constant 0 : i32
        %cond3A_141 = arith.cmpi ne, %convert_element_type3A_139, %cond3A_140 : i32
        scf.if %cond3A_141 {
          %dma_wait3A_142 = arith.constant 0 : i32
          %dma_wait3A_143 = tpu.memref_slice %arg6[%scan3A_87, %dma_wait3A_142] : memref<25x80xi32, #tpu.memory_space<vmem>> -> memref<1x80xi32, #tpu.memory_space<vmem>>
          %dma_wait3A_144 = tpu.memref_squeeze %dma_wait3A_143 : memref<1x80xi32, #tpu.memory_space<vmem>> -> memref<80xi32, #tpu.memory_space<vmem>>
          %dma_wait3A_145 = arith.constant 0 : i32
          %dma_wait3A_146 = arith.constant 0 : i32
          %dma_wait3A_147 = tpu.memref_slice %arg2[%dma_wait3A_145, %dma_wait3A_146] : memref<10000x128xf32, #tpu.memory_space<hbm>> -> memref<10000x128xf32, #tpu.memory_space<hbm>>
          tpu.wait_indirect_dma semaphore(%arg15 : memref<!tpu.dma_semaphore, #tpu.memory_space<semaphore_mem>>) src(%dma_wait3A_147 : memref<10000x128xf32, #tpu.memory_space<hbm>>) dst(%arg10 : memref<80x128xf32, #tpu.memory_space<vmem>>)
          %dma_start3A_148 = arith.constant 0 : i32
          %dma_start3A_149 = tpu.memref_slice %arg7[%scan3A_87, %dma_start3A_148] : memref<25x80xi32, #tpu.memory_space<vmem>> -> memref<1x80xi32, #tpu.memory_space<vmem>>
          %dma_start3A_150 = tpu.memref_squeeze %dma_start3A_149 : memref<1x80xi32, #tpu.memory_space<vmem>> -> memref<80xi32, #tpu.memory_space<vmem>>
          %dma_start3A_151 = arith.constant 0 : i32
          %dma_start3A_152 = arith.constant 0 : i32
          %dma_start3A_153 = tpu.memref_slice %arg12[%dma_start3A_151, %dma_start3A_152] : memref<10112x128xf32, #tpu.memory_space<vmem_shared>> -> memref<10112x128xf32, #tpu.memory_space<vmem_shared>>
          tpu.enqueue_indirect_dma source(%arg10 : memref<80x128xf32, #tpu.memory_space<vmem>>) target(%dma_start3A_153 : memref<10112x128xf32, #tpu.memory_space<vmem_shared>>) offsets(%dma_start3A_150 : memref<80xi32, #tpu.memory_space<vmem>>) semaphore(%arg18 : memref<!tpu.dma_semaphore, #tpu.memory_space<semaphore_mem>>) {add = true}
          %add3A_154 = arith.constant 2 : i32
          %add3A_155 = arith.addi %scan3A_87, %add3A_154 : i32
          %lt3A_156 = arith.constant 25 : i32
          %lt3A_157 = arith.cmpi slt, %add3A_155, %lt3A_156 : i32
          %convert_element_type3A_158 = arith.extui %lt3A_157 : i1 to i32
          %cond3A_159 = arith.constant 0 : i32
          %cond3A_160 = arith.cmpi ne, %convert_element_type3A_158, %cond3A_159 : i32
          scf.if %cond3A_160 {
            %ge3A = arith.constant 1 : i32
            %ge3A_161 = arith.cmpi sge, %scan3A_87, %ge3A : i32
            %convert_element_type3A_162 = arith.extui %ge3A_161 : i1 to i32
            %cond3A_163 = arith.constant 0 : i32
            %cond3A_164 = arith.cmpi ne, %convert_element_type3A_162, %cond3A_163 : i32
            scf.if %cond3A_164 {
              %sub3A = arith.constant 1 : i32
              %sub3A_173 = arith.subi %scan3A_87, %sub3A : i32
              %dma_wait3A_174 = arith.constant 0 : i32
              %dma_wait3A_175 = tpu.memref_slice %arg7[%sub3A_173, %dma_wait3A_174] : memref<25x80xi32, #tpu.memory_space<vmem>> -> memref<1x80xi32, #tpu.memory_space<vmem>>
              %dma_wait3A_176 = tpu.memref_squeeze %dma_wait3A_175 : memref<1x80xi32, #tpu.memory_space<vmem>> -> memref<80xi32, #tpu.memory_space<vmem>>
              %dma_wait3A_177 = arith.constant 0 : i32
              %dma_wait3A_178 = arith.constant 0 : i32
              %dma_wait3A_179 = tpu.memref_slice %arg12[%dma_wait3A_177, %dma_wait3A_178] : memref<10112x128xf32, #tpu.memory_space<vmem_shared>> -> memref<10112x128xf32, #tpu.memory_space<vmem_shared>>
              tpu.wait_indirect_dma semaphore(%arg17 : memref<!tpu.dma_semaphore, #tpu.memory_space<semaphore_mem>>) src(%arg9 : memref<80x128xf32, #tpu.memory_space<vmem>>) dst(%dma_wait3A_179 : memref<10112x128xf32, #tpu.memory_space<vmem_shared>>)
            } else {
            }
            %add3A_165 = arith.constant 2 : i32
            %add3A_166 = arith.addi %scan3A_87, %add3A_165 : i32
            %dma_start3A_167 = arith.constant 0 : i32
            %dma_start3A_168 = tpu.memref_slice %arg6[%add3A_166, %dma_start3A_167] : memref<25x80xi32, #tpu.memory_space<vmem>> -> memref<1x80xi32, #tpu.memory_space<vmem>>
            %dma_start3A_169 = tpu.memref_squeeze %dma_start3A_168 : memref<1x80xi32, #tpu.memory_space<vmem>> -> memref<80xi32, #tpu.memory_space<vmem>>
            %dma_start3A_170 = arith.constant 0 : i32
            %dma_start3A_171 = arith.constant 0 : i32
            %dma_start3A_172 = tpu.memref_slice %arg2[%dma_start3A_170, %dma_start3A_171] : memref<10000x128xf32, #tpu.memory_space<hbm>> -> memref<10000x128xf32, #tpu.memory_space<hbm>>
            tpu.enqueue_indirect_dma source(%dma_start3A_172 : memref<10000x128xf32, #tpu.memory_space<hbm>>) target(%arg9 : memref<80x128xf32, #tpu.memory_space<vmem>>) offsets(%dma_start3A_169 : memref<80xi32, #tpu.memory_space<vmem>>) semaphore(%arg14 : memref<!tpu.dma_semaphore, #tpu.memory_space<semaphore_mem>>)
          } else {
          }
        } else {
        }
      }
      %scan3A_66 = arith.constant 25 : i32
      %dma_wait3A = arith.constant 22 : i32
      %dma_wait3A_67 = arith.constant 0 : i32
      %dma_wait3A_68 = tpu.memref_slice %arg7[%dma_wait3A, %dma_wait3A_67] : memref<25x80xi32, #tpu.memory_space<vmem>> -> memref<1x80xi32, #tpu.memory_space<vmem>>
      %dma_wait3A_69 = tpu.memref_squeeze %dma_wait3A_68 : memref<1x80xi32, #tpu.memory_space<vmem>> -> memref<80xi32, #tpu.memory_space<vmem>>
      %dma_wait3A_70 = arith.constant 0 : i32
      %dma_wait3A_71 = arith.constant 0 : i32
      %dma_wait3A_72 = tpu.memref_slice %arg12[%dma_wait3A_70, %dma_wait3A_71] : memref<10112x128xf32, #tpu.memory_space<vmem_shared>> -> memref<10112x128xf32, #tpu.memory_space<vmem_shared>>
      tpu.wait_indirect_dma semaphore(%arg17 : memref<!tpu.dma_semaphore, #tpu.memory_space<semaphore_mem>>) src(%arg9 : memref<80x128xf32, #tpu.memory_space<vmem>>) dst(%dma_wait3A_72 : memref<10112x128xf32, #tpu.memory_space<vmem_shared>>)
      %dma_wait3A_73 = arith.constant 23 : i32
      %dma_wait3A_74 = arith.constant 0 : i32
      %dma_wait3A_75 = tpu.memref_slice %arg7[%dma_wait3A_73, %dma_wait3A_74] : memref<25x80xi32, #tpu.memory_space<vmem>> -> memref<1x80xi32, #tpu.memory_space<vmem>>
      %dma_wait3A_76 = tpu.memref_squeeze %dma_wait3A_75 : memref<1x80xi32, #tpu.memory_space<vmem>> -> memref<80xi32, #tpu.memory_space<vmem>>
      %dma_wait3A_77 = arith.constant 0 : i32
      %dma_wait3A_78 = arith.constant 0 : i32
      %dma_wait3A_79 = tpu.memref_slice %arg12[%dma_wait3A_77, %dma_wait3A_78] : memref<10112x128xf32, #tpu.memory_space<vmem_shared>> -> memref<10112x128xf32, #tpu.memory_space<vmem_shared>>
      tpu.wait_indirect_dma semaphore(%arg18 : memref<!tpu.dma_semaphore, #tpu.memory_space<semaphore_mem>>) src(%arg10 : memref<80x128xf32, #tpu.memory_space<vmem>>) dst(%dma_wait3A_79 : memref<10112x128xf32, #tpu.memory_space<vmem_shared>>)
      %dma_wait3A_80 = arith.constant 24 : i32
      %dma_wait3A_81 = arith.constant 0 : i32
      %dma_wait3A_82 = tpu.memref_slice %arg7[%dma_wait3A_80, %dma_wait3A_81] : memref<25x80xi32, #tpu.memory_space<vmem>> -> memref<1x80xi32, #tpu.memory_space<vmem>>
      %dma_wait3A_83 = tpu.memref_squeeze %dma_wait3A_82 : memref<1x80xi32, #tpu.memory_space<vmem>> -> memref<80xi32, #tpu.memory_space<vmem>>
      %dma_wait3A_84 = arith.constant 0 : i32
      %dma_wait3A_85 = arith.constant 0 : i32
      %dma_wait3A_86 = tpu.memref_slice %arg12[%dma_wait3A_84, %dma_wait3A_85] : memref<10112x128xf32, #tpu.memory_space<vmem_shared>> -> memref<10112x128xf32, #tpu.memory_space<vmem_shared>>
      tpu.wait_indirect_dma semaphore(%arg16 : memref<!tpu.dma_semaphore, #tpu.memory_space<semaphore_mem>>) src(%arg8 : memref<80x128xf32, #tpu.memory_space<vmem>>) dst(%dma_wait3A_86 : memref<10112x128xf32, #tpu.memory_space<vmem_shared>>)
    }
    %scan3A_45 = arith.constant 5 : i32
    %barrier3A_46 = arith.constant 0 : index
    tpu.barrier barrier_id(%barrier3A_46)
    "tpu.region"() ({
      %run_scoped3A = tpu.sem_alloc : memref<!tpu.dma_semaphore, #tpu.memory_space<semaphore_mem>>
      %dma_start3A = arith.constant 0 : i32
      %dma_start3A_47 = tpu.memref_slice %arg5[%arg0, %mul3A_7, %dma_start3A] : memref<2x10112x128xf32, #tpu.memory_space<hbm>> -> memref<1x632x128xf32, #tpu.memory_space<hbm>>
      %dma_start3A_48 = tpu.memref_squeeze %dma_start3A_47 : memref<1x632x128xf32, #tpu.memory_space<hbm>> -> memref<632x128xf32, #tpu.memory_space<hbm>>
      %dma_start3A_49 = arith.constant 0 : i32
      %dma_start3A_50 = tpu.memref_slice %arg12[%mul3A_7, %dma_start3A_49] : memref<10112x128xf32, #tpu.memory_space<vmem_shared>> -> memref<632x128xf32, #tpu.memory_space<vmem_shared>>
      tpu.enqueue_dma source(%dma_start3A_50 : memref<632x128xf32, #tpu.memory_space<vmem_shared>>) target(%dma_start3A_48 : memref<632x128xf32, #tpu.memory_space<hbm>>) target_semaphore(%run_scoped3A : memref<!tpu.dma_semaphore, #tpu.memory_space<semaphore_mem>>)
      %dma_wait3A = arith.constant 0 : i32
      %dma_wait3A_51 = tpu.memref_slice %arg5[%arg0, %mul3A_7, %dma_wait3A] : memref<2x10112x128xf32, #tpu.memory_space<hbm>> -> memref<1x632x128xf32, #tpu.memory_space<hbm>>
      %dma_wait3A_52 = tpu.memref_squeeze %dma_wait3A_51 : memref<1x632x128xf32, #tpu.memory_space<hbm>> -> memref<632x128xf32, #tpu.memory_space<hbm>>
      %dma_wait3A_53 = arith.constant 0 : i32
      %dma_wait3A_54 = tpu.memref_slice %arg12[%mul3A_7, %dma_wait3A_53] : memref<10112x128xf32, #tpu.memory_space<vmem_shared>> -> memref<632x128xf32, #tpu.memory_space<vmem_shared>>
      tpu.wait_dma2 semaphore(%run_scoped3A : memref<!tpu.dma_semaphore, #tpu.memory_space<semaphore_mem>>) src(%dma_wait3A_54 : memref<632x128xf32, #tpu.memory_space<vmem_shared>>) dst(%dma_wait3A_52 : memref<632x128xf32, #tpu.memory_space<hbm>>)
      tpu.yield
    }) : () -> ()
    return
  }
}

#map = affine_map<(d0, d1) -> (0, 0)>
#map1 = affine_map<(d0, d1) -> (0, 0, 0, 0)>
#map2 = affine_map<(d0, d1) -> (0, 0, 0)>
module attributes {stable_mosaic.version = 14 : i64} {
  func.func @gs(%arg0: i32, %arg1: i32, %arg2: memref<10000x128xf32, #tpu.memory_space<hbm>>, %arg3: memref<32x5x25x80xi32, #tpu.memory_space<hbm>>, %arg4: memref<32x5x25x80xi32, #tpu.memory_space<hbm>>, %arg5: memref<2x10112x128xf32, #tpu.memory_space<hbm>>, %arg6: memref<25x80xi32, #tpu.memory_space<vmem>>, %arg7: memref<25x80xi32, #tpu.memory_space<vmem>>, %arg8: memref<80x128xf32, #tpu.memory_space<vmem>>, %arg9: memref<80x128xf32, #tpu.memory_space<vmem>>, %arg10: memref<80x128xf32, #tpu.memory_space<vmem>>, %arg11: memref<40x128xf32, #tpu.memory_space<vmem>>, %arg12: memref<10112x128xf32, #tpu.memory_space<vmem_shared>>, %arg13: memref<!tpu.dma_semaphore, #tpu.memory_space<semaphore_mem>>, %arg14: memref<!tpu.dma_semaphore, #tpu.memory_space<semaphore_mem>>, %arg15: memref<!tpu.dma_semaphore, #tpu.memory_space<semaphore_mem>>, %arg16: memref<!tpu.dma_semaphore, #tpu.memory_space<semaphore_mem>>, %arg17: memref<!tpu.dma_semaphore, #tpu.memory_space<semaphore_mem>>, %arg18: memref<!tpu.dma_semaphore, #tpu.memory_space<semaphore_mem>>) attributes {dimension_semantics = [#tpu.dimension_semantics<core_parallel>, #tpu.dimension_semantics<subcore_parallel>], iteration_bounds = array<i64: 2, 16>, scalar_prefetch = 0 : i64, scratch_operands = 13 : i64, tpu.core_type = #tpu.core_type<sc_vector_subcore>, window_params = [{transform_indices = #map}, {transform_indices = #map1}, {transform_indices = #map1}, {transform_indices = #map2}]} {
    %mul3A = arith.constant 2 : i32
    %mul3A_0 = arith.muli %arg1, %mul3A : i32
    %add3A = arith.addi %mul3A_0, %arg0 : i32
    %scan3A = arith.constant 0 : i32
    %scan3A_1 = arith.constant 0 : i32
    %scan3A_2 = arith.constant 40 : i32
    %scan3A_3 = arith.addi %scan3A_1, %scan3A_2 : i32
    %scan3A_4 = arith.constant 1 : i32
    scf.for %scan3A_47 = %scan3A_1 to %scan3A_3 step %scan3A_4  : i32 {
      %broadcast_in_dim3A = arith.constant 0.000000e+00 : f32
      %broadcast_in_dim3A_48 = vector.broadcast %broadcast_in_dim3A : f32 to vector<16xf32>
      %swap3A = arith.index_cast %scan3A_47 : i32 to index
      %swap3A_49 = arith.constant 0 : index
      %swap3A_50 = tpu.vector_load %arg11[%swap3A, %swap3A_49] {strides = array<i32>} : memref<40x128xf32, #tpu.memory_space<vmem>>, vector<1x16xf32>,
      %swap3A_51 = vector.shape_cast %swap3A_50 : vector<1x16xf32> to vector<16xf32>
      %swap3A_52 = vector.shape_cast %broadcast_in_dim3A_48 : vector<16xf32> to vector<1x16xf32>
      tpu.vector_store %arg11[%swap3A, %swap3A_49], %swap3A_52 {strides = array<i32>} : memref<40x128xf32, #tpu.memory_space<vmem>>, vector<1x16xf32>,
      %broadcast_in_dim3A_53 = arith.constant 0.000000e+00 : f32
      %broadcast_in_dim3A_54 = vector.broadcast %broadcast_in_dim3A_53 : f32 to vector<16xf32>
      %swap3A_55 = arith.index_cast %scan3A_47 : i32 to index
      %swap3A_56 = arith.constant 16 : index
      %swap3A_57 = tpu.vector_load %arg11[%swap3A_55, %swap3A_56] {strides = array<i32>} : memref<40x128xf32, #tpu.memory_space<vmem>>, vector<1x16xf32>,
      %swap3A_58 = vector.shape_cast %swap3A_57 : vector<1x16xf32> to vector<16xf32>
      %swap3A_59 = vector.shape_cast %broadcast_in_dim3A_54 : vector<16xf32> to vector<1x16xf32>
      tpu.vector_store %arg11[%swap3A_55, %swap3A_56], %swap3A_59 {strides = array<i32>} : memref<40x128xf32, #tpu.memory_space<vmem>>, vector<1x16xf32>,
      %broadcast_in_dim3A_60 = arith.constant 0.000000e+00 : f32
      %broadcast_in_dim3A_61 = vector.broadcast %broadcast_in_dim3A_60 : f32 to vector<16xf32>
      %swap3A_62 = arith.index_cast %scan3A_47 : i32 to index
      %swap3A_63 = arith.constant 32 : index
      %swap3A_64 = tpu.vector_load %arg11[%swap3A_62, %swap3A_63] {strides = array<i32>} : memref<40x128xf32, #tpu.memory_space<vmem>>, vector<1x16xf32>,
      %swap3A_65 = vector.shape_cast %swap3A_64 : vector<1x16xf32> to vector<16xf32>
      %swap3A_66 = vector.shape_cast %broadcast_in_dim3A_61 : vector<16xf32> to vector<1x16xf32>
      tpu.vector_store %arg11[%swap3A_62, %swap3A_63], %swap3A_66 {strides = array<i32>} : memref<40x128xf32, #tpu.memory_space<vmem>>, vector<1x16xf32>,
      %broadcast_in_dim3A_67 = arith.constant 0.000000e+00 : f32
      %broadcast_in_dim3A_68 = vector.broadcast %broadcast_in_dim3A_67 : f32 to vector<16xf32>
      %swap3A_69 = arith.index_cast %scan3A_47 : i32 to index
      %swap3A_70 = arith.constant 48 : index
      %swap3A_71 = tpu.vector_load %arg11[%swap3A_69, %swap3A_70] {strides = array<i32>} : memref<40x128xf32, #tpu.memory_space<vmem>>, vector<1x16xf32>,
      %swap3A_72 = vector.shape_cast %swap3A_71 : vector<1x16xf32> to vector<16xf32>
      %swap3A_73 = vector.shape_cast %broadcast_in_dim3A_68 : vector<16xf32> to vector<1x16xf32>
      tpu.vector_store %arg11[%swap3A_69, %swap3A_70], %swap3A_73 {strides = array<i32>} : memref<40x128xf32, #tpu.memory_space<vmem>>, vector<1x16xf32>,
      %broadcast_in_dim3A_74 = arith.constant 0.000000e+00 : f32
      %broadcast_in_dim3A_75 = vector.broadcast %broadcast_in_dim3A_74 : f32 to vector<16xf32>
      %swap3A_76 = arith.index_cast %scan3A_47 : i32 to index
      %swap3A_77 = arith.constant 64 : index
      %swap3A_78 = tpu.vector_load %arg11[%swap3A_76, %swap3A_77] {strides = array<i32>} : memref<40x128xf32, #tpu.memory_space<vmem>>, vector<1x16xf32>,
      %swap3A_79 = vector.shape_cast %swap3A_78 : vector<1x16xf32> to vector<16xf32>
      %swap3A_80 = vector.shape_cast %broadcast_in_dim3A_75 : vector<16xf32> to vector<1x16xf32>
      tpu.vector_store %arg11[%swap3A_76, %swap3A_77], %swap3A_80 {strides = array<i32>} : memref<40x128xf32, #tpu.memory_space<vmem>>, vector<1x16xf32>,
      %broadcast_in_dim3A_81 = arith.constant 0.000000e+00 : f32
      %broadcast_in_dim3A_82 = vector.broadcast %broadcast_in_dim3A_81 : f32 to vector<16xf32>
      %swap3A_83 = arith.index_cast %scan3A_47 : i32 to index
      %swap3A_84 = arith.constant 80 : index
      %swap3A_85 = tpu.vector_load %arg11[%swap3A_83, %swap3A_84] {strides = array<i32>} : memref<40x128xf32, #tpu.memory_space<vmem>>, vector<1x16xf32>,
      %swap3A_86 = vector.shape_cast %swap3A_85 : vector<1x16xf32> to vector<16xf32>
      %swap3A_87 = vector.shape_cast %broadcast_in_dim3A_82 : vector<16xf32> to vector<1x16xf32>
      tpu.vector_store %arg11[%swap3A_83, %swap3A_84], %swap3A_87 {strides = array<i32>} : memref<40x128xf32, #tpu.memory_space<vmem>>, vector<1x16xf32>,
      %broadcast_in_dim3A_88 = arith.constant 0.000000e+00 : f32
      %broadcast_in_dim3A_89 = vector.broadcast %broadcast_in_dim3A_88 : f32 to vector<16xf32>
      %swap3A_90 = arith.index_cast %scan3A_47 : i32 to index
      %swap3A_91 = arith.constant 96 : index
      %swap3A_92 = tpu.vector_load %arg11[%swap3A_90, %swap3A_91] {strides = array<i32>} : memref<40x128xf32, #tpu.memory_space<vmem>>, vector<1x16xf32>,
      %swap3A_93 = vector.shape_cast %swap3A_92 : vector<1x16xf32> to vector<16xf32>
      %swap3A_94 = vector.shape_cast %broadcast_in_dim3A_89 : vector<16xf32> to vector<1x16xf32>
      tpu.vector_store %arg11[%swap3A_90, %swap3A_91], %swap3A_94 {strides = array<i32>} : memref<40x128xf32, #tpu.memory_space<vmem>>, vector<1x16xf32>,
      %broadcast_in_dim3A_95 = arith.constant 0.000000e+00 : f32
      %broadcast_in_dim3A_96 = vector.broadcast %broadcast_in_dim3A_95 : f32 to vector<16xf32>
      %swap3A_97 = arith.index_cast %scan3A_47 : i32 to index
      %swap3A_98 = arith.constant 112 : index
      %swap3A_99 = tpu.vector_load %arg11[%swap3A_97, %swap3A_98] {strides = array<i32>} : memref<40x128xf32, #tpu.memory_space<vmem>>, vector<1x16xf32>,
      %swap3A_100 = vector.shape_cast %swap3A_99 : vector<1x16xf32> to vector<16xf32>
      %swap3A_101 = vector.shape_cast %broadcast_in_dim3A_96 : vector<16xf32> to vector<1x16xf32>
      tpu.vector_store %arg11[%swap3A_97, %swap3A_98], %swap3A_101 {strides = array<i32>} : memref<40x128xf32, #tpu.memory_space<vmem>>, vector<1x16xf32>,
    }
    %scan3A_5 = arith.constant 40 : i32
    %mul3A_6 = arith.constant 632 : i32
    %mul3A_7 = arith.muli %arg1, %mul3A_6 : i32
    %add3A_8 = arith.constant 0 : i32
    %add3A_9 = arith.addi %mul3A_7, %add3A_8 : i32
    "tpu.region"() ({
      %run_scoped3A = tpu.sem_alloc : memref<!tpu.dma_semaphore, #tpu.memory_space<semaphore_mem>>
      %dma_start3A = arith.constant 0 : i32
      %dma_start3A_47 = tpu.memref_slice %arg12[%add3A_9, %dma_start3A] : memref<10112x128xf32, #tpu.memory_space<vmem_shared>> -> memref<40x128xf32, #tpu.memory_space<vmem_shared>>
      %dma_start3A_48 = arith.constant 0 : i32
      %dma_start3A_49 = tpu.memref_slice %arg12[%add3A_9, %dma_start3A_48] : memref<10112x128xf32, #tpu.memory_space<vmem_shared>> -> memref<40x128xf32, #tpu.memory_space<vmem_shared>>
      tpu.enqueue_dma source(%arg11 : memref<40x128xf32, #tpu.memory_space<vmem>>) target(%dma_start3A_49 : memref<40x128xf32, #tpu.memory_space<vmem_shared>>) target_semaphore(%run_scoped3A : memref<!tpu.dma_semaphore, #tpu.memory_space<semaphore_mem>>)
      %dma_wait3A = arith.constant 0 : i32
      %dma_wait3A_50 = tpu.memref_slice %arg12[%add3A_9, %dma_wait3A] : memref<10112x128xf32, #tpu.memory_space<vmem_shared>> -> memref<40x128xf32, #tpu.memory_space<vmem_shared>>
      %dma_wait3A_51 = arith.constant 0 : i32
      %dma_wait3A_52 = tpu.memref_slice %arg12[%add3A_9, %dma_wait3A_51] : memref<10112x128xf32, #tpu.memory_space<vmem_shared>> -> memref<40x128xf32, #tpu.memory_space<vmem_shared>>
      tpu.wait_dma2 semaphore(%run_scoped3A : memref<!tpu.dma_semaphore, #tpu.memory_space<semaphore_mem>>) src(%arg11 : memref<40x128xf32, #tpu.memory_space<vmem>>) dst(%dma_wait3A_52 : memref<40x128xf32, #tpu.memory_space<vmem_shared>>)
      tpu.yield
    }) : () -> ()
    %add3A_10 = arith.constant 40 : i32
    %add3A_11 = arith.addi %mul3A_7, %add3A_10 : i32
    "tpu.region"() ({
      %run_scoped3A = tpu.sem_alloc : memref<!tpu.dma_semaphore, #tpu.memory_space<semaphore_mem>>
      %dma_start3A = arith.constant 0 : i32
      %dma_start3A_47 = tpu.memref_slice %arg12[%add3A_11, %dma_start3A] : memref<10112x128xf32, #tpu.memory_space<vmem_shared>> -> memref<40x128xf32, #tpu.memory_space<vmem_shared>>
      %dma_start3A_48 = arith.constant 0 : i32
      %dma_start3A_49 = tpu.memref_slice %arg12[%add3A_11, %dma_start3A_48] : memref<10112x128xf32, #tpu.memory_space<vmem_shared>> -> memref<40x128xf32, #tpu.memory_space<vmem_shared>>
      tpu.enqueue_dma source(%arg11 : memref<40x128xf32, #tpu.memory_space<vmem>>) target(%dma_start3A_49 : memref<40x128xf32, #tpu.memory_space<vmem_shared>>) target_semaphore(%run_scoped3A : memref<!tpu.dma_semaphore, #tpu.memory_space<semaphore_mem>>)
      %dma_wait3A = arith.constant 0 : i32
      %dma_wait3A_50 = tpu.memref_slice %arg12[%add3A_11, %dma_wait3A] : memref<10112x128xf32, #tpu.memory_space<vmem_shared>> -> memref<40x128xf32, #tpu.memory_space<vmem_shared>>
      %dma_wait3A_51 = arith.constant 0 : i32
      %dma_wait3A_52 = tpu.memref_slice %arg12[%add3A_11, %dma_wait3A_51] : memref<10112x128xf32, #tpu.memory_space<vmem_shared>> -> memref<40x128xf32, #tpu.memory_space<vmem_shared>>
      tpu.wait_dma2 semaphore(%run_scoped3A : memref<!tpu.dma_semaphore, #tpu.memory_space<semaphore_mem>>) src(%arg11 : memref<40x128xf32, #tpu.memory_space<vmem>>) dst(%dma_wait3A_52 : memref<40x128xf32, #tpu.memory_space<vmem_shared>>)
      tpu.yield
    }) : () -> ()
    %add3A_12 = arith.constant 80 : i32
    %add3A_13 = arith.addi %mul3A_7, %add3A_12 : i32
    "tpu.region"() ({
      %run_scoped3A = tpu.sem_alloc : memref<!tpu.dma_semaphore, #tpu.memory_space<semaphore_mem>>
      %dma_start3A = arith.constant 0 : i32
      %dma_start3A_47 = tpu.memref_slice %arg12[%add3A_13, %dma_start3A] : memref<10112x128xf32, #tpu.memory_space<vmem_shared>> -> memref<40x128xf32, #tpu.memory_space<vmem_shared>>
      %dma_start3A_48 = arith.constant 0 : i32
      %dma_start3A_49 = tpu.memref_slice %arg12[%add3A_13, %dma_start3A_48] : memref<10112x128xf32, #tpu.memory_space<vmem_shared>> -> memref<40x128xf32, #tpu.memory_space<vmem_shared>>
      tpu.enqueue_dma source(%arg11 : memref<40x128xf32, #tpu.memory_space<vmem>>) target(%dma_start3A_49 : memref<40x128xf32, #tpu.memory_space<vmem_shared>>) target_semaphore(%run_scoped3A : memref<!tpu.dma_semaphore, #tpu.memory_space<semaphore_mem>>)
      %dma_wait3A = arith.constant 0 : i32
      %dma_wait3A_50 = tpu.memref_slice %arg12[%add3A_13, %dma_wait3A] : memref<10112x128xf32, #tpu.memory_space<vmem_shared>> -> memref<40x128xf32, #tpu.memory_space<vmem_shared>>
      %dma_wait3A_51 = arith.constant 0 : i32
      %dma_wait3A_52 = tpu.memref_slice %arg12[%add3A_13, %dma_wait3A_51] : memref<10112x128xf32, #tpu.memory_space<vmem_shared>> -> memref<40x128xf32, #tpu.memory_space<vmem_shared>>
      tpu.wait_dma2 semaphore(%run_scoped3A : memref<!tpu.dma_semaphore, #tpu.memory_space<semaphore_mem>>) src(%arg11 : memref<40x128xf32, #tpu.memory_space<vmem>>) dst(%dma_wait3A_52 : memref<40x128xf32, #tpu.memory_space<vmem_shared>>)
      tpu.yield
    }) : () -> ()
    %add3A_14 = arith.constant 120 : i32
    %add3A_15 = arith.addi %mul3A_7, %add3A_14 : i32
    "tpu.region"() ({
      %run_scoped3A = tpu.sem_alloc : memref<!tpu.dma_semaphore, #tpu.memory_space<semaphore_mem>>
      %dma_start3A = arith.constant 0 : i32
      %dma_start3A_47 = tpu.memref_slice %arg12[%add3A_15, %dma_start3A] : memref<10112x128xf32, #tpu.memory_space<vmem_shared>> -> memref<40x128xf32, #tpu.memory_space<vmem_shared>>
      %dma_start3A_48 = arith.constant 0 : i32
      %dma_start3A_49 = tpu.memref_slice %arg12[%add3A_15, %dma_start3A_48] : memref<10112x128xf32, #tpu.memory_space<vmem_shared>> -> memref<40x128xf32, #tpu.memory_space<vmem_shared>>
      tpu.enqueue_dma source(%arg11 : memref<40x128xf32, #tpu.memory_space<vmem>>) target(%dma_start3A_49 : memref<40x128xf32, #tpu.memory_space<vmem_shared>>) target_semaphore(%run_scoped3A : memref<!tpu.dma_semaphore, #tpu.memory_space<semaphore_mem>>)
      %dma_wait3A = arith.constant 0 : i32
      %dma_wait3A_50 = tpu.memref_slice %arg12[%add3A_15, %dma_wait3A] : memref<10112x128xf32, #tpu.memory_space<vmem_shared>> -> memref<40x128xf32, #tpu.memory_space<vmem_shared>>
      %dma_wait3A_51 = arith.constant 0 : i32
      %dma_wait3A_52 = tpu.memref_slice %arg12[%add3A_15, %dma_wait3A_51] : memref<10112x128xf32, #tpu.memory_space<vmem_shared>> -> memref<40x128xf32, #tpu.memory_space<vmem_shared>>
      tpu.wait_dma2 semaphore(%run_scoped3A : memref<!tpu.dma_semaphore, #tpu.memory_space<semaphore_mem>>) src(%arg11 : memref<40x128xf32, #tpu.memory_space<vmem>>) dst(%dma_wait3A_52 : memref<40x128xf32, #tpu.memory_space<vmem_shared>>)
      tpu.yield
    }) : () -> ()
    %add3A_16 = arith.constant 160 : i32
    %add3A_17 = arith.addi %mul3A_7, %add3A_16 : i32
    "tpu.region"() ({
      %run_scoped3A = tpu.sem_alloc : memref<!tpu.dma_semaphore, #tpu.memory_space<semaphore_mem>>
      %dma_start3A = arith.constant 0 : i32
      %dma_start3A_47 = tpu.memref_slice %arg12[%add3A_17, %dma_start3A] : memref<10112x128xf32, #tpu.memory_space<vmem_shared>> -> memref<40x128xf32, #tpu.memory_space<vmem_shared>>
      %dma_start3A_48 = arith.constant 0 : i32
      %dma_start3A_49 = tpu.memref_slice %arg12[%add3A_17, %dma_start3A_48] : memref<10112x128xf32, #tpu.memory_space<vmem_shared>> -> memref<40x128xf32, #tpu.memory_space<vmem_shared>>
      tpu.enqueue_dma source(%arg11 : memref<40x128xf32, #tpu.memory_space<vmem>>) target(%dma_start3A_49 : memref<40x128xf32, #tpu.memory_space<vmem_shared>>) target_semaphore(%run_scoped3A : memref<!tpu.dma_semaphore, #tpu.memory_space<semaphore_mem>>)
      %dma_wait3A = arith.constant 0 : i32
      %dma_wait3A_50 = tpu.memref_slice %arg12[%add3A_17, %dma_wait3A] : memref<10112x128xf32, #tpu.memory_space<vmem_shared>> -> memref<40x128xf32, #tpu.memory_space<vmem_shared>>
      %dma_wait3A_51 = arith.constant 0 : i32
      %dma_wait3A_52 = tpu.memref_slice %arg12[%add3A_17, %dma_wait3A_51] : memref<10112x128xf32, #tpu.memory_space<vmem_shared>> -> memref<40x128xf32, #tpu.memory_space<vmem_shared>>
      tpu.wait_dma2 semaphore(%run_scoped3A : memref<!tpu.dma_semaphore, #tpu.memory_space<semaphore_mem>>) src(%arg11 : memref<40x128xf32, #tpu.memory_space<vmem>>) dst(%dma_wait3A_52 : memref<40x128xf32, #tpu.memory_space<vmem_shared>>)
      tpu.yield
    }) : () -> ()
    %add3A_18 = arith.constant 200 : i32
    %add3A_19 = arith.addi %mul3A_7, %add3A_18 : i32
    "tpu.region"() ({
      %run_scoped3A = tpu.sem_alloc : memref<!tpu.dma_semaphore, #tpu.memory_space<semaphore_mem>>
      %dma_start3A = arith.constant 0 : i32
      %dma_start3A_47 = tpu.memref_slice %arg12[%add3A_19, %dma_start3A] : memref<10112x128xf32, #tpu.memory_space<vmem_shared>> -> memref<40x128xf32, #tpu.memory_space<vmem_shared>>
      %dma_start3A_48 = arith.constant 0 : i32
      %dma_start3A_49 = tpu.memref_slice %arg12[%add3A_19, %dma_start3A_48] : memref<10112x128xf32, #tpu.memory_space<vmem_shared>> -> memref<40x128xf32, #tpu.memory_space<vmem_shared>>
      tpu.enqueue_dma source(%arg11 : memref<40x128xf32, #tpu.memory_space<vmem>>) target(%dma_start3A_49 : memref<40x128xf32, #tpu.memory_space<vmem_shared>>) target_semaphore(%run_scoped3A : memref<!tpu.dma_semaphore, #tpu.memory_space<semaphore_mem>>)
      %dma_wait3A = arith.constant 0 : i32
      %dma_wait3A_50 = tpu.memref_slice %arg12[%add3A_19, %dma_wait3A] : memref<10112x128xf32, #tpu.memory_space<vmem_shared>> -> memref<40x128xf32, #tpu.memory_space<vmem_shared>>
      %dma_wait3A_51 = arith.constant 0 : i32
      %dma_wait3A_52 = tpu.memref_slice %arg12[%add3A_19, %dma_wait3A_51] : memref<10112x128xf32, #tpu.memory_space<vmem_shared>> -> memref<40x128xf32, #tpu.memory_space<vmem_shared>>
      tpu.wait_dma2 semaphore(%run_scoped3A : memref<!tpu.dma_semaphore, #tpu.memory_space<semaphore_mem>>) src(%arg11 : memref<40x128xf32, #tpu.memory_space<vmem>>) dst(%dma_wait3A_52 : memref<40x128xf32, #tpu.memory_space<vmem_shared>>)
      tpu.yield
    }) : () -> ()
    %add3A_20 = arith.constant 240 : i32
    %add3A_21 = arith.addi %mul3A_7, %add3A_20 : i32
    "tpu.region"() ({
      %run_scoped3A = tpu.sem_alloc : memref<!tpu.dma_semaphore, #tpu.memory_space<semaphore_mem>>
      %dma_start3A = arith.constant 0 : i32
      %dma_start3A_47 = tpu.memref_slice %arg12[%add3A_21, %dma_start3A] : memref<10112x128xf32, #tpu.memory_space<vmem_shared>> -> memref<40x128xf32, #tpu.memory_space<vmem_shared>>
      %dma_start3A_48 = arith.constant 0 : i32
      %dma_start3A_49 = tpu.memref_slice %arg12[%add3A_21, %dma_start3A_48] : memref<10112x128xf32, #tpu.memory_space<vmem_shared>> -> memref<40x128xf32, #tpu.memory_space<vmem_shared>>
      tpu.enqueue_dma source(%arg11 : memref<40x128xf32, #tpu.memory_space<vmem>>) target(%dma_start3A_49 : memref<40x128xf32, #tpu.memory_space<vmem_shared>>) target_semaphore(%run_scoped3A : memref<!tpu.dma_semaphore, #tpu.memory_space<semaphore_mem>>)
      %dma_wait3A = arith.constant 0 : i32
      %dma_wait3A_50 = tpu.memref_slice %arg12[%add3A_21, %dma_wait3A] : memref<10112x128xf32, #tpu.memory_space<vmem_shared>> -> memref<40x128xf32, #tpu.memory_space<vmem_shared>>
      %dma_wait3A_51 = arith.constant 0 : i32
      %dma_wait3A_52 = tpu.memref_slice %arg12[%add3A_21, %dma_wait3A_51] : memref<10112x128xf32, #tpu.memory_space<vmem_shared>> -> memref<40x128xf32, #tpu.memory_space<vmem_shared>>
      tpu.wait_dma2 semaphore(%run_scoped3A : memref<!tpu.dma_semaphore, #tpu.memory_space<semaphore_mem>>) src(%arg11 : memref<40x128xf32, #tpu.memory_space<vmem>>) dst(%dma_wait3A_52 : memref<40x128xf32, #tpu.memory_space<vmem_shared>>)
      tpu.yield
    }) : () -> ()
    %add3A_22 = arith.constant 280 : i32
    %add3A_23 = arith.addi %mul3A_7, %add3A_22 : i32
    "tpu.region"() ({
      %run_scoped3A = tpu.sem_alloc : memref<!tpu.dma_semaphore, #tpu.memory_space<semaphore_mem>>
      %dma_start3A = arith.constant 0 : i32
      %dma_start3A_47 = tpu.memref_slice %arg12[%add3A_23, %dma_start3A] : memref<10112x128xf32, #tpu.memory_space<vmem_shared>> -> memref<40x128xf32, #tpu.memory_space<vmem_shared>>
      %dma_start3A_48 = arith.constant 0 : i32
      %dma_start3A_49 = tpu.memref_slice %arg12[%add3A_23, %dma_start3A_48] : memref<10112x128xf32, #tpu.memory_space<vmem_shared>> -> memref<40x128xf32, #tpu.memory_space<vmem_shared>>
      tpu.enqueue_dma source(%arg11 : memref<40x128xf32, #tpu.memory_space<vmem>>) target(%dma_start3A_49 : memref<40x128xf32, #tpu.memory_space<vmem_shared>>) target_semaphore(%run_scoped3A : memref<!tpu.dma_semaphore, #tpu.memory_space<semaphore_mem>>)
      %dma_wait3A = arith.constant 0 : i32
      %dma_wait3A_50 = tpu.memref_slice %arg12[%add3A_23, %dma_wait3A] : memref<10112x128xf32, #tpu.memory_space<vmem_shared>> -> memref<40x128xf32, #tpu.memory_space<vmem_shared>>
      %dma_wait3A_51 = arith.constant 0 : i32
      %dma_wait3A_52 = tpu.memref_slice %arg12[%add3A_23, %dma_wait3A_51] : memref<10112x128xf32, #tpu.memory_space<vmem_shared>> -> memref<40x128xf32, #tpu.memory_space<vmem_shared>>
      tpu.wait_dma2 semaphore(%run_scoped3A : memref<!tpu.dma_semaphore, #tpu.memory_space<semaphore_mem>>) src(%arg11 : memref<40x128xf32, #tpu.memory_space<vmem>>) dst(%dma_wait3A_52 : memref<40x128xf32, #tpu.memory_space<vmem_shared>>)
      tpu.yield
    }) : () -> ()
    %add3A_24 = arith.constant 320 : i32
    %add3A_25 = arith.addi %mul3A_7, %add3A_24 : i32
    "tpu.region"() ({
      %run_scoped3A = tpu.sem_alloc : memref<!tpu.dma_semaphore, #tpu.memory_space<semaphore_mem>>
      %dma_start3A = arith.constant 0 : i32
      %dma_start3A_47 = tpu.memref_slice %arg12[%add3A_25, %dma_start3A] : memref<10112x128xf32, #tpu.memory_space<vmem_shared>> -> memref<40x128xf32, #tpu.memory_space<vmem_shared>>
      %dma_start3A_48 = arith.constant 0 : i32
      %dma_start3A_49 = tpu.memref_slice %arg12[%add3A_25, %dma_start3A_48] : memref<10112x128xf32, #tpu.memory_space<vmem_shared>> -> memref<40x128xf32, #tpu.memory_space<vmem_shared>>
      tpu.enqueue_dma source(%arg11 : memref<40x128xf32, #tpu.memory_space<vmem>>) target(%dma_start3A_49 : memref<40x128xf32, #tpu.memory_space<vmem_shared>>) target_semaphore(%run_scoped3A : memref<!tpu.dma_semaphore, #tpu.memory_space<semaphore_mem>>)
      %dma_wait3A = arith.constant 0 : i32
      %dma_wait3A_50 = tpu.memref_slice %arg12[%add3A_25, %dma_wait3A] : memref<10112x128xf32, #tpu.memory_space<vmem_shared>> -> memref<40x128xf32, #tpu.memory_space<vmem_shared>>
      %dma_wait3A_51 = arith.constant 0 : i32
      %dma_wait3A_52 = tpu.memref_slice %arg12[%add3A_25, %dma_wait3A_51] : memref<10112x128xf32, #tpu.memory_space<vmem_shared>> -> memref<40x128xf32, #tpu.memory_space<vmem_shared>>
      tpu.wait_dma2 semaphore(%run_scoped3A : memref<!tpu.dma_semaphore, #tpu.memory_space<semaphore_mem>>) src(%arg11 : memref<40x128xf32, #tpu.memory_space<vmem>>) dst(%dma_wait3A_52 : memref<40x128xf32, #tpu.memory_space<vmem_shared>>)
      tpu.yield
    }) : () -> ()
    %add3A_26 = arith.constant 360 : i32
    %add3A_27 = arith.addi %mul3A_7, %add3A_26 : i32
    "tpu.region"() ({
      %run_scoped3A = tpu.sem_alloc : memref<!tpu.dma_semaphore, #tpu.memory_space<semaphore_mem>>
      %dma_start3A = arith.constant 0 : i32
      %dma_start3A_47 = tpu.memref_slice %arg12[%add3A_27, %dma_start3A] : memref<10112x128xf32, #tpu.memory_space<vmem_shared>> -> memref<40x128xf32, #tpu.memory_space<vmem_shared>>
      %dma_start3A_48 = arith.constant 0 : i32
      %dma_start3A_49 = tpu.memref_slice %arg12[%add3A_27, %dma_start3A_48] : memref<10112x128xf32, #tpu.memory_space<vmem_shared>> -> memref<40x128xf32, #tpu.memory_space<vmem_shared>>
      tpu.enqueue_dma source(%arg11 : memref<40x128xf32, #tpu.memory_space<vmem>>) target(%dma_start3A_49 : memref<40x128xf32, #tpu.memory_space<vmem_shared>>) target_semaphore(%run_scoped3A : memref<!tpu.dma_semaphore, #tpu.memory_space<semaphore_mem>>)
      %dma_wait3A = arith.constant 0 : i32
      %dma_wait3A_50 = tpu.memref_slice %arg12[%add3A_27, %dma_wait3A] : memref<10112x128xf32, #tpu.memory_space<vmem_shared>> -> memref<40x128xf32, #tpu.memory_space<vmem_shared>>
      %dma_wait3A_51 = arith.constant 0 : i32
      %dma_wait3A_52 = tpu.memref_slice %arg12[%add3A_27, %dma_wait3A_51] : memref<10112x128xf32, #tpu.memory_space<vmem_shared>> -> memref<40x128xf32, #tpu.memory_space<vmem_shared>>
      tpu.wait_dma2 semaphore(%run_scoped3A : memref<!tpu.dma_semaphore, #tpu.memory_space<semaphore_mem>>) src(%arg11 : memref<40x128xf32, #tpu.memory_space<vmem>>) dst(%dma_wait3A_52 : memref<40x128xf32, #tpu.memory_space<vmem_shared>>)
      tpu.yield
    }) : () -> ()
    %add3A_28 = arith.constant 400 : i32
    %add3A_29 = arith.addi %mul3A_7, %add3A_28 : i32
    "tpu.region"() ({
      %run_scoped3A = tpu.sem_alloc : memref<!tpu.dma_semaphore, #tpu.memory_space<semaphore_mem>>
      %dma_start3A = arith.constant 0 : i32
      %dma_start3A_47 = tpu.memref_slice %arg12[%add3A_29, %dma_start3A] : memref<10112x128xf32, #tpu.memory_space<vmem_shared>> -> memref<40x128xf32, #tpu.memory_space<vmem_shared>>
      %dma_start3A_48 = arith.constant 0 : i32
      %dma_start3A_49 = tpu.memref_slice %arg12[%add3A_29, %dma_start3A_48] : memref<10112x128xf32, #tpu.memory_space<vmem_shared>> -> memref<40x128xf32, #tpu.memory_space<vmem_shared>>
      tpu.enqueue_dma source(%arg11 : memref<40x128xf32, #tpu.memory_space<vmem>>) target(%dma_start3A_49 : memref<40x128xf32, #tpu.memory_space<vmem_shared>>) target_semaphore(%run_scoped3A : memref<!tpu.dma_semaphore, #tpu.memory_space<semaphore_mem>>)
      %dma_wait3A = arith.constant 0 : i32
      %dma_wait3A_50 = tpu.memref_slice %arg12[%add3A_29, %dma_wait3A] : memref<10112x128xf32, #tpu.memory_space<vmem_shared>> -> memref<40x128xf32, #tpu.memory_space<vmem_shared>>
      %dma_wait3A_51 = arith.constant 0 : i32
      %dma_wait3A_52 = tpu.memref_slice %arg12[%add3A_29, %dma_wait3A_51] : memref<10112x128xf32, #tpu.memory_space<vmem_shared>> -> memref<40x128xf32, #tpu.memory_space<vmem_shared>>
      tpu.wait_dma2 semaphore(%run_scoped3A : memref<!tpu.dma_semaphore, #tpu.memory_space<semaphore_mem>>) src(%arg11 : memref<40x128xf32, #tpu.memory_space<vmem>>) dst(%dma_wait3A_52 : memref<40x128xf32, #tpu.memory_space<vmem_shared>>)
      tpu.yield
    }) : () -> ()
    %add3A_30 = arith.constant 440 : i32
    %add3A_31 = arith.addi %mul3A_7, %add3A_30 : i32
    "tpu.region"() ({
      %run_scoped3A = tpu.sem_alloc : memref<!tpu.dma_semaphore, #tpu.memory_space<semaphore_mem>>
      %dma_start3A = arith.constant 0 : i32
      %dma_start3A_47 = tpu.memref_slice %arg12[%add3A_31, %dma_start3A] : memref<10112x128xf32, #tpu.memory_space<vmem_shared>> -> memref<40x128xf32, #tpu.memory_space<vmem_shared>>
      %dma_start3A_48 = arith.constant 0 : i32
      %dma_start3A_49 = tpu.memref_slice %arg12[%add3A_31, %dma_start3A_48] : memref<10112x128xf32, #tpu.memory_space<vmem_shared>> -> memref<40x128xf32, #tpu.memory_space<vmem_shared>>
      tpu.enqueue_dma source(%arg11 : memref<40x128xf32, #tpu.memory_space<vmem>>) target(%dma_start3A_49 : memref<40x128xf32, #tpu.memory_space<vmem_shared>>) target_semaphore(%run_scoped3A : memref<!tpu.dma_semaphore, #tpu.memory_space<semaphore_mem>>)
      %dma_wait3A = arith.constant 0 : i32
      %dma_wait3A_50 = tpu.memref_slice %arg12[%add3A_31, %dma_wait3A] : memref<10112x128xf32, #tpu.memory_space<vmem_shared>> -> memref<40x128xf32, #tpu.memory_space<vmem_shared>>
      %dma_wait3A_51 = arith.constant 0 : i32
      %dma_wait3A_52 = tpu.memref_slice %arg12[%add3A_31, %dma_wait3A_51] : memref<10112x128xf32, #tpu.memory_space<vmem_shared>> -> memref<40x128xf32, #tpu.memory_space<vmem_shared>>
      tpu.wait_dma2 semaphore(%run_scoped3A : memref<!tpu.dma_semaphore, #tpu.memory_space<semaphore_mem>>) src(%arg11 : memref<40x128xf32, #tpu.memory_space<vmem>>) dst(%dma_wait3A_52 : memref<40x128xf32, #tpu.memory_space<vmem_shared>>)
      tpu.yield
    }) : () -> ()
    %add3A_32 = arith.constant 480 : i32
    %add3A_33 = arith.addi %mul3A_7, %add3A_32 : i32
    "tpu.region"() ({
      %run_scoped3A = tpu.sem_alloc : memref<!tpu.dma_semaphore, #tpu.memory_space<semaphore_mem>>
      %dma_start3A = arith.constant 0 : i32
      %dma_start3A_47 = tpu.memref_slice %arg12[%add3A_33, %dma_start3A] : memref<10112x128xf32, #tpu.memory_space<vmem_shared>> -> memref<40x128xf32, #tpu.memory_space<vmem_shared>>
      %dma_start3A_48 = arith.constant 0 : i32
      %dma_start3A_49 = tpu.memref_slice %arg12[%add3A_33, %dma_start3A_48] : memref<10112x128xf32, #tpu.memory_space<vmem_shared>> -> memref<40x128xf32, #tpu.memory_space<vmem_shared>>
      tpu.enqueue_dma source(%arg11 : memref<40x128xf32, #tpu.memory_space<vmem>>) target(%dma_start3A_49 : memref<40x128xf32, #tpu.memory_space<vmem_shared>>) target_semaphore(%run_scoped3A : memref<!tpu.dma_semaphore, #tpu.memory_space<semaphore_mem>>)
      %dma_wait3A = arith.constant 0 : i32
      %dma_wait3A_50 = tpu.memref_slice %arg12[%add3A_33, %dma_wait3A] : memref<10112x128xf32, #tpu.memory_space<vmem_shared>> -> memref<40x128xf32, #tpu.memory_space<vmem_shared>>
      %dma_wait3A_51 = arith.constant 0 : i32
      %dma_wait3A_52 = tpu.memref_slice %arg12[%add3A_33, %dma_wait3A_51] : memref<10112x128xf32, #tpu.memory_space<vmem_shared>> -> memref<40x128xf32, #tpu.memory_space<vmem_shared>>
      tpu.wait_dma2 semaphore(%run_scoped3A : memref<!tpu.dma_semaphore, #tpu.memory_space<semaphore_mem>>) src(%arg11 : memref<40x128xf32, #tpu.memory_space<vmem>>) dst(%dma_wait3A_52 : memref<40x128xf32, #tpu.memory_space<vmem_shared>>)
      tpu.yield
    }) : () -> ()
    %add3A_34 = arith.constant 520 : i32
    %add3A_35 = arith.addi %mul3A_7, %add3A_34 : i32
    "tpu.region"() ({
      %run_scoped3A = tpu.sem_alloc : memref<!tpu.dma_semaphore, #tpu.memory_space<semaphore_mem>>
      %dma_start3A = arith.constant 0 : i32
      %dma_start3A_47 = tpu.memref_slice %arg12[%add3A_35, %dma_start3A] : memref<10112x128xf32, #tpu.memory_space<vmem_shared>> -> memref<40x128xf32, #tpu.memory_space<vmem_shared>>
      %dma_start3A_48 = arith.constant 0 : i32
      %dma_start3A_49 = tpu.memref_slice %arg12[%add3A_35, %dma_start3A_48] : memref<10112x128xf32, #tpu.memory_space<vmem_shared>> -> memref<40x128xf32, #tpu.memory_space<vmem_shared>>
      tpu.enqueue_dma source(%arg11 : memref<40x128xf32, #tpu.memory_space<vmem>>) target(%dma_start3A_49 : memref<40x128xf32, #tpu.memory_space<vmem_shared>>) target_semaphore(%run_scoped3A : memref<!tpu.dma_semaphore, #tpu.memory_space<semaphore_mem>>)
      %dma_wait3A = arith.constant 0 : i32
      %dma_wait3A_50 = tpu.memref_slice %arg12[%add3A_35, %dma_wait3A] : memref<10112x128xf32, #tpu.memory_space<vmem_shared>> -> memref<40x128xf32, #tpu.memory_space<vmem_shared>>
      %dma_wait3A_51 = arith.constant 0 : i32
      %dma_wait3A_52 = tpu.memref_slice %arg12[%add3A_35, %dma_wait3A_51] : memref<10112x128xf32, #tpu.memory_space<vmem_shared>> -> memref<40x128xf32, #tpu.memory_space<vmem_shared>>
      tpu.wait_dma2 semaphore(%run_scoped3A : memref<!tpu.dma_semaphore, #tpu.memory_space<semaphore_mem>>) src(%arg11 : memref<40x128xf32, #tpu.memory_space<vmem>>) dst(%dma_wait3A_52 : memref<40x128xf32, #tpu.memory_space<vmem_shared>>)
      tpu.yield
    }) : () -> ()
    %add3A_36 = arith.constant 560 : i32
    %add3A_37 = arith.addi %mul3A_7, %add3A_36 : i32
    "tpu.region"() ({
      %run_scoped3A = tpu.sem_alloc : memref<!tpu.dma_semaphore, #tpu.memory_space<semaphore_mem>>
      %dma_start3A = arith.constant 0 : i32
      %dma_start3A_47 = tpu.memref_slice %arg12[%add3A_37, %dma_start3A] : memref<10112x128xf32, #tpu.memory_space<vmem_shared>> -> memref<40x128xf32, #tpu.memory_space<vmem_shared>>
      %dma_start3A_48 = arith.constant 0 : i32
      %dma_start3A_49 = tpu.memref_slice %arg12[%add3A_37, %dma_start3A_48] : memref<10112x128xf32, #tpu.memory_space<vmem_shared>> -> memref<40x128xf32, #tpu.memory_space<vmem_shared>>
      tpu.enqueue_dma source(%arg11 : memref<40x128xf32, #tpu.memory_space<vmem>>) target(%dma_start3A_49 : memref<40x128xf32, #tpu.memory_space<vmem_shared>>) target_semaphore(%run_scoped3A : memref<!tpu.dma_semaphore, #tpu.memory_space<semaphore_mem>>)
      %dma_wait3A = arith.constant 0 : i32
      %dma_wait3A_50 = tpu.memref_slice %arg12[%add3A_37, %dma_wait3A] : memref<10112x128xf32, #tpu.memory_space<vmem_shared>> -> memref<40x128xf32, #tpu.memory_space<vmem_shared>>
      %dma_wait3A_51 = arith.constant 0 : i32
      %dma_wait3A_52 = tpu.memref_slice %arg12[%add3A_37, %dma_wait3A_51] : memref<10112x128xf32, #tpu.memory_space<vmem_shared>> -> memref<40x128xf32, #tpu.memory_space<vmem_shared>>
      tpu.wait_dma2 semaphore(%run_scoped3A : memref<!tpu.dma_semaphore, #tpu.memory_space<semaphore_mem>>) src(%arg11 : memref<40x128xf32, #tpu.memory_space<vmem>>) dst(%dma_wait3A_52 : memref<40x128xf32, #tpu.memory_space<vmem_shared>>)
      tpu.yield
    }) : () -> ()
    %add3A_38 = arith.constant 600 : i32
    %add3A_39 = arith.addi %mul3A_7, %add3A_38 : i32
    "tpu.region"() ({
      %run_scoped3A = tpu.sem_alloc : memref<!tpu.dma_semaphore, #tpu.memory_space<semaphore_mem>>
      %dma_start3A = arith.constant 0 : i32
      %dma_start3A_47 = arith.constant 0 : i32
      %dma_start3A_48 = tpu.memref_slice %arg11[%dma_start3A, %dma_start3A_47] : memref<40x128xf32, #tpu.memory_space<vmem>> -> memref<32x128xf32, #tpu.memory_space<vmem>>
      %dma_start3A_49 = arith.constant 0 : i32
      %dma_start3A_50 = tpu.memref_slice %arg12[%add3A_39, %dma_start3A_49] : memref<10112x128xf32, #tpu.memory_space<vmem_shared>> -> memref<32x128xf32, #tpu.memory_space<vmem_shared>>
      %dma_start3A_51 = arith.constant 0 : i32
      %dma_start3A_52 = tpu.memref_slice %arg12[%add3A_39, %dma_start3A_51] : memref<10112x128xf32, #tpu.memory_space<vmem_shared>> -> memref<32x128xf32, #tpu.memory_space<vmem_shared>>
      %dma_start3A_53 = arith.constant 0 : i32
      %dma_start3A_54 = arith.constant 0 : i32
      %dma_start3A_55 = tpu.memref_slice %arg11[%dma_start3A_53, %dma_start3A_54] : memref<40x128xf32, #tpu.memory_space<vmem>> -> memref<32x128xf32, #tpu.memory_space<vmem>>
      tpu.enqueue_dma source(%dma_start3A_55 : memref<32x128xf32, #tpu.memory_space<vmem>>) target(%dma_start3A_52 : memref<32x128xf32, #tpu.memory_space<vmem_shared>>) target_semaphore(%run_scoped3A : memref<!tpu.dma_semaphore, #tpu.memory_space<semaphore_mem>>)
      %dma_wait3A = arith.constant 0 : i32
      %dma_wait3A_56 = arith.constant 0 : i32
      %dma_wait3A_57 = tpu.memref_slice %arg11[%dma_wait3A, %dma_wait3A_56] : memref<40x128xf32, #tpu.memory_space<vmem>> -> memref<32x128xf32, #tpu.memory_space<vmem>>
      %dma_wait3A_58 = arith.constant 0 : i32
      %dma_wait3A_59 = tpu.memref_slice %arg12[%add3A_39, %dma_wait3A_58] : memref<10112x128xf32, #tpu.memory_space<vmem_shared>> -> memref<32x128xf32, #tpu.memory_space<vmem_shared>>
      %dma_wait3A_60 = arith.constant 0 : i32
      %dma_wait3A_61 = tpu.memref_slice %arg12[%add3A_39, %dma_wait3A_60] : memref<10112x128xf32, #tpu.memory_space<vmem_shared>> -> memref<32x128xf32, #tpu.memory_space<vmem_shared>>
      %dma_wait3A_62 = arith.constant 0 : i32
      %dma_wait3A_63 = arith.constant 0 : i32
      %dma_wait3A_64 = tpu.memref_slice %arg11[%dma_wait3A_62, %dma_wait3A_63] : memref<40x128xf32, #tpu.memory_space<vmem>> -> memref<32x128xf32, #tpu.memory_space<vmem>>
      tpu.wait_dma2 semaphore(%run_scoped3A : memref<!tpu.dma_semaphore, #tpu.memory_space<semaphore_mem>>) src(%dma_wait3A_64 : memref<32x128xf32, #tpu.memory_space<vmem>>) dst(%dma_wait3A_61 : memref<32x128xf32, #tpu.memory_space<vmem_shared>>)
      tpu.yield
    }) : () -> ()
    %barrier3A = arith.constant 0 : index
    tpu.barrier barrier_id(%barrier3A)
    %scan3A_40 = arith.constant 0 : i32
    %scan3A_41 = arith.constant 0 : i32
    %scan3A_42 = arith.constant 5 : i32
    %scan3A_43 = arith.addi %scan3A_41, %scan3A_42 : i32
    %scan3A_44 = arith.constant 1 : i32
    scf.for %scan3A_47 = %scan3A_41 to %scan3A_43 step %scan3A_44  : i32 {
      "tpu.region"() ({
        %run_scoped3A = tpu.sem_alloc : memref<!tpu.dma_semaphore, #tpu.memory_space<semaphore_mem>>
        %dma_start3A_87 = arith.constant 0 : i32
        %dma_start3A_88 = arith.constant 0 : i32
        %dma_start3A_89 = tpu.memref_slice %arg3[%add3A, %scan3A_47, %dma_start3A_87, %dma_start3A_88] : memref<32x5x25x80xi32, #tpu.memory_space<hbm>> -> memref<1x1x25x80xi32, #tpu.memory_space<hbm>>
        %dma_start3A_90 = tpu.memref_squeeze %dma_start3A_89 : memref<1x1x25x80xi32, #tpu.memory_space<hbm>> -> memref<25x80xi32, #tpu.memory_space<hbm>>
        %dma_start3A_91 = arith.constant 0 : i32
        %dma_start3A_92 = arith.constant 0 : i32
        %dma_start3A_93 = tpu.memref_slice %arg3[%add3A, %scan3A_47, %dma_start3A_91, %dma_start3A_92] : memref<32x5x25x80xi32, #tpu.memory_space<hbm>> -> memref<1x1x25x80xi32, #tpu.memory_space<hbm>>
        %dma_start3A_94 = tpu.memref_squeeze %dma_start3A_93 : memref<1x1x25x80xi32, #tpu.memory_space<hbm>> -> memref<25x80xi32, #tpu.memory_space<hbm>>
        tpu.enqueue_dma source(%dma_start3A_94 : memref<25x80xi32, #tpu.memory_space<hbm>>) target(%arg6 : memref<25x80xi32, #tpu.memory_space<vmem>>) target_semaphore(%run_scoped3A : memref<!tpu.dma_semaphore, #tpu.memory_space<semaphore_mem>>)
        %dma_wait3A_95 = arith.constant 0 : i32
        %dma_wait3A_96 = arith.constant 0 : i32
        %dma_wait3A_97 = tpu.memref_slice %arg3[%add3A, %scan3A_47, %dma_wait3A_95, %dma_wait3A_96] : memref<32x5x25x80xi32, #tpu.memory_space<hbm>> -> memref<1x1x25x80xi32, #tpu.memory_space<hbm>>
        %dma_wait3A_98 = tpu.memref_squeeze %dma_wait3A_97 : memref<1x1x25x80xi32, #tpu.memory_space<hbm>> -> memref<25x80xi32, #tpu.memory_space<hbm>>
        %dma_wait3A_99 = arith.constant 0 : i32
        %dma_wait3A_100 = arith.constant 0 : i32
        %dma_wait3A_101 = tpu.memref_slice %arg3[%add3A, %scan3A_47, %dma_wait3A_99, %dma_wait3A_100] : memref<32x5x25x80xi32, #tpu.memory_space<hbm>> -> memref<1x1x25x80xi32, #tpu.memory_space<hbm>>
        %dma_wait3A_102 = tpu.memref_squeeze %dma_wait3A_101 : memref<1x1x25x80xi32, #tpu.memory_space<hbm>> -> memref<25x80xi32, #tpu.memory_space<hbm>>
        tpu.wait_dma2 semaphore(%run_scoped3A : memref<!tpu.dma_semaphore, #tpu.memory_space<semaphore_mem>>) src(%dma_wait3A_102 : memref<25x80xi32, #tpu.memory_space<hbm>>) dst(%arg6 : memref<25x80xi32, #tpu.memory_space<vmem>>)
        tpu.yield
      }) : () -> ()
      "tpu.region"() ({
        %run_scoped3A = tpu.sem_alloc : memref<!tpu.dma_semaphore, #tpu.memory_space<semaphore_mem>>
        %dma_start3A_87 = arith.constant 0 : i32
        %dma_start3A_88 = arith.constant 0 : i32
        %dma_start3A_89 = tpu.memref_slice %arg4[%add3A, %scan3A_47, %dma_start3A_87, %dma_start3A_88] : memref<32x5x25x80xi32, #tpu.memory_space<hbm>> -> memref<1x1x25x80xi32, #tpu.memory_space<hbm>>
        %dma_start3A_90 = tpu.memref_squeeze %dma_start3A_89 : memref<1x1x25x80xi32, #tpu.memory_space<hbm>> -> memref<25x80xi32, #tpu.memory_space<hbm>>
        %dma_start3A_91 = arith.constant 0 : i32
        %dma_start3A_92 = arith.constant 0 : i32
        %dma_start3A_93 = tpu.memref_slice %arg4[%add3A, %scan3A_47, %dma_start3A_91, %dma_start3A_92] : memref<32x5x25x80xi32, #tpu.memory_space<hbm>> -> memref<1x1x25x80xi32, #tpu.memory_space<hbm>>
        %dma_start3A_94 = tpu.memref_squeeze %dma_start3A_93 : memref<1x1x25x80xi32, #tpu.memory_space<hbm>> -> memref<25x80xi32, #tpu.memory_space<hbm>>
        tpu.enqueue_dma source(%dma_start3A_94 : memref<25x80xi32, #tpu.memory_space<hbm>>) target(%arg7 : memref<25x80xi32, #tpu.memory_space<vmem>>) target_semaphore(%run_scoped3A : memref<!tpu.dma_semaphore, #tpu.memory_space<semaphore_mem>>)
        %dma_wait3A_95 = arith.constant 0 : i32
        %dma_wait3A_96 = arith.constant 0 : i32
        %dma_wait3A_97 = tpu.memref_slice %arg4[%add3A, %scan3A_47, %dma_wait3A_95, %dma_wait3A_96] : memref<32x5x25x80xi32, #tpu.memory_space<hbm>> -> memref<1x1x25x80xi32, #tpu.memory_space<hbm>>
        %dma_wait3A_98 = tpu.memref_squeeze %dma_wait3A_97 : memref<1x1x25x80xi32, #tpu.memory_space<hbm>> -> memref<25x80xi32, #tpu.memory_space<hbm>>
        %dma_wait3A_99 = arith.constant 0 : i32
        %dma_wait3A_100 = arith.constant 0 : i32
        %dma_wait3A_101 = tpu.memref_slice %arg4[%add3A, %scan3A_47, %dma_wait3A_99, %dma_wait3A_100] : memref<32x5x25x80xi32, #tpu.memory_space<hbm>> -> memref<1x1x25x80xi32, #tpu.memory_space<hbm>>
        %dma_wait3A_102 = tpu.memref_squeeze %dma_wait3A_101 : memref<1x1x25x80xi32, #tpu.memory_space<hbm>> -> memref<25x80xi32, #tpu.memory_space<hbm>>
        tpu.wait_dma2 semaphore(%run_scoped3A : memref<!tpu.dma_semaphore, #tpu.memory_space<semaphore_mem>>) src(%dma_wait3A_102 : memref<25x80xi32, #tpu.memory_space<hbm>>) dst(%arg7 : memref<25x80xi32, #tpu.memory_space<vmem>>)
        tpu.yield
      }) : () -> ()
      %dma_start3A = arith.constant 0 : i32
      %dma_start3A_48 = arith.constant 0 : i32
      %dma_start3A_49 = tpu.memref_slice %arg6[%dma_start3A, %dma_start3A_48] : memref<25x80xi32, #tpu.memory_space<vmem>> -> memref<1x80xi32, #tpu.memory_space<vmem>>
      %dma_start3A_50 = tpu.memref_squeeze %dma_start3A_49 : memref<1x80xi32, #tpu.memory_space<vmem>> -> memref<80xi32, #tpu.memory_space<vmem>>
      %dma_start3A_51 = arith.constant 0 : i32
      %dma_start3A_52 = arith.constant 0 : i32
      %dma_start3A_53 = tpu.memref_slice %arg2[%dma_start3A_51, %dma_start3A_52] : memref<10000x128xf32, #tpu.memory_space<hbm>> -> memref<10000x128xf32, #tpu.memory_space<hbm>>
      tpu.enqueue_indirect_dma source(%dma_start3A_53 : memref<10000x128xf32, #tpu.memory_space<hbm>>) target(%arg8 : memref<80x128xf32, #tpu.memory_space<vmem>>) offsets(%dma_start3A_50 : memref<80xi32, #tpu.memory_space<vmem>>) semaphore(%arg13 : memref<!tpu.dma_semaphore, #tpu.memory_space<semaphore_mem>>)
      %dma_start3A_54 = arith.constant 1 : i32
      %dma_start3A_55 = arith.constant 0 : i32
      %dma_start3A_56 = tpu.memref_slice %arg6[%dma_start3A_54, %dma_start3A_55] : memref<25x80xi32, #tpu.memory_space<vmem>> -> memref<1x80xi32, #tpu.memory_space<vmem>>
      %dma_start3A_57 = tpu.memref_squeeze %dma_start3A_56 : memref<1x80xi32, #tpu.memory_space<vmem>> -> memref<80xi32, #tpu.memory_space<vmem>>
      %dma_start3A_58 = arith.constant 0 : i32
      %dma_start3A_59 = arith.constant 0 : i32
      %dma_start3A_60 = tpu.memref_slice %arg2[%dma_start3A_58, %dma_start3A_59] : memref<10000x128xf32, #tpu.memory_space<hbm>> -> memref<10000x128xf32, #tpu.memory_space<hbm>>
      tpu.enqueue_indirect_dma source(%dma_start3A_60 : memref<10000x128xf32, #tpu.memory_space<hbm>>) target(%arg9 : memref<80x128xf32, #tpu.memory_space<vmem>>) offsets(%dma_start3A_57 : memref<80xi32, #tpu.memory_space<vmem>>) semaphore(%arg14 : memref<!tpu.dma_semaphore, #tpu.memory_space<semaphore_mem>>)
      %scan3A_61 = arith.constant 0 : i32
      %scan3A_62 = arith.constant 0 : i32
      %scan3A_63 = arith.constant 25 : i32
      %scan3A_64 = arith.addi %scan3A_62, %scan3A_63 : i32
      %scan3A_65 = arith.constant 1 : i32
      scf.for %scan3A_87 = %scan3A_62 to %scan3A_64 step %scan3A_65  : i32 {
        %jit3A = arith.constant 3 : i32
        %eq3A = arith.constant 0 : i32
        %eq3A_88 = arith.cmpi eq, %jit3A, %eq3A : i32
        %jit3A_89 = arith.constant 1 : i32
        %select_n3A = arith.select %eq3A_88, %jit3A_89, %jit3A : i32
        %rem3A = arith.remsi %scan3A_87, %select_n3A : i32
        %ne3A = arith.constant 0 : i32
        %ne3A_90 = arith.cmpi ne, %rem3A, %ne3A : i32
        %lt3A = arith.constant 0 : i32
        %lt3A_91 = arith.cmpi slt, %rem3A, %lt3A : i32
        %lt3A_92 = arith.constant 0 : i32
        %lt3A_93 = arith.cmpi slt, %select_n3A, %lt3A_92 : i32
        %ne3A_94 = arith.xori %lt3A_91, %lt3A_93 : i1
        %and3A = arith.andi %ne3A_94, %ne3A_90 : i1
        %add3A_95 = arith.addi %rem3A, %select_n3A : i32
        %select_n3A_96 = arith.select %and3A, %add3A_95, %rem3A : i32
        %eq3A_97 = arith.constant 0 : i32
        %eq3A_98 = arith.cmpi eq, %select_n3A_96, %eq3A_97 : i32
        %convert_element_type3A = arith.extui %eq3A_98 : i1 to i32
        %cond3A = arith.constant 0 : i32
        %cond3A_99 = arith.cmpi ne, %convert_element_type3A, %cond3A : i32
        scf.if %cond3A_99 {
          %dma_wait3A_142 = arith.constant 0 : i32
          %dma_wait3A_143 = tpu.memref_slice %arg6[%scan3A_87, %dma_wait3A_142] : memref<25x80xi32, #tpu.memory_space<vmem>> -> memref<1x80xi32, #tpu.memory_space<vmem>>
          %dma_wait3A_144 = tpu.memref_squeeze %dma_wait3A_143 : memref<1x80xi32, #tpu.memory_space<vmem>> -> memref<80xi32, #tpu.memory_space<vmem>>
          %dma_wait3A_145 = arith.constant 0 : i32
          %dma_wait3A_146 = arith.constant 0 : i32
          %dma_wait3A_147 = tpu.memref_slice %arg2[%dma_wait3A_145, %dma_wait3A_146] : memref<10000x128xf32, #tpu.memory_space<hbm>> -> memref<10000x128xf32, #tpu.memory_space<hbm>>
          tpu.wait_indirect_dma semaphore(%arg13 : memref<!tpu.dma_semaphore, #tpu.memory_space<semaphore_mem>>) src(%dma_wait3A_147 : memref<10000x128xf32, #tpu.memory_space<hbm>>) dst(%arg8 : memref<80x128xf32, #tpu.memory_space<vmem>>)
          %dma_start3A_148 = arith.constant 0 : i32
          %dma_start3A_149 = tpu.memref_slice %arg7[%scan3A_87, %dma_start3A_148] : memref<25x80xi32, #tpu.memory_space<vmem>> -> memref<1x80xi32, #tpu.memory_space<vmem>>
          %dma_start3A_150 = tpu.memref_squeeze %dma_start3A_149 : memref<1x80xi32, #tpu.memory_space<vmem>> -> memref<80xi32, #tpu.memory_space<vmem>>
          %dma_start3A_151 = arith.constant 0 : i32
          %dma_start3A_152 = arith.constant 0 : i32
          %dma_start3A_153 = tpu.memref_slice %arg12[%dma_start3A_151, %dma_start3A_152] : memref<10112x128xf32, #tpu.memory_space<vmem_shared>> -> memref<10112x128xf32, #tpu.memory_space<vmem_shared>>
          tpu.enqueue_indirect_dma source(%arg8 : memref<80x128xf32, #tpu.memory_space<vmem>>) target(%dma_start3A_153 : memref<10112x128xf32, #tpu.memory_space<vmem_shared>>) offsets(%dma_start3A_150 : memref<80xi32, #tpu.memory_space<vmem>>) semaphore(%arg16 : memref<!tpu.dma_semaphore, #tpu.memory_space<semaphore_mem>>) {add = true}
          %add3A_154 = arith.constant 2 : i32
          %add3A_155 = arith.addi %scan3A_87, %add3A_154 : i32
          %lt3A_156 = arith.constant 25 : i32
          %lt3A_157 = arith.cmpi slt, %add3A_155, %lt3A_156 : i32
          %convert_element_type3A_158 = arith.extui %lt3A_157 : i1 to i32
          %cond3A_159 = arith.constant 0 : i32
          %cond3A_160 = arith.cmpi ne, %convert_element_type3A_158, %cond3A_159 : i32
          scf.if %cond3A_160 {
            %ge3A = arith.constant 1 : i32
            %ge3A_161 = arith.cmpi sge, %scan3A_87, %ge3A : i32
            %convert_element_type3A_162 = arith.extui %ge3A_161 : i1 to i32
            %cond3A_163 = arith.constant 0 : i32
            %cond3A_164 = arith.cmpi ne, %convert_element_type3A_162, %cond3A_163 : i32
            scf.if %cond3A_164 {
              %sub3A = arith.constant 1 : i32
              %sub3A_173 = arith.subi %scan3A_87, %sub3A : i32
              %dma_wait3A_174 = arith.constant 0 : i32
              %dma_wait3A_175 = tpu.memref_slice %arg7[%sub3A_173, %dma_wait3A_174] : memref<25x80xi32, #tpu.memory_space<vmem>> -> memref<1x80xi32, #tpu.memory_space<vmem>>
              %dma_wait3A_176 = tpu.memref_squeeze %dma_wait3A_175 : memref<1x80xi32, #tpu.memory_space<vmem>> -> memref<80xi32, #tpu.memory_space<vmem>>
              %dma_wait3A_177 = arith.constant 0 : i32
              %dma_wait3A_178 = arith.constant 0 : i32
              %dma_wait3A_179 = tpu.memref_slice %arg12[%dma_wait3A_177, %dma_wait3A_178] : memref<10112x128xf32, #tpu.memory_space<vmem_shared>> -> memref<10112x128xf32, #tpu.memory_space<vmem_shared>>
              tpu.wait_indirect_dma semaphore(%arg18 : memref<!tpu.dma_semaphore, #tpu.memory_space<semaphore_mem>>) src(%arg10 : memref<80x128xf32, #tpu.memory_space<vmem>>) dst(%dma_wait3A_179 : memref<10112x128xf32, #tpu.memory_space<vmem_shared>>)
            } else {
            }
            %add3A_165 = arith.constant 2 : i32
            %add3A_166 = arith.addi %scan3A_87, %add3A_165 : i32
            %dma_start3A_167 = arith.constant 0 : i32
            %dma_start3A_168 = tpu.memref_slice %arg6[%add3A_166, %dma_start3A_167] : memref<25x80xi32, #tpu.memory_space<vmem>> -> memref<1x80xi32, #tpu.memory_space<vmem>>
            %dma_start3A_169 = tpu.memref_squeeze %dma_start3A_168 : memref<1x80xi32, #tpu.memory_space<vmem>> -> memref<80xi32, #tpu.memory_space<vmem>>
            %dma_start3A_170 = arith.constant 0 : i32
            %dma_start3A_171 = arith.constant 0 : i32
            %dma_start3A_172 = tpu.memref_slice %arg2[%dma_start3A_170, %dma_start3A_171] : memref<10000x128xf32, #tpu.memory_space<hbm>> -> memref<10000x128xf32, #tpu.memory_space<hbm>>
            tpu.enqueue_indirect_dma source(%dma_start3A_172 : memref<10000x128xf32, #tpu.memory_space<hbm>>) target(%arg10 : memref<80x128xf32, #tpu.memory_space<vmem>>) offsets(%dma_start3A_169 : memref<80xi32, #tpu.memory_space<vmem>>) semaphore(%arg15 : memref<!tpu.dma_semaphore, #tpu.memory_space<semaphore_mem>>)
          } else {
          }
        } else {
        }
        %jit3A_100 = arith.constant 3 : i32
        %eq3A_101 = arith.constant 0 : i32
        %eq3A_102 = arith.cmpi eq, %jit3A_100, %eq3A_101 : i32
        %jit3A_103 = arith.constant 1 : i32
        %select_n3A_104 = arith.select %eq3A_102, %jit3A_103, %jit3A_100 : i32
        %rem3A_105 = arith.remsi %scan3A_87, %select_n3A_104 : i32
        %ne3A_106 = arith.constant 0 : i32
        %ne3A_107 = arith.cmpi ne, %rem3A_105, %ne3A_106 : i32
        %lt3A_108 = arith.constant 0 : i32
        %lt3A_109 = arith.cmpi slt, %rem3A_105, %lt3A_108 : i32
        %lt3A_110 = arith.constant 0 : i32
        %lt3A_111 = arith.cmpi slt, %select_n3A_104, %lt3A_110 : i32
        %ne3A_112 = arith.xori %lt3A_109, %lt3A_111 : i1
        %and3A_113 = arith.andi %ne3A_112, %ne3A_107 : i1
        %add3A_114 = arith.addi %rem3A_105, %select_n3A_104 : i32
        %select_n3A_115 = arith.select %and3A_113, %add3A_114, %rem3A_105 : i32
        %eq3A_116 = arith.constant 1 : i32
        %eq3A_117 = arith.cmpi eq, %select_n3A_115, %eq3A_116 : i32
        %convert_element_type3A_118 = arith.extui %eq3A_117 : i1 to i32
        %cond3A_119 = arith.constant 0 : i32
        %cond3A_120 = arith.cmpi ne, %convert_element_type3A_118, %cond3A_119 : i32
        scf.if %cond3A_120 {
          %dma_wait3A_142 = arith.constant 0 : i32
          %dma_wait3A_143 = tpu.memref_slice %arg6[%scan3A_87, %dma_wait3A_142] : memref<25x80xi32, #tpu.memory_space<vmem>> -> memref<1x80xi32, #tpu.memory_space<vmem>>
          %dma_wait3A_144 = tpu.memref_squeeze %dma_wait3A_143 : memref<1x80xi32, #tpu.memory_space<vmem>> -> memref<80xi32, #tpu.memory_space<vmem>>
          %dma_wait3A_145 = arith.constant 0 : i32
          %dma_wait3A_146 = arith.constant 0 : i32
          %dma_wait3A_147 = tpu.memref_slice %arg2[%dma_wait3A_145, %dma_wait3A_146] : memref<10000x128xf32, #tpu.memory_space<hbm>> -> memref<10000x128xf32, #tpu.memory_space<hbm>>
          tpu.wait_indirect_dma semaphore(%arg14 : memref<!tpu.dma_semaphore, #tpu.memory_space<semaphore_mem>>) src(%dma_wait3A_147 : memref<10000x128xf32, #tpu.memory_space<hbm>>) dst(%arg9 : memref<80x128xf32, #tpu.memory_space<vmem>>)
          %dma_start3A_148 = arith.constant 0 : i32
          %dma_start3A_149 = tpu.memref_slice %arg7[%scan3A_87, %dma_start3A_148] : memref<25x80xi32, #tpu.memory_space<vmem>> -> memref<1x80xi32, #tpu.memory_space<vmem>>
          %dma_start3A_150 = tpu.memref_squeeze %dma_start3A_149 : memref<1x80xi32, #tpu.memory_space<vmem>> -> memref<80xi32, #tpu.memory_space<vmem>>
          %dma_start3A_151 = arith.constant 0 : i32
          %dma_start3A_152 = arith.constant 0 : i32
          %dma_start3A_153 = tpu.memref_slice %arg12[%dma_start3A_151, %dma_start3A_152] : memref<10112x128xf32, #tpu.memory_space<vmem_shared>> -> memref<10112x128xf32, #tpu.memory_space<vmem_shared>>
          tpu.enqueue_indirect_dma source(%arg9 : memref<80x128xf32, #tpu.memory_space<vmem>>) target(%dma_start3A_153 : memref<10112x128xf32, #tpu.memory_space<vmem_shared>>) offsets(%dma_start3A_150 : memref<80xi32, #tpu.memory_space<vmem>>) semaphore(%arg17 : memref<!tpu.dma_semaphore, #tpu.memory_space<semaphore_mem>>) {add = true}
          %add3A_154 = arith.constant 2 : i32
          %add3A_155 = arith.addi %scan3A_87, %add3A_154 : i32
          %lt3A_156 = arith.constant 25 : i32
          %lt3A_157 = arith.cmpi slt, %add3A_155, %lt3A_156 : i32
          %convert_element_type3A_158 = arith.extui %lt3A_157 : i1 to i32
          %cond3A_159 = arith.constant 0 : i32
          %cond3A_160 = arith.cmpi ne, %convert_element_type3A_158, %cond3A_159 : i32
          scf.if %cond3A_160 {
            %ge3A = arith.constant 1 : i32
            %ge3A_161 = arith.cmpi sge, %scan3A_87, %ge3A : i32
            %convert_element_type3A_162 = arith.extui %ge3A_161 : i1 to i32
            %cond3A_163 = arith.constant 0 : i32
            %cond3A_164 = arith.cmpi ne, %convert_element_type3A_162, %cond3A_163 : i32
            scf.if %cond3A_164 {
              %sub3A = arith.constant 1 : i32
              %sub3A_173 = arith.subi %scan3A_87, %sub3A : i32
              %dma_wait3A_174 = arith.constant 0 : i32
              %dma_wait3A_175 = tpu.memref_slice %arg7[%sub3A_173, %dma_wait3A_174] : memref<25x80xi32, #tpu.memory_space<vmem>> -> memref<1x80xi32, #tpu.memory_space<vmem>>
              %dma_wait3A_176 = tpu.memref_squeeze %dma_wait3A_175 : memref<1x80xi32, #tpu.memory_space<vmem>> -> memref<80xi32, #tpu.memory_space<vmem>>
              %dma_wait3A_177 = arith.constant 0 : i32
              %dma_wait3A_178 = arith.constant 0 : i32
              %dma_wait3A_179 = tpu.memref_slice %arg12[%dma_wait3A_177, %dma_wait3A_178] : memref<10112x128xf32, #tpu.memory_space<vmem_shared>> -> memref<10112x128xf32, #tpu.memory_space<vmem_shared>>
              tpu.wait_indirect_dma semaphore(%arg16 : memref<!tpu.dma_semaphore, #tpu.memory_space<semaphore_mem>>) src(%arg8 : memref<80x128xf32, #tpu.memory_space<vmem>>) dst(%dma_wait3A_179 : memref<10112x128xf32, #tpu.memory_space<vmem_shared>>)
            } else {
            }
            %add3A_165 = arith.constant 2 : i32
            %add3A_166 = arith.addi %scan3A_87, %add3A_165 : i32
            %dma_start3A_167 = arith.constant 0 : i32
            %dma_start3A_168 = tpu.memref_slice %arg6[%add3A_166, %dma_start3A_167] : memref<25x80xi32, #tpu.memory_space<vmem>> -> memref<1x80xi32, #tpu.memory_space<vmem>>
            %dma_start3A_169 = tpu.memref_squeeze %dma_start3A_168 : memref<1x80xi32, #tpu.memory_space<vmem>> -> memref<80xi32, #tpu.memory_space<vmem>>
            %dma_start3A_170 = arith.constant 0 : i32
            %dma_start3A_171 = arith.constant 0 : i32
            %dma_start3A_172 = tpu.memref_slice %arg2[%dma_start3A_170, %dma_start3A_171] : memref<10000x128xf32, #tpu.memory_space<hbm>> -> memref<10000x128xf32, #tpu.memory_space<hbm>>
            tpu.enqueue_indirect_dma source(%dma_start3A_172 : memref<10000x128xf32, #tpu.memory_space<hbm>>) target(%arg8 : memref<80x128xf32, #tpu.memory_space<vmem>>) offsets(%dma_start3A_169 : memref<80xi32, #tpu.memory_space<vmem>>) semaphore(%arg13 : memref<!tpu.dma_semaphore, #tpu.memory_space<semaphore_mem>>)
          } else {
          }
        } else {
        }
        %jit3A_121 = arith.constant 3 : i32
        %eq3A_122 = arith.constant 0 : i32
        %eq3A_123 = arith.cmpi eq, %jit3A_121, %eq3A_122 : i32
        %jit3A_124 = arith.constant 1 : i32
        %select_n3A_125 = arith.select %eq3A_123, %jit3A_124, %jit3A_121 : i32
        %rem3A_126 = arith.remsi %scan3A_87, %select_n3A_125 : i32
        %ne3A_127 = arith.constant 0 : i32
        %ne3A_128 = arith.cmpi ne, %rem3A_126, %ne3A_127 : i32
        %lt3A_129 = arith.constant 0 : i32
        %lt3A_130 = arith.cmpi slt, %rem3A_126, %lt3A_129 : i32
        %lt3A_131 = arith.constant 0 : i32
        %lt3A_132 = arith.cmpi slt, %select_n3A_125, %lt3A_131 : i32
        %ne3A_133 = arith.xori %lt3A_130, %lt3A_132 : i1
        %and3A_134 = arith.andi %ne3A_133, %ne3A_128 : i1
        %add3A_135 = arith.addi %rem3A_126, %select_n3A_125 : i32
        %select_n3A_136 = arith.select %and3A_134, %add3A_135, %rem3A_126 : i32
        %eq3A_137 = arith.constant 2 : i32
        %eq3A_138 = arith.cmpi eq, %select_n3A_136, %eq3A_137 : i32
        %convert_element_type3A_139 = arith.extui %eq3A_138 : i1 to i32
        %cond3A_140 = arith.constant 0 : i32
        %cond3A_141 = arith.cmpi ne, %convert_element_type3A_139, %cond3A_140 : i32
        scf.if %cond3A_141 {
          %dma_wait3A_142 = arith.constant 0 : i32
          %dma_wait3A_143 = tpu.memref_slice %arg6[%scan3A_87, %dma_wait3A_142] : memref<25x80xi32, #tpu.memory_space<vmem>> -> memref<1x80xi32, #tpu.memory_space<vmem>>
          %dma_wait3A_144 = tpu.memref_squeeze %dma_wait3A_143 : memref<1x80xi32, #tpu.memory_space<vmem>> -> memref<80xi32, #tpu.memory_space<vmem>>
          %dma_wait3A_145 = arith.constant 0 : i32
          %dma_wait3A_146 = arith.constant 0 : i32
          %dma_wait3A_147 = tpu.memref_slice %arg2[%dma_wait3A_145, %dma_wait3A_146] : memref<10000x128xf32, #tpu.memory_space<hbm>> -> memref<10000x128xf32, #tpu.memory_space<hbm>>
          tpu.wait_indirect_dma semaphore(%arg15 : memref<!tpu.dma_semaphore, #tpu.memory_space<semaphore_mem>>) src(%dma_wait3A_147 : memref<10000x128xf32, #tpu.memory_space<hbm>>) dst(%arg10 : memref<80x128xf32, #tpu.memory_space<vmem>>)
          %dma_start3A_148 = arith.constant 0 : i32
          %dma_start3A_149 = tpu.memref_slice %arg7[%scan3A_87, %dma_start3A_148] : memref<25x80xi32, #tpu.memory_space<vmem>> -> memref<1x80xi32, #tpu.memory_space<vmem>>
          %dma_start3A_150 = tpu.memref_squeeze %dma_start3A_149 : memref<1x80xi32, #tpu.memory_space<vmem>> -> memref<80xi32, #tpu.memory_space<vmem>>
          %dma_start3A_151 = arith.constant 0 : i32
          %dma_start3A_152 = arith.constant 0 : i32
          %dma_start3A_153 = tpu.memref_slice %arg12[%dma_start3A_151, %dma_start3A_152] : memref<10112x128xf32, #tpu.memory_space<vmem_shared>> -> memref<10112x128xf32, #tpu.memory_space<vmem_shared>>
          tpu.enqueue_indirect_dma source(%arg10 : memref<80x128xf32, #tpu.memory_space<vmem>>) target(%dma_start3A_153 : memref<10112x128xf32, #tpu.memory_space<vmem_shared>>) offsets(%dma_start3A_150 : memref<80xi32, #tpu.memory_space<vmem>>) semaphore(%arg18 : memref<!tpu.dma_semaphore, #tpu.memory_space<semaphore_mem>>) {add = true}
          %add3A_154 = arith.constant 2 : i32
          %add3A_155 = arith.addi %scan3A_87, %add3A_154 : i32
          %lt3A_156 = arith.constant 25 : i32
          %lt3A_157 = arith.cmpi slt, %add3A_155, %lt3A_156 : i32
          %convert_element_type3A_158 = arith.extui %lt3A_157 : i1 to i32
          %cond3A_159 = arith.constant 0 : i32
          %cond3A_160 = arith.cmpi ne, %convert_element_type3A_158, %cond3A_159 : i32
          scf.if %cond3A_160 {
            %ge3A = arith.constant 1 : i32
            %ge3A_161 = arith.cmpi sge, %scan3A_87, %ge3A : i32
            %convert_element_type3A_162 = arith.extui %ge3A_161 : i1 to i32
            %cond3A_163 = arith.constant 0 : i32
            %cond3A_164 = arith.cmpi ne, %convert_element_type3A_162, %cond3A_163 : i32
            scf.if %cond3A_164 {
              %sub3A = arith.constant 1 : i32
              %sub3A_173 = arith.subi %scan3A_87, %sub3A : i32
              %dma_wait3A_174 = arith.constant 0 : i32
              %dma_wait3A_175 = tpu.memref_slice %arg7[%sub3A_173, %dma_wait3A_174] : memref<25x80xi32, #tpu.memory_space<vmem>> -> memref<1x80xi32, #tpu.memory_space<vmem>>
              %dma_wait3A_176 = tpu.memref_squeeze %dma_wait3A_175 : memref<1x80xi32, #tpu.memory_space<vmem>> -> memref<80xi32, #tpu.memory_space<vmem>>
              %dma_wait3A_177 = arith.constant 0 : i32
              %dma_wait3A_178 = arith.constant 0 : i32
              %dma_wait3A_179 = tpu.memref_slice %arg12[%dma_wait3A_177, %dma_wait3A_178] : memref<10112x128xf32, #tpu.memory_space<vmem_shared>> -> memref<10112x128xf32, #tpu.memory_space<vmem_shared>>
              tpu.wait_indirect_dma semaphore(%arg17 : memref<!tpu.dma_semaphore, #tpu.memory_space<semaphore_mem>>) src(%arg9 : memref<80x128xf32, #tpu.memory_space<vmem>>) dst(%dma_wait3A_179 : memref<10112x128xf32, #tpu.memory_space<vmem_shared>>)
            } else {
            }
            %add3A_165 = arith.constant 2 : i32
            %add3A_166 = arith.addi %scan3A_87, %add3A_165 : i32
            %dma_start3A_167 = arith.constant 0 : i32
            %dma_start3A_168 = tpu.memref_slice %arg6[%add3A_166, %dma_start3A_167] : memref<25x80xi32, #tpu.memory_space<vmem>> -> memref<1x80xi32, #tpu.memory_space<vmem>>
            %dma_start3A_169 = tpu.memref_squeeze %dma_start3A_168 : memref<1x80xi32, #tpu.memory_space<vmem>> -> memref<80xi32, #tpu.memory_space<vmem>>
            %dma_start3A_170 = arith.constant 0 : i32
            %dma_start3A_171 = arith.constant 0 : i32
            %dma_start3A_172 = tpu.memref_slice %arg2[%dma_start3A_170, %dma_start3A_171] : memref<10000x128xf32, #tpu.memory_space<hbm>> -> memref<10000x128xf32, #tpu.memory_space<hbm>>
            tpu.enqueue_indirect_dma source(%dma_start3A_172 : memref<10000x128xf32, #tpu.memory_space<hbm>>) target(%arg9 : memref<80x128xf32, #tpu.memory_space<vmem>>) offsets(%dma_start3A_169 : memref<80xi32, #tpu.memory_space<vmem>>) semaphore(%arg14 : memref<!tpu.dma_semaphore, #tpu.memory_space<semaphore_mem>>)
          } else {
          }
        } else {
        }
      }
      %scan3A_66 = arith.constant 25 : i32
      %dma_wait3A = arith.constant 22 : i32
      %dma_wait3A_67 = arith.constant 0 : i32
      %dma_wait3A_68 = tpu.memref_slice %arg7[%dma_wait3A, %dma_wait3A_67] : memref<25x80xi32, #tpu.memory_space<vmem>> -> memref<1x80xi32, #tpu.memory_space<vmem>>
      %dma_wait3A_69 = tpu.memref_squeeze %dma_wait3A_68 : memref<1x80xi32, #tpu.memory_space<vmem>> -> memref<80xi32, #tpu.memory_space<vmem>>
      %dma_wait3A_70 = arith.constant 0 : i32
      %dma_wait3A_71 = arith.constant 0 : i32
      %dma_wait3A_72 = tpu.memref_slice %arg12[%dma_wait3A_70, %dma_wait3A_71] : memref<10112x128xf32, #tpu.memory_space<vmem_shared>> -> memref<10112x128xf32, #tpu.memory_space<vmem_shared>>
      tpu.wait_indirect_dma semaphore(%arg17 : memref<!tpu.dma_semaphore, #tpu.memory_space<semaphore_mem>>) src(%arg9 : memref<80x128xf32, #tpu.memory_space<vmem>>) dst(%dma_wait3A_72 : memref<10112x128xf32, #tpu.memory_space<vmem_shared>>)
      %dma_wait3A_73 = arith.constant 23 : i32
      %dma_wait3A_74 = arith.constant 0 : i32
      %dma_wait3A_75 = tpu.memref_slice %arg7[%dma_wait3A_73, %dma_wait3A_74] : memref<25x80xi32, #tpu.memory_space<vmem>> -> memref<1x80xi32, #tpu.memory_space<vmem>>
      %dma_wait3A_76 = tpu.memref_squeeze %dma_wait3A_75 : memref<1x80xi32, #tpu.memory_space<vmem>> -> memref<80xi32, #tpu.memory_space<vmem>>
      %dma_wait3A_77 = arith.constant 0 : i32
      %dma_wait3A_78 = arith.constant 0 : i32
      %dma_wait3A_79 = tpu.memref_slice %arg12[%dma_wait3A_77, %dma_wait3A_78] : memref<10112x128xf32, #tpu.memory_space<vmem_shared>> -> memref<10112x128xf32, #tpu.memory_space<vmem_shared>>
      tpu.wait_indirect_dma semaphore(%arg18 : memref<!tpu.dma_semaphore, #tpu.memory_space<semaphore_mem>>) src(%arg10 : memref<80x128xf32, #tpu.memory_space<vmem>>) dst(%dma_wait3A_79 : memref<10112x128xf32, #tpu.memory_space<vmem_shared>>)
      %dma_wait3A_80 = arith.constant 24 : i32
      %dma_wait3A_81 = arith.constant 0 : i32
      %dma_wait3A_82 = tpu.memref_slice %arg7[%dma_wait3A_80, %dma_wait3A_81] : memref<25x80xi32, #tpu.memory_space<vmem>> -> memref<1x80xi32, #tpu.memory_space<vmem>>
      %dma_wait3A_83 = tpu.memref_squeeze %dma_wait3A_82 : memref<1x80xi32, #tpu.memory_space<vmem>> -> memref<80xi32, #tpu.memory_space<vmem>>
      %dma_wait3A_84 = arith.constant 0 : i32
      %dma_wait3A_85 = arith.constant 0 : i32
      %dma_wait3A_86 = tpu.memref_slice %arg12[%dma_wait3A_84, %dma_wait3A_85] : memref<10112x128xf32, #tpu.memory_space<vmem_shared>> -> memref<10112x128xf32, #tpu.memory_space<vmem_shared>>
      tpu.wait_indirect_dma semaphore(%arg16 : memref<!tpu.dma_semaphore, #tpu.memory_space<semaphore_mem>>) src(%arg8 : memref<80x128xf32, #tpu.memory_space<vmem>>) dst(%dma_wait3A_86 : memref<10112x128xf32, #tpu.memory_space<vmem_shared>>)
    }
    %scan3A_45 = arith.constant 5 : i32
    %barrier3A_46 = arith.constant 0 : index
    tpu.barrier barrier_id(%barrier3A_46)
    "tpu.region"() ({
      %run_scoped3A = tpu.sem_alloc : memref<!tpu.dma_semaphore, #tpu.memory_space<semaphore_mem>>
      %dma_start3A = arith.constant 0 : i32
      %dma_start3A_47 = tpu.memref_slice %arg5[%arg0, %mul3A_7, %dma_start3A] : memref<2x10112x128xf32, #tpu.memory_space<hbm>> -> memref<1x632x128xf32, #tpu.memory_space<hbm>>
      %dma_start3A_48 = tpu.memref_squeeze %dma_start3A_47 : memref<1x632x128xf32, #tpu.memory_space<hbm>> -> memref<632x128xf32, #tpu.memory_space<hbm>>
      %dma_start3A_49 = arith.constant 0 : i32
      %dma_start3A_50 = tpu.memref_slice %arg12[%mul3A_7, %dma_start3A_49] : memref<10112x128xf32, #tpu.memory_space<vmem_shared>> -> memref<632x128xf32, #tpu.memory_space<vmem_shared>>
      tpu.enqueue_dma source(%dma_start3A_50 : memref<632x128xf32, #tpu.memory_space<vmem_shared>>) target(%dma_start3A_48 : memref<632x128xf32, #tpu.memory_space<hbm>>) target_semaphore(%run_scoped3A : memref<!tpu.dma_semaphore, #tpu.memory_space<semaphore_mem>>)
      %dma_wait3A = arith.constant 0 : i32
      %dma_wait3A_51 = tpu.memref_slice %arg5[%arg0, %mul3A_7, %dma_wait3A] : memref<2x10112x128xf32, #tpu.memory_space<hbm>> -> memref<1x632x128xf32, #tpu.memory_space<hbm>>
      %dma_wait3A_52 = tpu.memref_squeeze %dma_wait3A_51 : memref<1x632x128xf32, #tpu.memory_space<hbm>> -> memref<632x128xf32, #tpu.memory_space<hbm>>
      %dma_wait3A_53 = arith.constant 0 : i32
      %dma_wait3A_54 = tpu.memref_slice %arg12[%mul3A_7, %dma_wait3A_53] : memref<10112x128xf32, #tpu.memory_space<vmem_shared>> -> memref<632x128xf32, #tpu.memory_space<vmem_shared>>
      tpu.wait_dma2 semaphore(%run_scoped3A : memref<!tpu.dma_semaphore, #tpu.memory_space<semaphore_mem>>) src(%dma_wait3A_54 : memref<632x128xf32, #tpu.memory_space<vmem_shared>>) dst(%dma_wait3A_52 : memref<632x128xf32, #tpu.memory_space<hbm>>)
      tpu.yield
    }) : () -> ()
    return
  }
}

module attributes {stable_mosaic.version = 14 : i64} {
  func.func @body(%arg0: i32, %arg1: i32, %arg2: memref<2x1000x128xf32, #tpu.memory_space<vmem>>, %arg3: memref<1000x128xf32, #tpu.memory_space<vmem>>, %arg4: memref<1000x8xf32, #tpu.memory_space<vmem>>, %arg5: memref<1x128xf32, #tpu.memory_space<vmem>>, %arg6: memref<1x128xf32, #tpu.memory_space<vmem>>, %arg7: memref<1x128xf32, #tpu.memory_space<vmem>>, %arg8: memref<128x128xf32, #tpu.memory_space<vmem>>, %arg9: memref<1000x128xf32, #tpu.memory_space<vmem>>, %arg10: memref<2x128xf32, #tpu.memory_space<vmem>>) attributes {dimension_semantics = [#tpu.dimension_semantics<arbitrary>, #tpu.dimension_semantics<arbitrary>], iteration_bounds = array<i64: 2, 10>, scalar_prefetch = 0 : i64, scratch_operands = 1 : i64, tpu.core_type = #tpu.core_type<tc>, window_params = [{transform_indices = @transform_0, window_bounds = array<i64: 2, 1000, 128>}, {transform_indices = @transform_1, window_bounds = array<i64: 1000, 128>}, {transform_indices = @transform_2, window_bounds = array<i64: 1000, 8>}, {pipeline_mode = #tpu.pipeline_mode<synchronous>, transform_indices = @transform_3, window_bounds = array<i64: 1, 128>}, {pipeline_mode = #tpu.pipeline_mode<synchronous>, transform_indices = @transform_4, window_bounds = array<i64: 1, 128>}, {pipeline_mode = #tpu.pipeline_mode<synchronous>, transform_indices = @transform_5, window_bounds = array<i64: 1, 128>}, {pipeline_mode = #tpu.pipeline_mode<synchronous>, transform_indices = @transform_6, window_bounds = array<i64: 128, 128>}, {transform_indices = @transform_7, window_bounds = array<i64: 1000, 128>}]} {
    %get3A = arith.constant 0 : index
    %get3A_0 = arith.constant 0 : index
    %get3A_1 = arith.constant 0 : index
    %get3A_2 = vector.load %arg2[%get3A, %get3A_0, %get3A_1] : memref<2x1000x128xf32, #tpu.memory_space<vmem>>, vector<2x1000x128xf32>
    %get3A_3 = arith.constant 0 : index
    %get3A_4 = arith.constant 0 : index
    %get3A_5 = vector.load %arg4[%get3A_3, %get3A_4] : memref<1000x8xf32, #tpu.memory_space<vmem>>, vector<1000x8xf32>
    %slice3A = vector.extract_strided_slice %get3A_5 {offsets = [0, 0], sizes = [1000, 1], strides = [1, 1]} : vector<1000x8xf32> to vector<1000x1xf32>
    %slice3A_6 = vector.extract_strided_slice %get3A_2 {offsets = [0, 0, 0], sizes = [1, 1000, 128], strides = [1, 1, 1]} : vector<2x1000x128xf32> to vector<1x1000x128xf32>
    %squeeze3A = vector.shape_cast %slice3A_6 : vector<1x1000x128xf32> to vector<1000x128xf32>
    %slice3A_7 = vector.extract_strided_slice %get3A_2 {offsets = [1, 0, 0], sizes = [1, 1000, 128], strides = [1, 1, 1]} : vector<2x1000x128xf32> to vector<1x1000x128xf32>
    %squeeze3A_8 = vector.shape_cast %slice3A_7 : vector<1x1000x128xf32> to vector<1000x128xf32>
    %add3A = arith.addf %squeeze3A, %squeeze3A_8 : vector<1000x128xf32>
    %get3A_9 = arith.constant 0 : index
    %get3A_10 = arith.constant 0 : index
    %get3A_11 = vector.load %arg3[%get3A_9, %get3A_10] : memref<1000x128xf32, #tpu.memory_space<vmem>>, vector<1000x128xf32>
    %add3A_12 = arith.addf %add3A, %get3A_11 : vector<1000x128xf32>
    %mul3A = vector.broadcast %slice3A : vector<1000x1xf32> to vector<1000x128xf32>
    %mul3A_13 = arith.mulf %mul3A, %add3A_12 : vector<1000x128xf32>
    %get3A_14 = arith.constant 0 : index
    %get3A_15 = arith.constant 0 : index
    %get3A_16 = vector.load %arg5[%get3A_14, %get3A_15] : memref<1x128xf32, #tpu.memory_space<vmem>>, vector<1x128xf32>
    %add3A_17 = vector.broadcast %get3A_16 : vector<1x128xf32> to vector<1000x128xf32>
    %add3A_18 = arith.addf %mul3A_13, %add3A_17 : vector<1000x128xf32>
    %eq3A = arith.constant 0 : i32
    %eq3A_19 = arith.cmpi eq, %arg0, %eq3A : i32
    %convert_element_type3A = arith.extui %eq3A_19 : i1 to i32
    %cond3A = arith.constant 0 : i32
    %cond3A_20 = arith.cmpi ne, %convert_element_type3A, %cond3A : i32
    scf.if %cond3A_20 {
      %eq3A_26 = arith.constant 0 : i32
      %eq3A_27 = arith.cmpi eq, %arg1, %eq3A_26 : i32
      %convert_element_type3A_28 = arith.extui %eq3A_27 : i1 to i32
      %cond3A_29 = arith.constant 0 : i32
      %cond3A_30 = arith.cmpi ne, %convert_element_type3A_28, %cond3A_29 : i32
      scf.if %cond3A_30 {
        %broadcast_in_dim3A_49 = arith.constant 0.000000e+00 : f32
        %broadcast_in_dim3A_50 = vector.broadcast %broadcast_in_dim3A_49 : f32 to vector<2x128xf32>
        %swap3A_51 = arith.constant 0 : index
        %swap3A_52 = arith.constant 0 : index
        %swap3A_53 = vector.load %arg10[%swap3A_51, %swap3A_52] : memref<2x128xf32, #tpu.memory_space<vmem>>, vector<2x128xf32>
        tpu.vector_store %arg10[%swap3A_51, %swap3A_52], %broadcast_in_dim3A_50 {strides = array<i32>} : memref<2x128xf32, #tpu.memory_space<vmem>>, vector<2x128xf32>,
      } else {
      }
      %get3A_31 = arith.constant 0 : index
      %get3A_32 = arith.constant 0 : index
      %get3A_33 = vector.load %arg10[%get3A_31, %get3A_32] : memref<2x128xf32, #tpu.memory_space<vmem>>, vector<1x128xf32>
      %reduce_sum3A = arith.constant dense<0.000000e+00> : vector<128xf32>
      %reduce_sum3A_34 = vector.multi_reduction <add>, %add3A_18, %reduce_sum3A [0] : vector<1000x128xf32> to vector<128xf32>
      %broadcast_in_dim3A = vector.shape_cast %reduce_sum3A_34 : vector<128xf32> to vector<1x128xf32>
      %add3A_35 = arith.addf %get3A_33, %broadcast_in_dim3A : vector<1x128xf32>
      %swap3A = arith.constant 0 : index
      %swap3A_36 = arith.constant 0 : index
      %swap3A_37 = vector.load %arg10[%swap3A, %swap3A_36] : memref<2x128xf32, #tpu.memory_space<vmem>>, vector<1x128xf32>
      tpu.vector_store %arg10[%swap3A, %swap3A_36], %add3A_35 {strides = array<i32>} : memref<2x128xf32, #tpu.memory_space<vmem>>, vector<1x128xf32>,
      %get3A_38 = arith.constant 1 : index
      %get3A_39 = arith.constant 0 : index
      %get3A_40 = vector.load %arg10[%get3A_38, %get3A_39] : memref<2x128xf32, #tpu.memory_space<vmem>>, vector<1x128xf32>
      %mul3A_41 = arith.mulf %add3A_18, %add3A_18 : vector<1000x128xf32>
      %reduce_sum3A_42 = arith.constant dense<0.000000e+00> : vector<128xf32>
      %reduce_sum3A_43 = vector.multi_reduction <add>, %mul3A_41, %reduce_sum3A_42 [0] : vector<1000x128xf32> to vector<128xf32>
      %broadcast_in_dim3A_44 = vector.shape_cast %reduce_sum3A_43 : vector<128xf32> to vector<1x128xf32>
      %add3A_45 = arith.addf %get3A_40, %broadcast_in_dim3A_44 : vector<1x128xf32>
      %swap3A_46 = arith.constant 1 : index
      %swap3A_47 = arith.constant 0 : index
      %swap3A_48 = vector.load %arg10[%swap3A_46, %swap3A_47] : memref<2x128xf32, #tpu.memory_space<vmem>>, vector<1x128xf32>
      tpu.vector_store %arg10[%swap3A_46, %swap3A_47], %add3A_45 {strides = array<i32>} : memref<2x128xf32, #tpu.memory_space<vmem>>, vector<1x128xf32>,
    } else {
    }
    %eq3A_21 = arith.constant 1 : i32
    %eq3A_22 = arith.cmpi eq, %arg0, %eq3A_21 : i32
    %convert_element_type3A_23 = arith.extui %eq3A_22 : i1 to i32
    %cond3A_24 = arith.constant 0 : i32
    %cond3A_25 = arith.cmpi ne, %convert_element_type3A_23, %cond3A_24 : i32
    scf.if %cond3A_25 {
      %get3A_26 = arith.constant 0 : index
      %get3A_27 = arith.constant 0 : index
      %get3A_28 = vector.load %arg10[%get3A_26, %get3A_27] : memref<2x128xf32, #tpu.memory_space<vmem>>, vector<1x128xf32>
      %mul3A_29 = arith.constant 9.99999974E-5 : f32
      %mul3A_30 = vector.broadcast %mul3A_29 : f32 to vector<1x128xf32>
      %mul3A_31 = arith.mulf %get3A_28, %mul3A_30 : vector<1x128xf32>
      %get3A_32 = arith.constant 1 : index
      %get3A_33 = arith.constant 0 : index
      %get3A_34 = vector.load %arg10[%get3A_32, %get3A_33] : memref<2x128xf32, #tpu.memory_space<vmem>>, vector<1x128xf32>
      %mul3A_35 = arith.constant 9.99999974E-5 : f32
      %mul3A_36 = vector.broadcast %mul3A_35 : f32 to vector<1x128xf32>
      %mul3A_37 = arith.mulf %get3A_34, %mul3A_36 : vector<1x128xf32>
      %mul3A_38 = arith.mulf %mul3A_31, %mul3A_31 : vector<1x128xf32>
      %sub3A = arith.subf %mul3A_37, %mul3A_38 : vector<1x128xf32>
      %get3A_39 = arith.constant 0 : index
      %get3A_40 = arith.constant 0 : index
      %get3A_41 = vector.load %arg6[%get3A_39, %get3A_40] : memref<1x128xf32, #tpu.memory_space<vmem>>, vector<1x128xf32>
      %sub3A_42 = vector.broadcast %mul3A_31 : vector<1x128xf32> to vector<1000x128xf32>
      %sub3A_43 = arith.subf %add3A_18, %sub3A_42 : vector<1000x128xf32>
      %mul3A_44 = vector.broadcast %get3A_41 : vector<1x128xf32> to vector<1000x128xf32>
      %mul3A_45 = arith.mulf %mul3A_44, %sub3A_43 : vector<1000x128xf32>
      %add3A_46 = arith.constant 9.99999974E-6 : f32
      %add3A_47 = vector.broadcast %add3A_46 : f32 to vector<1x128xf32>
      %add3A_48 = arith.addf %sub3A, %add3A_47 : vector<1x128xf32>
      %sqrt3A = math.sqrt %add3A_48 : vector<1x128xf32>
      %div3A = vector.broadcast %sqrt3A : vector<1x128xf32> to vector<1000x128xf32>
      %div3A_49 = arith.divf %mul3A_45, %div3A : vector<1000x128xf32>
      %get3A_50 = arith.constant 0 : index
      %get3A_51 = arith.constant 0 : index
      %get3A_52 = vector.load %arg7[%get3A_50, %get3A_51] : memref<1x128xf32, #tpu.memory_space<vmem>>, vector<1x128xf32>
      %add3A_53 = vector.broadcast %get3A_52 : vector<1x128xf32> to vector<1000x128xf32>
      %add3A_54 = arith.addf %div3A_49, %add3A_53 : vector<1000x128xf32>
      %max3A = arith.constant 0.000000e+00 : f32
      %max3A_55 = vector.broadcast %max3A : f32 to vector<1000x128xf32>
      %max3A_56 = arith.maximumf %add3A_54, %max3A_55 : vector<1000x128xf32>
      %get3A_57 = arith.constant 0 : index
      %get3A_58 = arith.constant 0 : index
      %get3A_59 = vector.load %arg8[%get3A_57, %get3A_58] : memref<128x128xf32, #tpu.memory_space<vmem>>, vector<128x128xf32>
      %dot_general3A = arith.constant dense<0.000000e+00> : vector<1000x128xf32>
      %dot_general3A_60 = tpu.matmul %max3A_56, %get3A_59, %dot_general3A {dimension_numbers = #tpu.dot_dimension_numbers<[1], [0], [0], [1], [0, 0, 1, 1], [], []>, transpose_lhs_hint = false} : vector<1000x128xf32>, vector<128x128xf32>, vector<1000x128xf32> -> vector<1000x128xf32>
      %mul3A_61 = vector.broadcast %slice3A : vector<1000x1xf32> to vector<1000x128xf32>
      %mul3A_62 = arith.mulf %mul3A_61, %dot_general3A_60 : vector<1000x128xf32>
      %swap3A = arith.constant 0 : index
      %swap3A_63 = arith.constant 0 : index
      %swap3A_64 = vector.load %arg9[%swap3A, %swap3A_63] : memref<1000x128xf32, #tpu.memory_space<vmem>>, vector<1000x128xf32>
      tpu.vector_store %arg9[%swap3A, %swap3A_63], %mul3A_62 {strides = array<i32>} : memref<1000x128xf32, #tpu.memory_space<vmem>>, vector<1000x128xf32>,
    } else {
    }
    return
  }
  func.func @transform_0(%arg0: i32, %arg1: i32) -> (i32, i32, i32) {
    %c0_i32 = arith.constant 0 : i32
    %c0_i32_0 = arith.constant 0 : i32
    %c0_i32_1 = arith.constant 0 : i32
    return %c0_i32, %arg1, %c0_i32_0 : i32, i32, i32
  }
  func.func @transform_1(%arg0: i32, %arg1: i32) -> (i32, i32) {
    %c0_i32 = arith.constant 0 : i32
    %c0_i32_0 = arith.constant 0 : i32
    return %arg1, %c0_i32 : i32, i32
  }
  func.func @transform_2(%arg0: i32, %arg1: i32) -> (i32, i32) {
    %c0_i32 = arith.constant 0 : i32
    %c0_i32_0 = arith.constant 0 : i32
    return %arg1, %c0_i32 : i32, i32
  }
  func.func @transform_3(%arg0: i32, %arg1: i32) -> (i32, i32) {
    %c0_i32 = arith.constant 0 : i32
    %c0_i32_0 = arith.constant 0 : i32
    %c0_i32_1 = arith.constant 0 : i32
    return %c0_i32, %c0_i32_0 : i32, i32
  }
  func.func @transform_4(%arg0: i32, %arg1: i32) -> (i32, i32) {
    %c0_i32 = arith.constant 0 : i32
    %c0_i32_0 = arith.constant 0 : i32
    %c0_i32_1 = arith.constant 0 : i32
    return %c0_i32, %c0_i32_0 : i32, i32
  }
  func.func @transform_5(%arg0: i32, %arg1: i32) -> (i32, i32) {
    %c0_i32 = arith.constant 0 : i32
    %c0_i32_0 = arith.constant 0 : i32
    %c0_i32_1 = arith.constant 0 : i32
    return %c0_i32, %c0_i32_0 : i32, i32
  }
  func.func @transform_6(%arg0: i32, %arg1: i32) -> (i32, i32) {
    %c0_i32 = arith.constant 0 : i32
    %c0_i32_0 = arith.constant 0 : i32
    %c0_i32_1 = arith.constant 0 : i32
    return %c0_i32, %c0_i32_0 : i32, i32
  }
  func.func @transform_7(%arg0: i32, %arg1: i32) -> (i32, i32) {
    %c0_i32 = arith.constant 0 : i32
    %c0_i32_0 = arith.constant 0 : i32
    return %arg1, %c0_i32 : i32, i32
  }
}

module attributes {stable_mosaic.version = 14 : i64} {
  func.func @body(%arg0: i32, %arg1: memref<1000x128xf32, #tpu.memory_space<vmem>>, %arg2: memref<128x128xf32, #tpu.memory_space<vmem>>, %arg3: memref<2x1000x128xf32, #tpu.memory_space<vmem>>, %arg4: memref<1000x128xf32, #tpu.memory_space<vmem>>, %arg5: memref<1000x8xf32, #tpu.memory_space<vmem>>) attributes {dimension_semantics = [#tpu.dimension_semantics<arbitrary>], iteration_bounds = array<i64: 10>, scalar_prefetch = 0 : i64, scratch_operands = 0 : i64, tpu.core_type = #tpu.core_type<tc>, window_params = [{transform_indices = @transform_0, window_bounds = array<i64: 1000, 128>}, {pipeline_mode = #tpu.pipeline_mode<synchronous>, transform_indices = @transform_1, window_bounds = array<i64: 128, 128>}, {transform_indices = @transform_2, window_bounds = array<i64: 2, 1000, 128>}, {transform_indices = @transform_3, window_bounds = array<i64: 1000, 128>}, {transform_indices = @transform_4, window_bounds = array<i64: 1000, 8>}]} {
    %get3A = arith.constant 0 : index
    %get3A_0 = arith.constant 0 : index
    %get3A_1 = arith.constant 0 : index
    %get3A_2 = vector.load %arg3[%get3A, %get3A_0, %get3A_1] : memref<2x1000x128xf32, #tpu.memory_space<vmem>>, vector<2x1000x128xf32>
    %slice3A = vector.extract_strided_slice %get3A_2 {offsets = [0, 0, 0], sizes = [1, 1000, 1], strides = [1, 1, 1]} : vector<2x1000x128xf32> to vector<1x1000x1xf32>
    %squeeze3A = vector.shape_cast %slice3A : vector<1x1000x1xf32> to vector<1000x1xf32>
    %slice3A_3 = vector.extract_strided_slice %get3A_2 {offsets = [1, 0, 0], sizes = [1, 1000, 1], strides = [1, 1, 1]} : vector<2x1000x128xf32> to vector<1x1000x1xf32>
    %squeeze3A_4 = vector.shape_cast %slice3A_3 : vector<1x1000x1xf32> to vector<1000x1xf32>
    %add3A = arith.addf %squeeze3A, %squeeze3A_4 : vector<1000x1xf32>
    %add3A_5 = arith.constant 1.000000e+00 : f32
    %add3A_6 = vector.broadcast %add3A_5 : f32 to vector<1000x1xf32>
    %add3A_7 = arith.addf %add3A, %add3A_6 : vector<1000x1xf32>
    %max3A = arith.constant 1.000000e+00 : f32
    %max3A_8 = vector.broadcast %max3A : f32 to vector<1000x1xf32>
    %max3A_9 = arith.maximumf %add3A_7, %max3A_8 : vector<1000x1xf32>
    %sqrt3A = math.sqrt %max3A_9 : vector<1000x1xf32>
    %div3A = arith.constant 1.000000e+00 : f32
    %div3A_10 = vector.broadcast %div3A : f32 to vector<1000x1xf32>
    %div3A_11 = arith.divf %div3A_10, %sqrt3A : vector<1000x1xf32>
    %get3A_12 = arith.constant 0 : index
    %get3A_13 = arith.constant 0 : index
    %get3A_14 = vector.load %arg1[%get3A_12, %get3A_13] : memref<1000x128xf32, #tpu.memory_space<vmem>>, vector<1000x128xf32>
    %get3A_15 = arith.constant 0 : index
    %get3A_16 = arith.constant 0 : index
    %get3A_17 = vector.load %arg2[%get3A_15, %get3A_16] : memref<128x128xf32, #tpu.memory_space<vmem>>, vector<128x128xf32>
    %dot_general3A = arith.constant dense<0.000000e+00> : vector<1000x128xf32>
    %dot_general3A_18 = tpu.matmul %get3A_14, %get3A_17, %dot_general3A {dimension_numbers = #tpu.dot_dimension_numbers<[1], [0], [0], [1], [0, 0, 1, 1], [], []>, transpose_lhs_hint = false} : vector<1000x128xf32>, vector<128x128xf32>, vector<1000x128xf32> -> vector<1000x128xf32>
    %mul3A = vector.broadcast %div3A_11 : vector<1000x1xf32> to vector<1000x128xf32>
    %mul3A_19 = arith.mulf %mul3A, %dot_general3A_18 : vector<1000x128xf32>
    %swap3A = arith.constant 0 : index
    %swap3A_20 = arith.constant 0 : index
    %swap3A_21 = vector.load %arg4[%swap3A, %swap3A_20] : memref<1000x128xf32, #tpu.memory_space<vmem>>, vector<1000x128xf32>
    tpu.vector_store %arg4[%swap3A, %swap3A_20], %mul3A_19 {strides = array<i32>} : memref<1000x128xf32, #tpu.memory_space<vmem>>, vector<1000x128xf32>,
    %broadcast_in_dim3A = vector.shape_cast %div3A_11 : vector<1000x1xf32> to vector<1000x1xf32>
    %broadcast_in_dim3A_22 = vector.broadcast %broadcast_in_dim3A : vector<1000x1xf32> to vector<1000x8xf32>
    %swap3A_23 = arith.constant 0 : index
    %swap3A_24 = arith.constant 0 : index
    %swap3A_25 = vector.load %arg5[%swap3A_23, %swap3A_24] : memref<1000x8xf32, #tpu.memory_space<vmem>>, vector<1000x8xf32>
    tpu.vector_store %arg5[%swap3A_23, %swap3A_24], %broadcast_in_dim3A_22 {strides = array<i32>} : memref<1000x8xf32, #tpu.memory_space<vmem>>, vector<1000x8xf32>,
    return
  }
  func.func @transform_0(%arg0: i32) -> (i32, i32) {
    %c0_i32 = arith.constant 0 : i32
    %c0_i32_0 = arith.constant 0 : i32
    return %arg0, %c0_i32 : i32, i32
  }
  func.func @transform_1(%arg0: i32) -> (i32, i32) {
    %c0_i32 = arith.constant 0 : i32
    %c0_i32_0 = arith.constant 0 : i32
    %c0_i32_1 = arith.constant 0 : i32
    return %c0_i32, %c0_i32_0 : i32, i32
  }
  func.func @transform_2(%arg0: i32) -> (i32, i32, i32) {
    %c0_i32 = arith.constant 0 : i32
    %c0_i32_0 = arith.constant 0 : i32
    %c0_i32_1 = arith.constant 0 : i32
    return %c0_i32, %arg0, %c0_i32_0 : i32, i32, i32
  }
  func.func @transform_3(%arg0: i32) -> (i32, i32) {
    %c0_i32 = arith.constant 0 : i32
    %c0_i32_0 = arith.constant 0 : i32
    return %arg0, %c0_i32 : i32, i32
  }
  func.func @transform_4(%arg0: i32) -> (i32, i32) {
    %c0_i32 = arith.constant 0 : i32
    %c0_i32_0 = arith.constant 0 : i32
    return %arg0, %c0_i32 : i32, i32
  }
}

module attributes {stable_mosaic.version = 14 : i64} {
  func.func @body(%arg0: i32, %arg1: i32, %arg2: memref<2x1000x128xf32, #tpu.memory_space<vmem>>, %arg3: memref<1000x128xf32, #tpu.memory_space<vmem>>, %arg4: memref<1000x8xf32, #tpu.memory_space<vmem>>, %arg5: memref<1x128xf32, #tpu.memory_space<vmem>>, %arg6: memref<1x128xf32, #tpu.memory_space<vmem>>, %arg7: memref<1x128xf32, #tpu.memory_space<vmem>>, %arg8: memref<1x1x1000xi32, #tpu.memory_space<vmem>>, %arg9: memref<64x128xf32, #tpu.memory_space<vmem>>, %arg10: memref<2x128xf32, #tpu.memory_space<vmem>>, %arg11: memref<64x128xf32, #tpu.memory_space<vmem>>, %arg12: memref<64x128xf32, #tpu.memory_space<vmem>>) attributes {dimension_semantics = [#tpu.dimension_semantics<arbitrary>, #tpu.dimension_semantics<arbitrary>], iteration_bounds = array<i64: 2, 10>, scalar_prefetch = 0 : i64, scratch_operands = 3 : i64, tpu.core_type = #tpu.core_type<tc>, window_params = [{transform_indices = @transform_0, window_bounds = array<i64: 2, 1000, 128>}, {transform_indices = @transform_1, window_bounds = array<i64: 1000, 128>}, {transform_indices = @transform_2, window_bounds = array<i64: 1000, 8>}, {pipeline_mode = #tpu.pipeline_mode<synchronous>, transform_indices = @transform_3, window_bounds = array<i64: 1, 128>}, {pipeline_mode = #tpu.pipeline_mode<synchronous>, transform_indices = @transform_4, window_bounds = array<i64: 1, 128>}, {pipeline_mode = #tpu.pipeline_mode<synchronous>, transform_indices = @transform_5, window_bounds = array<i64: 1, 128>}, {transform_indices = @transform_6, window_bounds = array<i64: 1, 1, 1000>}, {pipeline_mode = #tpu.pipeline_mode<synchronous>, transform_indices = @transform_7, window_bounds = array<i64: 64, 128>}]} {
    %get3A = arith.constant 0 : index
    %get3A_0 = arith.constant 0 : index
    %get3A_1 = arith.constant 0 : index
    %get3A_2 = vector.load %arg2[%get3A, %get3A_0, %get3A_1] : memref<2x1000x128xf32, #tpu.memory_space<vmem>>, vector<2x1000x128xf32>
    %get3A_3 = arith.constant 0 : index
    %get3A_4 = arith.constant 0 : index
    %get3A_5 = vector.load %arg4[%get3A_3, %get3A_4] : memref<1000x8xf32, #tpu.memory_space<vmem>>, vector<1000x8xf32>
    %slice3A = vector.extract_strided_slice %get3A_5 {offsets = [0, 0], sizes = [1000, 1], strides = [1, 1]} : vector<1000x8xf32> to vector<1000x1xf32>
    %slice3A_6 = vector.extract_strided_slice %get3A_2 {offsets = [0, 0, 0], sizes = [1, 1000, 128], strides = [1, 1, 1]} : vector<2x1000x128xf32> to vector<1x1000x128xf32>
    %squeeze3A = vector.shape_cast %slice3A_6 : vector<1x1000x128xf32> to vector<1000x128xf32>
    %slice3A_7 = vector.extract_strided_slice %get3A_2 {offsets = [1, 0, 0], sizes = [1, 1000, 128], strides = [1, 1, 1]} : vector<2x1000x128xf32> to vector<1x1000x128xf32>
    %squeeze3A_8 = vector.shape_cast %slice3A_7 : vector<1x1000x128xf32> to vector<1000x128xf32>
    %add3A = arith.addf %squeeze3A, %squeeze3A_8 : vector<1000x128xf32>
    %get3A_9 = arith.constant 0 : index
    %get3A_10 = arith.constant 0 : index
    %get3A_11 = vector.load %arg3[%get3A_9, %get3A_10] : memref<1000x128xf32, #tpu.memory_space<vmem>>, vector<1000x128xf32>
    %add3A_12 = arith.addf %add3A, %get3A_11 : vector<1000x128xf32>
    %mul3A = vector.broadcast %slice3A : vector<1000x1xf32> to vector<1000x128xf32>
    %mul3A_13 = arith.mulf %mul3A, %add3A_12 : vector<1000x128xf32>
    %get3A_14 = arith.constant 0 : index
    %get3A_15 = arith.constant 0 : index
    %get3A_16 = vector.load %arg5[%get3A_14, %get3A_15] : memref<1x128xf32, #tpu.memory_space<vmem>>, vector<1x128xf32>
    %add3A_17 = vector.broadcast %get3A_16 : vector<1x128xf32> to vector<1000x128xf32>
    %add3A_18 = arith.addf %mul3A_13, %add3A_17 : vector<1000x128xf32>
    %eq3A = arith.constant 0 : i32
    %eq3A_19 = arith.cmpi eq, %arg0, %eq3A : i32
    %convert_element_type3A = arith.extui %eq3A_19 : i1 to i32
    %cond3A = arith.constant 0 : i32
    %cond3A_20 = arith.cmpi ne, %convert_element_type3A, %cond3A : i32
    scf.if %cond3A_20 {
      %eq3A_26 = arith.constant 0 : i32
      %eq3A_27 = arith.cmpi eq, %arg1, %eq3A_26 : i32
      %convert_element_type3A_28 = arith.extui %eq3A_27 : i1 to i32
      %cond3A_29 = arith.constant 0 : i32
      %cond3A_30 = arith.cmpi ne, %convert_element_type3A_28, %cond3A_29 : i32
      scf.if %cond3A_30 {
        %broadcast_in_dim3A_49 = arith.constant 0.000000e+00 : f32
        %broadcast_in_dim3A_50 = vector.broadcast %broadcast_in_dim3A_49 : f32 to vector<2x128xf32>
        %swap3A_51 = arith.constant 0 : index
        %swap3A_52 = arith.constant 0 : index
        %swap3A_53 = vector.load %arg10[%swap3A_51, %swap3A_52] : memref<2x128xf32, #tpu.memory_space<vmem>>, vector<2x128xf32>
        tpu.vector_store %arg10[%swap3A_51, %swap3A_52], %broadcast_in_dim3A_50 {strides = array<i32>} : memref<2x128xf32, #tpu.memory_space<vmem>>, vector<2x128xf32>,
      } else {
      }
      %get3A_31 = arith.constant 0 : index
      %get3A_32 = arith.constant 0 : index
      %get3A_33 = vector.load %arg10[%get3A_31, %get3A_32] : memref<2x128xf32, #tpu.memory_space<vmem>>, vector<1x128xf32>
      %reduce_sum3A = arith.constant dense<0.000000e+00> : vector<128xf32>
      %reduce_sum3A_34 = vector.multi_reduction <add>, %add3A_18, %reduce_sum3A [0] : vector<1000x128xf32> to vector<128xf32>
      %broadcast_in_dim3A = vector.shape_cast %reduce_sum3A_34 : vector<128xf32> to vector<1x128xf32>
      %add3A_35 = arith.addf %get3A_33, %broadcast_in_dim3A : vector<1x128xf32>
      %swap3A = arith.constant 0 : index
      %swap3A_36 = arith.constant 0 : index
      %swap3A_37 = vector.load %arg10[%swap3A, %swap3A_36] : memref<2x128xf32, #tpu.memory_space<vmem>>, vector<1x128xf32>
      tpu.vector_store %arg10[%swap3A, %swap3A_36], %add3A_35 {strides = array<i32>} : memref<2x128xf32, #tpu.memory_space<vmem>>, vector<1x128xf32>,
      %get3A_38 = arith.constant 1 : index
      %get3A_39 = arith.constant 0 : index
      %get3A_40 = vector.load %arg10[%get3A_38, %get3A_39] : memref<2x128xf32, #tpu.memory_space<vmem>>, vector<1x128xf32>
      %mul3A_41 = arith.mulf %add3A_18, %add3A_18 : vector<1000x128xf32>
      %reduce_sum3A_42 = arith.constant dense<0.000000e+00> : vector<128xf32>
      %reduce_sum3A_43 = vector.multi_reduction <add>, %mul3A_41, %reduce_sum3A_42 [0] : vector<1000x128xf32> to vector<128xf32>
      %broadcast_in_dim3A_44 = vector.shape_cast %reduce_sum3A_43 : vector<128xf32> to vector<1x128xf32>
      %add3A_45 = arith.addf %get3A_40, %broadcast_in_dim3A_44 : vector<1x128xf32>
      %swap3A_46 = arith.constant 1 : index
      %swap3A_47 = arith.constant 0 : index
      %swap3A_48 = vector.load %arg10[%swap3A_46, %swap3A_47] : memref<2x128xf32, #tpu.memory_space<vmem>>, vector<1x128xf32>
      tpu.vector_store %arg10[%swap3A_46, %swap3A_47], %add3A_45 {strides = array<i32>} : memref<2x128xf32, #tpu.memory_space<vmem>>, vector<1x128xf32>,
    } else {
    }
    %eq3A_21 = arith.constant 1 : i32
    %eq3A_22 = arith.cmpi eq, %arg0, %eq3A_21 : i32
    %convert_element_type3A_23 = arith.extui %eq3A_22 : i1 to i32
    %cond3A_24 = arith.constant 0 : i32
    %cond3A_25 = arith.cmpi ne, %convert_element_type3A_23, %cond3A_24 : i32
    scf.if %cond3A_25 {
      %get3A_26 = arith.constant 0 : index
      %get3A_27 = arith.constant 0 : index
      %get3A_28 = vector.load %arg10[%get3A_26, %get3A_27] : memref<2x128xf32, #tpu.memory_space<vmem>>, vector<1x128xf32>
      %mul3A_29 = arith.constant 9.99999974E-5 : f32
      %mul3A_30 = vector.broadcast %mul3A_29 : f32 to vector<1x128xf32>
      %mul3A_31 = arith.mulf %get3A_28, %mul3A_30 : vector<1x128xf32>
      %get3A_32 = arith.constant 1 : index
      %get3A_33 = arith.constant 0 : index
      %get3A_34 = vector.load %arg10[%get3A_32, %get3A_33] : memref<2x128xf32, #tpu.memory_space<vmem>>, vector<1x128xf32>
      %mul3A_35 = arith.constant 9.99999974E-5 : f32
      %mul3A_36 = vector.broadcast %mul3A_35 : f32 to vector<1x128xf32>
      %mul3A_37 = arith.mulf %get3A_34, %mul3A_36 : vector<1x128xf32>
      %mul3A_38 = arith.mulf %mul3A_31, %mul3A_31 : vector<1x128xf32>
      %sub3A = arith.subf %mul3A_37, %mul3A_38 : vector<1x128xf32>
      %get3A_39 = arith.constant 0 : index
      %get3A_40 = arith.constant 0 : index
      %get3A_41 = vector.load %arg6[%get3A_39, %get3A_40] : memref<1x128xf32, #tpu.memory_space<vmem>>, vector<1x128xf32>
      %sub3A_42 = vector.broadcast %mul3A_31 : vector<1x128xf32> to vector<1000x128xf32>
      %sub3A_43 = arith.subf %add3A_18, %sub3A_42 : vector<1000x128xf32>
      %mul3A_44 = vector.broadcast %get3A_41 : vector<1x128xf32> to vector<1000x128xf32>
      %mul3A_45 = arith.mulf %mul3A_44, %sub3A_43 : vector<1000x128xf32>
      %add3A_46 = arith.constant 9.99999974E-6 : f32
      %add3A_47 = vector.broadcast %add3A_46 : f32 to vector<1x128xf32>
      %add3A_48 = arith.addf %sub3A, %add3A_47 : vector<1x128xf32>
      %sqrt3A = math.sqrt %add3A_48 : vector<1x128xf32>
      %div3A = vector.broadcast %sqrt3A : vector<1x128xf32> to vector<1000x128xf32>
      %div3A_49 = arith.divf %mul3A_45, %div3A : vector<1000x128xf32>
      %get3A_50 = arith.constant 0 : index
      %get3A_51 = arith.constant 0 : index
      %get3A_52 = vector.load %arg7[%get3A_50, %get3A_51] : memref<1x128xf32, #tpu.memory_space<vmem>>, vector<1x128xf32>
      %add3A_53 = vector.broadcast %get3A_52 : vector<1x128xf32> to vector<1000x128xf32>
      %add3A_54 = arith.addf %div3A_49, %add3A_53 : vector<1000x128xf32>
      %max3A = arith.constant 0.000000e+00 : f32
      %max3A_55 = vector.broadcast %max3A : f32 to vector<1000x128xf32>
      %max3A_56 = arith.maximumf %add3A_54, %max3A_55 : vector<1000x128xf32>
      %eq3A_57 = arith.constant 0 : i32
      %eq3A_58 = arith.cmpi eq, %arg1, %eq3A_57 : i32
      %convert_element_type3A_59 = arith.extui %eq3A_58 : i1 to i32
      %cond3A_60 = arith.constant 0 : i32
      %cond3A_61 = arith.cmpi ne, %convert_element_type3A_59, %cond3A_60 : i32
      scf.if %cond3A_61 {
        %broadcast_in_dim3A_94 = arith.constant 0.000000e+00 : f32
        %broadcast_in_dim3A_95 = vector.broadcast %broadcast_in_dim3A_94 : f32 to vector<64x128xf32>
        %swap3A_96 = arith.constant 0 : index
        %swap3A_97 = arith.constant 0 : index
        %swap3A_98 = vector.load %arg11[%swap3A_96, %swap3A_97] : memref<64x128xf32, #tpu.memory_space<vmem>>, vector<64x128xf32>
        tpu.vector_store %arg11[%swap3A_96, %swap3A_97], %broadcast_in_dim3A_95 {strides = array<i32>} : memref<64x128xf32, #tpu.memory_space<vmem>>, vector<64x128xf32>,
        %broadcast_in_dim3A_99 = arith.constant 0.000000e+00 : f32
        %broadcast_in_dim3A_100 = vector.broadcast %broadcast_in_dim3A_99 : f32 to vector<64x128xf32>
        %swap3A_101 = arith.constant 0 : index
        %swap3A_102 = arith.constant 0 : index
        %swap3A_103 = vector.load %arg12[%swap3A_101, %swap3A_102] : memref<64x128xf32, #tpu.memory_space<vmem>>, vector<64x128xf32>
        tpu.vector_store %arg12[%swap3A_101, %swap3A_102], %broadcast_in_dim3A_100 {strides = array<i32>} : memref<64x128xf32, #tpu.memory_space<vmem>>, vector<64x128xf32>,
      } else {
      }
      %get3A_62 = arith.constant 0 : index
      %get3A_63 = arith.constant 0 : index
      %get3A_64 = arith.constant 0 : index
      %get3A_65 = vector.load %arg8[%get3A_62, %get3A_63, %get3A_64] : memref<1x1x1000xi32, #tpu.memory_space<vmem>>, vector<1x1x1000xi32>
      %squeeze3A_66 = vector.shape_cast %get3A_65 : vector<1x1x1000xi32> to vector<1x1000xi32>
      %broadcast_in_dim3A = vector.shape_cast %squeeze3A_66 : vector<1x1000xi32> to vector<1x1000xi32>
      %broadcast_in_dim3A_67 = vector.broadcast %broadcast_in_dim3A : vector<1x1000xi32> to vector<64x1000xi32>
      %iota3A = tpu.iota {dimensions = array<i32: 0>} : vector<64x1000xi32>
      %eq3A_68 = arith.cmpi eq, %iota3A, %broadcast_in_dim3A_67 : vector<64x1000xi32>
      %convert_element_type3A_69 = arith.extui %eq3A_68 : vector<64x1000xi1> to vector<64x1000xi32>
      %convert_element_type3A_70 = arith.sitofp %convert_element_type3A_69 : vector<64x1000xi32> to vector<64x1000xf32>
      %get3A_71 = arith.constant 0 : index
      %get3A_72 = arith.constant 0 : index
      %get3A_73 = vector.load %arg11[%get3A_71, %get3A_72] : memref<64x128xf32, #tpu.memory_space<vmem>>, vector<64x128xf32>
      %dot_general3A = arith.constant dense<0.000000e+00> : vector<64x128xf32>
      %dot_general3A_74 = tpu.matmul %convert_element_type3A_70, %max3A_56, %dot_general3A {dimension_numbers = #tpu.dot_dimension_numbers<[1], [0], [0], [1], [0, 0, 1, 1], [], []>, transpose_lhs_hint = false} : vector<64x1000xf32>, vector<1000x128xf32>, vector<64x128xf32> -> vector<64x128xf32>
      %add3A_75 = arith.addf %get3A_73, %dot_general3A_74 : vector<64x128xf32>
      %swap3A = arith.constant 0 : index
      %swap3A_76 = arith.constant 0 : index
      %swap3A_77 = vector.load %arg11[%swap3A, %swap3A_76] : memref<64x128xf32, #tpu.memory_space<vmem>>, vector<64x128xf32>
      tpu.vector_store %arg11[%swap3A, %swap3A_76], %add3A_75 {strides = array<i32>} : memref<64x128xf32, #tpu.memory_space<vmem>>, vector<64x128xf32>,
      %get3A_78 = arith.constant 0 : index
      %get3A_79 = arith.constant 0 : index
      %get3A_80 = vector.load %arg12[%get3A_78, %get3A_79] : memref<64x128xf32, #tpu.memory_space<vmem>>, vector<64x128xf32>
      %reduce_sum3A = arith.constant dense<0.000000e+00> : vector<64xf32>
      %reduce_sum3A_81 = vector.multi_reduction <add>, %convert_element_type3A_70, %reduce_sum3A [1] : vector<64x1000xf32> to vector<64xf32>
      %broadcast_in_dim3A_82 = vector.shape_cast %reduce_sum3A_81 : vector<64xf32> to vector<64x1xf32>
      %broadcast_in_dim3A_83 = vector.shape_cast %broadcast_in_dim3A_82 : vector<64x1xf32> to vector<64x1xf32>
      %broadcast_in_dim3A_84 = vector.broadcast %broadcast_in_dim3A_83 : vector<64x1xf32> to vector<64x128xf32>
      %add3A_85 = arith.addf %get3A_80, %broadcast_in_dim3A_84 : vector<64x128xf32>
      %swap3A_86 = arith.constant 0 : index
      %swap3A_87 = arith.constant 0 : index
      %swap3A_88 = vector.load %arg12[%swap3A_86, %swap3A_87] : memref<64x128xf32, #tpu.memory_space<vmem>>, vector<64x128xf32>
      tpu.vector_store %arg12[%swap3A_86, %swap3A_87], %add3A_85 {strides = array<i32>} : memref<64x128xf32, #tpu.memory_space<vmem>>, vector<64x128xf32>,
      %eq3A_89 = arith.constant 9 : i32
      %eq3A_90 = arith.cmpi eq, %arg1, %eq3A_89 : i32
      %convert_element_type3A_91 = arith.extui %eq3A_90 : i1 to i32
      %cond3A_92 = arith.constant 0 : i32
      %cond3A_93 = arith.cmpi ne, %convert_element_type3A_91, %cond3A_92 : i32
      scf.if %cond3A_93 {
        %get3A_94 = arith.constant 0 : index
        %get3A_95 = arith.constant 0 : index
        %get3A_96 = vector.load %arg11[%get3A_94, %get3A_95] : memref<64x128xf32, #tpu.memory_space<vmem>>, vector<64x128xf32>
        %get3A_97 = arith.constant 0 : index
        %get3A_98 = arith.constant 0 : index
        %get3A_99 = vector.load %arg12[%get3A_97, %get3A_98] : memref<64x128xf32, #tpu.memory_space<vmem>>, vector<64x128xf32>
        %max3A_100 = arith.constant 1.000000e+00 : f32
        %max3A_101 = vector.broadcast %max3A_100 : f32 to vector<64x128xf32>
        %max3A_102 = arith.maximumf %get3A_99, %max3A_101 : vector<64x128xf32>
        %div3A_103 = arith.divf %get3A_96, %max3A_102 : vector<64x128xf32>
        %swap3A_104 = arith.constant 0 : index
        %swap3A_105 = arith.constant 0 : index
        %swap3A_106 = vector.load %arg9[%swap3A_104, %swap3A_105] : memref<64x128xf32, #tpu.memory_space<vmem>>, vector<64x128xf32>
        tpu.vector_store %arg9[%swap3A_104, %swap3A_105], %div3A_103 {strides = array<i32>} : memref<64x128xf32, #tpu.memory_space<vmem>>, vector<64x128xf32>,
      } else {
      }
    } else {
    }
    return
  }
  func.func @transform_0(%arg0: i32, %arg1: i32) -> (i32, i32, i32) {
    %c0_i32 = arith.constant 0 : i32
    %c0_i32_0 = arith.constant 0 : i32
    %c0_i32_1 = arith.constant 0 : i32
    return %c0_i32, %arg1, %c0_i32_0 : i32, i32, i32
  }
  func.func @transform_1(%arg0: i32, %arg1: i32) -> (i32, i32) {
    %c0_i32 = arith.constant 0 : i32
    %c0_i32_0 = arith.constant 0 : i32
    return %arg1, %c0_i32 : i32, i32
  }
  func.func @transform_2(%arg0: i32, %arg1: i32) -> (i32, i32) {
    %c0_i32 = arith.constant 0 : i32
    %c0_i32_0 = arith.constant 0 : i32
    return %arg1, %c0_i32 : i32, i32
  }
  func.func @transform_3(%arg0: i32, %arg1: i32) -> (i32, i32) {
    %c0_i32 = arith.constant 0 : i32
    %c0_i32_0 = arith.constant 0 : i32
    %c0_i32_1 = arith.constant 0 : i32
    return %c0_i32, %c0_i32_0 : i32, i32
  }
  func.func @transform_4(%arg0: i32, %arg1: i32) -> (i32, i32) {
    %c0_i32 = arith.constant 0 : i32
    %c0_i32_0 = arith.constant 0 : i32
    %c0_i32_1 = arith.constant 0 : i32
    return %c0_i32, %c0_i32_0 : i32, i32
  }
  func.func @transform_5(%arg0: i32, %arg1: i32) -> (i32, i32) {
    %c0_i32 = arith.constant 0 : i32
    %c0_i32_0 = arith.constant 0 : i32
    %c0_i32_1 = arith.constant 0 : i32
    return %c0_i32, %c0_i32_0 : i32, i32
  }
  func.func @transform_6(%arg0: i32, %arg1: i32) -> (i32, i32, i32) {
    %c0_i32 = arith.constant 0 : i32
    %c0_i32_0 = arith.constant 0 : i32
    %c0_i32_1 = arith.constant 0 : i32
    return %arg1, %c0_i32, %c0_i32_0 : i32, i32, i32
  }
  func.func @transform_7(%arg0: i32, %arg1: i32) -> (i32, i32) {
    %c0_i32 = arith.constant 0 : i32
    %c0_i32_0 = arith.constant 0 : i32
    %c0_i32_1 = arith.constant 0 : i32
    return %c0_i32, %c0_i32_0 : i32, i32
  }
}

</mosaic_0001>

<sc_bundles>
// kernel: kernel.10.cloned.1.call-start
scs
__scs_entry_jumppad:
0x0: {  	(pc) =	sbr.rel $0x88, $3  }
0x1: {  	(tag) =	ssettag $0x0;
	lr =	simm.s32 $0x1  }
0x2: {  	[smem:$0x3F92] =	sst lr;
	_ =	strace $0xD0000000  }
0x3: {  	_ = 	snop  }
0x4: {  	_ = 	snop  }
0x5: {  	_ = 	snop  }
0x6: {  	_ = 	snop  }
0x7: {  	_ = 	snop  }
__scs_overlays_trampoline_lowered:
0x8: {  	[smem:$0x3FA1] =	sst s0  }
0x9: {  	[smem:$0x3FA2] =	sst s1  }
0xa: {  	[smem:$0x3FA3] =	sst s2  }
0xb: {  	[smem:$0x3FA4] =	sst s3  }
0xc: {  	[smem:$0x3FA5] =	sst s4  }
0xd: {  	[smem:$0x3FA6] =	sst s5  }
0xe: {  	[smem:$0x3FA7] =	sst s6  }
0xf: {  	[smem:$0x3FA8] =	sst s7  }
0x10: {  	[smem:$0x3FA9] =	sst s8  }
0x11: {  	[smem:$0x3FAA] =	sst s9;
	s0 =	simm.s32 @!p0 $0x0  }
0x12: {  	s1 =	sld [smem:$0x3F90];
	s0 =	simm.s32 @p0 $0x1  }
0x13: {  	[smem:$0x3FAB] =	sst s0;
	s0 =	simm.s32 @!p1 $0x0  }
0x14: {  	s2 =	sld [smem:$0x3F8F];
	s0 =	simm.s32 @p1 $0x1  }
0x15: {  	[smem:$0x3FAC] =	sst s0;
	s0 =	simm.s32 @!p2 $0x0  }
0x16: {  	s3 =	sld [smem:$0x3FDB];
	s0 =	simm.s32 @p2 $0x1  }
0x17: {  	s4 =	simm.s32 $0x1BF5;
	[smem:$0x3FAE] =	sst s0  }
0x18: {  	s0 =	sld [smem:$0x3F91];
	_ =	swait.ge [sflag:s4], $0x0  }
0x19: {  	s7 =	sld [smem:$0x3F92]  }
0x1a: {  	s8 =	sadd.s32 $0xFFFFE003, lr  }
0x1b: {  	s9 =	sadd.s32 $0xFFFFFEF7, lr;
	s5 =	simm.s32 $0xFFFFFFFF;
	p2 =	slt.u32 s8, $0xFFFFF086  }
0x1c: {  	p1 =	slt.u32 s9, $0xF7A;
	s5 =	simm.s32 @!p2 $0x0  }
0x1d: {  	s5 =	simm.s32 @p1 $0x1;
	p0 =	seq.s32 s7, s2  }
0x1e: {  	s7 =	smul.u32 @!p0 $0xF7A, s2;
	p2 =	seq.s32 @!p0 s5, $0x0  }
0x1f: {  	s9 =	smul.u32 $0xF7A, s1;
	s8 =	simm.s32 @!p0 $0x1BF5;
	p2 =	por !p2, p0  }
0x20: {  	[sflag:s8] =	ssyncset.s32 @!p0 $0xFFFFF086;
	s6 =	sadd.s32 @!p0 s3, s7;
	s7 =	simm.s32 @!p0 $0x108  }
0x21: {  	s3 =	sadd.s32 s3, s9;
	s6 =	sadd.s32 @!p0 $0x88, s6;
	s7 =	simm.s32 @p2 $0x1082  }
0x22: {  	[simem:s7], [sflag:s8] =	dma.local @!p0 [hbm:s6], $0xF7A  }
0x23: {  	s9 =	sor.u32 $0xD0000000, s2;
	s6 =	simm.s32 $0x108;
	_ =	swait.ge @!p0 [sflag:s8], $0x0  }
0x24: {  	s3 =	sadd.s32 $0x88, s3;
	s6 =	simm.s32 @!p1 $0x1082;
	[sflag:s4] =	ssyncset.s32 $0xFFFFF086  }
0x25: {  	[simem:s6], [sflag:s4] =	dma.local [hbm:s3], $0xF7A  }
0x26: {  	[smem:$0x3F92] =	sst s1;
	(tag) =	ssettag s2;
	_ =	strace s9  }
0x27: {  	s1 =	sld [smem:$0x3FA2]  }
0x28: {  	s2 =	sld [smem:$0x3FA3]  }
0x29: {  	s4 =	sld [smem:$0x3FA5]  }
0x2a: {  	p0 =	seq.s32 s5, $0x0;
	s5 =	sld [smem:$0x3FA6]  }
0x2b: {  	s6 =	sld [smem:$0x3FA7]  }
0x2c: {  	s7 =	sld [smem:$0x3FA8]  }
0x2d: {  	s3 =	simm.s32 $0x108;
	s8 =	sld [smem:$0x3FA9]  }
0x2e: {  	s3 =	simm.s32 @!p0 $0x1082;
	s9 =	sld [smem:$0x3FAA]  }
0x2f: {  	lr =	sadd.s32 s0, s3;
	s0 =	sld [smem:$0x3FA1]  }
0x30: {  	s3 =	sld [smem:$0x3FA4]  }
0x31: {  	[smem:$0x3FAD] =	sst s10  }
0x32: {  	s10 =	sld [smem:$0x3FAB];
	_ =	sdelay $0x3  }
0x33: {  	p0 =	seq.s32 s10, $0x1;
	s10 =	sld [smem:$0x3FAD];
	_ =	sdelay $0x3  }
0x34: {  	[smem:$0x3FAD] =	sst s10  }
0x35: {  	s10 =	sld [smem:$0x3FAC];
	_ =	sdelay $0x3  }
0x36: {  	p1 =	seq.s32 s10, $0x1;
	s10 =	sld [smem:$0x3FAD];
	_ =	sdelay $0x3  }
0x37: {  	[smem:$0x3FAD] =	sst s10  }
0x38: {  	s10 =	sld [smem:$0x3FAE]  }
0x39: {  	_ = 	snop;
	(pc) =	sbr.ind lr, $3  }
0x3a: {  	_ = 	snop  }
0x3b: {  	_ = 	snop  }
0x3c: {  	p2 =	seq.s32 s10, $0x1;
	s10 =	sld [smem:$0x3FAD]  }
0x3d: {  	_ =	shalt  }
0x3e: {  	_ =	shalt  }
0x3f: {  	_ =	shalt  }
0x40: {  	_ =	shalt  }
0x41: {  	_ =	shalt  }
0x42: {  	_ =	shalt  }
0x43: {  	_ =	shalt  }
0x44: {  	_ =	shalt  }
0x45: {  	_ =	shalt  }
0x46: {  	_ =	shalt  }
0x47: {  	_ =	shalt  }
0x48: {  	_ =	shalt  }
0x49: {  	_ =	shalt  }
0x4a: {  	_ =	shalt  }
0x4b: {  	_ =	shalt  }
0x4c: {  	_ =	shalt  }
0x4d: {  	_ =	shalt  }
0x4e: {  	_ =	shalt  }
0x4f: {  	_ =	shalt  }
0x50: {  	_ =	shalt  }
0x51: {  	_ =	shalt  }
0x52: {  	_ =	shalt  }
0x53: {  	_ =	shalt  }
0x54: {  	_ =	shalt  }
0x55: {  	_ =	shalt  }
0x56: {  	_ =	shalt  }
0x57: {  	_ =	shalt  }
0x58: {  	_ =	shalt  }
0x59: {  	_ =	shalt  }
0x5a: {  	_ =	shalt  }
0x5b: {  	_ =	shalt  }
0x5c: {  	_ =	shalt  }
0x5d: {  	_ =	shalt  }
0x5e: {  	_ =	shalt  }
0x5f: {  	_ =	shalt  }
0x60: {  	_ =	shalt  }
0x61: {  	_ =	shalt  }
0x62: {  	_ =	shalt  }
0x63: {  	_ =	shalt  }
0x64: {  	_ =	shalt  }
0x65: {  	_ =	shalt  }
0x66: {  	_ =	shalt  }
0x67: {  	_ =	shalt  }
0x68: {  	_ =	shalt  }
0x69: {  	_ =	shalt  }
0x6a: {  	_ =	shalt  }
0x6b: {  	_ =	shalt  }
0x6c: {  	_ =	shalt  }
0x6d: {  	_ =	shalt  }
0x6e: {  	_ =	shalt  }
0x6f: {  	_ =	shalt  }
0x70: {  	_ =	shalt  }
0x71: {  	_ =	shalt  }
0x72: {  	_ =	shalt  }
0x73: {  	_ =	shalt  }
0x74: {  	_ =	shalt  }
0x75: {  	_ =	shalt  }
0x76: {  	_ =	shalt  }
0x77: {  	_ =	shalt  }
0x78: {  	_ =	shalt  }
0x79: {  	_ =	shalt  }
0x7a: {  	_ =	shalt  }
0x7b: {  	_ =	shalt  }
0x7c: {  	_ =	shalt  }
0x7d: {  	_ =	shalt  }
0x7e: {  	_ =	shalt  }
0x7f: {  	_ =	shalt  }
0x80: {  	_ =	shalt  }
0x81: {  	_ =	shalt  }
0x82: {  	_ =	shalt  }
0x83: {  	_ =	shalt  }
0x84: {  	_ =	shalt  }
0x85: {  	_ =	shalt  }
0x86: {  	_ =	shalt  }
0x87: {  	_ =	shalt  }
.Lfunc_end0:
.L_simem_size_0:
called_computation_lowered:
.L_overlay_start_0:
0x88: {  	s2 =	sld [smem:$0x3FD9]  }
0x89: {  	s3 =	sld [smem:$0x3FFE];
	_ =	sdelay $0x1  }
0x8a: {  	s1 =	srdreg.scid  }
0x8b: {  	s0 =	sand.u32 $0x1, s1  }
0x8c: {  	s16 =	sshll.u32 s0, $0xA;
	s2 =	sadd.s32 s3, s2  }
0x8d: {  	s2 =	sadd.s32 s2, s16  }
0x8e: {  	[smem:$0x3FB9] =	sst s2  }
0x8f: {  	_ = 	snop  }
0x90: {  	(tm) =	ssettm $0x1  }
0x91: {  	s17 =	sld [smem:$0x3FFB];
	_ =	sdelay $0x3  }
0x92: {  	_ =	strace s17  }
0x93: {  	s2 =	sld [smem:$0x3FFC];
	_ =	sdelay $0x3  }
0x94: {  	_ =	strace s2  }
0x95: {  	s2 =	sld [smem:$0x3FFD];
	_ =	sdelay $0x3  }
0x96: {  	_ =	strace s2  }
0x97: {  	_ =	strace $0x8FFFFFFF  }
0x98: {  	s18 =	sld [smem:$0x3FDB];
	_ =	sdelay $0x1  }
0x99: {  	s19 =	simm.s32 $_scs_section_size  }
0x9a: {  	s4 =	simm.s32 $_size__tile_overlayer_lowered;
	s5 =	simm.s32 $_tile_overlayer_lowered  }
0x9b: {  	s22 =	simm.s32 $0x1BFF;
	s21 =	sshll.u32 s5, $0x1;
	s2 =	sadd.s32 s19, s18  }
0x9c: {  	s6 =	simm.s32 $0x0;
	s20 =	sshll.u32 s4, $0x1;
	s4 =	sadd.s32 s21, s2  }
0x9d: {  	[timem:s6], [sflag:s22] =	dma.local [hbm:s4], s20  }
0x9e: {  	_ =	swait.ge [sflag:s22], s20  }
0x9f: {  	s3 =	ssub.s32 $0x0, s20;
	[sflag:s22] =	ssyncset.done $0x0  }
0xa0: {  	[sflag:s22] =	ssyncadd.s32 s3;
	_ =	sdelay $0x1  }
0xa1: {  	s23 =	simm.s32 $0x1B8B  }
0xa2: {  	_ =	swait.ge [sflag:s23], $0x1  }
0xa3: {  	[sflag:s23] =	ssyncset.done $0x0  }
0xa4: {  	s25 =	simm.s32 $0x1B8E;
	s24 =	sld [smem:$0x3FFE];
	[sflag:s23] =	ssyncadd.s32 $0xFFFFFFFF  }
0xa5: {  	s26 =	simm.s32 $execute0_lowered;
	[smem:$0x3FD2] =	sst s25  }
0xa6: {  	s4 =	sshll.u32 s26, $0x1;
	_ =	strace $0x80000046;
	[dreg:$0x1] =	wrdreg $0xFFFFFFFF  }
0xa7: {  	s28 =	simm.s32 $_size_execute0_lowered;
	s2 =	sadd.s32 s2, s4;
	[dreg:$0x0] =	wrdreg $0x0  }
0xa8: {  	s4 =	sshll.u32 s28, $0x1;
	[dreg:$0x2] =	wrdreg s2  }
0xa9: {  	[dreg:$0x3] =	wrdreg s4  }
0xaa: {  	[dreg:$0x4] =	wrdreg $0xC0  }
0xab: {  	_ =	task [dreg:s6], $0x5FFFF  }
0xac: {  	[dreg:$0x1] =	wrdreg $0xFFFFFFFF  }
0xad: {  	[dreg:$0x0] =	wrdreg $0x60  }
0xae: {  	[dreg:$0x2] =	wrdreg s24  }
0xaf: {  	[dreg:$0x3] =	wrdreg $0x60000  }
0xb0: {  	[dreg:$0x4] =	wrdreg $0x9  }
0xb1: {  	_ =	task.clear_ibuf [dreg:s6], $0x5FFFF;
	_ =	strace $0x90000046  }
0xb2: {  	s29 =	simm.s32 $0x9;
	_ =	strace $0x80000048  }
0xb3: {  	_ =	swait.ge [sflag:s29], $0x1  }
0xb4: {  	[sflag:s29] =	ssyncadd.s32 $0xFFFFFFFF  }
0xb5: {  	_ =	strace $0x90000048  }
0xb6: {  	_ =	sfence  }
0xb7: {  	s30 =	sld [smem:$0x0];
	_ =	sdelay $0x2  }
0xb8: {  	s31 =	sshll.u32 s1, $0xD;
	s1 =	sshrl.u32 s1, $0x2  }
0xb9: {  	s3 =	sand.u32 $0x4000, s31;
	s1 =	sadd.s32 s1, s30  }
0xba: {  	s0 =	sor.u32 s3, s0;
	s1 =	sshll.u32 s1, $0x11  }
0xbb: {  	s0 =	sor.u32 s1, s0  }
0xbc: {  	s0 =	sadd.s32 $0x8F2B, s0  }
0xbd: {  	[sflag:s0] =	ssyncadd.remote.s32 $0x1  }
0xbe: {  	_ =	sfence.sel $0xFFFF  }
0xbf: {  	[dreg:$0x0] =	wrdreg $0xFFFFFFFF;
	(pc) =	sbr.abs _section_cstart, $3  }
0xc0: {  	[dreg:$0x1] =	wrdreg $0xFFFFFFFF  }
0xc1: {  	_ =	task.clear_ibuf [dreg:s6], $0x2FFFF;
	_ =	strace $0x9FFFFFFF  }
0xc2: {  	(tm) =	ssettm $0x7FFFFFFF  }
0xc3: {  	_ =	shalt  }
tec
execute0_lowered:
.L_overlay_start_1:
0x0: {  	(tag) =	ssettag $0x1  }
0x1: {  	s0 =	srdreg.scid  }
0x2: {  	s7 =	stileid.u32;
	s1 =	rddreg [dreg:$0x0]  }
0x3: {  	s2 =	rddreg [dreg:$0x1];
	s3 =	simm.s32 $0x0;
	s25 =	simm.s32 $0x80  }
0x4: {  	s26 =	simm.s32 $0x100;
	s28 =	simm.s32 $0x600;
	s29 =	simm.s32 $0x680  }
0x5: {  	s30 =	simm.s32 $0x700;
	s31 =	simm.s32 $0x780;
	s8 =	simm.s32 $0xA80  }
0x6: {  	s9 =	simm.s32 $0xB00;
	s10 =	simm.s32 $0xB80;
	s4 =	smul.u32 $0xA000, s7  }
0x7: {  	s11 =	simm.s32 $0xC00;
	s12 =	simm.s32 $0x1;
	s13 =	smul.u32 $0x13C00, s7  }
0x8: {  	s0 =	sand.u32 $0x1, s0;
	[smem:$0x7FF] =	sst s3;
	s7 =	smul.u32 $0x4F000, s7  }
0x9: {  	s5 =	smul.u32 $0x5000, s0;
	_ =	strace $0x80000047;
	[dreg:$0x4] =	wrdreg s25  }
0xa: {  	s6 =	smul.u32 $0x13C000, s0;
	s0 =	ssub.s32 $0x2, s0;
	[dreg:$0x5] =	wrdreg s26  }
0xb: {  	s25 =	simm.s32 $0x500;
	s26 =	simm.s32 $0x580;
	s14 =	sshrl.u32 s7, $0x2  }
0xc: {  	s15 =	sshrl.u32 s0, $0x1;
	s7 =	simm.s32 $0xA00;
	s18 =	sadd.s32 s14, s2  }
0xd: {  	s4 =	sadd.s32 s5, s4;
	s16 =	sadd.s32 $0x2800, s18;
	[dreg:$0x6] =	wrdreg s18  }
0xe: {  	s5 =	sadd.s32 s13, s6;
	s17 =	sadd.s32 $0x5000, s18;
	[dreg:$0x7] =	wrdreg s16  }
0xf: {  	s0 =	ssub.s32 s0, s15;
	s19 =	sadd.s32 $0x7800, s18;
	[dreg:$0x8] =	wrdreg s17  }
0x10: {  	s15 =	simm.s32 $0x2;
	s20 =	sadd.s32 $0xA000, s18;
	[dreg:$0x9] =	wrdreg s19  }
0x11: {  	s6 =	simm.s32 $0x980;
	s21 =	sadd.s32 $0xC800, s18;
	[dreg:$0xa] =	wrdreg s20  }
0x12: {  	s13 =	simm.s32 $0x0;
	s22 =	sadd.s32 $0xF000, s18;
	[dreg:$0xb] =	wrdreg s21  }
0x13: {  	s4 =	sshrl.u32 s4, $0x3;
	s23 =	sadd.s32 $0x11800, s18;
	[dreg:$0xc] =	wrdreg s22  }
0x14: {  	s5 =	sshrl.u32 s5, $0x3;
	s0 =	smax.u32 s0, $0x1;
	[dreg:$0xd] =	wrdreg s23  }
0x15: {  	s4 =	sadd.s32 s4, s1;
	s1 =	sadd.s32 s5, s1;
	[dreg:$0xf] =	wrdreg s0  }
0x16: {  	s16 =	simm.s32 $0x50;
	s17 =	simm.s32 $0x1000;
	s19 =	simm.s32 $0x200  }
0x17: {  	s20 =	simm.s32 $0x280;
	s21 =	simm.s32 $0x300;
	s22 =	simm.s32 $0x380  }
0x18: {  	s23 =	simm.s32 $0x400;
	s0 =	simm.s32 $0x880;
	s1 =	sadd.s32 $0x18000, s1  }
0x19: {  	s5 =	simm.s32 $0x900;
	s24 =	sadd.s32 $0x4000, s4;
	[dreg:$0xe] =	wrdreg s1  }
0x1a: {  	v0 =	vimm.f32 $1.000000000e+00;
	v1 =	vimm.f32 $0.0e+00;
	[dreg:$0x3] =	wrdreg s24;
	s24 =	simm.s32 $0x480;
	s1 =	simm.s32 $0x800  }
.LBB2_1:
0x1b: {  	s4 =	simm.s32 $0x0;
	s14 =	simm.s32 $0x200  }
.LBB2_2:
0x1c: {  	p0 =	sne.s32 s14, $0x9E00;
	[tilespmem:s4+$0x1070] =	vst v0  }
0x1d: {  	[tilespmem:s4+$0x1000] =	vst v0  }
0x1e: {  	[tilespmem:s4+$0x1010] =	vst v0  }
.Ltmp0:
0x1f: {  	[tilespmem:s4+$0x1020] =	vst v0;
	(pc) =	sbr.rel @p0 .LBB2_2-.Ltmp0, $4  }
0x20: {  	[tilespmem:s4+$0x1030] =	vst v0  }
0x21: {  	[tilespmem:s4+$0x1040] =	vst v0  }
0x22: {  	[tilespmem:s4+$0x1050] =	vst v0  }
0x23: {  	[tilespmem:s4+$0x1060] =	vst v0;
	s4 =	sshra.s32 s14, $0x2;
	s14 =	sadd.s32 $0x200, s14  }
0x24: {  	[tilespmem:s4+$0x1070] =	vst v0  }
0x25: {  	[tilespmem:s4+$0x1000] =	vst v0  }
0x26: {  	[tilespmem:s4+$0x1010] =	vst v0  }
0x27: {  	[tilespmem:s4+$0x1020] =	vst v0  }
0x28: {  	[tilespmem:s4+$0x1030] =	vst v0  }
0x29: {  	[tilespmem:s4+$0x1040] =	vst v0  }
0x2a: {  	[tilespmem:s4+$0x1050] =	vst v0  }
0x2b: {  	[dreg:$0x10] =	wrdreg s13;
	[tilespmem:s4+$0x1060] =	vst v0;
	s4 =	simm.s32 $0x0;
	s14 =	simm.s32 $0x200  }
.LBB2_4:
0x2c: {  	p0 =	sne.s32 s14, $0x9E00;
	[tilespmem:s4+$0x3870] =	vst v1  }
0x2d: {  	[tilespmem:s4+$0x3800] =	vst v1  }
0x2e: {  	[tilespmem:s4+$0x3810] =	vst v1  }
.Ltmp1:
0x2f: {  	[tilespmem:s4+$0x3820] =	vst v1;
	(pc) =	sbr.rel @p0 .LBB2_4-.Ltmp1, $4  }
0x30: {  	[tilespmem:s4+$0x3830] =	vst v1  }
0x31: {  	[tilespmem:s4+$0x3840] =	vst v1  }
0x32: {  	[tilespmem:s4+$0x3850] =	vst v1  }
0x33: {  	[tilespmem:s4+$0x3860] =	vst v1;
	s4 =	sshra.s32 s14, $0x2;
	s14 =	sadd.s32 $0x200, s14  }
0x34: {  	[tilespmem:s4+$0x3870] =	vst v1  }
0x35: {  	[tilespmem:s4+$0x3800] =	vst v1  }
0x36: {  	[tilespmem:s4+$0x3810] =	vst v1  }
0x37: {  	[tilespmem:s4+$0x3820] =	vst v1  }
0x38: {  	[tilespmem:s4+$0x3830] =	vst v1  }
0x39: {  	[tilespmem:s4+$0x3840] =	vst v1  }
0x3a: {  	[tilespmem:s4+$0x3850] =	vst v1  }
0x3b: {  	[tilespmem:s4+$0x3860] =	vst v1;
	s13 =	simm.s32 $0x3800  }
0x3c: {  	[spmem:s18] =	stream.linear.scatter [tilespmem:s13], [sflag:$0x2], $0x2800, $0x38;
	[tilespmem:$0x19C00] =	vst v63  }
0x3d: {  	_ =	swait.ge [sflag:s15], $0x2800  }
0x3e: {  	[sflag:s15] =	ssyncset.done $0x0  }
0x3f: {  	s14 =	rddreg [dreg:$0x7];
	[sflag:s15] =	ssyncadd.s32 $0xFFFFD800  }
0x40: {  	[spmem:s14] =	stream.linear.scatter [tilespmem:s13], [sflag:$0x2], $0x2800, $0x38;
	[tilespmem:$0x19C00] =	vst v63  }
0x41: {  	_ =	swait.ge [sflag:s15], $0x2800  }
0x42: {  	[sflag:s15] =	ssyncset.done $0x0  }
0x43: {  	s18 =	rddreg [dreg:$0x8];
	[sflag:s15] =	ssyncadd.s32 $0xFFFFD800  }
0x44: {  	[spmem:s18] =	stream.linear.scatter [tilespmem:s13], [sflag:$0x2], $0x2800, $0x38;
	[tilespmem:$0x19C00] =	vst v63  }
0x45: {  	_ =	swait.ge [sflag:s15], $0x2800  }
0x46: {  	[sflag:s15] =	ssyncset.done $0x0  }
0x47: {  	s14 =	rddreg [dreg:$0x9];
	[sflag:s15] =	ssyncadd.s32 $0xFFFFD800  }
0x48: {  	[spmem:s14] =	stream.linear.scatter [tilespmem:s13], [sflag:$0x2], $0x2800, $0x38;
	[tilespmem:$0x19C00] =	vst v63  }
0x49: {  	_ =	swait.ge [sflag:s15], $0x2800  }
0x4a: {  	[sflag:s15] =	ssyncset.done $0x0  }
0x4b: {  	s18 =	rddreg [dreg:$0xa];
	[sflag:s15] =	ssyncadd.s32 $0xFFFFD800  }
0x4c: {  	[spmem:s18] =	stream.linear.scatter [tilespmem:s13], [sflag:$0x2], $0x2800, $0x38;
	[tilespmem:$0x19C00] =	vst v63  }
0x4d: {  	_ =	swait.ge [sflag:s15], $0x2800  }
0x4e: {  	[sflag:s15] =	ssyncset.done $0x0  }
0x4f: {  	s14 =	rddreg [dreg:$0xb];
	[sflag:s15] =	ssyncadd.s32 $0xFFFFD800  }
0x50: {  	[spmem:s14] =	stream.linear.scatter [tilespmem:s13], [sflag:$0x2], $0x2800, $0x38;
	[tilespmem:$0x19C00] =	vst v63  }
0x51: {  	_ =	swait.ge [sflag:s15], $0x2800  }
0x52: {  	[sflag:s15] =	ssyncset.done $0x0  }
0x53: {  	s18 =	rddreg [dreg:$0xc];
	[sflag:s15] =	ssyncadd.s32 $0xFFFFD800  }
0x54: {  	[spmem:s18] =	stream.linear.scatter [tilespmem:s13], [sflag:$0x2], $0x2800, $0x38;
	[tilespmem:$0x19C00] =	vst v63  }
0x55: {  	_ =	swait.ge [sflag:s15], $0x2800  }
0x56: {  	[sflag:s15] =	ssyncset.done $0x0  }
0x57: {  	s14 =	rddreg [dreg:$0xd];
	[sflag:s15] =	ssyncadd.s32 $0xFFFFD800  }
0x58: {  	[spmem:s14] =	stream.linear.scatter [tilespmem:s13], [sflag:$0x2], $0x2400, $0x38;
	[tilespmem:$0x19C00] =	vst v63  }
0x59: {  	_ =	swait.ge [sflag:s15], $0x2400  }
0x5a: {  	[sflag:s15] =	ssyncset.done $0x0  }
0x5b: {  	[sflag:s15] =	ssyncadd.s32 $0xFFFFDC00  }
0x5c: {  	[bflag:$0x0] =	sbarrier.arrive $0xFFFF  }
0x5d: {  	s18 =	rddreg [dreg:$0x3]  }
0x5e: {  	s4 =	sadd.s32 $0x0, s18  }
0x5f: {  	[tilespmem:s3], [sflag:$0x2] =	stream.linear.gather [hbm4b:s4+s3], $0xC80, $0x38;
	[tilespmem:$0x19C00] =	vst v63  }
0x60: {  	_ =	swait.ge [sflag:s15], $0xC80  }
0x61: {  	[sflag:s15] =	ssyncset.done $0x0  }
0x62: {  	[sflag:s15] =	ssyncadd.s32 $0xFFFFF380  }
0x63: {  	[spmem:s2] =	stream.indirect.scatter.add.f32 [tilespmem:s17], [sflag:$0x1], $0x80, s3, s16, $0xb8;
	[tilespmem:$0x19C00] =	vst v63  }
0x64: {  	s13 =	rddreg [dreg:$0x4]  }
0x65: {  	[spmem:s2] =	stream.indirect.scatter.add.f32 [tilespmem:s17], [sflag:$0x1], $0x80, s13, s16, $0xb8;
	[tilespmem:$0x19C00] =	vst v63  }
0x66: {  	s14 =	rddreg [dreg:$0x5]  }
0x67: {  	[spmem:s2] =	stream.indirect.scatter.add.f32 [tilespmem:s17], [sflag:$0x1], $0x80, s14, s16, $0xb8;
	[tilespmem:$0x19C00] =	vst v63  }
0x68: {  	s18 =	simm.s32 $0x180  }
0x69: {  	[spmem:s2] =	stream.indirect.scatter.add.f32 [tilespmem:s17], [sflag:$0x1], $0x80, s18, s16, $0xb8;
	[tilespmem:$0x19C00] =	vst v63  }
0x6a: {  	_ = 	snop  }
0x6b: {  	[spmem:s2] =	stream.indirect.scatter.add.f32 [tilespmem:s17], [sflag:$0x1], $0x80, s19, s16, $0xb8;
	[tilespmem:$0x19C00] =	vst v63  }
0x6c: {  	_ = 	snop  }
0x6d: {  	[spmem:s2] =	stream.indirect.scatter.add.f32 [tilespmem:s17], [sflag:$0x1], $0x80, s20, s16, $0xb8;
	[tilespmem:$0x19C00] =	vst v63  }
0x6e: {  	_ = 	snop  }
0x6f: {  	[spmem:s2] =	stream.indirect.scatter.add.f32 [tilespmem:s17], [sflag:$0x1], $0x80, s21, s16, $0xb8;
	[tilespmem:$0x19C00] =	vst v63  }
0x70: {  	_ = 	snop  }
0x71: {  	[spmem:s2] =	stream.indirect.scatter.add.f32 [tilespmem:s17], [sflag:$0x1], $0x80, s22, s16, $0xb8;
	[tilespmem:$0x19C00] =	vst v63  }
0x72: {  	_ = 	snop  }
0x73: {  	[spmem:s2] =	stream.indirect.scatter.add.f32 [tilespmem:s17], [sflag:$0x1], $0x80, s23, s16, $0xb8;
	[tilespmem:$0x19C00] =	vst v63  }
0x74: {  	_ = 	snop  }
0x75: {  	[spmem:s2] =	stream.indirect.scatter.add.f32 [tilespmem:s17], [sflag:$0x1], $0x80, s24, s16, $0xb8;
	[tilespmem:$0x19C00] =	vst v63  }
0x76: {  	_ = 	snop  }
0x77: {  	[spmem:s2] =	stream.indirect.scatter.add.f32 [tilespmem:s17], [sflag:$0x1], $0x80, s25, s16, $0xb8;
	[tilespmem:$0x19C00] =	vst v63  }
0x78: {  	_ = 	snop  }
0x79: {  	[spmem:s2] =	stream.indirect.scatter.add.f32 [tilespmem:s17], [sflag:$0x1], $0x80, s26, s16, $0xb8;
	[tilespmem:$0x19C00] =	vst v63  }
0x7a: {  	_ = 	snop  }
0x7b: {  	[spmem:s2] =	stream.indirect.scatter.add.f32 [tilespmem:s17], [sflag:$0x1], $0x80, s28, s16, $0xb8;
	[tilespmem:$0x19C00] =	vst v63  }
0x7c: {  	_ = 	snop  }
0x7d: {  	[spmem:s2] =	stream.indirect.scatter.add.f32 [tilespmem:s17], [sflag:$0x1], $0x80, s29, s16, $0xb8;
	[tilespmem:$0x19C00] =	vst v63  }
0x7e: {  	_ = 	snop  }
0x7f: {  	[spmem:s2] =	stream.indirect.scatter.add.f32 [tilespmem:s17], [sflag:$0x1], $0x80, s30, s16, $0xb8;
	[tilespmem:$0x19C00] =	vst v63  }
0x80: {  	_ = 	snop  }
0x81: {  	[spmem:s2] =	stream.indirect.scatter.add.f32 [tilespmem:s17], [sflag:$0x1], $0x80, s31, s16, $0xb8;
	[tilespmem:$0x19C00] =	vst v63  }
0x82: {  	_ = 	snop  }
0x83: {  	[spmem:s2] =	stream.indirect.scatter.add.f32 [tilespmem:s17], [sflag:$0x1], $0x80, s1, s16, $0xb8;
	[tilespmem:$0x19C00] =	vst v63  }
0x84: {  	_ = 	snop  }
0x85: {  	[spmem:s2] =	stream.indirect.scatter.add.f32 [tilespmem:s17], [sflag:$0x1], $0x80, s0, s16, $0xb8;
	[tilespmem:$0x19C00] =	vst v63  }
0x86: {  	_ = 	snop  }
0x87: {  	[spmem:s2] =	stream.indirect.scatter.add.f32 [tilespmem:s17], [sflag:$0x1], $0x80, s5, s16, $0xb8;
	[tilespmem:$0x19C00] =	vst v63  }
0x88: {  	_ = 	snop  }
0x89: {  	[spmem:s2] =	stream.indirect.scatter.add.f32 [tilespmem:s17], [sflag:$0x1], $0x80, s6, s16, $0xb8;
	[tilespmem:$0x19C00] =	vst v63  }
0x8a: {  	_ = 	snop  }
0x8b: {  	[spmem:s2] =	stream.indirect.scatter.add.f32 [tilespmem:s17], [sflag:$0x1], $0x80, s7, s16, $0xb8;
	[tilespmem:$0x19C00] =	vst v63  }
0x8c: {  	_ = 	snop  }
0x8d: {  	[spmem:s2] =	stream.indirect.scatter.add.f32 [tilespmem:s17], [sflag:$0x1], $0x80, s8, s16, $0xb8;
	[tilespmem:$0x19C00] =	vst v63  }
0x8e: {  	_ = 	snop  }
0x8f: {  	[spmem:s2] =	stream.indirect.scatter.add.f32 [tilespmem:s17], [sflag:$0x1], $0x80, s9, s16, $0xb8;
	[tilespmem:$0x19C00] =	vst v63  }
0x90: {  	_ = 	snop  }
0x91: {  	[spmem:s2] =	stream.indirect.scatter.add.f32 [tilespmem:s17], [sflag:$0x1], $0x80, s10, s16, $0xb8;
	[tilespmem:$0x19C00] =	vst v63  }
0x92: {  	_ = 	snop  }
0x93: {  	[spmem:s2] =	stream.indirect.scatter.add.f32 [tilespmem:s17], [sflag:$0x1], $0x80, s11, s16, $0xb8;
	[tilespmem:$0x19C00] =	vst v63  }
0x94: {  	_ =	swait.ge [sflag:s12], $0x2800  }
0x95: {  	[sflag:s12] =	ssyncset.done $0x0  }
0x96: {  	[sflag:s12] =	ssyncadd.s32 $0xFFFFD800  }
0x97: {  	_ =	swait.ge [sflag:s12], $0x2800  }
0x98: {  	[sflag:s12] =	ssyncset.done $0x0  }
0x99: {  	[sflag:s12] =	ssyncadd.s32 $0xFFFFD800  }
0x9a: {  	_ =	swait.ge [sflag:s12], $0x2800  }
0x9b: {  	[sflag:s12] =	ssyncset.done $0x0  }
0x9c: {  	[sflag:s12] =	ssyncadd.s32 $0xFFFFD800  }
0x9d: {  	_ =	swait.ge [sflag:s12], $0x2800  }
0x9e: {  	[sflag:s12] =	ssyncset.done $0x0  }
0x9f: {  	[sflag:s12] =	ssyncadd.s32 $0xFFFFD800  }
0xa0: {  	_ =	swait.ge [sflag:s12], $0x2800  }
0xa1: {  	[sflag:s12] =	ssyncset.done $0x0  }
0xa2: {  	[sflag:s12] =	ssyncadd.s32 $0xFFFFD800  }
0xa3: {  	_ =	swait.ge [sflag:s12], $0x2800  }
0xa4: {  	[sflag:s12] =	ssyncset.done $0x0  }
0xa5: {  	[sflag:s12] =	ssyncadd.s32 $0xFFFFD800  }
0xa6: {  	_ =	swait.ge [sflag:s12], $0x2800  }
0xa7: {  	[sflag:s12] =	ssyncset.done $0x0  }
0xa8: {  	[sflag:s12] =	ssyncadd.s32 $0xFFFFD800  }
0xa9: {  	_ =	swait.ge [sflag:s12], $0x2800  }
0xaa: {  	[sflag:s12] =	ssyncset.done $0x0  }
0xab: {  	[sflag:s12] =	ssyncadd.s32 $0xFFFFD800  }
0xac: {  	_ =	swait.ge [sflag:s12], $0x2800  }
0xad: {  	[sflag:s12] =	ssyncset.done $0x0  }
0xae: {  	[sflag:s12] =	ssyncadd.s32 $0xFFFFD800  }
0xaf: {  	_ =	swait.ge [sflag:s12], $0x2800  }
0xb0: {  	[sflag:s12] =	ssyncset.done $0x0  }
0xb1: {  	[sflag:s12] =	ssyncadd.s32 $0xFFFFD800  }
0xb2: {  	_ =	swait.ge [sflag:s12], $0x2800  }
0xb3: {  	[sflag:s12] =	ssyncset.done $0x0  }
0xb4: {  	[sflag:s12] =	ssyncadd.s32 $0xFFFFD800  }
0xb5: {  	_ =	swait.ge [sflag:s12], $0x2800  }
0xb6: {  	[sflag:s12] =	ssyncset.done $0x0  }
0xb7: {  	[sflag:s12] =	ssyncadd.s32 $0xFFFFD800  }
0xb8: {  	_ =	swait.ge [sflag:s12], $0x2800  }
0xb9: {  	[sflag:s12] =	ssyncset.done $0x0  }
0xba: {  	[sflag:s12] =	ssyncadd.s32 $0xFFFFD800  }
0xbb: {  	_ =	swait.ge [sflag:s12], $0x2800  }
0xbc: {  	[sflag:s12] =	ssyncset.done $0x0  }
0xbd: {  	[sflag:s12] =	ssyncadd.s32 $0xFFFFD800  }
0xbe: {  	_ =	swait.ge [sflag:s12], $0x2800  }
0xbf: {  	[sflag:s12] =	ssyncset.done $0x0  }
0xc0: {  	[sflag:s12] =	ssyncadd.s32 $0xFFFFD800  }
0xc1: {  	_ =	swait.ge [sflag:s12], $0x2800  }
0xc2: {  	[sflag:s12] =	ssyncset.done $0x0  }
0xc3: {  	[sflag:s12] =	ssyncadd.s32 $0xFFFFD800  }
0xc4: {  	_ =	swait.ge [sflag:s12], $0x2800  }
0xc5: {  	[sflag:s12] =	ssyncset.done $0x0  }
0xc6: {  	[sflag:s12] =	ssyncadd.s32 $0xFFFFD800  }
0xc7: {  	_ =	swait.ge [sflag:s12], $0x2800  }
0xc8: {  	[sflag:s12] =	ssyncset.done $0x0  }
0xc9: {  	[sflag:s12] =	ssyncadd.s32 $0xFFFFD800  }
0xca: {  	_ =	swait.ge [sflag:s12], $0x2800  }
0xcb: {  	[sflag:s12] =	ssyncset.done $0x0  }
0xcc: {  	[sflag:s12] =	ssyncadd.s32 $0xFFFFD800  }
0xcd: {  	_ =	swait.ge [sflag:s12], $0x2800  }
0xce: {  	[sflag:s12] =	ssyncset.done $0x0  }
0xcf: {  	[sflag:s12] =	ssyncadd.s32 $0xFFFFD800  }
0xd0: {  	_ =	swait.ge [sflag:s12], $0x2800  }
0xd1: {  	[sflag:s12] =	ssyncset.done $0x0  }
0xd2: {  	[sflag:s12] =	ssyncadd.s32 $0xFFFFD800  }
0xd3: {  	_ =	swait.ge [sflag:s12], $0x2800  }
0xd4: {  	[sflag:s12] =	ssyncset.done $0x0  }
0xd5: {  	[sflag:s12] =	ssyncadd.s32 $0xFFFFD800  }
0xd6: {  	_ =	swait.ge [sflag:s12], $0x2800  }
0xd7: {  	[sflag:s12] =	ssyncset.done $0x0  }
0xd8: {  	[sflag:s12] =	ssyncadd.s32 $0xFFFFD800  }
0xd9: {  	_ =	swait.ge [sflag:s12], $0x2800  }
0xda: {  	[sflag:s12] =	ssyncset.done $0x0  }
0xdb: {  	[sflag:s12] =	ssyncadd.s32 $0xFFFFD800  }
0xdc: {  	s4 =	simm.s32 $0x200;
	_ =	swait.ge [sflag:s12], $0x2800  }
0xdd: {  	s14 =	simm.s32 $0x400;
	s13 =	rddreg [dreg:$0x3];
	[sflag:s12] =	ssyncset.done $0x0  }
.LBB2_6:
0xde: {  	[sflag:s12] =	ssyncadd.s32 $0xFFFFD800;
	s13 =	sadd.s32 s4, s13  }
0xdf: {  	[tilespmem:s3], [sflag:$0x2] =	stream.linear.gather [hbm4b:s13+s3], $0xC80, $0x38;
	[tilespmem:$0x19C00] =	vst v63  }
0xe0: {  	_ =	swait.ge [sflag:s15], $0xC80  }
0xe1: {  	[sflag:s15] =	ssyncset.done $0x0  }
0xe2: {  	[sflag:s15] =	ssyncadd.s32 $0xFFFFF380  }
0xe3: {  	[spmem:s2] =	stream.indirect.scatter.add.f32 [tilespmem:s17], [sflag:$0x1], $0x80, s3, s16, $0xb8;
	[tilespmem:$0x19C00] =	vst v63  }
0xe4: {  	s18 =	smov.u32 s14;
	s13 =	rddreg [dreg:$0x4]  }
0xe5: {  	[spmem:s2] =	stream.indirect.scatter.add.f32 [tilespmem:s17], [sflag:$0x1], $0x80, s13, s16, $0xb8;
	[tilespmem:$0x19C00] =	vst v63  }
0xe6: {  	s4 =	smov.u32 s18;
	s18 =	rddreg [dreg:$0x5]  }
0xe7: {  	[spmem:s2] =	stream.indirect.scatter.add.f32 [tilespmem:s17], [sflag:$0x1], $0x80, s18, s16, $0xb8;
	[tilespmem:$0x19C00] =	vst v63  }
0xe8: {  	s18 =	simm.s32 $0x180  }
0xe9: {  	[spmem:s2] =	stream.indirect.scatter.add.f32 [tilespmem:s17], [sflag:$0x1], $0x80, s18, s16, $0xb8;
	[tilespmem:$0x19C00] =	vst v63  }
0xea: {  	_ = 	snop  }
0xeb: {  	[spmem:s2] =	stream.indirect.scatter.add.f32 [tilespmem:s17], [sflag:$0x1], $0x80, s19, s16, $0xb8;
	[tilespmem:$0x19C00] =	vst v63  }
0xec: {  	_ = 	snop  }
0xed: {  	[spmem:s2] =	stream.indirect.scatter.add.f32 [tilespmem:s17], [sflag:$0x1], $0x80, s20, s16, $0xb8;
	[tilespmem:$0x19C00] =	vst v63  }
0xee: {  	_ = 	snop  }
0xef: {  	[spmem:s2] =	stream.indirect.scatter.add.f32 [tilespmem:s17], [sflag:$0x1], $0x80, s21, s16, $0xb8;
	[tilespmem:$0x19C00] =	vst v63  }
0xf0: {  	_ = 	snop  }
0xf1: {  	[spmem:s2] =	stream.indirect.scatter.add.f32 [tilespmem:s17], [sflag:$0x1], $0x80, s22, s16, $0xb8;
	[tilespmem:$0x19C00] =	vst v63  }
0xf2: {  	_ = 	snop  }
0xf3: {  	[spmem:s2] =	stream.indirect.scatter.add.f32 [tilespmem:s17], [sflag:$0x1], $0x80, s23, s16, $0xb8;
	[tilespmem:$0x19C00] =	vst v63  }
0xf4: {  	_ = 	snop  }
0xf5: {  	[spmem:s2] =	stream.indirect.scatter.add.f32 [tilespmem:s17], [sflag:$0x1], $0x80, s24, s16, $0xb8;
	[tilespmem:$0x19C00] =	vst v63  }
0xf6: {  	_ = 	snop  }
0xf7: {  	[spmem:s2] =	stream.indirect.scatter.add.f32 [tilespmem:s17], [sflag:$0x1], $0x80, s25, s16, $0xb8;
	[tilespmem:$0x19C00] =	vst v63  }
0xf8: {  	_ = 	snop  }
0xf9: {  	[spmem:s2] =	stream.indirect.scatter.add.f32 [tilespmem:s17], [sflag:$0x1], $0x80, s26, s16, $0xb8;
	[tilespmem:$0x19C00] =	vst v63  }
0xfa: {  	_ = 	snop  }
0xfb: {  	[spmem:s2] =	stream.indirect.scatter.add.f32 [tilespmem:s17], [sflag:$0x1], $0x80, s28, s16, $0xb8;
	[tilespmem:$0x19C00] =	vst v63  }
0xfc: {  	_ = 	snop  }
0xfd: {  	[spmem:s2] =	stream.indirect.scatter.add.f32 [tilespmem:s17], [sflag:$0x1], $0x80, s29, s16, $0xb8;
	[tilespmem:$0x19C00] =	vst v63  }
0xfe: {  	_ = 	snop  }
0xff: {  	[spmem:s2] =	stream.indirect.scatter.add.f32 [tilespmem:s17], [sflag:$0x1], $0x80, s30, s16, $0xb8;
	[tilespmem:$0x19C00] =	vst v63  }
0x100: {  	_ = 	snop  }
0x101: {  	[spmem:s2] =	stream.indirect.scatter.add.f32 [tilespmem:s17], [sflag:$0x1], $0x80, s31, s16, $0xb8;
	[tilespmem:$0x19C00] =	vst v63  }
0x102: {  	_ = 	snop  }
0x103: {  	[spmem:s2] =	stream.indirect.scatter.add.f32 [tilespmem:s17], [sflag:$0x1], $0x80, s1, s16, $0xb8;
	[tilespmem:$0x19C00] =	vst v63  }
0x104: {  	_ = 	snop  }
0x105: {  	[spmem:s2] =	stream.indirect.scatter.add.f32 [tilespmem:s17], [sflag:$0x1], $0x80, s0, s16, $0xb8;
	[tilespmem:$0x19C00] =	vst v63  }
0x106: {  	_ = 	snop  }
0x107: {  	[spmem:s2] =	stream.indirect.scatter.add.f32 [tilespmem:s17], [sflag:$0x1], $0x80, s5, s16, $0xb8;
	[tilespmem:$0x19C00] =	vst v63  }
0x108: {  	_ = 	snop  }
0x109: {  	[spmem:s2] =	stream.indirect.scatter.add.f32 [tilespmem:s17], [sflag:$0x1], $0x80, s6, s16, $0xb8;
	[tilespmem:$0x19C00] =	vst v63  }
0x10a: {  	_ = 	snop  }
0x10b: {  	[spmem:s2] =	stream.indirect.scatter.add.f32 [tilespmem:s17], [sflag:$0x1], $0x80, s7, s16, $0xb8;
	[tilespmem:$0x19C00] =	vst v63  }
0x10c: {  	_ = 	snop  }
0x10d: {  	[spmem:s2] =	stream.indirect.scatter.add.f32 [tilespmem:s17], [sflag:$0x1], $0x80, s8, s16, $0xb8;
	[tilespmem:$0x19C00] =	vst v63  }
0x10e: {  	_ = 	snop  }
0x10f: {  	[spmem:s2] =	stream.indirect.scatter.add.f32 [tilespmem:s17], [sflag:$0x1], $0x80, s9, s16, $0xb8;
	[tilespmem:$0x19C00] =	vst v63  }
0x110: {  	_ = 	snop  }
0x111: {  	[spmem:s2] =	stream.indirect.scatter.add.f32 [tilespmem:s17], [sflag:$0x1], $0x80, s10, s16, $0xb8;
	[tilespmem:$0x19C00] =	vst v63  }
0x112: {  	_ = 	snop  }
0x113: {  	[spmem:s2] =	stream.indirect.scatter.add.f32 [tilespmem:s17], [sflag:$0x1], $0x80, s11, s16, $0xb8;
	[tilespmem:$0x19C00] =	vst v63  }
0x114: {  	_ =	swait.ge [sflag:s12], $0x2800  }
0x115: {  	[sflag:s12] =	ssyncset.done $0x0  }
0x116: {  	[sflag:s12] =	ssyncadd.s32 $0xFFFFD800  }
0x117: {  	_ =	swait.ge [sflag:s12], $0x2800  }
0x118: {  	[sflag:s12] =	ssyncset.done $0x0  }
0x119: {  	[sflag:s12] =	ssyncadd.s32 $0xFFFFD800  }
0x11a: {  	_ =	swait.ge [sflag:s12], $0x2800  }
0x11b: {  	[sflag:s12] =	ssyncset.done $0x0  }
0x11c: {  	[sflag:s12] =	ssyncadd.s32 $0xFFFFD800  }
0x11d: {  	_ =	swait.ge [sflag:s12], $0x2800  }
0x11e: {  	[sflag:s12] =	ssyncset.done $0x0  }
0x11f: {  	[sflag:s12] =	ssyncadd.s32 $0xFFFFD800  }
0x120: {  	_ =	swait.ge [sflag:s12], $0x2800  }
0x121: {  	[sflag:s12] =	ssyncset.done $0x0  }
0x122: {  	[sflag:s12] =	ssyncadd.s32 $0xFFFFD800  }
0x123: {  	_ =	swait.ge [sflag:s12], $0x2800  }
0x124: {  	[sflag:s12] =	ssyncset.done $0x0  }
0x125: {  	[sflag:s12] =	ssyncadd.s32 $0xFFFFD800  }
0x126: {  	_ =	swait.ge [sflag:s12], $0x2800  }
0x127: {  	[sflag:s12] =	ssyncset.done $0x0  }
0x128: {  	[sflag:s12] =	ssyncadd.s32 $0xFFFFD800  }
0x129: {  	_ =	swait.ge [sflag:s12], $0x2800  }
0x12a: {  	[sflag:s12] =	ssyncset.done $0x0  }
0x12b: {  	[sflag:s12] =	ssyncadd.s32 $0xFFFFD800  }
0x12c: {  	_ =	swait.ge [sflag:s12], $0x2800  }
0x12d: {  	[sflag:s12] =	ssyncset.done $0x0  }
0x12e: {  	[sflag:s12] =	ssyncadd.s32 $0xFFFFD800  }
0x12f: {  	_ =	swait.ge [sflag:s12], $0x2800  }
0x130: {  	[sflag:s12] =	ssyncset.done $0x0  }
0x131: {  	[sflag:s12] =	ssyncadd.s32 $0xFFFFD800  }
0x132: {  	_ =	swait.ge [sflag:s12], $0x2800  }
0x133: {  	[sflag:s12] =	ssyncset.done $0x0  }
0x134: {  	[sflag:s12] =	ssyncadd.s32 $0xFFFFD800  }
0x135: {  	_ =	swait.ge [sflag:s12], $0x2800  }
0x136: {  	[sflag:s12] =	ssyncset.done $0x0  }
0x137: {  	[sflag:s12] =	ssyncadd.s32 $0xFFFFD800  }
0x138: {  	_ =	swait.ge [sflag:s12], $0x2800  }
0x139: {  	[sflag:s12] =	ssyncset.done $0x0  }
0x13a: {  	[sflag:s12] =	ssyncadd.s32 $0xFFFFD800  }
0x13b: {  	_ =	swait.ge [sflag:s12], $0x2800  }
0x13c: {  	[sflag:s12] =	ssyncset.done $0x0  }
0x13d: {  	[sflag:s12] =	ssyncadd.s32 $0xFFFFD800  }
0x13e: {  	_ =	swait.ge [sflag:s12], $0x2800  }
0x13f: {  	[sflag:s12] =	ssyncset.done $0x0  }
0x140: {  	[sflag:s12] =	ssyncadd.s32 $0xFFFFD800  }
0x141: {  	_ =	swait.ge [sflag:s12], $0x2800  }
0x142: {  	[sflag:s12] =	ssyncset.done $0x0  }
0x143: {  	[sflag:s12] =	ssyncadd.s32 $0xFFFFD800  }
0x144: {  	_ =	swait.ge [sflag:s12], $0x2800  }
0x145: {  	[sflag:s12] =	ssyncset.done $0x0  }
0x146: {  	[sflag:s12] =	ssyncadd.s32 $0xFFFFD800  }
0x147: {  	_ =	swait.ge [sflag:s12], $0x2800  }
0x148: {  	[sflag:s12] =	ssyncset.done $0x0  }
0x149: {  	[sflag:s12] =	ssyncadd.s32 $0xFFFFD800  }
0x14a: {  	_ =	swait.ge [sflag:s12], $0x2800  }
0x14b: {  	[sflag:s12] =	ssyncset.done $0x0  }
0x14c: {  	[sflag:s12] =	ssyncadd.s32 $0xFFFFD800  }
0x14d: {  	_ =	swait.ge [sflag:s12], $0x2800  }
0x14e: {  	[sflag:s12] =	ssyncset.done $0x0  }
0x14f: {  	[sflag:s12] =	ssyncadd.s32 $0xFFFFD800  }
0x150: {  	_ =	swait.ge [sflag:s12], $0x2800  }
0x151: {  	[sflag:s12] =	ssyncset.done $0x0  }
0x152: {  	[sflag:s12] =	ssyncadd.s32 $0xFFFFD800  }
0x153: {  	_ =	swait.ge [sflag:s12], $0x2800  }
0x154: {  	[sflag:s12] =	ssyncset.done $0x0  }
0x155: {  	[sflag:s12] =	ssyncadd.s32 $0xFFFFD800  }
0x156: {  	_ =	swait.ge [sflag:s12], $0x2800  }
0x157: {  	[sflag:s12] =	ssyncset.done $0x0  }
0x158: {  	p0 =	sne.s32 s14, $0x800;
	[sflag:s12] =	ssyncadd.s32 $0xFFFFD800  }
.Ltmp2:
0x159: {  	_ =	swait.ge [sflag:s12], $0x2800;
	(pc) =	sbr.rel @p0 .LBB2_6-.Ltmp2, $4  }
0x15a: {  	[sflag:s12] =	ssyncset.done $0x0  }
0x15b: {  	[sflag:s12] =	ssyncadd.s32 $0xFFFFD800  }
0x15c: {  	_ =	swait.ge [sflag:s12], $0x2800  }
0x15d: {  	s14 =	sadd.s32 $0x200, s14;
	s13 =	rddreg [dreg:$0x3];
	[sflag:s12] =	ssyncset.done $0x0  }
0x15e: {  	[sflag:s12] =	ssyncadd.s32 $0xFFFFD800;
	s4 =	sadd.s32 s4, s13  }
0x15f: {  	[tilespmem:s3], [sflag:$0x2] =	stream.linear.gather [hbm4b:s4+s3], $0xC80, $0x38;
	[tilespmem:$0x19C00] =	vst v63  }
0x160: {  	_ =	swait.ge [sflag:s15], $0xC80  }
0x161: {  	[sflag:s15] =	ssyncset.done $0x0  }
0x162: {  	[sflag:s15] =	ssyncadd.s32 $0xFFFFF380  }
0x163: {  	[spmem:s2] =	stream.indirect.scatter.add.f32 [tilespmem:s17], [sflag:$0x1], $0x80, s3, s16, $0xb8;
	[tilespmem:$0x19C00] =	vst v63  }
0x164: {  	s13 =	rddreg [dreg:$0x4]  }
0x165: {  	[spmem:s2] =	stream.indirect.scatter.add.f32 [tilespmem:s17], [sflag:$0x1], $0x80, s13, s16, $0xb8;
	[tilespmem:$0x19C00] =	vst v63  }
0x166: {  	s14 =	rddreg [dreg:$0x5]  }
0x167: {  	[spmem:s2] =	stream.indirect.scatter.add.f32 [tilespmem:s17], [sflag:$0x1], $0x80, s14, s16, $0xb8;
	[tilespmem:$0x19C00] =	vst v63  }
0x168: {  	_ = 	snop  }
0x169: {  	[spmem:s2] =	stream.indirect.scatter.add.f32 [tilespmem:s17], [sflag:$0x1], $0x80, s18, s16, $0xb8;
	[tilespmem:$0x19C00] =	vst v63  }
0x16a: {  	_ = 	snop  }
0x16b: {  	[spmem:s2] =	stream.indirect.scatter.add.f32 [tilespmem:s17], [sflag:$0x1], $0x80, s19, s16, $0xb8;
	[tilespmem:$0x19C00] =	vst v63  }
0x16c: {  	_ = 	snop  }
0x16d: {  	[spmem:s2] =	stream.indirect.scatter.add.f32 [tilespmem:s17], [sflag:$0x1], $0x80, s20, s16, $0xb8;
	[tilespmem:$0x19C00] =	vst v63  }
0x16e: {  	_ = 	snop  }
0x16f: {  	[spmem:s2] =	stream.indirect.scatter.add.f32 [tilespmem:s17], [sflag:$0x1], $0x80, s21, s16, $0xb8;
	[tilespmem:$0x19C00] =	vst v63  }
0x170: {  	_ = 	snop  }
0x171: {  	[spmem:s2] =	stream.indirect.scatter.add.f32 [tilespmem:s17], [sflag:$0x1], $0x80, s22, s16, $0xb8;
	[tilespmem:$0x19C00] =	vst v63  }
0x172: {  	_ = 	snop  }
0x173: {  	[spmem:s2] =	stream.indirect.scatter.add.f32 [tilespmem:s17], [sflag:$0x1], $0x80, s23, s16, $0xb8;
	[tilespmem:$0x19C00] =	vst v63  }
0x174: {  	_ = 	snop  }
0x175: {  	[spmem:s2] =	stream.indirect.scatter.add.f32 [tilespmem:s17], [sflag:$0x1], $0x80, s24, s16, $0xb8;
	[tilespmem:$0x19C00] =	vst v63  }
0x176: {  	_ = 	snop  }
0x177: {  	[spmem:s2] =	stream.indirect.scatter.add.f32 [tilespmem:s17], [sflag:$0x1], $0x80, s25, s16, $0xb8;
	[tilespmem:$0x19C00] =	vst v63  }
0x178: {  	_ = 	snop  }
0x179: {  	[spmem:s2] =	stream.indirect.scatter.add.f32 [tilespmem:s17], [sflag:$0x1], $0x80, s26, s16, $0xb8;
	[tilespmem:$0x19C00] =	vst v63  }
0x17a: {  	_ = 	snop  }
0x17b: {  	[spmem:s2] =	stream.indirect.scatter.add.f32 [tilespmem:s17], [sflag:$0x1], $0x80, s28, s16, $0xb8;
	[tilespmem:$0x19C00] =	vst v63  }
0x17c: {  	_ = 	snop  }
0x17d: {  	[spmem:s2] =	stream.indirect.scatter.add.f32 [tilespmem:s17], [sflag:$0x1], $0x80, s29, s16, $0xb8;
	[tilespmem:$0x19C00] =	vst v63  }
0x17e: {  	_ = 	snop  }
0x17f: {  	[spmem:s2] =	stream.indirect.scatter.add.f32 [tilespmem:s17], [sflag:$0x1], $0x80, s30, s16, $0xb8;
	[tilespmem:$0x19C00] =	vst v63  }
0x180: {  	_ = 	snop  }
0x181: {  	[spmem:s2] =	stream.indirect.scatter.add.f32 [tilespmem:s17], [sflag:$0x1], $0x80, s31, s16, $0xb8;
	[tilespmem:$0x19C00] =	vst v63  }
0x182: {  	_ = 	snop  }
0x183: {  	[spmem:s2] =	stream.indirect.scatter.add.f32 [tilespmem:s17], [sflag:$0x1], $0x80, s1, s16, $0xb8;
	[tilespmem:$0x19C00] =	vst v63  }
0x184: {  	_ = 	snop  }
0x185: {  	[spmem:s2] =	stream.indirect.scatter.add.f32 [tilespmem:s17], [sflag:$0x1], $0x80, s0, s16, $0xb8;
	[tilespmem:$0x19C00] =	vst v63  }
0x186: {  	_ = 	snop  }
0x187: {  	[spmem:s2] =	stream.indirect.scatter.add.f32 [tilespmem:s17], [sflag:$0x1], $0x80, s5, s16, $0xb8;
	[tilespmem:$0x19C00] =	vst v63  }
0x188: {  	_ = 	snop  }
0x189: {  	[spmem:s2] =	stream.indirect.scatter.add.f32 [tilespmem:s17], [sflag:$0x1], $0x80, s6, s16, $0xb8;
	[tilespmem:$0x19C00] =	vst v63  }
0x18a: {  	_ = 	snop  }
0x18b: {  	[spmem:s2] =	stream.indirect.scatter.add.f32 [tilespmem:s17], [sflag:$0x1], $0x80, s7, s16, $0xb8;
	[tilespmem:$0x19C00] =	vst v63  }
0x18c: {  	_ = 	snop  }
0x18d: {  	[spmem:s2] =	stream.indirect.scatter.add.f32 [tilespmem:s17], [sflag:$0x1], $0x80, s8, s16, $0xb8;
	[tilespmem:$0x19C00] =	vst v63  }
0x18e: {  	_ = 	snop  }
0x18f: {  	[spmem:s2] =	stream.indirect.scatter.add.f32 [tilespmem:s17], [sflag:$0x1], $0x80, s9, s16, $0xb8;
	[tilespmem:$0x19C00] =	vst v63  }
0x190: {  	_ = 	snop  }
0x191: {  	[spmem:s2] =	stream.indirect.scatter.add.f32 [tilespmem:s17], [sflag:$0x1], $0x80, s10, s16, $0xb8;
	[tilespmem:$0x19C00] =	vst v63  }
0x192: {  	_ = 	snop  }
0x193: {  	[spmem:s2] =	stream.indirect.scatter.add.f32 [tilespmem:s17], [sflag:$0x1], $0x80, s11, s16, $0xb8;
	[tilespmem:$0x19C00] =	vst v63  }
0x194: {  	_ =	swait.ge [sflag:s12], $0x2800  }
0x195: {  	[sflag:s12] =	ssyncset.done $0x0  }
0x196: {  	[sflag:s12] =	ssyncadd.s32 $0xFFFFD800  }
0x197: {  	_ =	swait.ge [sflag:s12], $0x2800  }
0x198: {  	[sflag:s12] =	ssyncset.done $0x0  }
0x199: {  	[sflag:s12] =	ssyncadd.s32 $0xFFFFD800  }
0x19a: {  	_ =	swait.ge [sflag:s12], $0x2800  }
0x19b: {  	[sflag:s12] =	ssyncset.done $0x0  }
0x19c: {  	[sflag:s12] =	ssyncadd.s32 $0xFFFFD800  }
0x19d: {  	_ =	swait.ge [sflag:s12], $0x2800  }
0x19e: {  	[sflag:s12] =	ssyncset.done $0x0  }
0x19f: {  	[sflag:s12] =	ssyncadd.s32 $0xFFFFD800  }
0x1a0: {  	_ =	swait.ge [sflag:s12], $0x2800  }
0x1a1: {  	[sflag:s12] =	ssyncset.done $0x0  }
0x1a2: {  	[sflag:s12] =	ssyncadd.s32 $0xFFFFD800  }
0x1a3: {  	_ =	swait.ge [sflag:s12], $0x2800  }
0x1a4: {  	[sflag:s12] =	ssyncset.done $0x0  }
0x1a5: {  	[sflag:s12] =	ssyncadd.s32 $0xFFFFD800  }
0x1a6: {  	_ =	swait.ge [sflag:s12], $0x2800  }
0x1a7: {  	[sflag:s12] =	ssyncset.done $0x0  }
0x1a8: {  	[sflag:s12] =	ssyncadd.s32 $0xFFFFD800  }
0x1a9: {  	_ =	swait.ge [sflag:s12], $0x2800  }
0x1aa: {  	[sflag:s12] =	ssyncset.done $0x0  }
0x1ab: {  	[sflag:s12] =	ssyncadd.s32 $0xFFFFD800  }
0x1ac: {  	_ =	swait.ge [sflag:s12], $0x2800  }
0x1ad: {  	[sflag:s12] =	ssyncset.done $0x0  }
0x1ae: {  	[sflag:s12] =	ssyncadd.s32 $0xFFFFD800  }
0x1af: {  	_ =	swait.ge [sflag:s12], $0x2800  }
0x1b0: {  	[sflag:s12] =	ssyncset.done $0x0  }
0x1b1: {  	[sflag:s12] =	ssyncadd.s32 $0xFFFFD800  }
0x1b2: {  	_ =	swait.ge [sflag:s12], $0x2800  }
0x1b3: {  	[sflag:s12] =	ssyncset.done $0x0  }
0x1b4: {  	[sflag:s12] =	ssyncadd.s32 $0xFFFFD800  }
0x1b5: {  	_ =	swait.ge [sflag:s12], $0x2800  }
0x1b6: {  	[sflag:s12] =	ssyncset.done $0x0  }
0x1b7: {  	[sflag:s12] =	ssyncadd.s32 $0xFFFFD800  }
0x1b8: {  	_ =	swait.ge [sflag:s12], $0x2800  }
0x1b9: {  	[sflag:s12] =	ssyncset.done $0x0  }
0x1ba: {  	[sflag:s12] =	ssyncadd.s32 $0xFFFFD800  }
0x1bb: {  	_ =	swait.ge [sflag:s12], $0x2800  }
0x1bc: {  	[sflag:s12] =	ssyncset.done $0x0  }
0x1bd: {  	[sflag:s12] =	ssyncadd.s32 $0xFFFFD800  }
0x1be: {  	_ =	swait.ge [sflag:s12], $0x2800  }
0x1bf: {  	[sflag:s12] =	ssyncset.done $0x0  }
0x1c0: {  	[sflag:s12] =	ssyncadd.s32 $0xFFFFD800  }
0x1c1: {  	_ =	swait.ge [sflag:s12], $0x2800  }
0x1c2: {  	[sflag:s12] =	ssyncset.done $0x0  }
0x1c3: {  	[sflag:s12] =	ssyncadd.s32 $0xFFFFD800  }
0x1c4: {  	_ =	swait.ge [sflag:s12], $0x2800  }
0x1c5: {  	[sflag:s12] =	ssyncset.done $0x0  }
0x1c6: {  	[sflag:s12] =	ssyncadd.s32 $0xFFFFD800  }
0x1c7: {  	_ =	swait.ge [sflag:s12], $0x2800  }
0x1c8: {  	[sflag:s12] =	ssyncset.done $0x0  }
0x1c9: {  	[sflag:s12] =	ssyncadd.s32 $0xFFFFD800  }
0x1ca: {  	_ =	swait.ge [sflag:s12], $0x2800  }
0x1cb: {  	[sflag:s12] =	ssyncset.done $0x0  }
0x1cc: {  	[sflag:s12] =	ssyncadd.s32 $0xFFFFD800  }
0x1cd: {  	_ =	swait.ge [sflag:s12], $0x2800  }
0x1ce: {  	[sflag:s12] =	ssyncset.done $0x0  }
0x1cf: {  	[sflag:s12] =	ssyncadd.s32 $0xFFFFD800  }
0x1d0: {  	_ =	swait.ge [sflag:s12], $0x2800  }
0x1d1: {  	[sflag:s12] =	ssyncset.done $0x0  }
0x1d2: {  	[sflag:s12] =	ssyncadd.s32 $0xFFFFD800  }
0x1d3: {  	_ =	swait.ge [sflag:s12], $0x2800  }
0x1d4: {  	[sflag:s12] =	ssyncset.done $0x0  }
0x1d5: {  	[sflag:s12] =	ssyncadd.s32 $0xFFFFD800  }
0x1d6: {  	_ =	swait.ge [sflag:s12], $0x2800  }
0x1d7: {  	[sflag:s12] =	ssyncset.done $0x0  }
0x1d8: {  	[sflag:s12] =	ssyncadd.s32 $0xFFFFD800  }
0x1d9: {  	_ =	swait.ge [sflag:s12], $0x2800  }
0x1da: {  	[sflag:s12] =	ssyncset.done $0x0  }
0x1db: {  	[sflag:s12] =	ssyncadd.s32 $0xFFFFD800  }
0x1dc: {  	_ =	swait.ge [sflag:s12], $0x2800  }
0x1dd: {  	[sflag:s12] =	ssyncset.done $0x0  }
0x1de: {  	[sflag:s12] =	ssyncadd.s32 $0xFFFFD800  }
0x1df: {  	s18 =	stileid.u32;
	[bflag:$0x0] =	sbarrier.arrive $0xFFFF  }
0x1e0: {  	s4 =	sshll.u32 s18, $0x6;
	s18 =	rddreg [dreg:$0x6]  }
0x1e1: {  	s4 =	sor.u32 $0x1C02, s4;
	s14 =	rddreg [dreg:$0xe];
	s13 =	sshrl.u32 s18, $0x3  }
0x1e2: {  	[hbm:s14], [sflag:s4] =	dma.local [spmem:s13], $0x2780  }
0x1e3: {  	_ =	swait.ge [sflag:s15], $0x2780  }
0x1e4: {  	s4 =	rddreg [dreg:$0x10]  }
0x1e5: {  	s14 =	rddreg [dreg:$0xf];
	s13 =	sadd.s32 $0x1, s4  }
0x1e6: {  	p0 =	sne.s32 s13, s14  }
.Ltmp3:
0x1e7: {  	_ = 	snop;
	(pc) =	sbr.rel @p0 .LBB2_1-.Ltmp3, $3  }
0x1e8: {  	_ =	sdelay $0x1  }
0x1e9: {  	[sflag:s15] =	ssyncset.done $0x0  }
0x1ea: {  	[sflag:s15] =	ssyncadd.s32 $0xFFFFD880  }
0x1eb: {  	_ =	sfence.sel $0x180000  }
0x1ec: {  	[bflag:$0x0] =	sbarrier.arrive $0xFFFF  }
0x1ed: {  	_ =	strace $0x90000047  }
0x1ee: {  	s0 =	stileid.u32;
	[bflag:$0x2] =	sbarrier.arrive $0xFFFF  }
0x1ef: {  	p0 =	sne.s32 s0, $0x0;
	s0 =	rddreg [dreg:$0x2]  }
0x1f0: {  	s0 =	sadd.s32 @!p0 $0x100000, s0  }
0x1f1: {  	[sflag:s0] =	ssyncadd.tile.s32 @!p0 $0x1;
	_ =	shalt  }
.Lfunc_end2:
_tile_overlayer_lowered:
.L_overlay_start_2:
0x1f2: {  	(tag) =	ssettag $0x2  }
0x1f3: {  	s0 =	rddreg [dreg:$0x0];
	s2 =	stileid.u32  }
0x1f4: {  	s1 =	rddreg [dreg:$0x1];
	p0 =	sne.s32 s2, $0x0  }
0x1f5: {  	s3 =	rddreg [dreg:$0x2];
	[bflag:$0x3] =	sbarrier.arrive $0xFFFF;
	s2 =	simm.s32 @!p0 $0x1C02  }
0x1f6: {  	[timem:s3], [sflag:s2] =	dma.local @!p0 [hbm:s0], s1  }
0x1f7: {  	s0 =	simm.s32 @!p0 $0x2  }
0x1f8: {  	_ =	swait.ge @!p0 [sflag:s0], s1  }
0x1f9: {  	s1 =	ssub.s32 @!p0 $0x0, s1;
	[sflag:s0] =	ssyncset.done @!p0 $0x0  }
0x1fa: {  	[sflag:s0] =	ssyncadd.s32 @!p0 s1  }
0x1fb: {  	[bflag:$0x3] =	sbarrier.arrive $0xFFFF  }
0x1fc: {  	_ =	shalt  }

// kernel: kernel.13.cloned.1.call-start
scs
__scs_entry_jumppad:
0x0: {  	(pc) =	sbr.rel $0x88, $3  }
0x1: {  	(tag) =	ssettag $0x0;
	lr =	simm.s32 $0x1  }
0x2: {  	[smem:$0x3F92] =	sst lr;
	_ =	strace $0xD0000000  }
0x3: {  	_ = 	snop  }
0x4: {  	_ = 	snop  }
0x5: {  	_ = 	snop  }
0x6: {  	_ = 	snop  }
0x7: {  	_ = 	snop  }
__scs_overlays_trampoline_lowered:
0x8: {  	[smem:$0x3FA1] =	sst s0  }
0x9: {  	[smem:$0x3FA2] =	sst s1  }
0xa: {  	[smem:$0x3FA3] =	sst s2  }
0xb: {  	[smem:$0x3FA4] =	sst s3  }
0xc: {  	[smem:$0x3FA5] =	sst s4  }
0xd: {  	[smem:$0x3FA6] =	sst s5  }
0xe: {  	[smem:$0x3FA7] =	sst s6  }
0xf: {  	[smem:$0x3FA8] =	sst s7  }
0x10: {  	[smem:$0x3FA9] =	sst s8  }
0x11: {  	[smem:$0x3FAA] =	sst s9;
	s0 =	simm.s32 @!p0 $0x0  }
0x12: {  	s1 =	sld [smem:$0x3F90];
	s0 =	simm.s32 @p0 $0x1  }
0x13: {  	[smem:$0x3FAB] =	sst s0;
	s0 =	simm.s32 @!p1 $0x0  }
0x14: {  	s2 =	sld [smem:$0x3F8F];
	s0 =	simm.s32 @p1 $0x1  }
0x15: {  	[smem:$0x3FAC] =	sst s0;
	s0 =	simm.s32 @!p2 $0x0  }
0x16: {  	s3 =	sld [smem:$0x3FDB];
	s0 =	simm.s32 @p2 $0x1  }
0x17: {  	s4 =	simm.s32 $0x1BF5;
	[smem:$0x3FAE] =	sst s0  }
0x18: {  	s0 =	sld [smem:$0x3F91];
	_ =	swait.ge [sflag:s4], $0x0  }
0x19: {  	s7 =	sld [smem:$0x3F92]  }
0x1a: {  	s8 =	sadd.s32 $0xFFFFE003, lr  }
0x1b: {  	s9 =	sadd.s32 $0xFFFFFEF7, lr;
	s5 =	simm.s32 $0xFFFFFFFF;
	p2 =	slt.u32 s8, $0xFFFFF086  }
0x1c: {  	p1 =	slt.u32 s9, $0xF7A;
	s5 =	simm.s32 @!p2 $0x0  }
0x1d: {  	s5 =	simm.s32 @p1 $0x1;
	p0 =	seq.s32 s7, s2  }
0x1e: {  	s7 =	smul.u32 @!p0 $0xF7A, s2;
	p2 =	seq.s32 @!p0 s5, $0x0  }
0x1f: {  	s9 =	smul.u32 $0xF7A, s1;
	s8 =	simm.s32 @!p0 $0x1BF5;
	p2 =	por !p2, p0  }
0x20: {  	[sflag:s8] =	ssyncset.s32 @!p0 $0xFFFFF086;
	s6 =	sadd.s32 @!p0 s3, s7;
	s7 =	simm.s32 @!p0 $0x108  }
0x21: {  	s3 =	sadd.s32 s3, s9;
	s6 =	sadd.s32 @!p0 $0x88, s6;
	s7 =	simm.s32 @p2 $0x1082  }
0x22: {  	[simem:s7], [sflag:s8] =	dma.local @!p0 [hbm:s6], $0xF7A  }
0x23: {  	s9 =	sor.u32 $0xD0000000, s2;
	s6 =	simm.s32 $0x108;
	_ =	swait.ge @!p0 [sflag:s8], $0x0  }
0x24: {  	s3 =	sadd.s32 $0x88, s3;
	s6 =	simm.s32 @!p1 $0x1082;
	[sflag:s4] =	ssyncset.s32 $0xFFFFF086  }
0x25: {  	[simem:s6], [sflag:s4] =	dma.local [hbm:s3], $0xF7A  }
0x26: {  	[smem:$0x3F92] =	sst s1;
	(tag) =	ssettag s2;
	_ =	strace s9  }
0x27: {  	s1 =	sld [smem:$0x3FA2]  }
0x28: {  	s2 =	sld [smem:$0x3FA3]  }
0x29: {  	s4 =	sld [smem:$0x3FA5]  }
0x2a: {  	p0 =	seq.s32 s5, $0x0;
	s5 =	sld [smem:$0x3FA6]  }
0x2b: {  	s6 =	sld [smem:$0x3FA7]  }
0x2c: {  	s7 =	sld [smem:$0x3FA8]  }
0x2d: {  	s3 =	simm.s32 $0x108;
	s8 =	sld [smem:$0x3FA9]  }
0x2e: {  	s3 =	simm.s32 @!p0 $0x1082;
	s9 =	sld [smem:$0x3FAA]  }
0x2f: {  	lr =	sadd.s32 s0, s3;
	s0 =	sld [smem:$0x3FA1]  }
0x30: {  	s3 =	sld [smem:$0x3FA4]  }
0x31: {  	[smem:$0x3FAD] =	sst s10  }
0x32: {  	s10 =	sld [smem:$0x3FAB];
	_ =	sdelay $0x3  }
0x33: {  	p0 =	seq.s32 s10, $0x1;
	s10 =	sld [smem:$0x3FAD];
	_ =	sdelay $0x3  }
0x34: {  	[smem:$0x3FAD] =	sst s10  }
0x35: {  	s10 =	sld [smem:$0x3FAC];
	_ =	sdelay $0x3  }
0x36: {  	p1 =	seq.s32 s10, $0x1;
	s10 =	sld [smem:$0x3FAD];
	_ =	sdelay $0x3  }
0x37: {  	[smem:$0x3FAD] =	sst s10  }
0x38: {  	s10 =	sld [smem:$0x3FAE]  }
0x39: {  	_ = 	snop;
	(pc) =	sbr.ind lr, $3  }
0x3a: {  	_ = 	snop  }
0x3b: {  	_ = 	snop  }
0x3c: {  	p2 =	seq.s32 s10, $0x1;
	s10 =	sld [smem:$0x3FAD]  }
0x3d: {  	_ =	shalt  }
0x3e: {  	_ =	shalt  }
0x3f: {  	_ =	shalt  }
0x40: {  	_ =	shalt  }
0x41: {  	_ =	shalt  }
0x42: {  	_ =	shalt  }
0x43: {  	_ =	shalt  }
0x44: {  	_ =	shalt  }
0x45: {  	_ =	shalt  }
0x46: {  	_ =	shalt  }
0x47: {  	_ =	shalt  }
0x48: {  	_ =	shalt  }
0x49: {  	_ =	shalt  }
0x4a: {  	_ =	shalt  }
0x4b: {  	_ =	shalt  }
0x4c: {  	_ =	shalt  }
0x4d: {  	_ =	shalt  }
0x4e: {  	_ =	shalt  }
0x4f: {  	_ =	shalt  }
0x50: {  	_ =	shalt  }
0x51: {  	_ =	shalt  }
0x52: {  	_ =	shalt  }
0x53: {  	_ =	shalt  }
0x54: {  	_ =	shalt  }
0x55: {  	_ =	shalt  }
0x56: {  	_ =	shalt  }
0x57: {  	_ =	shalt  }
0x58: {  	_ =	shalt  }
0x59: {  	_ =	shalt  }
0x5a: {  	_ =	shalt  }
0x5b: {  	_ =	shalt  }
0x5c: {  	_ =	shalt  }
0x5d: {  	_ =	shalt  }
0x5e: {  	_ =	shalt  }
0x5f: {  	_ =	shalt  }
0x60: {  	_ =	shalt  }
0x61: {  	_ =	shalt  }
0x62: {  	_ =	shalt  }
0x63: {  	_ =	shalt  }
0x64: {  	_ =	shalt  }
0x65: {  	_ =	shalt  }
0x66: {  	_ =	shalt  }
0x67: {  	_ =	shalt  }
0x68: {  	_ =	shalt  }
0x69: {  	_ =	shalt  }
0x6a: {  	_ =	shalt  }
0x6b: {  	_ =	shalt  }
0x6c: {  	_ =	shalt  }
0x6d: {  	_ =	shalt  }
0x6e: {  	_ =	shalt  }
0x6f: {  	_ =	shalt  }
0x70: {  	_ =	shalt  }
0x71: {  	_ =	shalt  }
0x72: {  	_ =	shalt  }
0x73: {  	_ =	shalt  }
0x74: {  	_ =	shalt  }
0x75: {  	_ =	shalt  }
0x76: {  	_ =	shalt  }
0x77: {  	_ =	shalt  }
0x78: {  	_ =	shalt  }
0x79: {  	_ =	shalt  }
0x7a: {  	_ =	shalt  }
0x7b: {  	_ =	shalt  }
0x7c: {  	_ =	shalt  }
0x7d: {  	_ =	shalt  }
0x7e: {  	_ =	shalt  }
0x7f: {  	_ =	shalt  }
0x80: {  	_ =	shalt  }
0x81: {  	_ =	shalt  }
0x82: {  	_ =	shalt  }
0x83: {  	_ =	shalt  }
0x84: {  	_ =	shalt  }
0x85: {  	_ =	shalt  }
0x86: {  	_ =	shalt  }
0x87: {  	_ =	shalt  }
.Lfunc_end0:
.L_simem_size_0:
called_computation.1_lowered:
.L_overlay_start_0:
0x88: {  	s2 =	sld [smem:$0x3FD9]  }
0x89: {  	s3 =	sld [smem:$0x3FFE];
	_ =	sdelay $0x1  }
0x8a: {  	s1 =	srdreg.scid  }
0x8b: {  	s0 =	sand.u32 $0x1, s1  }
0x8c: {  	s16 =	sshll.u32 s0, $0xA;
	s2 =	sadd.s32 s3, s2  }
0x8d: {  	s2 =	sadd.s32 s2, s16  }
0x8e: {  	[smem:$0x3FB9] =	sst s2  }
0x8f: {  	_ = 	snop  }
0x90: {  	(tm) =	ssettm $0x1  }
0x91: {  	s17 =	sld [smem:$0x3FFB];
	_ =	sdelay $0x3  }
0x92: {  	_ =	strace s17  }
0x93: {  	s2 =	sld [smem:$0x3FFC];
	_ =	sdelay $0x3  }
0x94: {  	_ =	strace s2  }
0x95: {  	s2 =	sld [smem:$0x3FFD];
	_ =	sdelay $0x3  }
0x96: {  	_ =	strace s2  }
0x97: {  	_ =	strace $0x8FFFFFFF  }
0x98: {  	s18 =	sld [smem:$0x3FDB];
	_ =	sdelay $0x1  }
0x99: {  	s19 =	simm.s32 $_scs_section_size  }
0x9a: {  	s4 =	simm.s32 $_size__tile_overlayer_lowered;
	s5 =	simm.s32 $_tile_overlayer_lowered  }
0x9b: {  	s22 =	simm.s32 $0x1BFF;
	s21 =	sshll.u32 s5, $0x1;
	s2 =	sadd.s32 s19, s18  }
0x9c: {  	s6 =	simm.s32 $0x0;
	s20 =	sshll.u32 s4, $0x1;
	s4 =	sadd.s32 s21, s2  }
0x9d: {  	[timem:s6], [sflag:s22] =	dma.local [hbm:s4], s20  }
0x9e: {  	_ =	swait.ge [sflag:s22], s20  }
0x9f: {  	s3 =	ssub.s32 $0x0, s20;
	[sflag:s22] =	ssyncset.done $0x0  }
0xa0: {  	[sflag:s22] =	ssyncadd.s32 s3;
	_ =	sdelay $0x1  }
0xa1: {  	s23 =	simm.s32 $0x1B8B  }
0xa2: {  	_ =	swait.ge [sflag:s23], $0x1  }
0xa3: {  	[sflag:s23] =	ssyncset.done $0x0  }
0xa4: {  	s25 =	simm.s32 $0x1B8E;
	s24 =	sld [smem:$0x3FFE];
	[sflag:s23] =	ssyncadd.s32 $0xFFFFFFFF  }
0xa5: {  	s26 =	simm.s32 $execute0_lowered;
	[smem:$0x3FD2] =	sst s25  }
0xa6: {  	s4 =	sshll.u32 s26, $0x1;
	_ =	strace $0x80000049;
	[dreg:$0x1] =	wrdreg $0xFFFFFFFF  }
0xa7: {  	s28 =	simm.s32 $_size_execute0_lowered;
	s2 =	sadd.s32 s2, s4;
	[dreg:$0x0] =	wrdreg $0x0  }
0xa8: {  	s4 =	sshll.u32 s28, $0x1;
	[dreg:$0x2] =	wrdreg s2  }
0xa9: {  	[dreg:$0x3] =	wrdreg s4  }
0xaa: {  	[dreg:$0x4] =	wrdreg $0xC0  }
0xab: {  	_ =	task [dreg:s6], $0x5FFFF  }
0xac: {  	[dreg:$0x1] =	wrdreg $0xFFFFFFFF  }
0xad: {  	[dreg:$0x0] =	wrdreg $0x60  }
0xae: {  	[dreg:$0x2] =	wrdreg s24  }
0xaf: {  	[dreg:$0x3] =	wrdreg $0xAC000  }
0xb0: {  	[dreg:$0x4] =	wrdreg $0x9  }
0xb1: {  	_ =	task.clear_ibuf [dreg:s6], $0x5FFFF;
	_ =	strace $0x90000049  }
0xb2: {  	s29 =	simm.s32 $0x9;
	_ =	strace $0x8000004B  }
0xb3: {  	_ =	swait.ge [sflag:s29], $0x1  }
0xb4: {  	[sflag:s29] =	ssyncadd.s32 $0xFFFFFFFF  }
0xb5: {  	_ =	strace $0x9000004B  }
0xb6: {  	_ =	sfence  }
0xb7: {  	s30 =	sld [smem:$0x0];
	_ =	sdelay $0x2  }
0xb8: {  	s31 =	sshll.u32 s1, $0xD;
	s1 =	sshrl.u32 s1, $0x2  }
0xb9: {  	s3 =	sand.u32 $0x4000, s31;
	s1 =	sadd.s32 s1, s30  }
0xba: {  	s0 =	sor.u32 s3, s0;
	s1 =	sshll.u32 s1, $0x11  }
0xbb: {  	s0 =	sor.u32 s1, s0  }
0xbc: {  	s0 =	sadd.s32 $0x8F2B, s0  }
0xbd: {  	[sflag:s0] =	ssyncadd.remote.s32 $0x1  }
0xbe: {  	_ =	sfence.sel $0xFFFF  }
0xbf: {  	[dreg:$0x0] =	wrdreg $0xFFFFFFFF;
	(pc) =	sbr.abs _section_cstart, $3  }
0xc0: {  	[dreg:$0x1] =	wrdreg $0xFFFFFFFF  }
0xc1: {  	_ =	task.clear_ibuf [dreg:s6], $0x2FFFF;
	_ =	strace $0x9FFFFFFF  }
0xc2: {  	(tm) =	ssettm $0x7FFFFFFF  }
0xc3: {  	_ =	shalt  }
tec
execute0_lowered:
.L_overlay_start_1:
0x0: {  	(tag) =	ssettag $0x1  }
0x1: {  	s2 =	srdreg.scid;
	s10 =	stileid.u32  }
0x2: {  	s2 =	sand.u32 $0x1, s2;
	s6 =	smul.u32 $0x13C00, s10  }
0x3: {  	s0 =	rddreg [dreg:$0x0];
	s5 =	smul.u32 $0x13C000, s2  }
0x4: {  	s1 =	rddreg [dreg:$0x1];
	s3 =	simm.s32 $0x0;
	s8 =	smul.u32 $0x4F000, s10  }
0x5: {  	s28 =	simm.s32 $0x7;
	s4 =	sadd.s32 $0x18000, s0;
	s7 =	sadd.s32 s6, s5  }
0x6: {  	s12 =	sshrl.u32 s8, $0x2;
	s5 =	sadd.s32 $0x67000, s0;
	s7 =	sshrl.u32 s7, $0x3  }
0x7: {  	s6 =	sadd.s32 $0x4000, s0;
	s0 =	sadd.s32 s7, s0;
	s7 =	sadd.s32 s12, s1  }
0x8: {  	s29 =	simm.s32 $0x50;
	[smem:$0x7FF] =	sst s3;
	s14 =	sadd.s32 $0x1400, s7  }
0x9: {  	_ =	strace $0x8000004A;
	s15 =	sadd.s32 $0x2800, s7;
	[dreg:$0x3] =	wrdreg s14  }
0xa: {  	s30 =	simm.s32 $0x2000;
	s16 =	sadd.s32 $0x3C00, s7;
	[dreg:$0x4] =	wrdreg s15  }
0xb: {  	s31 =	simm.s32 $0x80;
	s17 =	sadd.s32 $0x5000, s7;
	[dreg:$0x5] =	wrdreg s16  }
0xc: {  	s11 =	simm.s32 $0x4;
	s18 =	sadd.s32 $0x6400, s7;
	[dreg:$0x6] =	wrdreg s17  }
0xd: {  	s10 =	sshll.u32 s10, $0x1;
	s19 =	sadd.s32 $0x7800, s7;
	[dreg:$0x7] =	wrdreg s18  }
0xe: {  	s9 =	ssub.s32 $0x2, s2;
	s20 =	sadd.s32 $0x8C00, s7;
	[dreg:$0x8] =	wrdreg s19  }
0xf: {  	s2 =	sor.u32 s2, s10;
	s21 =	sadd.s32 $0xA000, s7;
	[dreg:$0x9] =	wrdreg s20  }
0x10: {  	s10 =	simm.s32 $0x6;
	s22 =	sadd.s32 $0xB400, s7;
	[dreg:$0xa] =	wrdreg s21  }
0x11: {  	s13 =	sshrl.u32 s9, $0x1;
	s23 =	sadd.s32 $0xC800, s7;
	[dreg:$0xb] =	wrdreg s22  }
0x12: {  	s8 =	ssub.s32 s9, s13;
	s24 =	sadd.s32 $0xDC00, s7;
	[dreg:$0xc] =	wrdreg s23  }
0x13: {  	s9 =	simm.s32 $0x5;
	s25 =	sadd.s32 $0xF000, s7;
	[dreg:$0xd] =	wrdreg s24  }
.Ltmp0:
0x14: {  	s26 =	sadd.s32 $0x10400, s7;
	[dreg:$0xe] =	wrdreg s25;
	(pc) =	sbr.rel .LBB2_1-.Ltmp0, $4  }
0x15: {  	s13 =	simm.s32 $0x1;
	s12 =	simm.s32 $0x2;
	[dreg:$0xf] =	wrdreg s26  }
0x16: {  	s21 =	sadd.s32 $0x11800, s7;
	s22 =	sadd.s32 $0x12C00, s7;
	s23 =	smul.u32 $0x5000, s2  }
0x17: {  	s24 =	sadd.s32 $0x7B000, s0;
	s25 =	smax.u32 s8, $0x1;
	s26 =	simm.s32 $0x9800  }
0x18: {  	v0 =	vimm.f32 $0.0e+00;
	s0 =	simm.s32 $0x4800;
	s2 =	simm.s32 $0x3;
	s8 =	simm.s32 $0x7000  }
.LBB2_12:
0x19: {  	s14 =	stileid.u32;
	s3 =	sadd.s32 $0x1, s3  }
0x1a: {  	[bflag:$0x0] =	sbarrier.arrive $0xFFFF;
	s14 =	sshll.u32 s14, $0x6;
	p0 =	sne.s32 s3, s25  }
.Ltmp1:
0x1b: {  	s15 =	sshrl.u32 s7, $0x3;
	s14 =	sor.u32 $0x1C07, s14;
	(pc) =	sbr.rel @!p0 .LBB2_13-.Ltmp1, $4  }
0x1c: {  	[hbm:s24], [sflag:s14] =	dma.local [spmem:s15], $0x2780  }
0x1d: {  	_ =	swait.ge [sflag:s28], $0x2780  }
0x1e: {  	[sflag:s28] =	ssyncset.done $0x0  }
0x1f: {  	[sflag:s28] =	ssyncadd.s32 $0xFFFFD880  }
.LBB2_1:
0x20: {  	s14 =	simm.s32 $0x0;
	s15 =	simm.s32 $0x200  }
.LBB2_2:
0x21: {  	p0 =	sne.s32 s15, $0x4E00;
	[tilespmem:s14+$0x9870] =	vst v0  }
0x22: {  	[tilespmem:s14+$0x9800] =	vst v0  }
0x23: {  	[tilespmem:s14+$0x9810] =	vst v0  }
.Ltmp2:
0x24: {  	[tilespmem:s14+$0x9820] =	vst v0;
	(pc) =	sbr.rel @p0 .LBB2_2-.Ltmp2, $4  }
0x25: {  	[tilespmem:s14+$0x9830] =	vst v0  }
0x26: {  	[tilespmem:s14+$0x9840] =	vst v0  }
0x27: {  	[tilespmem:s14+$0x9850] =	vst v0  }
0x28: {  	[tilespmem:s14+$0x9860] =	vst v0;
	s14 =	sshra.s32 s15, $0x2;
	s15 =	sadd.s32 $0x200, s15  }
0x29: {  	[tilespmem:s14+$0x9870] =	vst v0  }
0x2a: {  	[tilespmem:s14+$0x9800] =	vst v0  }
0x2b: {  	[tilespmem:s14+$0x9810] =	vst v0  }
0x2c: {  	[tilespmem:s14+$0x9820] =	vst v0  }
0x2d: {  	[tilespmem:s14+$0x9830] =	vst v0  }
0x2e: {  	[tilespmem:s14+$0x9840] =	vst v0  }
0x2f: {  	[tilespmem:s14+$0x9850] =	vst v0  }
0x30: {  	[tilespmem:s14+$0x9860] =	vst v0  }
0x31: {  	[spmem:s7] =	stream.linear.scatter [tilespmem:s26], [sflag:$0x7], $0x1400, $0x38;
	[tilespmem:$0x1E800] =	vst v63  }
0x32: {  	_ =	swait.ge [sflag:s28], $0x1400  }
0x33: {  	[sflag:s28] =	ssyncset.done $0x0  }
0x34: {  	s20 =	rddreg [dreg:$0x3];
	[sflag:s28] =	ssyncadd.s32 $0xFFFFEC00  }
0x35: {  	[spmem:s20] =	stream.linear.scatter [tilespmem:s26], [sflag:$0x7], $0x1400, $0x38;
	[tilespmem:$0x1E800] =	vst v63  }
0x36: {  	_ =	swait.ge [sflag:s28], $0x1400  }
0x37: {  	[sflag:s28] =	ssyncset.done $0x0  }
0x38: {  	s15 =	rddreg [dreg:$0x4];
	[sflag:s28] =	ssyncadd.s32 $0xFFFFEC00  }
0x39: {  	[spmem:s15] =	stream.linear.scatter [tilespmem:s26], [sflag:$0x7], $0x1400, $0x38;
	[tilespmem:$0x1E800] =	vst v63  }
0x3a: {  	_ =	swait.ge [sflag:s28], $0x1400  }
0x3b: {  	[sflag:s28] =	ssyncset.done $0x0  }
0x3c: {  	s16 =	rddreg [dreg:$0x5];
	[sflag:s28] =	ssyncadd.s32 $0xFFFFEC00  }
0x3d: {  	[spmem:s16] =	stream.linear.scatter [tilespmem:s26], [sflag:$0x7], $0x1400, $0x38;
	[tilespmem:$0x1E800] =	vst v63  }
0x3e: {  	_ =	swait.ge [sflag:s28], $0x1400  }
0x3f: {  	[sflag:s28] =	ssyncset.done $0x0  }
0x40: {  	s17 =	rddreg [dreg:$0x6];
	[sflag:s28] =	ssyncadd.s32 $0xFFFFEC00  }
0x41: {  	[spmem:s17] =	stream.linear.scatter [tilespmem:s26], [sflag:$0x7], $0x1400, $0x38;
	[tilespmem:$0x1E800] =	vst v63  }
0x42: {  	_ =	swait.ge [sflag:s28], $0x1400  }
0x43: {  	[sflag:s28] =	ssyncset.done $0x0  }
0x44: {  	s18 =	rddreg [dreg:$0x7];
	[sflag:s28] =	ssyncadd.s32 $0xFFFFEC00  }
0x45: {  	[spmem:s18] =	stream.linear.scatter [tilespmem:s26], [sflag:$0x7], $0x1400, $0x38;
	[tilespmem:$0x1E800] =	vst v63  }
0x46: {  	_ =	swait.ge [sflag:s28], $0x1400  }
0x47: {  	[sflag:s28] =	ssyncset.done $0x0  }
0x48: {  	s19 =	rddreg [dreg:$0x8];
	[sflag:s28] =	ssyncadd.s32 $0xFFFFEC00  }
0x49: {  	[spmem:s19] =	stream.linear.scatter [tilespmem:s26], [sflag:$0x7], $0x1400, $0x38;
	[tilespmem:$0x1E800] =	vst v63  }
0x4a: {  	_ =	swait.ge [sflag:s28], $0x1400  }
0x4b: {  	[sflag:s28] =	ssyncset.done $0x0  }
0x4c: {  	s20 =	rddreg [dreg:$0x9];
	[sflag:s28] =	ssyncadd.s32 $0xFFFFEC00  }
0x4d: {  	[spmem:s20] =	stream.linear.scatter [tilespmem:s26], [sflag:$0x7], $0x1400, $0x38;
	[tilespmem:$0x1E800] =	vst v63  }
0x4e: {  	_ =	swait.ge [sflag:s28], $0x1400  }
0x4f: {  	[sflag:s28] =	ssyncset.done $0x0  }
0x50: {  	s15 =	rddreg [dreg:$0xa];
	[sflag:s28] =	ssyncadd.s32 $0xFFFFEC00  }
0x51: {  	[spmem:s15] =	stream.linear.scatter [tilespmem:s26], [sflag:$0x7], $0x1400, $0x38;
	[tilespmem:$0x1E800] =	vst v63  }
0x52: {  	_ =	swait.ge [sflag:s28], $0x1400  }
0x53: {  	[sflag:s28] =	ssyncset.done $0x0  }
0x54: {  	s16 =	rddreg [dreg:$0xb];
	[sflag:s28] =	ssyncadd.s32 $0xFFFFEC00  }
0x55: {  	[spmem:s16] =	stream.linear.scatter [tilespmem:s26], [sflag:$0x7], $0x1400, $0x38;
	[tilespmem:$0x1E800] =	vst v63  }
0x56: {  	_ =	swait.ge [sflag:s28], $0x1400  }
0x57: {  	[sflag:s28] =	ssyncset.done $0x0  }
0x58: {  	s17 =	rddreg [dreg:$0xc];
	[sflag:s28] =	ssyncadd.s32 $0xFFFFEC00  }
0x59: {  	[spmem:s17] =	stream.linear.scatter [tilespmem:s26], [sflag:$0x7], $0x1400, $0x38;
	[tilespmem:$0x1E800] =	vst v63  }
0x5a: {  	_ =	swait.ge [sflag:s28], $0x1400  }
0x5b: {  	[sflag:s28] =	ssyncset.done $0x0  }
0x5c: {  	s18 =	rddreg [dreg:$0xd];
	[sflag:s28] =	ssyncadd.s32 $0xFFFFEC00  }
0x5d: {  	[spmem:s18] =	stream.linear.scatter [tilespmem:s26], [sflag:$0x7], $0x1400, $0x38;
	[tilespmem:$0x1E800] =	vst v63  }
0x5e: {  	_ =	swait.ge [sflag:s28], $0x1400  }
0x5f: {  	[sflag:s28] =	ssyncset.done $0x0  }
0x60: {  	s19 =	rddreg [dreg:$0xe];
	[sflag:s28] =	ssyncadd.s32 $0xFFFFEC00  }
0x61: {  	[spmem:s19] =	stream.linear.scatter [tilespmem:s26], [sflag:$0x7], $0x1400, $0x38;
	[tilespmem:$0x1E800] =	vst v63  }
0x62: {  	_ =	swait.ge [sflag:s28], $0x1400  }
0x63: {  	[sflag:s28] =	ssyncset.done $0x0  }
0x64: {  	s20 =	rddreg [dreg:$0xf];
	[sflag:s28] =	ssyncadd.s32 $0xFFFFEC00  }
0x65: {  	[spmem:s20] =	stream.linear.scatter [tilespmem:s26], [sflag:$0x7], $0x1400, $0x38;
	[tilespmem:$0x1E800] =	vst v63  }
0x66: {  	_ =	swait.ge [sflag:s28], $0x1400  }
0x67: {  	[sflag:s28] =	ssyncset.done $0x0  }
0x68: {  	[sflag:s28] =	ssyncadd.s32 $0xFFFFEC00  }
0x69: {  	[spmem:s21] =	stream.linear.scatter [tilespmem:s26], [sflag:$0x7], $0x1400, $0x38;
	[tilespmem:$0x1E800] =	vst v63  }
0x6a: {  	_ =	swait.ge [sflag:s28], $0x1400  }
0x6b: {  	[sflag:s28] =	ssyncset.done $0x0  }
0x6c: {  	[sflag:s28] =	ssyncadd.s32 $0xFFFFEC00  }
0x6d: {  	[spmem:s22] =	stream.linear.scatter [tilespmem:s26], [sflag:$0x7], $0x1000, $0x38;
	[tilespmem:$0x1E800] =	vst v63  }
.Ltmp3:
0x6e: {  	_ =	swait.ge [sflag:s28], $0x1000;
	(pc) =	sbr.rel .LBB2_4-.Ltmp3, $4  }
0x6f: {  	[sflag:s28] =	ssyncset.done $0x0  }
0x70: {  	[sflag:s28] =	ssyncadd.s32 $0xFFFFF000  }
0x71: {  	[bflag:$0x0] =	sbarrier.arrive $0xFFFF  }
0x72: {  	s14 =	simm.s32 $0x0;
	s15 =	simm.s32 $0x0  }
.LBB2_11:
0x73: {  	_ =	swait.ge [sflag:s9], $0x2800  }
0x74: {  	[sflag:s9] =	ssyncset.done $0x0  }
0x75: {  	s15 =	sadd.s32 $0x1, s15;
	[sflag:s9] =	ssyncadd.s32 $0xFFFFD800  }
0x76: {  	p0 =	sne.s32 s15, $0x5;
	_ =	swait.ge [sflag:s10], $0x2800  }
.Ltmp4:
0x77: {  	[sflag:s10] =	ssyncset.done $0x0;
	(pc) =	sbr.rel @!p0 .LBB2_12-.Ltmp4, $4  }
0x78: {  	[sflag:s10] =	ssyncadd.s32 $0xFFFFD800  }
0x79: {  	_ =	swait.ge [sflag:s11], $0x2800  }
0x7a: {  	[sflag:s11] =	ssyncset.done $0x0  }
0x7b: {  	[sflag:s11] =	ssyncadd.s32 $0xFFFFD800  }
.LBB2_4:
0x7c: {  	s16 =	sshll.u32 s15, $0xC  }
0x7d: {  	s16 =	sadd.s32 s23, s16  }
0x7e: {  	s16 =	sshrl.u32 s16, $0x3  }
0x7f: {  	s17 =	sadd.s32 s5, s16  }
0x80: {  	[tilespmem:s14], [sflag:$0x7] =	stream.linear.gather [hbm4b:s17+s14], $0xC80, $0x38;
	[tilespmem:$0x1E800] =	vst v63  }
0x81: {  	_ =	swait.ge [sflag:s28], $0xC80  }
0x82: {  	[sflag:s28] =	ssyncset.done $0x0  }
0x83: {  	s20 =	sadd.s32 s6, s16;
	s16 =	simm.s32 $0x1000;
	[sflag:s28] =	ssyncadd.s32 $0xFFFFF380  }
0x84: {  	[tilespmem:s16], [sflag:$0x7] =	stream.linear.gather [hbm4b:s20+s14], $0xC80, $0x38;
	[tilespmem:$0x1E800] =	vst v63  }
0x85: {  	_ =	swait.ge [sflag:s28], $0xC80  }
.Ltmp5:
0x86: {  	[sflag:s28] =	ssyncset.done $0x0;
	(pc) =	sbr.rel .LBB2_5-.Ltmp5, $4  }
0x87: {  	[sflag:s28] =	ssyncadd.s32 $0xFFFFF380  }
0x88: {  	[tilespmem:s30], [sflag:$0x1] =	stream.indirect.gather [hbm4b:s4+s29], $0x80, s14, s29, $0xb8;
	[tilespmem:$0x1E800] =	vst v63  }
0x89: {  	s18 =	simm.s32 $0x0;
	s17 =	simm.s32 $0x100  }
0x8a: {  	[tilespmem:s0], [sflag:$0x2] =	stream.indirect.gather [hbm4b:s4+s29], $0x80, s31, s29, $0xb8;
	[tilespmem:$0x1E800] =	vst v63  }
.LBB2_9:
0x8b: {  	_ =	swait.ge [sflag:s2], $0x2800  }
0x8c: {  	p0 =	sgt.u32 s18, $0x16;
	[sflag:s2] =	ssyncset.done $0x0  }
0x8d: {  	s19 =	simm.s32 @!p0 $0x5;
	[sflag:s2] =	ssyncadd.s32 $0xFFFFD800  }
0x8e: {  	[spmem:s1] =	stream.indirect.scatter.add.f32 [tilespmem:s8], [sflag:$0x6], $0x80, s16, s29, $0xb8;
	[tilespmem:$0x1E800] =	vst v63  }
0x8f: {  	_ =	swait.ge @!p0 [sflag:s19], $0x2800  }
0x90: {  	[sflag:s19] =	ssyncset.done @!p0 $0x0  }
0x91: {  	s20 =	simm.s32 @!p0 $0x4800;
	[sflag:s19] =	ssyncadd.s32 @!p0 $0xFFFFD800;
	s19 =	simm.s32 @!p0 $0x50  }
0x92: {  	[tilespmem:s20], [sflag:$0x2] =	stream.indirect.gather @!p0 [hbm4b:s4+s19], $0x80, s17, s19, $0xb8;
	[tilespmem:$0x1E800] =	vst v63  }
.LBB2_10:
0x93: {  	s18 =	sadd.s32 $0x1, s18  }
0x94: {  	p0 =	sne.s32 s18, $0x19  }
.Ltmp6:
0x95: {  	_ = 	snop;
	(pc) =	sbr.rel @!p0 .LBB2_11-.Ltmp6, $2  }
0x96: {  	_ =	sdelay $0x2  }
0x97: {  	s17 =	sadd.s32 $0x80, s17;
	s16 =	sadd.s32 $0x80, s16  }
.LBB2_5:
0x98: {  	s19 =	smul.u32 $0xAB, s18;
	_ =	sdelay $0x1  }
0x99: {  	s19 =	sshrl.u32 s19, $0x9  }
0x9a: {  	s19 =	sand.u32 $0x7F, s19  }
0x9b: {  	s19 =	smul.u32 $0x3, s19;
	_ =	sdelay $0x1  }
0x9c: {  	s19 =	ssub.s32 s18, s19  }
0x9d: {  	s19 =	sand.u32 $0xFF, s19  }
0x9e: {  	p0 =	seq.s32 s19, $0x2  }
.Ltmp7:
0x9f: {  	_ = 	snop;
	(pc) =	sbr.rel @p0 .LBB2_9-.Ltmp7, $1  }
0xa0: {  	_ =	sdelay $0x3  }
0xa1: {  	p0 =	seq.s32 s19, $0x1  }
.Ltmp8:
0xa2: {  	_ = 	snop;
	(pc) =	sbr.rel @!p0 .LBB2_7-.Ltmp8, $1  }
0xa3: {  	_ =	sdelay $0x3  }
0xa4: {  	_ =	swait.ge [sflag:s12], $0x2800  }
0xa5: {  	[sflag:s12] =	ssyncset.done $0x0  }
0xa6: {  	p0 =	sgt.u32 s18, $0x16;
	[sflag:s12] =	ssyncadd.s32 $0xFFFFD800  }
0xa7: {  	[spmem:s1] =	stream.indirect.scatter.add.f32 [tilespmem:s0], [sflag:$0x5], $0x80, s16, s29, $0xb8;
	[tilespmem:$0x1E800] =	vst v63  }
.Ltmp9:
0xa8: {  	s19 =	simm.s32 @!p0 $0x4;
	(pc) =	sbr.rel .LBB2_10-.Ltmp9, $4  }
0xa9: {  	_ =	swait.ge @!p0 [sflag:s19], $0x2800  }
0xaa: {  	[sflag:s19] =	ssyncset.done @!p0 $0x0  }
0xab: {  	s20 =	simm.s32 @!p0 $0x2000;
	[sflag:s19] =	ssyncadd.s32 @!p0 $0xFFFFD800;
	s19 =	simm.s32 @!p0 $0x50  }
0xac: {  	[tilespmem:s20], [sflag:$0x1] =	stream.indirect.gather @!p0 [hbm4b:s4+s19], $0x80, s17, s19, $0xb8;
	[tilespmem:$0x1E800] =	vst v63  }
.LBB2_7:
0xad: {  	_ =	swait.ge [sflag:s13], $0x2800;
	p0 =	sgt.u32 s18, $0x16  }
0xae: {  	[sflag:s13] =	ssyncset.done $0x0;
	p1 =	seq.s32 @!p0 s18, $0x0  }
0xaf: {  	[sflag:s13] =	ssyncadd.s32 $0xFFFFD800;
	p1 =	por p1, p0  }
0xb0: {  	[spmem:s1] =	stream.indirect.scatter.add.f32 [tilespmem:s30], [sflag:$0x4], $0x80, s16, s29, $0xb8;
	[tilespmem:$0x1E800] =	vst v63  }
.Ltmp10:
0xb1: {  	s19 =	simm.s32 @!p1 $0x6;
	(pc) =	sbr.rel .LBB2_10-.Ltmp10, $4  }
0xb2: {  	_ =	swait.ge @!p1 [sflag:s19], $0x2800  }
0xb3: {  	[sflag:s19] =	ssyncset.done @!p1 $0x0  }
0xb4: {  	s20 =	simm.s32 @!p0 $0x7000;
	[sflag:s19] =	ssyncadd.s32 @!p1 $0xFFFFD800;
	s19 =	simm.s32 @!p0 $0x50  }
0xb5: {  	[tilespmem:s20], [sflag:$0x3] =	stream.indirect.gather @!p0 [hbm4b:s4+s19], $0x80, s17, s19, $0xb8;
	[tilespmem:$0x1E800] =	vst v63  }
.LBB2_13:
0xb6: {  	_ =	sfence.sel $0x180000  }
0xb7: {  	[bflag:$0x0] =	sbarrier.arrive $0xFFFF  }
0xb8: {  	_ =	strace $0x9000004A  }
0xb9: {  	s0 =	stileid.u32;
	[bflag:$0x2] =	sbarrier.arrive $0xFFFF  }
0xba: {  	p0 =	sne.s32 s0, $0x0;
	s0 =	rddreg [dreg:$0x2]  }
0xbb: {  	s0 =	sadd.s32 @!p0 $0x100000, s0  }
0xbc: {  	[sflag:s0] =	ssyncadd.tile.s32 @!p0 $0x1;
	_ =	shalt  }
.Lfunc_end2:
_tile_overlayer_lowered:
.L_overlay_start_2:
0xbd: {  	(tag) =	ssettag $0x2  }
0xbe: {  	s0 =	rddreg [dreg:$0x0];
	s2 =	stileid.u32  }
0xbf: {  	s1 =	rddreg [dreg:$0x1];
	p0 =	sne.s32 s2, $0x0  }
0xc0: {  	s3 =	rddreg [dreg:$0x2];
	[bflag:$0x3] =	sbarrier.arrive $0xFFFF;
	s2 =	simm.s32 @!p0 $0x1C07  }
0xc1: {  	[timem:s3], [sflag:s2] =	dma.local @!p0 [hbm:s0], s1  }
0xc2: {  	s0 =	simm.s32 @!p0 $0x7  }
0xc3: {  	_ =	swait.ge @!p0 [sflag:s0], s1  }
0xc4: {  	s1 =	ssub.s32 @!p0 $0x0, s1;
	[sflag:s0] =	ssyncset.done @!p0 $0x0  }
0xc5: {  	[sflag:s0] =	ssyncadd.s32 @!p0 s1  }
0xc6: {  	[bflag:$0x3] =	sbarrier.arrive $0xFFFF  }
0xc7: {  	_ =	shalt  }

// kernel: kernel.16.cloned.1.call-start
scs
__scs_entry_jumppad:
0x0: {  	(pc) =	sbr.rel $0x88, $3  }
0x1: {  	(tag) =	ssettag $0x0;
	lr =	simm.s32 $0x1  }
0x2: {  	[smem:$0x3F92] =	sst lr;
	_ =	strace $0xD0000000  }
0x3: {  	_ = 	snop  }
0x4: {  	_ = 	snop  }
0x5: {  	_ = 	snop  }
0x6: {  	_ = 	snop  }
0x7: {  	_ = 	snop  }
__scs_overlays_trampoline_lowered:
0x8: {  	[smem:$0x3FA1] =	sst s0  }
0x9: {  	[smem:$0x3FA2] =	sst s1  }
0xa: {  	[smem:$0x3FA3] =	sst s2  }
0xb: {  	[smem:$0x3FA4] =	sst s3  }
0xc: {  	[smem:$0x3FA5] =	sst s4  }
0xd: {  	[smem:$0x3FA6] =	sst s5  }
0xe: {  	[smem:$0x3FA7] =	sst s6  }
0xf: {  	[smem:$0x3FA8] =	sst s7  }
0x10: {  	[smem:$0x3FA9] =	sst s8  }
0x11: {  	[smem:$0x3FAA] =	sst s9;
	s0 =	simm.s32 @!p0 $0x0  }
0x12: {  	s1 =	sld [smem:$0x3F90];
	s0 =	simm.s32 @p0 $0x1  }
0x13: {  	[smem:$0x3FAB] =	sst s0;
	s0 =	simm.s32 @!p1 $0x0  }
0x14: {  	s2 =	sld [smem:$0x3F8F];
	s0 =	simm.s32 @p1 $0x1  }
0x15: {  	[smem:$0x3FAC] =	sst s0;
	s0 =	simm.s32 @!p2 $0x0  }
0x16: {  	s3 =	sld [smem:$0x3FDB];
	s0 =	simm.s32 @p2 $0x1  }
0x17: {  	s4 =	simm.s32 $0x1BF5;
	[smem:$0x3FAE] =	sst s0  }
0x18: {  	s0 =	sld [smem:$0x3F91];
	_ =	swait.ge [sflag:s4], $0x0  }
0x19: {  	s7 =	sld [smem:$0x3F92]  }
0x1a: {  	s8 =	sadd.s32 $0xFFFFE003, lr  }
0x1b: {  	s9 =	sadd.s32 $0xFFFFFEF7, lr;
	s5 =	simm.s32 $0xFFFFFFFF;
	p2 =	slt.u32 s8, $0xFFFFF086  }
0x1c: {  	p1 =	slt.u32 s9, $0xF7A;
	s5 =	simm.s32 @!p2 $0x0  }
0x1d: {  	s5 =	simm.s32 @p1 $0x1;
	p0 =	seq.s32 s7, s2  }
0x1e: {  	s7 =	smul.u32 @!p0 $0xF7A, s2;
	p2 =	seq.s32 @!p0 s5, $0x0  }
0x1f: {  	s9 =	smul.u32 $0xF7A, s1;
	s8 =	simm.s32 @!p0 $0x1BF5;
	p2 =	por !p2, p0  }
0x20: {  	[sflag:s8] =	ssyncset.s32 @!p0 $0xFFFFF086;
	s6 =	sadd.s32 @!p0 s3, s7;
	s7 =	simm.s32 @!p0 $0x108  }
0x21: {  	s3 =	sadd.s32 s3, s9;
	s6 =	sadd.s32 @!p0 $0x88, s6;
	s7 =	simm.s32 @p2 $0x1082  }
0x22: {  	[simem:s7], [sflag:s8] =	dma.local @!p0 [hbm:s6], $0xF7A  }
0x23: {  	s9 =	sor.u32 $0xD0000000, s2;
	s6 =	simm.s32 $0x108;
	_ =	swait.ge @!p0 [sflag:s8], $0x0  }
0x24: {  	s3 =	sadd.s32 $0x88, s3;
	s6 =	simm.s32 @!p1 $0x1082;
	[sflag:s4] =	ssyncset.s32 $0xFFFFF086  }
0x25: {  	[simem:s6], [sflag:s4] =	dma.local [hbm:s3], $0xF7A  }
0x26: {  	[smem:$0x3F92] =	sst s1;
	(tag) =	ssettag s2;
	_ =	strace s9  }
0x27: {  	s1 =	sld [smem:$0x3FA2]  }
0x28: {  	s2 =	sld [smem:$0x3FA3]  }
0x29: {  	s4 =	sld [smem:$0x3FA5]  }
0x2a: {  	p0 =	seq.s32 s5, $0x0;
	s5 =	sld [smem:$0x3FA6]  }
0x2b: {  	s6 =	sld [smem:$0x3FA7]  }
0x2c: {  	s7 =	sld [smem:$0x3FA8]  }
0x2d: {  	s3 =	simm.s32 $0x108;
	s8 =	sld [smem:$0x3FA9]  }
0x2e: {  	s3 =	simm.s32 @!p0 $0x1082;
	s9 =	sld [smem:$0x3FAA]  }
0x2f: {  	lr =	sadd.s32 s0, s3;
	s0 =	sld [smem:$0x3FA1]  }
0x30: {  	s3 =	sld [smem:$0x3FA4]  }
0x31: {  	[smem:$0x3FAD] =	sst s10  }
0x32: {  	s10 =	sld [smem:$0x3FAB];
	_ =	sdelay $0x3  }
0x33: {  	p0 =	seq.s32 s10, $0x1;
	s10 =	sld [smem:$0x3FAD];
	_ =	sdelay $0x3  }
0x34: {  	[smem:$0x3FAD] =	sst s10  }
0x35: {  	s10 =	sld [smem:$0x3FAC];
	_ =	sdelay $0x3  }
0x36: {  	p1 =	seq.s32 s10, $0x1;
	s10 =	sld [smem:$0x3FAD];
	_ =	sdelay $0x3  }
0x37: {  	[smem:$0x3FAD] =	sst s10  }
0x38: {  	s10 =	sld [smem:$0x3FAE]  }
0x39: {  	_ = 	snop;
	(pc) =	sbr.ind lr, $3  }
0x3a: {  	_ = 	snop  }
0x3b: {  	_ = 	snop  }
0x3c: {  	p2 =	seq.s32 s10, $0x1;
	s10 =	sld [smem:$0x3FAD]  }
0x3d: {  	_ =	shalt  }
0x3e: {  	_ =	shalt  }
0x3f: {  	_ =	shalt  }
0x40: {  	_ =	shalt  }
0x41: {  	_ =	shalt  }
0x42: {  	_ =	shalt  }
0x43: {  	_ =	shalt  }
0x44: {  	_ =	shalt  }
0x45: {  	_ =	shalt  }
0x46: {  	_ =	shalt  }
0x47: {  	_ =	shalt  }
0x48: {  	_ =	shalt  }
0x49: {  	_ =	shalt  }
0x4a: {  	_ =	shalt  }
0x4b: {  	_ =	shalt  }
0x4c: {  	_ =	shalt  }
0x4d: {  	_ =	shalt  }
0x4e: {  	_ =	shalt  }
0x4f: {  	_ =	shalt  }
0x50: {  	_ =	shalt  }
0x51: {  	_ =	shalt  }
0x52: {  	_ =	shalt  }
0x53: {  	_ =	shalt  }
0x54: {  	_ =	shalt  }
0x55: {  	_ =	shalt  }
0x56: {  	_ =	shalt  }
0x57: {  	_ =	shalt  }
0x58: {  	_ =	shalt  }
0x59: {  	_ =	shalt  }
0x5a: {  	_ =	shalt  }
0x5b: {  	_ =	shalt  }
0x5c: {  	_ =	shalt  }
0x5d: {  	_ =	shalt  }
0x5e: {  	_ =	shalt  }
0x5f: {  	_ =	shalt  }
0x60: {  	_ =	shalt  }
0x61: {  	_ =	shalt  }
0x62: {  	_ =	shalt  }
0x63: {  	_ =	shalt  }
0x64: {  	_ =	shalt  }
0x65: {  	_ =	shalt  }
0x66: {  	_ =	shalt  }
0x67: {  	_ =	shalt  }
0x68: {  	_ =	shalt  }
0x69: {  	_ =	shalt  }
0x6a: {  	_ =	shalt  }
0x6b: {  	_ =	shalt  }
0x6c: {  	_ =	shalt  }
0x6d: {  	_ =	shalt  }
0x6e: {  	_ =	shalt  }
0x6f: {  	_ =	shalt  }
0x70: {  	_ =	shalt  }
0x71: {  	_ =	shalt  }
0x72: {  	_ =	shalt  }
0x73: {  	_ =	shalt  }
0x74: {  	_ =	shalt  }
0x75: {  	_ =	shalt  }
0x76: {  	_ =	shalt  }
0x77: {  	_ =	shalt  }
0x78: {  	_ =	shalt  }
0x79: {  	_ =	shalt  }
0x7a: {  	_ =	shalt  }
0x7b: {  	_ =	shalt  }
0x7c: {  	_ =	shalt  }
0x7d: {  	_ =	shalt  }
0x7e: {  	_ =	shalt  }
0x7f: {  	_ =	shalt  }
0x80: {  	_ =	shalt  }
0x81: {  	_ =	shalt  }
0x82: {  	_ =	shalt  }
0x83: {  	_ =	shalt  }
0x84: {  	_ =	shalt  }
0x85: {  	_ =	shalt  }
0x86: {  	_ =	shalt  }
0x87: {  	_ =	shalt  }
.Lfunc_end0:
.L_simem_size_0:
called_computation.2_lowered:
.L_overlay_start_0:
0x88: {  	s2 =	sld [smem:$0x3FD9]  }
0x89: {  	s3 =	sld [smem:$0x3FFE];
	_ =	sdelay $0x1  }
0x8a: {  	s1 =	srdreg.scid  }
0x8b: {  	s0 =	sand.u32 $0x1, s1  }
0x8c: {  	s16 =	sshll.u32 s0, $0xA;
	s2 =	sadd.s32 s3, s2  }
0x8d: {  	s2 =	sadd.s32 s2, s16  }
0x8e: {  	[smem:$0x3FB9] =	sst s2  }
0x8f: {  	_ = 	snop  }
0x90: {  	(tm) =	ssettm $0x1  }
0x91: {  	s17 =	sld [smem:$0x3FFB];
	_ =	sdelay $0x3  }
0x92: {  	_ =	strace s17  }
0x93: {  	s2 =	sld [smem:$0x3FFC];
	_ =	sdelay $0x3  }
0x94: {  	_ =	strace s2  }
0x95: {  	s2 =	sld [smem:$0x3FFD];
	_ =	sdelay $0x3  }
0x96: {  	_ =	strace s2  }
0x97: {  	_ =	strace $0x8FFFFFFF  }
0x98: {  	s18 =	sld [smem:$0x3FDB];
	_ =	sdelay $0x1  }
0x99: {  	s19 =	simm.s32 $_scs_section_size  }
0x9a: {  	s4 =	simm.s32 $_size__tile_overlayer_lowered;
	s5 =	simm.s32 $_tile_overlayer_lowered  }
0x9b: {  	s22 =	simm.s32 $0x1BFF;
	s21 =	sshll.u32 s5, $0x1;
	s2 =	sadd.s32 s19, s18  }
0x9c: {  	s6 =	simm.s32 $0x0;
	s20 =	sshll.u32 s4, $0x1;
	s4 =	sadd.s32 s21, s2  }
0x9d: {  	[timem:s6], [sflag:s22] =	dma.local [hbm:s4], s20  }
0x9e: {  	_ =	swait.ge [sflag:s22], s20  }
0x9f: {  	s3 =	ssub.s32 $0x0, s20;
	[sflag:s22] =	ssyncset.done $0x0  }
0xa0: {  	[sflag:s22] =	ssyncadd.s32 s3;
	_ =	sdelay $0x1  }
0xa1: {  	s23 =	simm.s32 $0x1B8B  }
0xa2: {  	_ =	swait.ge [sflag:s23], $0x1  }
0xa3: {  	[sflag:s23] =	ssyncset.done $0x0  }
0xa4: {  	s25 =	simm.s32 $0x1B8E;
	s24 =	sld [smem:$0x3FFE];
	[sflag:s23] =	ssyncadd.s32 $0xFFFFFFFF  }
0xa5: {  	s26 =	simm.s32 $execute0_lowered;
	[smem:$0x3FD2] =	sst s25  }
0xa6: {  	s4 =	sshll.u32 s26, $0x1;
	_ =	strace $0x8000004C;
	[dreg:$0x1] =	wrdreg $0xFFFFFFFF  }
0xa7: {  	s28 =	simm.s32 $_size_execute0_lowered;
	s2 =	sadd.s32 s2, s4;
	[dreg:$0x0] =	wrdreg $0x0  }
0xa8: {  	s4 =	sshll.u32 s28, $0x1;
	[dreg:$0x2] =	wrdreg s2  }
0xa9: {  	[dreg:$0x3] =	wrdreg s4  }
0xaa: {  	[dreg:$0x4] =	wrdreg $0xC0  }
0xab: {  	_ =	task [dreg:s6], $0x5FFFF  }
0xac: {  	[dreg:$0x1] =	wrdreg $0xFFFFFFFF  }
0xad: {  	[dreg:$0x0] =	wrdreg $0x60  }
0xae: {  	[dreg:$0x2] =	wrdreg s24  }
0xaf: {  	[dreg:$0x3] =	wrdreg $0xAC000  }
0xb0: {  	[dreg:$0x4] =	wrdreg $0x9  }
0xb1: {  	_ =	task.clear_ibuf [dreg:s6], $0x5FFFF;
	_ =	strace $0x9000004C  }
0xb2: {  	s29 =	simm.s32 $0x9;
	_ =	strace $0x8000004E  }
0xb3: {  	_ =	swait.ge [sflag:s29], $0x1  }
0xb4: {  	[sflag:s29] =	ssyncadd.s32 $0xFFFFFFFF  }
0xb5: {  	_ =	strace $0x9000004E  }
0xb6: {  	_ =	sfence  }
0xb7: {  	s30 =	sld [smem:$0x0];
	_ =	sdelay $0x2  }
0xb8: {  	s31 =	sshll.u32 s1, $0xD;
	s1 =	sshrl.u32 s1, $0x2  }
0xb9: {  	s3 =	sand.u32 $0x4000, s31;
	s1 =	sadd.s32 s1, s30  }
0xba: {  	s0 =	sor.u32 s3, s0;
	s1 =	sshll.u32 s1, $0x11  }
0xbb: {  	s0 =	sor.u32 s1, s0  }
0xbc: {  	s0 =	sadd.s32 $0x8F2B, s0  }
0xbd: {  	[sflag:s0] =	ssyncadd.remote.s32 $0x1  }
0xbe: {  	_ =	sfence.sel $0xFFFF  }
0xbf: {  	[dreg:$0x0] =	wrdreg $0xFFFFFFFF;
	(pc) =	sbr.abs _section_cstart, $3  }
0xc0: {  	[dreg:$0x1] =	wrdreg $0xFFFFFFFF  }
0xc1: {  	_ =	task.clear_ibuf [dreg:s6], $0x2FFFF;
	_ =	strace $0x9FFFFFFF  }
0xc2: {  	(tm) =	ssettm $0x7FFFFFFF  }
0xc3: {  	_ =	shalt  }
tec
execute0_lowered:
.L_overlay_start_1:
0x0: {  	(tag) =	ssettag $0x1  }
0x1: {  	s2 =	srdreg.scid;
	s10 =	stileid.u32  }
0x2: {  	s2 =	sand.u32 $0x1, s2;
	s6 =	smul.u32 $0x13C00, s10  }
0x3: {  	s0 =	rddreg [dreg:$0x0];
	s5 =	smul.u32 $0x13C000, s2  }
0x4: {  	s1 =	rddreg [dreg:$0x1];
	s3 =	simm.s32 $0x0;
	s8 =	smul.u32 $0x4F000, s10  }
0x5: {  	s28 =	simm.s32 $0x7;
	s4 =	sadd.s32 $0x18000, s0;
	s7 =	sadd.s32 s6, s5  }
0x6: {  	s12 =	sshrl.u32 s8, $0x2;
	s5 =	sadd.s32 $0x67000, s0;
	s7 =	sshrl.u32 s7, $0x3  }
0x7: {  	s6 =	sadd.s32 $0x4000, s0;
	s0 =	sadd.s32 s7, s0;
	s7 =	sadd.s32 s12, s1  }
0x8: {  	s29 =	simm.s32 $0x50;
	[smem:$0x7FF] =	sst s3;
	s14 =	sadd.s32 $0x1400, s7  }
0x9: {  	_ =	strace $0x8000004D;
	s15 =	sadd.s32 $0x2800, s7;
	[dreg:$0x3] =	wrdreg s14  }
0xa: {  	s30 =	simm.s32 $0x2000;
	s16 =	sadd.s32 $0x3C00, s7;
	[dreg:$0x4] =	wrdreg s15  }
0xb: {  	s31 =	simm.s32 $0x80;
	s17 =	sadd.s32 $0x5000, s7;
	[dreg:$0x5] =	wrdreg s16  }
0xc: {  	s11 =	simm.s32 $0x4;
	s18 =	sadd.s32 $0x6400, s7;
	[dreg:$0x6] =	wrdreg s17  }
0xd: {  	s10 =	sshll.u32 s10, $0x1;
	s19 =	sadd.s32 $0x7800, s7;
	[dreg:$0x7] =	wrdreg s18  }
0xe: {  	s9 =	ssub.s32 $0x2, s2;
	s20 =	sadd.s32 $0x8C00, s7;
	[dreg:$0x8] =	wrdreg s19  }
0xf: {  	s2 =	sor.u32 s2, s10;
	s21 =	sadd.s32 $0xA000, s7;
	[dreg:$0x9] =	wrdreg s20  }
0x10: {  	s10 =	simm.s32 $0x6;
	s22 =	sadd.s32 $0xB400, s7;
	[dreg:$0xa] =	wrdreg s21  }
0x11: {  	s13 =	sshrl.u32 s9, $0x1;
	s23 =	sadd.s32 $0xC800, s7;
	[dreg:$0xb] =	wrdreg s22  }
0x12: {  	s8 =	ssub.s32 s9, s13;
	s24 =	sadd.s32 $0xDC00, s7;
	[dreg:$0xc] =	wrdreg s23  }
0x13: {  	s9 =	simm.s32 $0x5;
	s25 =	sadd.s32 $0xF000, s7;
	[dreg:$0xd] =	wrdreg s24  }
.Ltmp0:
0x14: {  	s26 =	sadd.s32 $0x10400, s7;
	[dreg:$0xe] =	wrdreg s25;
	(pc) =	sbr.rel .LBB2_1-.Ltmp0, $4  }
0x15: {  	s13 =	simm.s32 $0x1;
	s12 =	simm.s32 $0x2;
	[dreg:$0xf] =	wrdreg s26  }
0x16: {  	s21 =	sadd.s32 $0x11800, s7;
	s22 =	sadd.s32 $0x12C00, s7;
	s23 =	smul.u32 $0x5000, s2  }
0x17: {  	s24 =	sadd.s32 $0x7B000, s0;
	s25 =	smax.u32 s8, $0x1;
	s26 =	simm.s32 $0x9800  }
0x18: {  	v0 =	vimm.f32 $0.0e+00;
	s0 =	simm.s32 $0x4800;
	s2 =	simm.s32 $0x3;
	s8 =	simm.s32 $0x7000  }
.LBB2_12:
0x19: {  	s14 =	stileid.u32;
	s3 =	sadd.s32 $0x1, s3  }
0x1a: {  	[bflag:$0x0] =	sbarrier.arrive $0xFFFF;
	s14 =	sshll.u32 s14, $0x6;
	p0 =	sne.s32 s3, s25  }
.Ltmp1:
0x1b: {  	s15 =	sshrl.u32 s7, $0x3;
	s14 =	sor.u32 $0x1C07, s14;
	(pc) =	sbr.rel @!p0 .LBB2_13-.Ltmp1, $4  }
0x1c: {  	[hbm:s24], [sflag:s14] =	dma.local [spmem:s15], $0x2780  }
0x1d: {  	_ =	swait.ge [sflag:s28], $0x2780  }
0x1e: {  	[sflag:s28] =	ssyncset.done $0x0  }
0x1f: {  	[sflag:s28] =	ssyncadd.s32 $0xFFFFD880  }
.LBB2_1:
0x20: {  	s14 =	simm.s32 $0x0;
	s15 =	simm.s32 $0x200  }
.LBB2_2:
0x21: {  	p0 =	sne.s32 s15, $0x4E00;
	[tilespmem:s14+$0x9870] =	vst v0  }
0x22: {  	[tilespmem:s14+$0x9800] =	vst v0  }
0x23: {  	[tilespmem:s14+$0x9810] =	vst v0  }
.Ltmp2:
0x24: {  	[tilespmem:s14+$0x9820] =	vst v0;
	(pc) =	sbr.rel @p0 .LBB2_2-.Ltmp2, $4  }
0x25: {  	[tilespmem:s14+$0x9830] =	vst v0  }
0x26: {  	[tilespmem:s14+$0x9840] =	vst v0  }
0x27: {  	[tilespmem:s14+$0x9850] =	vst v0  }
0x28: {  	[tilespmem:s14+$0x9860] =	vst v0;
	s14 =	sshra.s32 s15, $0x2;
	s15 =	sadd.s32 $0x200, s15  }
0x29: {  	[tilespmem:s14+$0x9870] =	vst v0  }
0x2a: {  	[tilespmem:s14+$0x9800] =	vst v0  }
0x2b: {  	[tilespmem:s14+$0x9810] =	vst v0  }
0x2c: {  	[tilespmem:s14+$0x9820] =	vst v0  }
0x2d: {  	[tilespmem:s14+$0x9830] =	vst v0  }
0x2e: {  	[tilespmem:s14+$0x9840] =	vst v0  }
0x2f: {  	[tilespmem:s14+$0x9850] =	vst v0  }
0x30: {  	[tilespmem:s14+$0x9860] =	vst v0  }
0x31: {  	[spmem:s7] =	stream.linear.scatter [tilespmem:s26], [sflag:$0x7], $0x1400, $0x38;
	[tilespmem:$0x1E800] =	vst v63  }
0x32: {  	_ =	swait.ge [sflag:s28], $0x1400  }
0x33: {  	[sflag:s28] =	ssyncset.done $0x0  }
0x34: {  	s20 =	rddreg [dreg:$0x3];
	[sflag:s28] =	ssyncadd.s32 $0xFFFFEC00  }
0x35: {  	[spmem:s20] =	stream.linear.scatter [tilespmem:s26], [sflag:$0x7], $0x1400, $0x38;
	[tilespmem:$0x1E800] =	vst v63  }
0x36: {  	_ =	swait.ge [sflag:s28], $0x1400  }
0x37: {  	[sflag:s28] =	ssyncset.done $0x0  }
0x38: {  	s15 =	rddreg [dreg:$0x4];
	[sflag:s28] =	ssyncadd.s32 $0xFFFFEC00  }
0x39: {  	[spmem:s15] =	stream.linear.scatter [tilespmem:s26], [sflag:$0x7], $0x1400, $0x38;
	[tilespmem:$0x1E800] =	vst v63  }
0x3a: {  	_ =	swait.ge [sflag:s28], $0x1400  }
0x3b: {  	[sflag:s28] =	ssyncset.done $0x0  }
0x3c: {  	s16 =	rddreg [dreg:$0x5];
	[sflag:s28] =	ssyncadd.s32 $0xFFFFEC00  }
0x3d: {  	[spmem:s16] =	stream.linear.scatter [tilespmem:s26], [sflag:$0x7], $0x1400, $0x38;
	[tilespmem:$0x1E800] =	vst v63  }
0x3e: {  	_ =	swait.ge [sflag:s28], $0x1400  }
0x3f: {  	[sflag:s28] =	ssyncset.done $0x0  }
0x40: {  	s17 =	rddreg [dreg:$0x6];
	[sflag:s28] =	ssyncadd.s32 $0xFFFFEC00  }
0x41: {  	[spmem:s17] =	stream.linear.scatter [tilespmem:s26], [sflag:$0x7], $0x1400, $0x38;
	[tilespmem:$0x1E800] =	vst v63  }
0x42: {  	_ =	swait.ge [sflag:s28], $0x1400  }
0x43: {  	[sflag:s28] =	ssyncset.done $0x0  }
0x44: {  	s18 =	rddreg [dreg:$0x7];
	[sflag:s28] =	ssyncadd.s32 $0xFFFFEC00  }
0x45: {  	[spmem:s18] =	stream.linear.scatter [tilespmem:s26], [sflag:$0x7], $0x1400, $0x38;
	[tilespmem:$0x1E800] =	vst v63  }
0x46: {  	_ =	swait.ge [sflag:s28], $0x1400  }
0x47: {  	[sflag:s28] =	ssyncset.done $0x0  }
0x48: {  	s19 =	rddreg [dreg:$0x8];
	[sflag:s28] =	ssyncadd.s32 $0xFFFFEC00  }
0x49: {  	[spmem:s19] =	stream.linear.scatter [tilespmem:s26], [sflag:$0x7], $0x1400, $0x38;
	[tilespmem:$0x1E800] =	vst v63  }
0x4a: {  	_ =	swait.ge [sflag:s28], $0x1400  }
0x4b: {  	[sflag:s28] =	ssyncset.done $0x0  }
0x4c: {  	s20 =	rddreg [dreg:$0x9];
	[sflag:s28] =	ssyncadd.s32 $0xFFFFEC00  }
0x4d: {  	[spmem:s20] =	stream.linear.scatter [tilespmem:s26], [sflag:$0x7], $0x1400, $0x38;
	[tilespmem:$0x1E800] =	vst v63  }
0x4e: {  	_ =	swait.ge [sflag:s28], $0x1400  }
0x4f: {  	[sflag:s28] =	ssyncset.done $0x0  }
0x50: {  	s15 =	rddreg [dreg:$0xa];
	[sflag:s28] =	ssyncadd.s32 $0xFFFFEC00  }
0x51: {  	[spmem:s15] =	stream.linear.scatter [tilespmem:s26], [sflag:$0x7], $0x1400, $0x38;
	[tilespmem:$0x1E800] =	vst v63  }
0x52: {  	_ =	swait.ge [sflag:s28], $0x1400  }
0x53: {  	[sflag:s28] =	ssyncset.done $0x0  }
0x54: {  	s16 =	rddreg [dreg:$0xb];
	[sflag:s28] =	ssyncadd.s32 $0xFFFFEC00  }
0x55: {  	[spmem:s16] =	stream.linear.scatter [tilespmem:s26], [sflag:$0x7], $0x1400, $0x38;
	[tilespmem:$0x1E800] =	vst v63  }
0x56: {  	_ =	swait.ge [sflag:s28], $0x1400  }
0x57: {  	[sflag:s28] =	ssyncset.done $0x0  }
0x58: {  	s17 =	rddreg [dreg:$0xc];
	[sflag:s28] =	ssyncadd.s32 $0xFFFFEC00  }
0x59: {  	[spmem:s17] =	stream.linear.scatter [tilespmem:s26], [sflag:$0x7], $0x1400, $0x38;
	[tilespmem:$0x1E800] =	vst v63  }
0x5a: {  	_ =	swait.ge [sflag:s28], $0x1400  }
0x5b: {  	[sflag:s28] =	ssyncset.done $0x0  }
0x5c: {  	s18 =	rddreg [dreg:$0xd];
	[sflag:s28] =	ssyncadd.s32 $0xFFFFEC00  }
0x5d: {  	[spmem:s18] =	stream.linear.scatter [tilespmem:s26], [sflag:$0x7], $0x1400, $0x38;
	[tilespmem:$0x1E800] =	vst v63  }
0x5e: {  	_ =	swait.ge [sflag:s28], $0x1400  }
0x5f: {  	[sflag:s28] =	ssyncset.done $0x0  }
0x60: {  	s19 =	rddreg [dreg:$0xe];
	[sflag:s28] =	ssyncadd.s32 $0xFFFFEC00  }
0x61: {  	[spmem:s19] =	stream.linear.scatter [tilespmem:s26], [sflag:$0x7], $0x1400, $0x38;
	[tilespmem:$0x1E800] =	vst v63  }
0x62: {  	_ =	swait.ge [sflag:s28], $0x1400  }
0x63: {  	[sflag:s28] =	ssyncset.done $0x0  }
0x64: {  	s20 =	rddreg [dreg:$0xf];
	[sflag:s28] =	ssyncadd.s32 $0xFFFFEC00  }
0x65: {  	[spmem:s20] =	stream.linear.scatter [tilespmem:s26], [sflag:$0x7], $0x1400, $0x38;
	[tilespmem:$0x1E800] =	vst v63  }
0x66: {  	_ =	swait.ge [sflag:s28], $0x1400  }
0x67: {  	[sflag:s28] =	ssyncset.done $0x0  }
0x68: {  	[sflag:s28] =	ssyncadd.s32 $0xFFFFEC00  }
0x69: {  	[spmem:s21] =	stream.linear.scatter [tilespmem:s26], [sflag:$0x7], $0x1400, $0x38;
	[tilespmem:$0x1E800] =	vst v63  }
0x6a: {  	_ =	swait.ge [sflag:s28], $0x1400  }
0x6b: {  	[sflag:s28] =	ssyncset.done $0x0  }
0x6c: {  	[sflag:s28] =	ssyncadd.s32 $0xFFFFEC00  }
0x6d: {  	[spmem:s22] =	stream.linear.scatter [tilespmem:s26], [sflag:$0x7], $0x1000, $0x38;
	[tilespmem:$0x1E800] =	vst v63  }
.Ltmp3:
0x6e: {  	_ =	swait.ge [sflag:s28], $0x1000;
	(pc) =	sbr.rel .LBB2_4-.Ltmp3, $4  }
0x6f: {  	[sflag:s28] =	ssyncset.done $0x0  }
0x70: {  	[sflag:s28] =	ssyncadd.s32 $0xFFFFF000  }
0x71: {  	[bflag:$0x0] =	sbarrier.arrive $0xFFFF  }
0x72: {  	s14 =	simm.s32 $0x0;
	s15 =	simm.s32 $0x0  }
.LBB2_11:
0x73: {  	_ =	swait.ge [sflag:s9], $0x2800  }
0x74: {  	[sflag:s9] =	ssyncset.done $0x0  }
0x75: {  	s15 =	sadd.s32 $0x1, s15;
	[sflag:s9] =	ssyncadd.s32 $0xFFFFD800  }
0x76: {  	p0 =	sne.s32 s15, $0x5;
	_ =	swait.ge [sflag:s10], $0x2800  }
.Ltmp4:
0x77: {  	[sflag:s10] =	ssyncset.done $0x0;
	(pc) =	sbr.rel @!p0 .LBB2_12-.Ltmp4, $4  }
0x78: {  	[sflag:s10] =	ssyncadd.s32 $0xFFFFD800  }
0x79: {  	_ =	swait.ge [sflag:s11], $0x2800  }
0x7a: {  	[sflag:s11] =	ssyncset.done $0x0  }
0x7b: {  	[sflag:s11] =	ssyncadd.s32 $0xFFFFD800  }
.LBB2_4:
0x7c: {  	s16 =	sshll.u32 s15, $0xC  }
0x7d: {  	s16 =	sadd.s32 s23, s16  }
0x7e: {  	s16 =	sshrl.u32 s16, $0x3  }
0x7f: {  	s17 =	sadd.s32 s5, s16  }
0x80: {  	[tilespmem:s14], [sflag:$0x7] =	stream.linear.gather [hbm4b:s17+s14], $0xC80, $0x38;
	[tilespmem:$0x1E800] =	vst v63  }
0x81: {  	_ =	swait.ge [sflag:s28], $0xC80  }
0x82: {  	[sflag:s28] =	ssyncset.done $0x0  }
0x83: {  	s20 =	sadd.s32 s6, s16;
	s16 =	simm.s32 $0x1000;
	[sflag:s28] =	ssyncadd.s32 $0xFFFFF380  }
0x84: {  	[tilespmem:s16], [sflag:$0x7] =	stream.linear.gather [hbm4b:s20+s14], $0xC80, $0x38;
	[tilespmem:$0x1E800] =	vst v63  }
0x85: {  	_ =	swait.ge [sflag:s28], $0xC80  }
.Ltmp5:
0x86: {  	[sflag:s28] =	ssyncset.done $0x0;
	(pc) =	sbr.rel .LBB2_5-.Ltmp5, $4  }
0x87: {  	[sflag:s28] =	ssyncadd.s32 $0xFFFFF380  }
0x88: {  	[tilespmem:s30], [sflag:$0x1] =	stream.indirect.gather [hbm4b:s4+s29], $0x80, s14, s29, $0xb8;
	[tilespmem:$0x1E800] =	vst v63  }
0x89: {  	s18 =	simm.s32 $0x0;
	s17 =	simm.s32 $0x100  }
0x8a: {  	[tilespmem:s0], [sflag:$0x2] =	stream.indirect.gather [hbm4b:s4+s29], $0x80, s31, s29, $0xb8;
	[tilespmem:$0x1E800] =	vst v63  }
.LBB2_9:
0x8b: {  	_ =	swait.ge [sflag:s2], $0x2800  }
0x8c: {  	p0 =	sgt.u32 s18, $0x16;
	[sflag:s2] =	ssyncset.done $0x0  }
0x8d: {  	s19 =	simm.s32 @!p0 $0x5;
	[sflag:s2] =	ssyncadd.s32 $0xFFFFD800  }
0x8e: {  	[spmem:s1] =	stream.indirect.scatter.add.f32 [tilespmem:s8], [sflag:$0x6], $0x80, s16, s29, $0xb8;
	[tilespmem:$0x1E800] =	vst v63  }
0x8f: {  	_ =	swait.ge @!p0 [sflag:s19], $0x2800  }
0x90: {  	[sflag:s19] =	ssyncset.done @!p0 $0x0  }
0x91: {  	s20 =	simm.s32 @!p0 $0x4800;
	[sflag:s19] =	ssyncadd.s32 @!p0 $0xFFFFD800;
	s19 =	simm.s32 @!p0 $0x50  }
0x92: {  	[tilespmem:s20], [sflag:$0x2] =	stream.indirect.gather @!p0 [hbm4b:s4+s19], $0x80, s17, s19, $0xb8;
	[tilespmem:$0x1E800] =	vst v63  }
.LBB2_10:
0x93: {  	s18 =	sadd.s32 $0x1, s18  }
0x94: {  	p0 =	sne.s32 s18, $0x19  }
.Ltmp6:
0x95: {  	_ = 	snop;
	(pc) =	sbr.rel @!p0 .LBB2_11-.Ltmp6, $2  }
0x96: {  	_ =	sdelay $0x2  }
0x97: {  	s17 =	sadd.s32 $0x80, s17;
	s16 =	sadd.s32 $0x80, s16  }
.LBB2_5:
0x98: {  	s19 =	smul.u32 $0xAB, s18;
	_ =	sdelay $0x1  }
0x99: {  	s19 =	sshrl.u32 s19, $0x9  }
0x9a: {  	s19 =	sand.u32 $0x7F, s19  }
0x9b: {  	s19 =	smul.u32 $0x3, s19;
	_ =	sdelay $0x1  }
0x9c: {  	s19 =	ssub.s32 s18, s19  }
0x9d: {  	s19 =	sand.u32 $0xFF, s19  }
0x9e: {  	p0 =	seq.s32 s19, $0x2  }
.Ltmp7:
0x9f: {  	_ = 	snop;
	(pc) =	sbr.rel @p0 .LBB2_9-.Ltmp7, $1  }
0xa0: {  	_ =	sdelay $0x3  }
0xa1: {  	p0 =	seq.s32 s19, $0x1  }
.Ltmp8:
0xa2: {  	_ = 	snop;
	(pc) =	sbr.rel @!p0 .LBB2_7-.Ltmp8, $1  }
0xa3: {  	_ =	sdelay $0x3  }
0xa4: {  	_ =	swait.ge [sflag:s12], $0x2800  }
0xa5: {  	[sflag:s12] =	ssyncset.done $0x0  }
0xa6: {  	p0 =	sgt.u32 s18, $0x16;
	[sflag:s12] =	ssyncadd.s32 $0xFFFFD800  }
0xa7: {  	[spmem:s1] =	stream.indirect.scatter.add.f32 [tilespmem:s0], [sflag:$0x5], $0x80, s16, s29, $0xb8;
	[tilespmem:$0x1E800] =	vst v63  }
.Ltmp9:
0xa8: {  	s19 =	simm.s32 @!p0 $0x4;
	(pc) =	sbr.rel .LBB2_10-.Ltmp9, $4  }
0xa9: {  	_ =	swait.ge @!p0 [sflag:s19], $0x2800  }
0xaa: {  	[sflag:s19] =	ssyncset.done @!p0 $0x0  }
0xab: {  	s20 =	simm.s32 @!p0 $0x2000;
	[sflag:s19] =	ssyncadd.s32 @!p0 $0xFFFFD800;
	s19 =	simm.s32 @!p0 $0x50  }
0xac: {  	[tilespmem:s20], [sflag:$0x1] =	stream.indirect.gather @!p0 [hbm4b:s4+s19], $0x80, s17, s19, $0xb8;
	[tilespmem:$0x1E800] =	vst v63  }
.LBB2_7:
0xad: {  	_ =	swait.ge [sflag:s13], $0x2800;
	p0 =	sgt.u32 s18, $0x16  }
0xae: {  	[sflag:s13] =	ssyncset.done $0x0;
	p1 =	seq.s32 @!p0 s18, $0x0  }
0xaf: {  	[sflag:s13] =	ssyncadd.s32 $0xFFFFD800;
	p1 =	por p1, p0  }
0xb0: {  	[spmem:s1] =	stream.indirect.scatter.add.f32 [tilespmem:s30], [sflag:$0x4], $0x80, s16, s29, $0xb8;
	[tilespmem:$0x1E800] =	vst v63  }
.Ltmp10:
0xb1: {  	s19 =	simm.s32 @!p1 $0x6;
	(pc) =	sbr.rel .LBB2_10-.Ltmp10, $4  }
0xb2: {  	_ =	swait.ge @!p1 [sflag:s19], $0x2800  }
0xb3: {  	[sflag:s19] =	ssyncset.done @!p1 $0x0  }
0xb4: {  	s20 =	simm.s32 @!p0 $0x7000;
	[sflag:s19] =	ssyncadd.s32 @!p1 $0xFFFFD800;
	s19 =	simm.s32 @!p0 $0x50  }
0xb5: {  	[tilespmem:s20], [sflag:$0x3] =	stream.indirect.gather @!p0 [hbm4b:s4+s19], $0x80, s17, s19, $0xb8;
	[tilespmem:$0x1E800] =	vst v63  }
.LBB2_13:
0xb6: {  	_ =	sfence.sel $0x180000  }
0xb7: {  	[bflag:$0x0] =	sbarrier.arrive $0xFFFF  }
0xb8: {  	_ =	strace $0x9000004D  }
0xb9: {  	s0 =	stileid.u32;
	[bflag:$0x2] =	sbarrier.arrive $0xFFFF  }
0xba: {  	p0 =	sne.s32 s0, $0x0;
	s0 =	rddreg [dreg:$0x2]  }
0xbb: {  	s0 =	sadd.s32 @!p0 $0x100000, s0  }
0xbc: {  	[sflag:s0] =	ssyncadd.tile.s32 @!p0 $0x1;
	_ =	shalt  }
.Lfunc_end2:
_tile_overlayer_lowered:
.L_overlay_start_2:
0xbd: {  	(tag) =	ssettag $0x2  }
0xbe: {  	s0 =	rddreg [dreg:$0x0];
	s2 =	stileid.u32  }
0xbf: {  	s1 =	rddreg [dreg:$0x1];
	p0 =	sne.s32 s2, $0x0  }
0xc0: {  	s3 =	rddreg [dreg:$0x2];
	[bflag:$0x3] =	sbarrier.arrive $0xFFFF;
	s2 =	simm.s32 @!p0 $0x1C07  }
0xc1: {  	[timem:s3], [sflag:s2] =	dma.local @!p0 [hbm:s0], s1  }
0xc2: {  	s0 =	simm.s32 @!p0 $0x7  }
0xc3: {  	_ =	swait.ge @!p0 [sflag:s0], s1  }
0xc4: {  	s1 =	ssub.s32 @!p0 $0x0, s1;
	[sflag:s0] =	ssyncset.done @!p0 $0x0  }
0xc5: {  	[sflag:s0] =	ssyncadd.s32 @!p0 s1  }
0xc6: {  	[bflag:$0x3] =	sbarrier.arrive $0xFFFF  }
0xc7: {  	_ =	shalt  }

// kernel: kernel.19.cloned.1.call-start
scs
__scs_entry_jumppad:
0x0: {  	(pc) =	sbr.rel $0x88, $3  }
0x1: {  	(tag) =	ssettag $0x0;
	lr =	simm.s32 $0x1  }
0x2: {  	[smem:$0x3F92] =	sst lr;
	_ =	strace $0xD0000000  }
0x3: {  	_ = 	snop  }
0x4: {  	_ = 	snop  }
0x5: {  	_ = 	snop  }
0x6: {  	_ = 	snop  }
0x7: {  	_ = 	snop  }
__scs_overlays_trampoline_lowered:
0x8: {  	[smem:$0x3FA1] =	sst s0  }
0x9: {  	[smem:$0x3FA2] =	sst s1  }
0xa: {  	[smem:$0x3FA3] =	sst s2  }
0xb: {  	[smem:$0x3FA4] =	sst s3  }
0xc: {  	[smem:$0x3FA5] =	sst s4  }
0xd: {  	[smem:$0x3FA6] =	sst s5  }
0xe: {  	[smem:$0x3FA7] =	sst s6  }
0xf: {  	[smem:$0x3FA8] =	sst s7  }
0x10: {  	[smem:$0x3FA9] =	sst s8  }
0x11: {  	[smem:$0x3FAA] =	sst s9;
	s0 =	simm.s32 @!p0 $0x0  }
0x12: {  	s1 =	sld [smem:$0x3F90];
	s0 =	simm.s32 @p0 $0x1  }
0x13: {  	[smem:$0x3FAB] =	sst s0;
	s0 =	simm.s32 @!p1 $0x0  }
0x14: {  	s2 =	sld [smem:$0x3F8F];
	s0 =	simm.s32 @p1 $0x1  }
0x15: {  	[smem:$0x3FAC] =	sst s0;
	s0 =	simm.s32 @!p2 $0x0  }
0x16: {  	s3 =	sld [smem:$0x3FDB];
	s0 =	simm.s32 @p2 $0x1  }
0x17: {  	s4 =	simm.s32 $0x1BF5;
	[smem:$0x3FAE] =	sst s0  }
0x18: {  	s0 =	sld [smem:$0x3F91];
	_ =	swait.ge [sflag:s4], $0x0  }
0x19: {  	s7 =	sld [smem:$0x3F92]  }
0x1a: {  	s8 =	sadd.s32 $0xFFFFE003, lr  }
0x1b: {  	s9 =	sadd.s32 $0xFFFFFEF7, lr;
	s5 =	simm.s32 $0xFFFFFFFF;
	p2 =	slt.u32 s8, $0xFFFFF086  }
0x1c: {  	p1 =	slt.u32 s9, $0xF7A;
	s5 =	simm.s32 @!p2 $0x0  }
0x1d: {  	s5 =	simm.s32 @p1 $0x1;
	p0 =	seq.s32 s7, s2  }
0x1e: {  	s7 =	smul.u32 @!p0 $0xF7A, s2;
	p2 =	seq.s32 @!p0 s5, $0x0  }
0x1f: {  	s9 =	smul.u32 $0xF7A, s1;
	s8 =	simm.s32 @!p0 $0x1BF5;
	p2 =	por !p2, p0  }
0x20: {  	[sflag:s8] =	ssyncset.s32 @!p0 $0xFFFFF086;
	s6 =	sadd.s32 @!p0 s3, s7;
	s7 =	simm.s32 @!p0 $0x108  }
0x21: {  	s3 =	sadd.s32 s3, s9;
	s6 =	sadd.s32 @!p0 $0x88, s6;
	s7 =	simm.s32 @p2 $0x1082  }
0x22: {  	[simem:s7], [sflag:s8] =	dma.local @!p0 [hbm:s6], $0xF7A  }
0x23: {  	s9 =	sor.u32 $0xD0000000, s2;
	s6 =	simm.s32 $0x108;
	_ =	swait.ge @!p0 [sflag:s8], $0x0  }
0x24: {  	s3 =	sadd.s32 $0x88, s3;
	s6 =	simm.s32 @!p1 $0x1082;
	[sflag:s4] =	ssyncset.s32 $0xFFFFF086  }
0x25: {  	[simem:s6], [sflag:s4] =	dma.local [hbm:s3], $0xF7A  }
0x26: {  	[smem:$0x3F92] =	sst s1;
	(tag) =	ssettag s2;
	_ =	strace s9  }
0x27: {  	s1 =	sld [smem:$0x3FA2]  }
0x28: {  	s2 =	sld [smem:$0x3FA3]  }
0x29: {  	s4 =	sld [smem:$0x3FA5]  }
0x2a: {  	p0 =	seq.s32 s5, $0x0;
	s5 =	sld [smem:$0x3FA6]  }
0x2b: {  	s6 =	sld [smem:$0x3FA7]  }
0x2c: {  	s7 =	sld [smem:$0x3FA8]  }
0x2d: {  	s3 =	simm.s32 $0x108;
	s8 =	sld [smem:$0x3FA9]  }
0x2e: {  	s3 =	simm.s32 @!p0 $0x1082;
	s9 =	sld [smem:$0x3FAA]  }
0x2f: {  	lr =	sadd.s32 s0, s3;
	s0 =	sld [smem:$0x3FA1]  }
0x30: {  	s3 =	sld [smem:$0x3FA4]  }
0x31: {  	[smem:$0x3FAD] =	sst s10  }
0x32: {  	s10 =	sld [smem:$0x3FAB];
	_ =	sdelay $0x3  }
0x33: {  	p0 =	seq.s32 s10, $0x1;
	s10 =	sld [smem:$0x3FAD];
	_ =	sdelay $0x3  }
0x34: {  	[smem:$0x3FAD] =	sst s10  }
0x35: {  	s10 =	sld [smem:$0x3FAC];
	_ =	sdelay $0x3  }
0x36: {  	p1 =	seq.s32 s10, $0x1;
	s10 =	sld [smem:$0x3FAD];
	_ =	sdelay $0x3  }
0x37: {  	[smem:$0x3FAD] =	sst s10  }
0x38: {  	s10 =	sld [smem:$0x3FAE]  }
0x39: {  	_ = 	snop;
	(pc) =	sbr.ind lr, $3  }
0x3a: {  	_ = 	snop  }
0x3b: {  	_ = 	snop  }
0x3c: {  	p2 =	seq.s32 s10, $0x1;
	s10 =	sld [smem:$0x3FAD]  }
0x3d: {  	_ =	shalt  }
0x3e: {  	_ =	shalt  }
0x3f: {  	_ =	shalt  }
0x40: {  	_ =	shalt  }
0x41: {  	_ =	shalt  }
0x42: {  	_ =	shalt  }
0x43: {  	_ =	shalt  }
0x44: {  	_ =	shalt  }
0x45: {  	_ =	shalt  }
0x46: {  	_ =	shalt  }
0x47: {  	_ =	shalt  }
0x48: {  	_ =	shalt  }
0x49: {  	_ =	shalt  }
0x4a: {  	_ =	shalt  }
0x4b: {  	_ =	shalt  }
0x4c: {  	_ =	shalt  }
0x4d: {  	_ =	shalt  }
0x4e: {  	_ =	shalt  }
0x4f: {  	_ =	shalt  }
0x50: {  	_ =	shalt  }
0x51: {  	_ =	shalt  }
0x52: {  	_ =	shalt  }
0x53: {  	_ =	shalt  }
0x54: {  	_ =	shalt  }
0x55: {  	_ =	shalt  }
0x56: {  	_ =	shalt  }
0x57: {  	_ =	shalt  }
0x58: {  	_ =	shalt  }
0x59: {  	_ =	shalt  }
0x5a: {  	_ =	shalt  }
0x5b: {  	_ =	shalt  }
0x5c: {  	_ =	shalt  }
0x5d: {  	_ =	shalt  }
0x5e: {  	_ =	shalt  }
0x5f: {  	_ =	shalt  }
0x60: {  	_ =	shalt  }
0x61: {  	_ =	shalt  }
0x62: {  	_ =	shalt  }
0x63: {  	_ =	shalt  }
0x64: {  	_ =	shalt  }
0x65: {  	_ =	shalt  }
0x66: {  	_ =	shalt  }
0x67: {  	_ =	shalt  }
0x68: {  	_ =	shalt  }
0x69: {  	_ =	shalt  }
0x6a: {  	_ =	shalt  }
0x6b: {  	_ =	shalt  }
0x6c: {  	_ =	shalt  }
0x6d: {  	_ =	shalt  }
0x6e: {  	_ =	shalt  }
0x6f: {  	_ =	shalt  }
0x70: {  	_ =	shalt  }
0x71: {  	_ =	shalt  }
0x72: {  	_ =	shalt  }
0x73: {  	_ =	shalt  }
0x74: {  	_ =	shalt  }
0x75: {  	_ =	shalt  }
0x76: {  	_ =	shalt  }
0x77: {  	_ =	shalt  }
0x78: {  	_ =	shalt  }
0x79: {  	_ =	shalt  }
0x7a: {  	_ =	shalt  }
0x7b: {  	_ =	shalt  }
0x7c: {  	_ =	shalt  }
0x7d: {  	_ =	shalt  }
0x7e: {  	_ =	shalt  }
0x7f: {  	_ =	shalt  }
0x80: {  	_ =	shalt  }
0x81: {  	_ =	shalt  }
0x82: {  	_ =	shalt  }
0x83: {  	_ =	shalt  }
0x84: {  	_ =	shalt  }
0x85: {  	_ =	shalt  }
0x86: {  	_ =	shalt  }
0x87: {  	_ =	shalt  }
.Lfunc_end0:
.L_simem_size_0:
called_computation.3_lowered:
.L_overlay_start_0:
0x88: {  	s2 =	sld [smem:$0x3FD9]  }
0x89: {  	s3 =	sld [smem:$0x3FFE];
	_ =	sdelay $0x1  }
0x8a: {  	s1 =	srdreg.scid  }
0x8b: {  	s0 =	sand.u32 $0x1, s1  }
0x8c: {  	s16 =	sshll.u32 s0, $0xA;
	s2 =	sadd.s32 s3, s2  }
0x8d: {  	s2 =	sadd.s32 s2, s16  }
0x8e: {  	[smem:$0x3FB9] =	sst s2  }
0x8f: {  	_ = 	snop  }
0x90: {  	(tm) =	ssettm $0x1  }
0x91: {  	s17 =	sld [smem:$0x3FFB];
	_ =	sdelay $0x3  }
0x92: {  	_ =	strace s17  }
0x93: {  	s2 =	sld [smem:$0x3FFC];
	_ =	sdelay $0x3  }
0x94: {  	_ =	strace s2  }
0x95: {  	s2 =	sld [smem:$0x3FFD];
	_ =	sdelay $0x3  }
0x96: {  	_ =	strace s2  }
0x97: {  	_ =	strace $0x8FFFFFFF  }
0x98: {  	s18 =	sld [smem:$0x3FDB];
	_ =	sdelay $0x1  }
0x99: {  	s19 =	simm.s32 $_scs_section_size  }
0x9a: {  	s4 =	simm.s32 $_size__tile_overlayer_lowered;
	s5 =	simm.s32 $_tile_overlayer_lowered  }
0x9b: {  	s22 =	simm.s32 $0x1BFF;
	s21 =	sshll.u32 s5, $0x1;
	s2 =	sadd.s32 s19, s18  }
0x9c: {  	s6 =	simm.s32 $0x0;
	s20 =	sshll.u32 s4, $0x1;
	s4 =	sadd.s32 s21, s2  }
0x9d: {  	[timem:s6], [sflag:s22] =	dma.local [hbm:s4], s20  }
0x9e: {  	_ =	swait.ge [sflag:s22], s20  }
0x9f: {  	s3 =	ssub.s32 $0x0, s20;
	[sflag:s22] =	ssyncset.done $0x0  }
0xa0: {  	[sflag:s22] =	ssyncadd.s32 s3;
	_ =	sdelay $0x1  }
0xa1: {  	s23 =	simm.s32 $0x1B8B  }
0xa2: {  	_ =	swait.ge [sflag:s23], $0x1  }
0xa3: {  	[sflag:s23] =	ssyncset.done $0x0  }
0xa4: {  	s25 =	simm.s32 $0x1B8E;
	s24 =	sld [smem:$0x3FFE];
	[sflag:s23] =	ssyncadd.s32 $0xFFFFFFFF  }
0xa5: {  	s26 =	simm.s32 $execute0_lowered;
	[smem:$0x3FD2] =	sst s25  }
0xa6: {  	s4 =	sshll.u32 s26, $0x1;
	_ =	strace $0x8000004F;
	[dreg:$0x1] =	wrdreg $0xFFFFFFFF  }
0xa7: {  	s28 =	simm.s32 $_size_execute0_lowered;
	s2 =	sadd.s32 s2, s4;
	[dreg:$0x0] =	wrdreg $0x0  }
0xa8: {  	s4 =	sshll.u32 s28, $0x1;
	[dreg:$0x2] =	wrdreg s2  }
0xa9: {  	[dreg:$0x3] =	wrdreg s4  }
0xaa: {  	[dreg:$0x4] =	wrdreg $0xC0  }
0xab: {  	_ =	task [dreg:s6], $0x5FFFF  }
0xac: {  	[dreg:$0x1] =	wrdreg $0xFFFFFFFF  }
0xad: {  	[dreg:$0x0] =	wrdreg $0x60  }
0xae: {  	[dreg:$0x2] =	wrdreg s24  }
0xaf: {  	[dreg:$0x3] =	wrdreg $0xAC000  }
0xb0: {  	[dreg:$0x4] =	wrdreg $0x9  }
0xb1: {  	_ =	task.clear_ibuf [dreg:s6], $0x5FFFF;
	_ =	strace $0x9000004F  }
0xb2: {  	s29 =	simm.s32 $0x9;
	_ =	strace $0x80000051  }
0xb3: {  	_ =	swait.ge [sflag:s29], $0x1  }
0xb4: {  	[sflag:s29] =	ssyncadd.s32 $0xFFFFFFFF  }
0xb5: {  	_ =	strace $0x90000051  }
0xb6: {  	_ =	sfence  }
0xb7: {  	s30 =	sld [smem:$0x0];
	_ =	sdelay $0x2  }
0xb8: {  	s31 =	sshll.u32 s1, $0xD;
	s1 =	sshrl.u32 s1, $0x2  }
0xb9: {  	s3 =	sand.u32 $0x4000, s31;
	s1 =	sadd.s32 s1, s30  }
0xba: {  	s0 =	sor.u32 s3, s0;
	s1 =	sshll.u32 s1, $0x11  }
0xbb: {  	s0 =	sor.u32 s1, s0  }
0xbc: {  	s0 =	sadd.s32 $0x8F2B, s0  }
0xbd: {  	[sflag:s0] =	ssyncadd.remote.s32 $0x1  }
0xbe: {  	_ =	sfence.sel $0xFFFF  }
0xbf: {  	[dreg:$0x0] =	wrdreg $0xFFFFFFFF;
	(pc) =	sbr.abs _section_cstart, $3  }
0xc0: {  	[dreg:$0x1] =	wrdreg $0xFFFFFFFF  }
0xc1: {  	_ =	task.clear_ibuf [dreg:s6], $0x2FFFF;
	_ =	strace $0x9FFFFFFF  }
0xc2: {  	(tm) =	ssettm $0x7FFFFFFF  }
0xc3: {  	_ =	shalt  }
tec
execute0_lowered:
.L_overlay_start_1:
0x0: {  	(tag) =	ssettag $0x1  }
0x1: {  	s2 =	srdreg.scid;
	s10 =	stileid.u32  }
0x2: {  	s2 =	sand.u32 $0x1, s2;
	s6 =	smul.u32 $0x13C00, s10  }
0x3: {  	s0 =	rddreg [dreg:$0x0];
	s5 =	smul.u32 $0x13C000, s2  }
0x4: {  	s1 =	rddreg [dreg:$0x1];
	s3 =	simm.s32 $0x0;
	s8 =	smul.u32 $0x4F000, s10  }
0x5: {  	s28 =	simm.s32 $0x7;
	s4 =	sadd.s32 $0x18000, s0;
	s7 =	sadd.s32 s6, s5  }
0x6: {  	s12 =	sshrl.u32 s8, $0x2;
	s5 =	sadd.s32 $0x67000, s0;
	s7 =	sshrl.u32 s7, $0x3  }
0x7: {  	s6 =	sadd.s32 $0x4000, s0;
	s0 =	sadd.s32 s7, s0;
	s7 =	sadd.s32 s12, s1  }
0x8: {  	s29 =	simm.s32 $0x50;
	[smem:$0x7FF] =	sst s3;
	s14 =	sadd.s32 $0x1400, s7  }
0x9: {  	_ =	strace $0x80000050;
	s15 =	sadd.s32 $0x2800, s7;
	[dreg:$0x3] =	wrdreg s14  }
0xa: {  	s30 =	simm.s32 $0x2000;
	s16 =	sadd.s32 $0x3C00, s7;
	[dreg:$0x4] =	wrdreg s15  }
0xb: {  	s31 =	simm.s32 $0x80;
	s17 =	sadd.s32 $0x5000, s7;
	[dreg:$0x5] =	wrdreg s16  }
0xc: {  	s11 =	simm.s32 $0x4;
	s18 =	sadd.s32 $0x6400, s7;
	[dreg:$0x6] =	wrdreg s17  }
0xd: {  	s10 =	sshll.u32 s10, $0x1;
	s19 =	sadd.s32 $0x7800, s7;
	[dreg:$0x7] =	wrdreg s18  }
0xe: {  	s9 =	ssub.s32 $0x2, s2;
	s20 =	sadd.s32 $0x8C00, s7;
	[dreg:$0x8] =	wrdreg s19  }
0xf: {  	s2 =	sor.u32 s2, s10;
	s21 =	sadd.s32 $0xA000, s7;
	[dreg:$0x9] =	wrdreg s20  }
0x10: {  	s10 =	simm.s32 $0x6;
	s22 =	sadd.s32 $0xB400, s7;
	[dreg:$0xa] =	wrdreg s21  }
0x11: {  	s13 =	sshrl.u32 s9, $0x1;
	s23 =	sadd.s32 $0xC800, s7;
	[dreg:$0xb] =	wrdreg s22  }
0x12: {  	s8 =	ssub.s32 s9, s13;
	s24 =	sadd.s32 $0xDC00, s7;
	[dreg:$0xc] =	wrdreg s23  }
0x13: {  	s9 =	simm.s32 $0x5;
	s25 =	sadd.s32 $0xF000, s7;
	[dreg:$0xd] =	wrdreg s24  }
.Ltmp0:
0x14: {  	s26 =	sadd.s32 $0x10400, s7;
	[dreg:$0xe] =	wrdreg s25;
	(pc) =	sbr.rel .LBB2_1-.Ltmp0, $4  }
0x15: {  	s13 =	simm.s32 $0x1;
	s12 =	simm.s32 $0x2;
	[dreg:$0xf] =	wrdreg s26  }
0x16: {  	s21 =	sadd.s32 $0x11800, s7;
	s22 =	sadd.s32 $0x12C00, s7;
	s23 =	smul.u32 $0x5000, s2  }
0x17: {  	s24 =	sadd.s32 $0x7B000, s0;
	s25 =	smax.u32 s8, $0x1;
	s26 =	simm.s32 $0x9800  }
0x18: {  	v0 =	vimm.f32 $0.0e+00;
	s0 =	simm.s32 $0x4800;
	s2 =	simm.s32 $0x3;
	s8 =	simm.s32 $0x7000  }
.LBB2_12:
0x19: {  	s14 =	stileid.u32;
	s3 =	sadd.s32 $0x1, s3  }
0x1a: {  	[bflag:$0x0] =	sbarrier.arrive $0xFFFF;
	s14 =	sshll.u32 s14, $0x6;
	p0 =	sne.s32 s3, s25  }
.Ltmp1:
0x1b: {  	s15 =	sshrl.u32 s7, $0x3;
	s14 =	sor.u32 $0x1C07, s14;
	(pc) =	sbr.rel @!p0 .LBB2_13-.Ltmp1, $4  }
0x1c: {  	[hbm:s24], [sflag:s14] =	dma.local [spmem:s15], $0x2780  }
0x1d: {  	_ =	swait.ge [sflag:s28], $0x2780  }
0x1e: {  	[sflag:s28] =	ssyncset.done $0x0  }
0x1f: {  	[sflag:s28] =	ssyncadd.s32 $0xFFFFD880  }
.LBB2_1:
0x20: {  	s14 =	simm.s32 $0x0;
	s15 =	simm.s32 $0x200  }
.LBB2_2:
0x21: {  	p0 =	sne.s32 s15, $0x4E00;
	[tilespmem:s14+$0x9870] =	vst v0  }
0x22: {  	[tilespmem:s14+$0x9800] =	vst v0  }
0x23: {  	[tilespmem:s14+$0x9810] =	vst v0  }
.Ltmp2:
0x24: {  	[tilespmem:s14+$0x9820] =	vst v0;
	(pc) =	sbr.rel @p0 .LBB2_2-.Ltmp2, $4  }
0x25: {  	[tilespmem:s14+$0x9830] =	vst v0  }
0x26: {  	[tilespmem:s14+$0x9840] =	vst v0  }
0x27: {  	[tilespmem:s14+$0x9850] =	vst v0  }
0x28: {  	[tilespmem:s14+$0x9860] =	vst v0;
	s14 =	sshra.s32 s15, $0x2;
	s15 =	sadd.s32 $0x200, s15  }
0x29: {  	[tilespmem:s14+$0x9870] =	vst v0  }
0x2a: {  	[tilespmem:s14+$0x9800] =	vst v0  }
0x2b: {  	[tilespmem:s14+$0x9810] =	vst v0  }
0x2c: {  	[tilespmem:s14+$0x9820] =	vst v0  }
0x2d: {  	[tilespmem:s14+$0x9830] =	vst v0  }
0x2e: {  	[tilespmem:s14+$0x9840] =	vst v0  }
0x2f: {  	[tilespmem:s14+$0x9850] =	vst v0  }
0x30: {  	[tilespmem:s14+$0x9860] =	vst v0  }
0x31: {  	[spmem:s7] =	stream.linear.scatter [tilespmem:s26], [sflag:$0x7], $0x1400, $0x38;
	[tilespmem:$0x1E800] =	vst v63  }
0x32: {  	_ =	swait.ge [sflag:s28], $0x1400  }
0x33: {  	[sflag:s28] =	ssyncset.done $0x0  }
0x34: {  	s20 =	rddreg [dreg:$0x3];
	[sflag:s28] =	ssyncadd.s32 $0xFFFFEC00  }
0x35: {  	[spmem:s20] =	stream.linear.scatter [tilespmem:s26], [sflag:$0x7], $0x1400, $0x38;
	[tilespmem:$0x1E800] =	vst v63  }
0x36: {  	_ =	swait.ge [sflag:s28], $0x1400  }
0x37: {  	[sflag:s28] =	ssyncset.done $0x0  }
0x38: {  	s15 =	rddreg [dreg:$0x4];
	[sflag:s28] =	ssyncadd.s32 $0xFFFFEC00  }
0x39: {  	[spmem:s15] =	stream.linear.scatter [tilespmem:s26], [sflag:$0x7], $0x1400, $0x38;
	[tilespmem:$0x1E800] =	vst v63  }
0x3a: {  	_ =	swait.ge [sflag:s28], $0x1400  }
0x3b: {  	[sflag:s28] =	ssyncset.done $0x0  }
0x3c: {  	s16 =	rddreg [dreg:$0x5];
	[sflag:s28] =	ssyncadd.s32 $0xFFFFEC00  }
0x3d: {  	[spmem:s16] =	stream.linear.scatter [tilespmem:s26], [sflag:$0x7], $0x1400, $0x38;
	[tilespmem:$0x1E800] =	vst v63  }
0x3e: {  	_ =	swait.ge [sflag:s28], $0x1400  }
0x3f: {  	[sflag:s28] =	ssyncset.done $0x0  }
0x40: {  	s17 =	rddreg [dreg:$0x6];
	[sflag:s28] =	ssyncadd.s32 $0xFFFFEC00  }
0x41: {  	[spmem:s17] =	stream.linear.scatter [tilespmem:s26], [sflag:$0x7], $0x1400, $0x38;
	[tilespmem:$0x1E800] =	vst v63  }
0x42: {  	_ =	swait.ge [sflag:s28], $0x1400  }
0x43: {  	[sflag:s28] =	ssyncset.done $0x0  }
0x44: {  	s18 =	rddreg [dreg:$0x7];
	[sflag:s28] =	ssyncadd.s32 $0xFFFFEC00  }
0x45: {  	[spmem:s18] =	stream.linear.scatter [tilespmem:s26], [sflag:$0x7], $0x1400, $0x38;
	[tilespmem:$0x1E800] =	vst v63  }
0x46: {  	_ =	swait.ge [sflag:s28], $0x1400  }
0x47: {  	[sflag:s28] =	ssyncset.done $0x0  }
0x48: {  	s19 =	rddreg [dreg:$0x8];
	[sflag:s28] =	ssyncadd.s32 $0xFFFFEC00  }
0x49: {  	[spmem:s19] =	stream.linear.scatter [tilespmem:s26], [sflag:$0x7], $0x1400, $0x38;
	[tilespmem:$0x1E800] =	vst v63  }
0x4a: {  	_ =	swait.ge [sflag:s28], $0x1400  }
0x4b: {  	[sflag:s28] =	ssyncset.done $0x0  }
0x4c: {  	s20 =	rddreg [dreg:$0x9];
	[sflag:s28] =	ssyncadd.s32 $0xFFFFEC00  }
0x4d: {  	[spmem:s20] =	stream.linear.scatter [tilespmem:s26], [sflag:$0x7], $0x1400, $0x38;
	[tilespmem:$0x1E800] =	vst v63  }
0x4e: {  	_ =	swait.ge [sflag:s28], $0x1400  }
0x4f: {  	[sflag:s28] =	ssyncset.done $0x0  }
0x50: {  	s15 =	rddreg [dreg:$0xa];
	[sflag:s28] =	ssyncadd.s32 $0xFFFFEC00  }
0x51: {  	[spmem:s15] =	stream.linear.scatter [tilespmem:s26], [sflag:$0x7], $0x1400, $0x38;
	[tilespmem:$0x1E800] =	vst v63  }
0x52: {  	_ =	swait.ge [sflag:s28], $0x1400  }
0x53: {  	[sflag:s28] =	ssyncset.done $0x0  }
0x54: {  	s16 =	rddreg [dreg:$0xb];
	[sflag:s28] =	ssyncadd.s32 $0xFFFFEC00  }
0x55: {  	[spmem:s16] =	stream.linear.scatter [tilespmem:s26], [sflag:$0x7], $0x1400, $0x38;
	[tilespmem:$0x1E800] =	vst v63  }
0x56: {  	_ =	swait.ge [sflag:s28], $0x1400  }
0x57: {  	[sflag:s28] =	ssyncset.done $0x0  }
0x58: {  	s17 =	rddreg [dreg:$0xc];
	[sflag:s28] =	ssyncadd.s32 $0xFFFFEC00  }
0x59: {  	[spmem:s17] =	stream.linear.scatter [tilespmem:s26], [sflag:$0x7], $0x1400, $0x38;
	[tilespmem:$0x1E800] =	vst v63  }
0x5a: {  	_ =	swait.ge [sflag:s28], $0x1400  }
0x5b: {  	[sflag:s28] =	ssyncset.done $0x0  }
0x5c: {  	s18 =	rddreg [dreg:$0xd];
	[sflag:s28] =	ssyncadd.s32 $0xFFFFEC00  }
0x5d: {  	[spmem:s18] =	stream.linear.scatter [tilespmem:s26], [sflag:$0x7], $0x1400, $0x38;
	[tilespmem:$0x1E800] =	vst v63  }
0x5e: {  	_ =	swait.ge [sflag:s28], $0x1400  }
0x5f: {  	[sflag:s28] =	ssyncset.done $0x0  }
0x60: {  	s19 =	rddreg [dreg:$0xe];
	[sflag:s28] =	ssyncadd.s32 $0xFFFFEC00  }
0x61: {  	[spmem:s19] =	stream.linear.scatter [tilespmem:s26], [sflag:$0x7], $0x1400, $0x38;
	[tilespmem:$0x1E800] =	vst v63  }
0x62: {  	_ =	swait.ge [sflag:s28], $0x1400  }
0x63: {  	[sflag:s28] =	ssyncset.done $0x0  }
0x64: {  	s20 =	rddreg [dreg:$0xf];
	[sflag:s28] =	ssyncadd.s32 $0xFFFFEC00  }
0x65: {  	[spmem:s20] =	stream.linear.scatter [tilespmem:s26], [sflag:$0x7], $0x1400, $0x38;
	[tilespmem:$0x1E800] =	vst v63  }
0x66: {  	_ =	swait.ge [sflag:s28], $0x1400  }
0x67: {  	[sflag:s28] =	ssyncset.done $0x0  }
0x68: {  	[sflag:s28] =	ssyncadd.s32 $0xFFFFEC00  }
0x69: {  	[spmem:s21] =	stream.linear.scatter [tilespmem:s26], [sflag:$0x7], $0x1400, $0x38;
	[tilespmem:$0x1E800] =	vst v63  }
0x6a: {  	_ =	swait.ge [sflag:s28], $0x1400  }
0x6b: {  	[sflag:s28] =	ssyncset.done $0x0  }
0x6c: {  	[sflag:s28] =	ssyncadd.s32 $0xFFFFEC00  }
0x6d: {  	[spmem:s22] =	stream.linear.scatter [tilespmem:s26], [sflag:$0x7], $0x1000, $0x38;
	[tilespmem:$0x1E800] =	vst v63  }
.Ltmp3:
0x6e: {  	_ =	swait.ge [sflag:s28], $0x1000;
	(pc) =	sbr.rel .LBB2_4-.Ltmp3, $4  }
0x6f: {  	[sflag:s28] =	ssyncset.done $0x0  }
0x70: {  	[sflag:s28] =	ssyncadd.s32 $0xFFFFF000  }
0x71: {  	[bflag:$0x0] =	sbarrier.arrive $0xFFFF  }
0x72: {  	s14 =	simm.s32 $0x0;
	s15 =	simm.s32 $0x0  }
.LBB2_11:
0x73: {  	_ =	swait.ge [sflag:s9], $0x2800  }
0x74: {  	[sflag:s9] =	ssyncset.done $0x0  }
0x75: {  	s15 =	sadd.s32 $0x1, s15;
	[sflag:s9] =	ssyncadd.s32 $0xFFFFD800  }
0x76: {  	p0 =	sne.s32 s15, $0x5;
	_ =	swait.ge [sflag:s10], $0x2800  }
.Ltmp4:
0x77: {  	[sflag:s10] =	ssyncset.done $0x0;
	(pc) =	sbr.rel @!p0 .LBB2_12-.Ltmp4, $4  }
0x78: {  	[sflag:s10] =	ssyncadd.s32 $0xFFFFD800  }
0x79: {  	_ =	swait.ge [sflag:s11], $0x2800  }
0x7a: {  	[sflag:s11] =	ssyncset.done $0x0  }
0x7b: {  	[sflag:s11] =	ssyncadd.s32 $0xFFFFD800  }
.LBB2_4:
0x7c: {  	s16 =	sshll.u32 s15, $0xC  }
0x7d: {  	s16 =	sadd.s32 s23, s16  }
0x7e: {  	s16 =	sshrl.u32 s16, $0x3  }
0x7f: {  	s17 =	sadd.s32 s5, s16  }
0x80: {  	[tilespmem:s14], [sflag:$0x7] =	stream.linear.gather [hbm4b:s17+s14], $0xC80, $0x38;
	[tilespmem:$0x1E800] =	vst v63  }
0x81: {  	_ =	swait.ge [sflag:s28], $0xC80  }
0x82: {  	[sflag:s28] =	ssyncset.done $0x0  }
0x83: {  	s20 =	sadd.s32 s6, s16;
	s16 =	simm.s32 $0x1000;
	[sflag:s28] =	ssyncadd.s32 $0xFFFFF380  }
0x84: {  	[tilespmem:s16], [sflag:$0x7] =	stream.linear.gather [hbm4b:s20+s14], $0xC80, $0x38;
	[tilespmem:$0x1E800] =	vst v63  }
0x85: {  	_ =	swait.ge [sflag:s28], $0xC80  }
.Ltmp5:
0x86: {  	[sflag:s28] =	ssyncset.done $0x0;
	(pc) =	sbr.rel .LBB2_5-.Ltmp5, $4  }
0x87: {  	[sflag:s28] =	ssyncadd.s32 $0xFFFFF380  }
0x88: {  	[tilespmem:s30], [sflag:$0x1] =	stream.indirect.gather [hbm4b:s4+s29], $0x80, s14, s29, $0xb8;
	[tilespmem:$0x1E800] =	vst v63  }
0x89: {  	s18 =	simm.s32 $0x0;
	s17 =	simm.s32 $0x100  }
0x8a: {  	[tilespmem:s0], [sflag:$0x2] =	stream.indirect.gather [hbm4b:s4+s29], $0x80, s31, s29, $0xb8;
	[tilespmem:$0x1E800] =	vst v63  }
.LBB2_9:
0x8b: {  	_ =	swait.ge [sflag:s2], $0x2800  }
0x8c: {  	p0 =	sgt.u32 s18, $0x16;
	[sflag:s2] =	ssyncset.done $0x0  }
0x8d: {  	s19 =	simm.s32 @!p0 $0x5;
	[sflag:s2] =	ssyncadd.s32 $0xFFFFD800  }
0x8e: {  	[spmem:s1] =	stream.indirect.scatter.add.f32 [tilespmem:s8], [sflag:$0x6], $0x80, s16, s29, $0xb8;
	[tilespmem:$0x1E800] =	vst v63  }
0x8f: {  	_ =	swait.ge @!p0 [sflag:s19], $0x2800  }
0x90: {  	[sflag:s19] =	ssyncset.done @!p0 $0x0  }
0x91: {  	s20 =	simm.s32 @!p0 $0x4800;
	[sflag:s19] =	ssyncadd.s32 @!p0 $0xFFFFD800;
	s19 =	simm.s32 @!p0 $0x50  }
0x92: {  	[tilespmem:s20], [sflag:$0x2] =	stream.indirect.gather @!p0 [hbm4b:s4+s19], $0x80, s17, s19, $0xb8;
	[tilespmem:$0x1E800] =	vst v63  }
.LBB2_10:
0x93: {  	s18 =	sadd.s32 $0x1, s18  }
0x94: {  	p0 =	sne.s32 s18, $0x19  }
.Ltmp6:
0x95: {  	_ = 	snop;
	(pc) =	sbr.rel @!p0 .LBB2_11-.Ltmp6, $2  }
0x96: {  	_ =	sdelay $0x2  }
0x97: {  	s17 =	sadd.s32 $0x80, s17;
	s16 =	sadd.s32 $0x80, s16  }
.LBB2_5:
0x98: {  	s19 =	smul.u32 $0xAB, s18;
	_ =	sdelay $0x1  }
0x99: {  	s19 =	sshrl.u32 s19, $0x9  }
0x9a: {  	s19 =	sand.u32 $0x7F, s19  }
0x9b: {  	s19 =	smul.u32 $0x3, s19;
	_ =	sdelay $0x1  }
0x9c: {  	s19 =	ssub.s32 s18, s19  }
0x9d: {  	s19 =	sand.u32 $0xFF, s19  }
0x9e: {  	p0 =	seq.s32 s19, $0x2  }
.Ltmp7:
0x9f: {  	_ = 	snop;
	(pc) =	sbr.rel @p0 .LBB2_9-.Ltmp7, $1  }
0xa0: {  	_ =	sdelay $0x3  }
0xa1: {  	p0 =	seq.s32 s19, $0x1  }
.Ltmp8:
0xa2: {  	_ = 	snop;
	(pc) =	sbr.rel @!p0 .LBB2_7-.Ltmp8, $1  }
0xa3: {  	_ =	sdelay $0x3  }
0xa4: {  	_ =	swait.ge [sflag:s12], $0x2800  }
0xa5: {  	[sflag:s12] =	ssyncset.done $0x0  }
0xa6: {  	p0 =	sgt.u32 s18, $0x16;
	[sflag:s12] =	ssyncadd.s32 $0xFFFFD800  }
0xa7: {  	[spmem:s1] =	stream.indirect.scatter.add.f32 [tilespmem:s0], [sflag:$0x5], $0x80, s16, s29, $0xb8;
	[tilespmem:$0x1E800] =	vst v63  }
.Ltmp9:
0xa8: {  	s19 =	simm.s32 @!p0 $0x4;
	(pc) =	sbr.rel .LBB2_10-.Ltmp9, $4  }
0xa9: {  	_ =	swait.ge @!p0 [sflag:s19], $0x2800  }
0xaa: {  	[sflag:s19] =	ssyncset.done @!p0 $0x0  }
0xab: {  	s20 =	simm.s32 @!p0 $0x2000;
	[sflag:s19] =	ssyncadd.s32 @!p0 $0xFFFFD800;
	s19 =	simm.s32 @!p0 $0x50  }
0xac: {  	[tilespmem:s20], [sflag:$0x1] =	stream.indirect.gather @!p0 [hbm4b:s4+s19], $0x80, s17, s19, $0xb8;
	[tilespmem:$0x1E800] =	vst v63  }
.LBB2_7:
0xad: {  	_ =	swait.ge [sflag:s13], $0x2800;
	p0 =	sgt.u32 s18, $0x16  }
0xae: {  	[sflag:s13] =	ssyncset.done $0x0;
	p1 =	seq.s32 @!p0 s18, $0x0  }
0xaf: {  	[sflag:s13] =	ssyncadd.s32 $0xFFFFD800;
	p1 =	por p1, p0  }
0xb0: {  	[spmem:s1] =	stream.indirect.scatter.add.f32 [tilespmem:s30], [sflag:$0x4], $0x80, s16, s29, $0xb8;
	[tilespmem:$0x1E800] =	vst v63  }
.Ltmp10:
0xb1: {  	s19 =	simm.s32 @!p1 $0x6;
	(pc) =	sbr.rel .LBB2_10-.Ltmp10, $4  }
0xb2: {  	_ =	swait.ge @!p1 [sflag:s19], $0x2800  }
0xb3: {  	[sflag:s19] =	ssyncset.done @!p1 $0x0  }
0xb4: {  	s20 =	simm.s32 @!p0 $0x7000;
	[sflag:s19] =	ssyncadd.s32 @!p1 $0xFFFFD800;
	s19 =	simm.s32 @!p0 $0x50  }
0xb5: {  	[tilespmem:s20], [sflag:$0x3] =	stream.indirect.gather @!p0 [hbm4b:s4+s19], $0x80, s17, s19, $0xb8;
	[tilespmem:$0x1E800] =	vst v63  }
.LBB2_13:
0xb6: {  	_ =	sfence.sel $0x180000  }
0xb7: {  	[bflag:$0x0] =	sbarrier.arrive $0xFFFF  }
0xb8: {  	_ =	strace $0x90000050  }
0xb9: {  	s0 =	stileid.u32;
	[bflag:$0x2] =	sbarrier.arrive $0xFFFF  }
0xba: {  	p0 =	sne.s32 s0, $0x0;
	s0 =	rddreg [dreg:$0x2]  }
0xbb: {  	s0 =	sadd.s32 @!p0 $0x100000, s0  }
0xbc: {  	[sflag:s0] =	ssyncadd.tile.s32 @!p0 $0x1;
	_ =	shalt  }
.Lfunc_end2:
_tile_overlayer_lowered:
.L_overlay_start_2:
0xbd: {  	(tag) =	ssettag $0x2  }
0xbe: {  	s0 =	rddreg [dreg:$0x0];
	s2 =	stileid.u32  }
0xbf: {  	s1 =	rddreg [dreg:$0x1];
	p0 =	sne.s32 s2, $0x0  }
0xc0: {  	s3 =	rddreg [dreg:$0x2];
	[bflag:$0x3] =	sbarrier.arrive $0xFFFF;
	s2 =	simm.s32 @!p0 $0x1C07  }
0xc1: {  	[timem:s3], [sflag:s2] =	dma.local @!p0 [hbm:s0], s1  }
0xc2: {  	s0 =	simm.s32 @!p0 $0x7  }
0xc3: {  	_ =	swait.ge @!p0 [sflag:s0], s1  }
0xc4: {  	s1 =	ssub.s32 @!p0 $0x0, s1;
	[sflag:s0] =	ssyncset.done @!p0 $0x0  }
0xc5: {  	[sflag:s0] =	ssyncadd.s32 @!p0 s1  }
0xc6: {  	[bflag:$0x3] =	sbarrier.arrive $0xFFFF  }
0xc7: {  	_ =	shalt  }

</sc_bundles>
